<compile_context>
chip_gen: v7x
topology: tpu7x:2x2x1
jax: 0.10.2.dev20260603
libtpu: 0.0.44.dev20260713+nightly
codegen_flags: <defaults>
</compile_context>

<pallas_src>
import functools

import jax
import jax.numpy as jnp
from jax import lax
from jax.experimental import pallas as pl
from jax.experimental.pallas import tpu as pltpu
from jax.experimental.pallas import tpu_sc as plsc

_N = 4096
_NS = 16384
_C = 512
_EPS = 1e-5



def _mm_stats_body(x_ref, w_ref, b_ref, y_ref, stats_ref):
    y = jnp.dot(x_ref[...], w_ref[...], preferred_element_type=jnp.float32)
    y = y + b_ref[...]
    y_ref[...] = y
    st = jnp.concatenate(
        [jnp.sum(y, axis=0, keepdims=True),
         jnp.sum(y * y, axis=0, keepdims=True)], axis=0)

    @pl.when(pl.program_id(0) == 0)
    def _init():
        stats_ref[...] = st

    @pl.when(pl.program_id(0) > 0)
    def _acc():
        stats_ref[...] = stats_ref[...] + st


def _mm_stats(x, w, b, tile):
    n = x.shape[0]
    return pl.pallas_call(
        _mm_stats_body,
        grid=(n // tile,),
        in_specs=[
            pl.BlockSpec((tile, _C), lambda i: (i, 0)),
            pl.BlockSpec((_C, _C), lambda i: (0, 0)),
            pl.BlockSpec((1, _C), lambda i: (0, 0)),
        ],
        out_specs=[
            pl.BlockSpec((tile, _C), lambda i: (i, 0)),
            pl.BlockSpec((2, _C), lambda i: (0, 0)),
        ],
        out_shape=[
            jax.ShapeDtypeStruct((n, _C), jnp.float32),
            jax.ShapeDtypeStruct((2, _C), jnp.float32),
        ],
    )(x, w, b)




def _bn_body(inv_n, n_interp, half_steps, *refs):
    if n_interp == 2:
        y_ref, ia_ref, ib_ref, stats_ref, g_ref, be_ref, o_ref = refs
    elif n_interp == 1:
        y_ref, ia_ref, stats_ref, g_ref, be_ref, o_ref = refs
    else:
        y_ref, stats_ref, g_ref, be_ref, o_ref = refs
    mean = stats_ref[0:1, :] * inv_n
    var = stats_ref[1:2, :] * inv_n - mean * mean
    scale = lax.rsqrt(var + _EPS) * g_ref[...]
    s = jnp.maximum((y_ref[...] - mean) * scale + be_ref[...], 0.0)
    if n_interp == 2:
        s = s + jnp.where(pl.program_id(0) < half_steps,
                          ia_ref[...], ib_ref[...])
    elif n_interp == 1:
        s = s + ia_ref[...]
    o_ref[...] = s


def _bn_relu(y, stats, g, be, tile, interp=()):
    n = y.shape[0]
    steps = n // tile
    half_steps = steps // 2
    tspec = pl.BlockSpec((tile, _C), lambda i: (i, 0))
    in_specs = [tspec]
    args = [y]
    if len(interp) == 2:
        in_specs.append(
            pl.BlockSpec((tile, _C), lambda i: (jnp.minimum(i, half_steps - 1), 0)))
        in_specs.append(
            pl.BlockSpec((tile, _C),
                         lambda i: (jnp.maximum(i - half_steps, 0), 0)))
    elif len(interp) == 1:
        in_specs.append(tspec)
    args += list(interp)
    in_specs += [
        pl.BlockSpec((2, _C), lambda i: (0, 0)),
        pl.BlockSpec((1, _C), lambda i: (0, 0)),
        pl.BlockSpec((1, _C), lambda i: (0, 0)),
    ]
    args += [stats, g, be]
    return pl.pallas_call(
        functools.partial(_bn_body, 1.0 / n, len(interp), half_steps),
        grid=(steps,),
        in_specs=in_specs,
        out_specs=tspec,
        out_shape=jax.ShapeDtypeStruct((n, _C), jnp.float32),
    )(*args)



_KTILE = 512


def _knn_body(sc_ref, ct_ref, i1_ref, i2_ref, i3_ref, w1_ref, w2_ref, w3_ref):
    s = sc_ref[...]
    ct = ct_ref[...]
    t0 = s[:, 0:1] - ct[0:1, :]
    t1 = s[:, 1:2] - ct[1:2, :]
    t2 = s[:, 2:3] - ct[2:3, :]
    d2 = t0 * t0 + t1 * t1 + t2 * t2
    j = lax.broadcasted_iota(jnp.int32, d2.shape, 1).astype(jnp.float32)
    big = jnp.float32(1e9)
    inf = jnp.float32(jnp.inf)

    def min_arg(d):
        m = jnp.min(d, axis=1, keepdims=True)
        i = jnp.min(jnp.where(d == m, j, big), axis=1, keepdims=True)
        return m, i

    m1, idx1f = min_arg(d2)
    d2 = jnp.where(j == idx1f, inf, d2)
    m2, idx2f = min_arg(d2)
    d2 = jnp.where(j == idx2f, inf, d2)
    m3, idx3f = min_arg(d2)
    idx1 = idx1f.astype(jnp.int32)
    idx2 = idx2f.astype(jnp.int32)
    idx3 = idx3f.astype(jnp.int32)

    def recip(m):
        dist = jnp.sqrt(jnp.maximum(m, 1e-12))
        return 1.0 / (dist + 1e-8)

    r1 = recip(m1)
    r2 = recip(m2)
    r3 = recip(m3)
    norm = r1 + r2 + r3
    i1_ref[...] = idx1
    i2_ref[...] = idx2
    i3_ref[...] = idx3
    w1_ref[...] = jnp.broadcast_to(r1 / norm, (r1.shape[0], 16))
    w2_ref[...] = jnp.broadcast_to(r2 / norm, (r2.shape[0], 16))
    w3_ref[...] = jnp.broadcast_to(r3 / norm, (r3.shape[0], 16))


def _knn(skip_coord, ct, lo, ns):
    off = lo // _KTILE
    col = pl.BlockSpec((_KTILE, 1), lambda i: (i, 0))
    wcol = pl.BlockSpec((_KTILE, 16), lambda i: (i, 0))
    return pl.pallas_call(
        _knn_body,
        grid=(ns // _KTILE,),
        in_specs=[
            pl.BlockSpec((_KTILE, 3), lambda i: (i + off, 0)),
            pl.BlockSpec((3, _N), lambda i: (0, 0)),
        ],
        out_specs=[col] * 3 + [wcol] * 3,
        out_shape=[jax.ShapeDtypeStruct((ns, 1), jnp.int32)] * 3
        + [jax.ShapeDtypeStruct((ns, 16), jnp.float32)] * 3,
    )(skip_coord, ct)



_NW = 32
_G = 16


def _interp_sc(h, i1, i2, i3, w1, w2, w3):
    ns = i1.shape[0]
    bw = ns // _NW
    ch = bw // _G
    mesh = plsc.VectorSubcoreMesh(core_axis_name="c", subcore_axis_name="s")

    @functools.partial(
        pl.kernel,
        out_type=jax.ShapeDtypeStruct((ns, _C), jnp.float32),
        mesh=mesh,
        scratch_types=[
            pltpu.VMEM((bw,), jnp.int32),
            pltpu.VMEM((bw,), jnp.int32),
            pltpu.VMEM((bw,), jnp.int32),
            pltpu.VMEM((bw * 16,), jnp.float32),
            pltpu.VMEM((bw * 16,), jnp.float32),
            pltpu.VMEM((bw * 16,), jnp.float32),
            pltpu.VMEM((3 * _G, _C), jnp.float32),
            pltpu.VMEM((3 * _G, _C), jnp.float32),
            pltpu.VMEM((_G, _C), jnp.float32),
            pltpu.SemaphoreType.DMA,
            pltpu.SemaphoreType.DMA,
        ],
    )
    def k(h_hbm, i1_hbm, i2_hbm, i3_hbm, w1_hbm, w2_hbm, w3_hbm, out_hbm,
          i1_v, i2_v, i3_v, w1_v, w2_v, w3_v, rows0, rows1, out_v, sg0, sg1):
        wid = lax.axis_index("s") * 2 + lax.axis_index("c")
        base = wid * bw
        pltpu.sync_copy(i1_hbm.at[pl.ds(base, bw)], i1_v)
        pltpu.sync_copy(i2_hbm.at[pl.ds(base, bw)], i2_v)
        pltpu.sync_copy(i3_hbm.at[pl.ds(base, bw)], i3_v)
        pltpu.sync_copy(w1_hbm.at[pl.ds(base * 16, bw * 16)], w1_v)
        pltpu.sync_copy(w2_hbm.at[pl.ds(base * 16, bw * 16)], w2_v)
        pltpu.sync_copy(w3_hbm.at[pl.ds(base * 16, bw * 16)], w3_v)
        rows = (rows0, rows1)
        sems = (sg0, sg1)

        def gather(ci, buf, sem):
            sl = pl.ds(ci * _G, _G)
            pltpu.async_copy(h_hbm.at[i1_v.at[sl]], buf.at[pl.ds(0, _G)], sem)
            pltpu.async_copy(h_hbm.at[i2_v.at[sl]], buf.at[pl.ds(_G, _G)], sem)
            pltpu.async_copy(h_hbm.at[i3_v.at[sl]],
                             buf.at[pl.ds(2 * _G, _G)], sem)

        gather(0, rows0, sg0)

        def pair(it, carry):
            for b in range(2):
                ci = 2 * it + b
                pltpu.make_async_copy(
                    h_hbm.at[i1_v.at[pl.ds(0, 3 * _G)]], rows[b],
                    sems[b]).wait()

                @pl.when(ci + 1 < ch)
                def _next():
                    gather(ci + 1, rows[1 - b], sems[1 - b])

                def point(i, c2):
                    wo = (ci * _G + i) * 16
                    w0 = w1_v[pl.ds(wo, 16)]
                    w1 = w2_v[pl.ds(wo, 16)]
                    w2 = w3_v[pl.ds(wo, 16)]
                    for v in range(_C // 16):
                        o = v * 16
                        out_v[i, pl.ds(o, 16)] = (
                            rows[b][i, pl.ds(o, 16)] * w0
                            + rows[b][_G + i, pl.ds(o, 16)] * w1
                            + rows[b][2 * _G + i, pl.ds(o, 16)] * w2)
                    return c2

                lax.fori_loop(0, _G, point, 0)
                pltpu.sync_copy(out_v, out_hbm.at[pl.ds(base + ci * _G, _G)])
            return carry

        lax.fori_loop(0, ch // 2, pair, 0)

    return k(h, i1, i2, i3, w1, w2, w3)




def kernel(coord, feat, offset, skip_coord, skip_feat, skip_offset,
           W_proj, b_proj, g_proj, be_proj, W_skip, b_skip, g_skip, be_skip):
    b_p = b_proj.reshape(1, _C)
    g_p = g_proj.reshape(1, _C)
    be_p = be_proj.reshape(1, _C)
    b_s = b_skip.reshape(1, _C)
    g_s = g_skip.reshape(1, _C)
    be_s = be_skip.reshape(1, _C)

    y_p, st_p = _mm_stats(feat, W_proj, b_p, 512)
    h = _bn_relu(y_p, st_p, g_p, be_p, 512)

    ct = coord.T
    half = _NS // 2
    interp_halves = []
    for lo in (0, half):
        i1, i2, i3, w1, w2, w3 = _knn(skip_coord, ct, lo, half)
        interp_halves.append(_interp_sc(
            h, i1.reshape(-1), i2.reshape(-1), i3.reshape(-1),
            w1.reshape(-1), w2.reshape(-1), w3.reshape(-1)))

    y_s, st_s = _mm_stats(skip_feat, W_skip, b_s, 512)
    out_feat = _bn_relu(y_s, st_s, g_s, be_s, 512, interp=tuple(interp_halves))

    return (skip_coord, out_feat, skip_offset)

# --- scband reference (transcript-rebuilt; emitter-appended) ---
"""Pipeline reference for scband-unpool-with-skip-77017353552241 (READ-ONLY COPY).

The authoritative reference and input builder live on the scoring server;
editing this copy changes nothing except your own understanding.
"""

import jax, jax.numpy as jnp
import numpy as np

N = 4096      # coarse points
NS = 16384    # skip (fine) points
CIN = 512
CSKIP = 512
COUT = 512
K = 3
EPS_BN = 1e-5


def batch_norm(x, gamma, beta):
    # torch BatchNorm1d in training mode: biased batch statistics over N dim
    mean = jnp.mean(x, axis=0)
    var = jnp.var(x, axis=0)
    return (x - mean) / jnp.sqrt(var + EPS_BN) * gamma + beta


def setup_inputs(seed: int = 0) -> dict:
    key = jax.random.key(seed)
    ks = jax.random.split(key, 12)
    coord = jax.random.normal(ks[0], (N, 3), dtype=jnp.float32) * 5.0
    feat = jax.random.normal(ks[1], (N, CIN), dtype=jnp.float32)
    skip_coord = jax.random.normal(ks[2], (NS, 3), dtype=jnp.float32) * 5.0
    skip_feat = jax.random.normal(ks[3], (NS, CSKIP), dtype=jnp.float32)
    offset = jnp.array([N], dtype=jnp.int32)        # single-batch pxo offsets
    skip_offset = jnp.array([NS], dtype=jnp.int32)
    # learned parameters
    W_proj = jax.random.normal(ks[4], (CIN, COUT), dtype=jnp.float32) * (1.0 / np.sqrt(CIN))
    b_proj = jnp.zeros((COUT,), dtype=jnp.float32)
    g_proj = jnp.ones((COUT,), dtype=jnp.float32)
    be_proj = jnp.zeros((COUT,), dtype=jnp.float32)
    W_skip = jax.random.normal(ks[5], (CSKIP, COUT), dtype=jnp.float32) * (1.0 / np.sqrt(CSKIP))
    b_skip = jnp.zeros((COUT,), dtype=jnp.float32)
    g_skip = jnp.ones((COUT,), dtype=jnp.float32)
    be_skip = jnp.zeros((COUT,), dtype=jnp.float32)
    return {
        "coord": coord, "feat": feat, "offset": offset,
        "skip_coord": skip_coord, "skip_feat": skip_feat, "skip_offset": skip_offset,
        "W_proj": W_proj, "b_proj": b_proj, "g_proj": g_proj, "be_proj": be_proj,
        "W_skip": W_skip, "b_skip": b_skip, "g_skip": g_skip, "be_skip": be_skip,
    }


def reference(coord, feat, offset, skip_coord, skip_feat, skip_offset,
              W_proj, b_proj, g_proj, be_proj, W_skip, b_skip, g_skip, be_skip):
    # proj branch on coarse features
    h = jax.nn.relu(batch_norm(feat @ W_proj + b_proj, g_proj, be_proj))
    # pointops.interpolation: 3-NN inverse-distance interpolation (single batch)
    d2 = jnp.sum((skip_coord[:, None, :] - coord[None, :, :]) ** 2, axis=-1)  # [NS, N]
    neg_d2, idx = jax.lax.top_k(-d2, K)          # 3 nearest neighbors
    dist = jnp.sqrt(jnp.maximum(-neg_d2, 1e-12))  # knnquery returns euclidean dist
    dist_recip = 1.0 / (dist + 1e-8)
    norm = jnp.sum(dist_recip, axis=1, keepdims=True)
    weight = dist_recip / norm                    # [NS, 3]
    interp = jnp.sum(h[idx] * weight[..., None], axis=1)  # [NS, COUT]
    # skip branch
    s = jax.nn.relu(batch_norm(skip_feat @ W_skip + b_skip, g_skip, be_skip))
    out_feat = interp + s
    return (skip_coord, out_feat, skip_offset)

if __name__ == "__main__":
    import jax
    _d = setup_inputs()
    print(jax.jit(kernel)(*tuple(_d.values())))

</pallas_src>

<mosaic_0001>
#map = affine_map<(d0, d1) -> (0, 0)>
#map1 = affine_map<(d0, d1) -> (0)>
module attributes {stable_mosaic.version = 14 : i64} {
  func.func @k(%arg0: i32, %arg1: i32, %arg2: memref<4096x512xf32, #tpu.memory_space<hbm>>, %arg3: memref<8192xi32, #tpu.memory_space<hbm>>, %arg4: memref<8192xi32, #tpu.memory_space<hbm>>, %arg5: memref<8192xi32, #tpu.memory_space<hbm>>, %arg6: memref<131072xf32, #tpu.memory_space<hbm>>, %arg7: memref<131072xf32, #tpu.memory_space<hbm>>, %arg8: memref<131072xf32, #tpu.memory_space<hbm>>, %arg9: memref<8192x512xf32, #tpu.memory_space<hbm>>, %arg10: memref<256xi32, #tpu.memory_space<vmem>>, %arg11: memref<256xi32, #tpu.memory_space<vmem>>, %arg12: memref<256xi32, #tpu.memory_space<vmem>>, %arg13: memref<4096xf32, #tpu.memory_space<vmem>>, %arg14: memref<4096xf32, #tpu.memory_space<vmem>>, %arg15: memref<4096xf32, #tpu.memory_space<vmem>>, %arg16: memref<48x512xf32, #tpu.memory_space<vmem>>, %arg17: memref<48x512xf32, #tpu.memory_space<vmem>>, %arg18: memref<16x512xf32, #tpu.memory_space<vmem>>, %arg19: memref<!tpu.dma_semaphore, #tpu.memory_space<semaphore_mem>>, %arg20: memref<!tpu.dma_semaphore, #tpu.memory_space<semaphore_mem>>) attributes {dimension_semantics = [#tpu.dimension_semantics<core_parallel>, #tpu.dimension_semantics<subcore_parallel>], iteration_bounds = array<i64: 2, 16>, scalar_prefetch = 0 : i64, scratch_operands = 11 : i64, tpu.core_type = #tpu.core_type<sc_vector_subcore>, window_params = [{transform_indices = #map}, {transform_indices = #map1}, {transform_indices = #map1}, {transform_indices = #map1}, {transform_indices = #map1}, {transform_indices = #map1}, {transform_indices = #map1}, {transform_indices = #map}]} {
    %mul3A = arith.constant 2 : i32
    %mul3A_0 = arith.muli %arg1, %mul3A : i32
    %add3A = arith.addi %mul3A_0, %arg0 : i32
    %mul3A_1 = arith.constant 256 : i32
    %mul3A_2 = arith.muli %add3A, %mul3A_1 : i32
    "tpu.region"() ({
      %run_scoped3A = tpu.sem_alloc : memref<!tpu.dma_semaphore, #tpu.memory_space<semaphore_mem>>
      %dma_start3A_37 = tpu.memref_slice %arg3[%mul3A_2] : memref<8192xi32, #tpu.memory_space<hbm>> -> memref<256xi32, #tpu.memory_space<hbm>>
      %dma_start3A_38 = tpu.memref_slice %arg3[%mul3A_2] : memref<8192xi32, #tpu.memory_space<hbm>> -> memref<256xi32, #tpu.memory_space<hbm>>
      tpu.enqueue_dma source(%dma_start3A_38 : memref<256xi32, #tpu.memory_space<hbm>>) target(%arg10 : memref<256xi32, #tpu.memory_space<vmem>>) target_semaphore(%run_scoped3A : memref<!tpu.dma_semaphore, #tpu.memory_space<semaphore_mem>>)
      %dma_wait3A = tpu.memref_slice %arg3[%mul3A_2] : memref<8192xi32, #tpu.memory_space<hbm>> -> memref<256xi32, #tpu.memory_space<hbm>>
      %dma_wait3A_39 = tpu.memref_slice %arg3[%mul3A_2] : memref<8192xi32, #tpu.memory_space<hbm>> -> memref<256xi32, #tpu.memory_space<hbm>>
      tpu.wait_dma2 semaphore(%run_scoped3A : memref<!tpu.dma_semaphore, #tpu.memory_space<semaphore_mem>>) src(%dma_wait3A_39 : memref<256xi32, #tpu.memory_space<hbm>>) dst(%arg10 : memref<256xi32, #tpu.memory_space<vmem>>)
      tpu.yield
    }) : () -> ()
    "tpu.region"() ({
      %run_scoped3A = tpu.sem_alloc : memref<!tpu.dma_semaphore, #tpu.memory_space<semaphore_mem>>
      %dma_start3A_37 = tpu.memref_slice %arg4[%mul3A_2] : memref<8192xi32, #tpu.memory_space<hbm>> -> memref<256xi32, #tpu.memory_space<hbm>>
      %dma_start3A_38 = tpu.memref_slice %arg4[%mul3A_2] : memref<8192xi32, #tpu.memory_space<hbm>> -> memref<256xi32, #tpu.memory_space<hbm>>
      tpu.enqueue_dma source(%dma_start3A_38 : memref<256xi32, #tpu.memory_space<hbm>>) target(%arg11 : memref<256xi32, #tpu.memory_space<vmem>>) target_semaphore(%run_scoped3A : memref<!tpu.dma_semaphore, #tpu.memory_space<semaphore_mem>>)
      %dma_wait3A = tpu.memref_slice %arg4[%mul3A_2] : memref<8192xi32, #tpu.memory_space<hbm>> -> memref<256xi32, #tpu.memory_space<hbm>>
      %dma_wait3A_39 = tpu.memref_slice %arg4[%mul3A_2] : memref<8192xi32, #tpu.memory_space<hbm>> -> memref<256xi32, #tpu.memory_space<hbm>>
      tpu.wait_dma2 semaphore(%run_scoped3A : memref<!tpu.dma_semaphore, #tpu.memory_space<semaphore_mem>>) src(%dma_wait3A_39 : memref<256xi32, #tpu.memory_space<hbm>>) dst(%arg11 : memref<256xi32, #tpu.memory_space<vmem>>)
      tpu.yield
    }) : () -> ()
    "tpu.region"() ({
      %run_scoped3A = tpu.sem_alloc : memref<!tpu.dma_semaphore, #tpu.memory_space<semaphore_mem>>
      %dma_start3A_37 = tpu.memref_slice %arg5[%mul3A_2] : memref<8192xi32, #tpu.memory_space<hbm>> -> memref<256xi32, #tpu.memory_space<hbm>>
      %dma_start3A_38 = tpu.memref_slice %arg5[%mul3A_2] : memref<8192xi32, #tpu.memory_space<hbm>> -> memref<256xi32, #tpu.memory_space<hbm>>
      tpu.enqueue_dma source(%dma_start3A_38 : memref<256xi32, #tpu.memory_space<hbm>>) target(%arg12 : memref<256xi32, #tpu.memory_space<vmem>>) target_semaphore(%run_scoped3A : memref<!tpu.dma_semaphore, #tpu.memory_space<semaphore_mem>>)
      %dma_wait3A = tpu.memref_slice %arg5[%mul3A_2] : memref<8192xi32, #tpu.memory_space<hbm>> -> memref<256xi32, #tpu.memory_space<hbm>>
      %dma_wait3A_39 = tpu.memref_slice %arg5[%mul3A_2] : memref<8192xi32, #tpu.memory_space<hbm>> -> memref<256xi32, #tpu.memory_space<hbm>>
      tpu.wait_dma2 semaphore(%run_scoped3A : memref<!tpu.dma_semaphore, #tpu.memory_space<semaphore_mem>>) src(%dma_wait3A_39 : memref<256xi32, #tpu.memory_space<hbm>>) dst(%arg12 : memref<256xi32, #tpu.memory_space<vmem>>)
      tpu.yield
    }) : () -> ()
    %mul3A_3 = arith.constant 16 : i32
    %mul3A_4 = arith.muli %mul3A_2, %mul3A_3 : i32
    "tpu.region"() ({
      %run_scoped3A = tpu.sem_alloc : memref<!tpu.dma_semaphore, #tpu.memory_space<semaphore_mem>>
      %dma_start3A_37 = tpu.memref_slice %arg6[%mul3A_4] : memref<131072xf32, #tpu.memory_space<hbm>> -> memref<4096xf32, #tpu.memory_space<hbm>>
      %dma_start3A_38 = tpu.memref_slice %arg6[%mul3A_4] : memref<131072xf32, #tpu.memory_space<hbm>> -> memref<4096xf32, #tpu.memory_space<hbm>>
      tpu.enqueue_dma source(%dma_start3A_38 : memref<4096xf32, #tpu.memory_space<hbm>>) target(%arg13 : memref<4096xf32, #tpu.memory_space<vmem>>) target_semaphore(%run_scoped3A : memref<!tpu.dma_semaphore, #tpu.memory_space<semaphore_mem>>)
      %dma_wait3A = tpu.memref_slice %arg6[%mul3A_4] : memref<131072xf32, #tpu.memory_space<hbm>> -> memref<4096xf32, #tpu.memory_space<hbm>>
      %dma_wait3A_39 = tpu.memref_slice %arg6[%mul3A_4] : memref<131072xf32, #tpu.memory_space<hbm>> -> memref<4096xf32, #tpu.memory_space<hbm>>
      tpu.wait_dma2 semaphore(%run_scoped3A : memref<!tpu.dma_semaphore, #tpu.memory_space<semaphore_mem>>) src(%dma_wait3A_39 : memref<4096xf32, #tpu.memory_space<hbm>>) dst(%arg13 : memref<4096xf32, #tpu.memory_space<vmem>>)
      tpu.yield
    }) : () -> ()
    %mul3A_5 = arith.constant 16 : i32
    %mul3A_6 = arith.muli %mul3A_2, %mul3A_5 : i32
    "tpu.region"() ({
      %run_scoped3A = tpu.sem_alloc : memref<!tpu.dma_semaphore, #tpu.memory_space<semaphore_mem>>
      %dma_start3A_37 = tpu.memref_slice %arg7[%mul3A_6] : memref<131072xf32, #tpu.memory_space<hbm>> -> memref<4096xf32, #tpu.memory_space<hbm>>
      %dma_start3A_38 = tpu.memref_slice %arg7[%mul3A_6] : memref<131072xf32, #tpu.memory_space<hbm>> -> memref<4096xf32, #tpu.memory_space<hbm>>
      tpu.enqueue_dma source(%dma_start3A_38 : memref<4096xf32, #tpu.memory_space<hbm>>) target(%arg14 : memref<4096xf32, #tpu.memory_space<vmem>>) target_semaphore(%run_scoped3A : memref<!tpu.dma_semaphore, #tpu.memory_space<semaphore_mem>>)
      %dma_wait3A = tpu.memref_slice %arg7[%mul3A_6] : memref<131072xf32, #tpu.memory_space<hbm>> -> memref<4096xf32, #tpu.memory_space<hbm>>
      %dma_wait3A_39 = tpu.memref_slice %arg7[%mul3A_6] : memref<131072xf32, #tpu.memory_space<hbm>> -> memref<4096xf32, #tpu.memory_space<hbm>>
      tpu.wait_dma2 semaphore(%run_scoped3A : memref<!tpu.dma_semaphore, #tpu.memory_space<semaphore_mem>>) src(%dma_wait3A_39 : memref<4096xf32, #tpu.memory_space<hbm>>) dst(%arg14 : memref<4096xf32, #tpu.memory_space<vmem>>)
      tpu.yield
    }) : () -> ()
    %mul3A_7 = arith.constant 16 : i32
    %mul3A_8 = arith.muli %mul3A_2, %mul3A_7 : i32
    "tpu.region"() ({
      %run_scoped3A = tpu.sem_alloc : memref<!tpu.dma_semaphore, #tpu.memory_space<semaphore_mem>>
      %dma_start3A_37 = tpu.memref_slice %arg8[%mul3A_8] : memref<131072xf32, #tpu.memory_space<hbm>> -> memref<4096xf32, #tpu.memory_space<hbm>>
      %dma_start3A_38 = tpu.memref_slice %arg8[%mul3A_8] : memref<131072xf32, #tpu.memory_space<hbm>> -> memref<4096xf32, #tpu.memory_space<hbm>>
      tpu.enqueue_dma source(%dma_start3A_38 : memref<4096xf32, #tpu.memory_space<hbm>>) target(%arg15 : memref<4096xf32, #tpu.memory_space<vmem>>) target_semaphore(%run_scoped3A : memref<!tpu.dma_semaphore, #tpu.memory_space<semaphore_mem>>)
      %dma_wait3A = tpu.memref_slice %arg8[%mul3A_8] : memref<131072xf32, #tpu.memory_space<hbm>> -> memref<4096xf32, #tpu.memory_space<hbm>>
      %dma_wait3A_39 = tpu.memref_slice %arg8[%mul3A_8] : memref<131072xf32, #tpu.memory_space<hbm>> -> memref<4096xf32, #tpu.memory_space<hbm>>
      tpu.wait_dma2 semaphore(%run_scoped3A : memref<!tpu.dma_semaphore, #tpu.memory_space<semaphore_mem>>) src(%dma_wait3A_39 : memref<4096xf32, #tpu.memory_space<hbm>>) dst(%arg15 : memref<4096xf32, #tpu.memory_space<vmem>>)
      tpu.yield
    }) : () -> ()
    %dma_start3A = arith.constant 0 : i32
    %dma_start3A_9 = arith.constant 0 : i32
    %dma_start3A_10 = tpu.memref_slice %arg16[%dma_start3A, %dma_start3A_9] : memref<48x512xf32, #tpu.memory_space<vmem>> -> memref<16x512xf32, #tpu.memory_space<vmem>>
    %dma_start3A_11 = arith.constant 0 : i32
    %dma_start3A_12 = tpu.memref_slice %arg10[%dma_start3A_11] : memref<256xi32, #tpu.memory_space<vmem>> -> memref<16xi32, #tpu.memory_space<vmem>>
    %dma_start3A_13 = arith.constant 0 : i32
    %dma_start3A_14 = arith.constant 0 : i32
    %dma_start3A_15 = tpu.memref_slice %arg2[%dma_start3A_13, %dma_start3A_14] : memref<4096x512xf32, #tpu.memory_space<hbm>> -> memref<4096x512xf32, #tpu.memory_space<hbm>>
    tpu.enqueue_indirect_dma source(%dma_start3A_15 : memref<4096x512xf32, #tpu.memory_space<hbm>>) target(%dma_start3A_10 : memref<16x512xf32, #tpu.memory_space<vmem>>) offsets(%dma_start3A_12 : memref<16xi32, #tpu.memory_space<vmem>>) semaphore(%arg19 : memref<!tpu.dma_semaphore, #tpu.memory_space<semaphore_mem>>)
    %dma_start3A_16 = arith.constant 16 : i32
    %dma_start3A_17 = arith.constant 0 : i32
    %dma_start3A_18 = tpu.memref_slice %arg16[%dma_start3A_16, %dma_start3A_17] : memref<48x512xf32, #tpu.memory_space<vmem>> -> memref<16x512xf32, #tpu.memory_space<vmem>>
    %dma_start3A_19 = arith.constant 0 : i32
    %dma_start3A_20 = tpu.memref_slice %arg11[%dma_start3A_19] : memref<256xi32, #tpu.memory_space<vmem>> -> memref<16xi32, #tpu.memory_space<vmem>>
    %dma_start3A_21 = arith.constant 0 : i32
    %dma_start3A_22 = arith.constant 0 : i32
    %dma_start3A_23 = tpu.memref_slice %arg2[%dma_start3A_21, %dma_start3A_22] : memref<4096x512xf32, #tpu.memory_space<hbm>> -> memref<4096x512xf32, #tpu.memory_space<hbm>>
    tpu.enqueue_indirect_dma source(%dma_start3A_23 : memref<4096x512xf32, #tpu.memory_space<hbm>>) target(%dma_start3A_18 : memref<16x512xf32, #tpu.memory_space<vmem>>) offsets(%dma_start3A_20 : memref<16xi32, #tpu.memory_space<vmem>>) semaphore(%arg19 : memref<!tpu.dma_semaphore, #tpu.memory_space<semaphore_mem>>)
    %dma_start3A_24 = arith.constant 32 : i32
    %dma_start3A_25 = arith.constant 0 : i32
    %dma_start3A_26 = tpu.memref_slice %arg16[%dma_start3A_24, %dma_start3A_25] : memref<48x512xf32, #tpu.memory_space<vmem>> -> memref<16x512xf32, #tpu.memory_space<vmem>>
    %dma_start3A_27 = arith.constant 0 : i32
    %dma_start3A_28 = tpu.memref_slice %arg12[%dma_start3A_27] : memref<256xi32, #tpu.memory_space<vmem>> -> memref<16xi32, #tpu.memory_space<vmem>>
    %dma_start3A_29 = arith.constant 0 : i32
    %dma_start3A_30 = arith.constant 0 : i32
    %dma_start3A_31 = tpu.memref_slice %arg2[%dma_start3A_29, %dma_start3A_30] : memref<4096x512xf32, #tpu.memory_space<hbm>> -> memref<4096x512xf32, #tpu.memory_space<hbm>>
    tpu.enqueue_indirect_dma source(%dma_start3A_31 : memref<4096x512xf32, #tpu.memory_space<hbm>>) target(%dma_start3A_26 : memref<16x512xf32, #tpu.memory_space<vmem>>) offsets(%dma_start3A_28 : memref<16xi32, #tpu.memory_space<vmem>>) semaphore(%arg19 : memref<!tpu.dma_semaphore, #tpu.memory_space<semaphore_mem>>)
    %scan3A = arith.constant 0 : i32
    %scan3A_32 = arith.constant 0 : i32
    %scan3A_33 = arith.constant 8 : i32
    %scan3A_34 = arith.addi %scan3A_32, %scan3A_33 : i32
    %scan3A_35 = arith.constant 1 : i32
    scf.for %scan3A_37 = %scan3A_32 to %scan3A_34 step %scan3A_35  : i32 {
      %mul3A_38 = arith.constant 2 : i32
      %mul3A_39 = arith.muli %mul3A_38, %scan3A_37 : i32
      %add3A_40 = arith.constant 0 : i32
      %add3A_41 = arith.addi %mul3A_39, %add3A_40 : i32
      %dma_wait3A = arith.constant 0 : i32
      %dma_wait3A_42 = tpu.memref_slice %arg10[%dma_wait3A] : memref<256xi32, #tpu.memory_space<vmem>> -> memref<48xi32, #tpu.memory_space<vmem>>
      %dma_wait3A_43 = arith.constant 0 : i32
      %dma_wait3A_44 = arith.constant 0 : i32
      %dma_wait3A_45 = tpu.memref_slice %arg2[%dma_wait3A_43, %dma_wait3A_44] : memref<4096x512xf32, #tpu.memory_space<hbm>> -> memref<4096x512xf32, #tpu.memory_space<hbm>>
      tpu.wait_indirect_dma semaphore(%arg19 : memref<!tpu.dma_semaphore, #tpu.memory_space<semaphore_mem>>) src(%dma_wait3A_45 : memref<4096x512xf32, #tpu.memory_space<hbm>>) dst(%arg16 : memref<48x512xf32, #tpu.memory_space<vmem>>)
      %add3A_46 = arith.constant 1 : i32
      %add3A_47 = arith.addi %add3A_41, %add3A_46 : i32
      %lt3A = arith.constant 16 : i32
      %lt3A_48 = arith.cmpi slt, %add3A_47, %lt3A : i32
      %convert_element_type3A = arith.extui %lt3A_48 : i1 to i32
      %cond3A = arith.constant 0 : i32
      %cond3A_49 = arith.cmpi ne, %convert_element_type3A, %cond3A : i32
      scf.if %cond3A_49 {
        %add3A_84 = arith.constant 1 : i32
        %add3A_85 = arith.addi %add3A_41, %add3A_84 : i32
        %mul3A_86 = arith.constant 16 : i32
        %mul3A_87 = arith.muli %add3A_85, %mul3A_86 : i32
        %dma_start3A_88 = arith.constant 0 : i32
        %dma_start3A_89 = arith.constant 0 : i32
        %dma_start3A_90 = tpu.memref_slice %arg17[%dma_start3A_88, %dma_start3A_89] : memref<48x512xf32, #tpu.memory_space<vmem>> -> memref<16x512xf32, #tpu.memory_space<vmem>>
        %dma_start3A_91 = tpu.memref_slice %arg10[%mul3A_87] : memref<256xi32, #tpu.memory_space<vmem>> -> memref<16xi32, #tpu.memory_space<vmem>>
        %dma_start3A_92 = arith.constant 0 : i32
        %dma_start3A_93 = arith.constant 0 : i32
        %dma_start3A_94 = tpu.memref_slice %arg2[%dma_start3A_92, %dma_start3A_93] : memref<4096x512xf32, #tpu.memory_space<hbm>> -> memref<4096x512xf32, #tpu.memory_space<hbm>>
        tpu.enqueue_indirect_dma source(%dma_start3A_94 : memref<4096x512xf32, #tpu.memory_space<hbm>>) target(%dma_start3A_90 : memref<16x512xf32, #tpu.memory_space<vmem>>) offsets(%dma_start3A_91 : memref<16xi32, #tpu.memory_space<vmem>>) semaphore(%arg20 : memref<!tpu.dma_semaphore, #tpu.memory_space<semaphore_mem>>)
        %dma_start3A_95 = arith.constant 16 : i32
        %dma_start3A_96 = arith.constant 0 : i32
        %dma_start3A_97 = tpu.memref_slice %arg17[%dma_start3A_95, %dma_start3A_96] : memref<48x512xf32, #tpu.memory_space<vmem>> -> memref<16x512xf32, #tpu.memory_space<vmem>>
        %dma_start3A_98 = tpu.memref_slice %arg11[%mul3A_87] : memref<256xi32, #tpu.memory_space<vmem>> -> memref<16xi32, #tpu.memory_space<vmem>>
        %dma_start3A_99 = arith.constant 0 : i32
        %dma_start3A_100 = arith.constant 0 : i32
        %dma_start3A_101 = tpu.memref_slice %arg2[%dma_start3A_99, %dma_start3A_100] : memref<4096x512xf32, #tpu.memory_space<hbm>> -> memref<4096x512xf32, #tpu.memory_space<hbm>>
        tpu.enqueue_indirect_dma source(%dma_start3A_101 : memref<4096x512xf32, #tpu.memory_space<hbm>>) target(%dma_start3A_97 : memref<16x512xf32, #tpu.memory_space<vmem>>) offsets(%dma_start3A_98 : memref<16xi32, #tpu.memory_space<vmem>>) semaphore(%arg20 : memref<!tpu.dma_semaphore, #tpu.memory_space<semaphore_mem>>)
        %dma_start3A_102 = arith.constant 32 : i32
        %dma_start3A_103 = arith.constant 0 : i32
        %dma_start3A_104 = tpu.memref_slice %arg17[%dma_start3A_102, %dma_start3A_103] : memref<48x512xf32, #tpu.memory_space<vmem>> -> memref<16x512xf32, #tpu.memory_space<vmem>>
        %dma_start3A_105 = tpu.memref_slice %arg12[%mul3A_87] : memref<256xi32, #tpu.memory_space<vmem>> -> memref<16xi32, #tpu.memory_space<vmem>>
        %dma_start3A_106 = arith.constant 0 : i32
        %dma_start3A_107 = arith.constant 0 : i32
        %dma_start3A_108 = tpu.memref_slice %arg2[%dma_start3A_106, %dma_start3A_107] : memref<4096x512xf32, #tpu.memory_space<hbm>> -> memref<4096x512xf32, #tpu.memory_space<hbm>>
        tpu.enqueue_indirect_dma source(%dma_start3A_108 : memref<4096x512xf32, #tpu.memory_space<hbm>>) target(%dma_start3A_104 : memref<16x512xf32, #tpu.memory_space<vmem>>) offsets(%dma_start3A_105 : memref<16xi32, #tpu.memory_space<vmem>>) semaphore(%arg20 : memref<!tpu.dma_semaphore, #tpu.memory_space<semaphore_mem>>)
      } else {
      }
      %scan3A_50 = arith.constant 0 : i32
      %scan3A_51 = arith.constant 0 : i32
      %scan3A_52 = arith.constant 16 : i32
      %scan3A_53 = arith.addi %scan3A_51, %scan3A_52 : i32
      %scan3A_54 = arith.constant 1 : i32
      scf.for %scan3A_84 = %scan3A_51 to %scan3A_53 step %scan3A_54  : i32 {
        %mul3A_85 = arith.constant 16 : i32
        %mul3A_86 = arith.muli %add3A_41, %mul3A_85 : i32
        %add3A_87 = arith.addi %mul3A_86, %scan3A_84 : i32
        %mul3A_88 = arith.constant 16 : i32
        %mul3A_89 = arith.muli %add3A_87, %mul3A_88 : i32
        %get3A = arith.index_cast %mul3A_89 : i32 to index
        %get3A_90 = tpu.vector_load %arg13[%get3A] {strides = array<i32>} : memref<4096xf32, #tpu.memory_space<vmem>>, vector<16xf32>,
        %get3A_91 = vector.shape_cast %get3A_90 : vector<16xf32> to vector<16xf32>
        %get3A_92 = arith.index_cast %mul3A_89 : i32 to index
        %get3A_93 = tpu.vector_load %arg14[%get3A_92] {strides = array<i32>} : memref<4096xf32, #tpu.memory_space<vmem>>, vector<16xf32>,
        %get3A_94 = vector.shape_cast %get3A_93 : vector<16xf32> to vector<16xf32>
        %get3A_95 = arith.index_cast %mul3A_89 : i32 to index
        %get3A_96 = tpu.vector_load %arg15[%get3A_95] {strides = array<i32>} : memref<4096xf32, #tpu.memory_space<vmem>>, vector<16xf32>,
        %get3A_97 = vector.shape_cast %get3A_96 : vector<16xf32> to vector<16xf32>
        %get3A_98 = arith.index_cast %scan3A_84 : i32 to index
        %get3A_99 = arith.constant 0 : index
        %get3A_100 = tpu.vector_load %arg16[%get3A_98, %get3A_99] {strides = array<i32>} : memref<48x512xf32, #tpu.memory_space<vmem>>, vector<1x16xf32>,
        %get3A_101 = vector.shape_cast %get3A_100 : vector<1x16xf32> to vector<16xf32>
        %mul3A_102 = arith.mulf %get3A_101, %get3A_91 : vector<16xf32>
        %add3A_103 = arith.constant 16 : i32
        %add3A_104 = arith.addi %add3A_103, %scan3A_84 : i32
        %get3A_105 = arith.index_cast %add3A_104 : i32 to index
        %get3A_106 = arith.constant 0 : index
        %get3A_107 = tpu.vector_load %arg16[%get3A_105, %get3A_106] {strides = array<i32>} : memref<48x512xf32, #tpu.memory_space<vmem>>, vector<1x16xf32>,
        %get3A_108 = vector.shape_cast %get3A_107 : vector<1x16xf32> to vector<16xf32>
        %mul3A_109 = arith.mulf %get3A_108, %get3A_94 : vector<16xf32>
        %add3A_110 = arith.addf %mul3A_102, %mul3A_109 : vector<16xf32>
        %add3A_111 = arith.constant 32 : i32
        %add3A_112 = arith.addi %add3A_111, %scan3A_84 : i32
        %get3A_113 = arith.index_cast %add3A_112 : i32 to index
        %get3A_114 = arith.constant 0 : index
        %get3A_115 = tpu.vector_load %arg16[%get3A_113, %get3A_114] {strides = array<i32>} : memref<48x512xf32, #tpu.memory_space<vmem>>, vector<1x16xf32>,
        %get3A_116 = vector.shape_cast %get3A_115 : vector<1x16xf32> to vector<16xf32>
        %mul3A_117 = arith.mulf %get3A_116, %get3A_97 : vector<16xf32>
        %add3A_118 = arith.addf %add3A_110, %mul3A_117 : vector<16xf32>
        %swap3A = arith.index_cast %scan3A_84 : i32 to index
        %swap3A_119 = arith.constant 0 : index
        %swap3A_120 = tpu.vector_load %arg18[%swap3A, %swap3A_119] {strides = array<i32>} : memref<16x512xf32, #tpu.memory_space<vmem>>, vector<1x16xf32>,
        %swap3A_121 = vector.shape_cast %swap3A_120 : vector<1x16xf32> to vector<16xf32>
        %swap3A_122 = vector.shape_cast %add3A_118 : vector<16xf32> to vector<1x16xf32>
        tpu.vector_store %arg18[%swap3A, %swap3A_119], %swap3A_122 {strides = array<i32>} : memref<16x512xf32, #tpu.memory_space<vmem>>, vector<1x16xf32>,
        %get3A_123 = arith.index_cast %scan3A_84 : i32 to index
        %get3A_124 = arith.constant 16 : index
        %get3A_125 = tpu.vector_load %arg16[%get3A_123, %get3A_124] {strides = array<i32>} : memref<48x512xf32, #tpu.memory_space<vmem>>, vector<1x16xf32>,
        %get3A_126 = vector.shape_cast %get3A_125 : vector<1x16xf32> to vector<16xf32>
        %mul3A_127 = arith.mulf %get3A_126, %get3A_91 : vector<16xf32>
        %add3A_128 = arith.constant 16 : i32
        %add3A_129 = arith.addi %add3A_128, %scan3A_84 : i32
        %get3A_130 = arith.index_cast %add3A_129 : i32 to index
        %get3A_131 = arith.constant 16 : index
        %get3A_132 = tpu.vector_load %arg16[%get3A_130, %get3A_131] {strides = array<i32>} : memref<48x512xf32, #tpu.memory_space<vmem>>, vector<1x16xf32>,
        %get3A_133 = vector.shape_cast %get3A_132 : vector<1x16xf32> to vector<16xf32>
        %mul3A_134 = arith.mulf %get3A_133, %get3A_94 : vector<16xf32>
        %add3A_135 = arith.addf %mul3A_127, %mul3A_134 : vector<16xf32>
        %add3A_136 = arith.constant 32 : i32
        %add3A_137 = arith.addi %add3A_136, %scan3A_84 : i32
        %get3A_138 = arith.index_cast %add3A_137 : i32 to index
        %get3A_139 = arith.constant 16 : index
        %get3A_140 = tpu.vector_load %arg16[%get3A_138, %get3A_139] {strides = array<i32>} : memref<48x512xf32, #tpu.memory_space<vmem>>, vector<1x16xf32>,
        %get3A_141 = vector.shape_cast %get3A_140 : vector<1x16xf32> to vector<16xf32>
        %mul3A_142 = arith.mulf %get3A_141, %get3A_97 : vector<16xf32>
        %add3A_143 = arith.addf %add3A_135, %mul3A_142 : vector<16xf32>
        %swap3A_144 = arith.index_cast %scan3A_84 : i32 to index
        %swap3A_145 = arith.constant 16 : index
        %swap3A_146 = tpu.vector_load %arg18[%swap3A_144, %swap3A_145] {strides = array<i32>} : memref<16x512xf32, #tpu.memory_space<vmem>>, vector<1x16xf32>,
        %swap3A_147 = vector.shape_cast %swap3A_146 : vector<1x16xf32> to vector<16xf32>
        %swap3A_148 = vector.shape_cast %add3A_143 : vector<16xf32> to vector<1x16xf32>
        tpu.vector_store %arg18[%swap3A_144, %swap3A_145], %swap3A_148 {strides = array<i32>} : memref<16x512xf32, #tpu.memory_space<vmem>>, vector<1x16xf32>,
        %get3A_149 = arith.index_cast %scan3A_84 : i32 to index
        %get3A_150 = arith.constant 32 : index
        %get3A_151 = tpu.vector_load %arg16[%get3A_149, %get3A_150] {strides = array<i32>} : memref<48x512xf32, #tpu.memory_space<vmem>>, vector<1x16xf32>,
        %get3A_152 = vector.shape_cast %get3A_151 : vector<1x16xf32> to vector<16xf32>
        %mul3A_153 = arith.mulf %get3A_152, %get3A_91 : vector<16xf32>
        %add3A_154 = arith.constant 16 : i32
        %add3A_155 = arith.addi %add3A_154, %scan3A_84 : i32
        %get3A_156 = arith.index_cast %add3A_155 : i32 to index
        %get3A_157 = arith.constant 32 : index
        %get3A_158 = tpu.vector_load %arg16[%get3A_156, %get3A_157] {strides = array<i32>} : memref<48x512xf32, #tpu.memory_space<vmem>>, vector<1x16xf32>,
        %get3A_159 = vector.shape_cast %get3A_158 : vector<1x16xf32> to vector<16xf32>
        %mul3A_160 = arith.mulf %get3A_159, %get3A_94 : vector<16xf32>
        %add3A_161 = arith.addf %mul3A_153, %mul3A_160 : vector<16xf32>
        %add3A_162 = arith.constant 32 : i32
        %add3A_163 = arith.addi %add3A_162, %scan3A_84 : i32
        %get3A_164 = arith.index_cast %add3A_163 : i32 to index
        %get3A_165 = arith.constant 32 : index
        %get3A_166 = tpu.vector_load %arg16[%get3A_164, %get3A_165] {strides = array<i32>} : memref<48x512xf32, #tpu.memory_space<vmem>>, vector<1x16xf32>,
        %get3A_167 = vector.shape_cast %get3A_166 : vector<1x16xf32> to vector<16xf32>
        %mul3A_168 = arith.mulf %get3A_167, %get3A_97 : vector<16xf32>
        %add3A_169 = arith.addf %add3A_161, %mul3A_168 : vector<16xf32>
        %swap3A_170 = arith.index_cast %scan3A_84 : i32 to index
        %swap3A_171 = arith.constant 32 : index
        %swap3A_172 = tpu.vector_load %arg18[%swap3A_170, %swap3A_171] {strides = array<i32>} : memref<16x512xf32, #tpu.memory_space<vmem>>, vector<1x16xf32>,
        %swap3A_173 = vector.shape_cast %swap3A_172 : vector<1x16xf32> to vector<16xf32>
        %swap3A_174 = vector.shape_cast %add3A_169 : vector<16xf32> to vector<1x16xf32>
        tpu.vector_store %arg18[%swap3A_170, %swap3A_171], %swap3A_174 {strides = array<i32>} : memref<16x512xf32, #tpu.memory_space<vmem>>, vector<1x16xf32>,
        %get3A_175 = arith.index_cast %scan3A_84 : i32 to index
        %get3A_176 = arith.constant 48 : index
        %get3A_177 = tpu.vector_load %arg16[%get3A_175, %get3A_176] {strides = array<i32>} : memref<48x512xf32, #tpu.memory_space<vmem>>, vector<1x16xf32>,
        %get3A_178 = vector.shape_cast %get3A_177 : vector<1x16xf32> to vector<16xf32>
        %mul3A_179 = arith.mulf %get3A_178, %get3A_91 : vector<16xf32>
        %add3A_180 = arith.constant 16 : i32
        %add3A_181 = arith.addi %add3A_180, %scan3A_84 : i32
        %get3A_182 = arith.index_cast %add3A_181 : i32 to index
        %get3A_183 = arith.constant 48 : index
        %get3A_184 = tpu.vector_load %arg16[%get3A_182, %get3A_183] {strides = array<i32>} : memref<48x512xf32, #tpu.memory_space<vmem>>, vector<1x16xf32>,
        %get3A_185 = vector.shape_cast %get3A_184 : vector<1x16xf32> to vector<16xf32>
        %mul3A_186 = arith.mulf %get3A_185, %get3A_94 : vector<16xf32>
        %add3A_187 = arith.addf %mul3A_179, %mul3A_186 : vector<16xf32>
        %add3A_188 = arith.constant 32 : i32
        %add3A_189 = arith.addi %add3A_188, %scan3A_84 : i32
        %get3A_190 = arith.index_cast %add3A_189 : i32 to index
        %get3A_191 = arith.constant 48 : index
        %get3A_192 = tpu.vector_load %arg16[%get3A_190, %get3A_191] {strides = array<i32>} : memref<48x512xf32, #tpu.memory_space<vmem>>, vector<1x16xf32>,
        %get3A_193 = vector.shape_cast %get3A_192 : vector<1x16xf32> to vector<16xf32>
        %mul3A_194 = arith.mulf %get3A_193, %get3A_97 : vector<16xf32>
        %add3A_195 = arith.addf %add3A_187, %mul3A_194 : vector<16xf32>
        %swap3A_196 = arith.index_cast %scan3A_84 : i32 to index
        %swap3A_197 = arith.constant 48 : index
        %swap3A_198 = tpu.vector_load %arg18[%swap3A_196, %swap3A_197] {strides = array<i32>} : memref<16x512xf32, #tpu.memory_space<vmem>>, vector<1x16xf32>,
        %swap3A_199 = vector.shape_cast %swap3A_198 : vector<1x16xf32> to vector<16xf32>
        %swap3A_200 = vector.shape_cast %add3A_195 : vector<16xf32> to vector<1x16xf32>
        tpu.vector_store %arg18[%swap3A_196, %swap3A_197], %swap3A_200 {strides = array<i32>} : memref<16x512xf32, #tpu.memory_space<vmem>>, vector<1x16xf32>,
        %get3A_201 = arith.index_cast %scan3A_84 : i32 to index
        %get3A_202 = arith.constant 64 : index
        %get3A_203 = tpu.vector_load %arg16[%get3A_201, %get3A_202] {strides = array<i32>} : memref<48x512xf32, #tpu.memory_space<vmem>>, vector<1x16xf32>,
        %get3A_204 = vector.shape_cast %get3A_203 : vector<1x16xf32> to vector<16xf32>
        %mul3A_205 = arith.mulf %get3A_204, %get3A_91 : vector<16xf32>
        %add3A_206 = arith.constant 16 : i32
        %add3A_207 = arith.addi %add3A_206, %scan3A_84 : i32
        %get3A_208 = arith.index_cast %add3A_207 : i32 to index
        %get3A_209 = arith.constant 64 : index
        %get3A_210 = tpu.vector_load %arg16[%get3A_208, %get3A_209] {strides = array<i32>} : memref<48x512xf32, #tpu.memory_space<vmem>>, vector<1x16xf32>,
        %get3A_211 = vector.shape_cast %get3A_210 : vector<1x16xf32> to vector<16xf32>
        %mul3A_212 = arith.mulf %get3A_211, %get3A_94 : vector<16xf32>
        %add3A_213 = arith.addf %mul3A_205, %mul3A_212 : vector<16xf32>
        %add3A_214 = arith.constant 32 : i32
        %add3A_215 = arith.addi %add3A_214, %scan3A_84 : i32
        %get3A_216 = arith.index_cast %add3A_215 : i32 to index
        %get3A_217 = arith.constant 64 : index
        %get3A_218 = tpu.vector_load %arg16[%get3A_216, %get3A_217] {strides = array<i32>} : memref<48x512xf32, #tpu.memory_space<vmem>>, vector<1x16xf32>,
        %get3A_219 = vector.shape_cast %get3A_218 : vector<1x16xf32> to vector<16xf32>
        %mul3A_220 = arith.mulf %get3A_219, %get3A_97 : vector<16xf32>
        %add3A_221 = arith.addf %add3A_213, %mul3A_220 : vector<16xf32>
        %swap3A_222 = arith.index_cast %scan3A_84 : i32 to index
        %swap3A_223 = arith.constant 64 : index
        %swap3A_224 = tpu.vector_load %arg18[%swap3A_222, %swap3A_223] {strides = array<i32>} : memref<16x512xf32, #tpu.memory_space<vmem>>, vector<1x16xf32>,
        %swap3A_225 = vector.shape_cast %swap3A_224 : vector<1x16xf32> to vector<16xf32>
        %swap3A_226 = vector.shape_cast %add3A_221 : vector<16xf32> to vector<1x16xf32>
        tpu.vector_store %arg18[%swap3A_222, %swap3A_223], %swap3A_226 {strides = array<i32>} : memref<16x512xf32, #tpu.memory_space<vmem>>, vector<1x16xf32>,
        %get3A_227 = arith.index_cast %scan3A_84 : i32 to index
        %get3A_228 = arith.constant 80 : index
        %get3A_229 = tpu.vector_load %arg16[%get3A_227, %get3A_228] {strides = array<i32>} : memref<48x512xf32, #tpu.memory_space<vmem>>, vector<1x16xf32>,
        %get3A_230 = vector.shape_cast %get3A_229 : vector<1x16xf32> to vector<16xf32>
        %mul3A_231 = arith.mulf %get3A_230, %get3A_91 : vector<16xf32>
        %add3A_232 = arith.constant 16 : i32
        %add3A_233 = arith.addi %add3A_232, %scan3A_84 : i32
        %get3A_234 = arith.index_cast %add3A_233 : i32 to index
        %get3A_235 = arith.constant 80 : index
        %get3A_236 = tpu.vector_load %arg16[%get3A_234, %get3A_235] {strides = array<i32>} : memref<48x512xf32, #tpu.memory_space<vmem>>, vector<1x16xf32>,
        %get3A_237 = vector.shape_cast %get3A_236 : vector<1x16xf32> to vector<16xf32>
        %mul3A_238 = arith.mulf %get3A_237, %get3A_94 : vector<16xf32>
        %add3A_239 = arith.addf %mul3A_231, %mul3A_238 : vector<16xf32>
        %add3A_240 = arith.constant 32 : i32
        %add3A_241 = arith.addi %add3A_240, %scan3A_84 : i32
        %get3A_242 = arith.index_cast %add3A_241 : i32 to index
        %get3A_243 = arith.constant 80 : index
        %get3A_244 = tpu.vector_load %arg16[%get3A_242, %get3A_243] {strides = array<i32>} : memref<48x512xf32, #tpu.memory_space<vmem>>, vector<1x16xf32>,
        %get3A_245 = vector.shape_cast %get3A_244 : vector<1x16xf32> to vector<16xf32>
        %mul3A_246 = arith.mulf %get3A_245, %get3A_97 : vector<16xf32>
        %add3A_247 = arith.addf %add3A_239, %mul3A_246 : vector<16xf32>
        %swap3A_248 = arith.index_cast %scan3A_84 : i32 to index
        %swap3A_249 = arith.constant 80 : index
        %swap3A_250 = tpu.vector_load %arg18[%swap3A_248, %swap3A_249] {strides = array<i32>} : memref<16x512xf32, #tpu.memory_space<vmem>>, vector<1x16xf32>,
        %swap3A_251 = vector.shape_cast %swap3A_250 : vector<1x16xf32> to vector<16xf32>
        %swap3A_252 = vector.shape_cast %add3A_247 : vector<16xf32> to vector<1x16xf32>
        tpu.vector_store %arg18[%swap3A_248, %swap3A_249], %swap3A_252 {strides = array<i32>} : memref<16x512xf32, #tpu.memory_space<vmem>>, vector<1x16xf32>,
        %get3A_253 = arith.index_cast %scan3A_84 : i32 to index
        %get3A_254 = arith.constant 96 : index
        %get3A_255 = tpu.vector_load %arg16[%get3A_253, %get3A_254] {strides = array<i32>} : memref<48x512xf32, #tpu.memory_space<vmem>>, vector<1x16xf32>,
        %get3A_256 = vector.shape_cast %get3A_255 : vector<1x16xf32> to vector<16xf32>
        %mul3A_257 = arith.mulf %get3A_256, %get3A_91 : vector<16xf32>
        %add3A_258 = arith.constant 16 : i32
        %add3A_259 = arith.addi %add3A_258, %scan3A_84 : i32
        %get3A_260 = arith.index_cast %add3A_259 : i32 to index
        %get3A_261 = arith.constant 96 : index
        %get3A_262 = tpu.vector_load %arg16[%get3A_260, %get3A_261] {strides = array<i32>} : memref<48x512xf32, #tpu.memory_space<vmem>>, vector<1x16xf32>,
        %get3A_263 = vector.shape_cast %get3A_262 : vector<1x16xf32> to vector<16xf32>
        %mul3A_264 = arith.mulf %get3A_263, %get3A_94 : vector<16xf32>
        %add3A_265 = arith.addf %mul3A_257, %mul3A_264 : vector<16xf32>
        %add3A_266 = arith.constant 32 : i32
        %add3A_267 = arith.addi %add3A_266, %scan3A_84 : i32
        %get3A_268 = arith.index_cast %add3A_267 : i32 to index
        %get3A_269 = arith.constant 96 : index
        %get3A_270 = tpu.vector_load %arg16[%get3A_268, %get3A_269] {strides = array<i32>} : memref<48x512xf32, #tpu.memory_space<vmem>>, vector<1x16xf32>,
        %get3A_271 = vector.shape_cast %get3A_270 : vector<1x16xf32> to vector<16xf32>
        %mul3A_272 = arith.mulf %get3A_271, %get3A_97 : vector<16xf32>
        %add3A_273 = arith.addf %add3A_265, %mul3A_272 : vector<16xf32>
        %swap3A_274 = arith.index_cast %scan3A_84 : i32 to index
        %swap3A_275 = arith.constant 96 : index
        %swap3A_276 = tpu.vector_load %arg18[%swap3A_274, %swap3A_275] {strides = array<i32>} : memref<16x512xf32, #tpu.memory_space<vmem>>, vector<1x16xf32>,
        %swap3A_277 = vector.shape_cast %swap3A_276 : vector<1x16xf32> to vector<16xf32>
        %swap3A_278 = vector.shape_cast %add3A_273 : vector<16xf32> to vector<1x16xf32>
        tpu.vector_store %arg18[%swap3A_274, %swap3A_275], %swap3A_278 {strides = array<i32>} : memref<16x512xf32, #tpu.memory_space<vmem>>, vector<1x16xf32>,
        %get3A_279 = arith.index_cast %scan3A_84 : i32 to index
        %get3A_280 = arith.constant 112 : index
        %get3A_281 = tpu.vector_load %arg16[%get3A_279, %get3A_280] {strides = array<i32>} : memref<48x512xf32, #tpu.memory_space<vmem>>, vector<1x16xf32>,
        %get3A_282 = vector.shape_cast %get3A_281 : vector<1x16xf32> to vector<16xf32>
        %mul3A_283 = arith.mulf %get3A_282, %get3A_91 : vector<16xf32>
        %add3A_284 = arith.constant 16 : i32
        %add3A_285 = arith.addi %add3A_284, %scan3A_84 : i32
        %get3A_286 = arith.index_cast %add3A_285 : i32 to index
        %get3A_287 = arith.constant 112 : index
        %get3A_288 = tpu.vector_load %arg16[%get3A_286, %get3A_287] {strides = array<i32>} : memref<48x512xf32, #tpu.memory_space<vmem>>, vector<1x16xf32>,
        %get3A_289 = vector.shape_cast %get3A_288 : vector<1x16xf32> to vector<16xf32>
        %mul3A_290 = arith.mulf %get3A_289, %get3A_94 : vector<16xf32>
        %add3A_291 = arith.addf %mul3A_283, %mul3A_290 : vector<16xf32>
        %add3A_292 = arith.constant 32 : i32
        %add3A_293 = arith.addi %add3A_292, %scan3A_84 : i32
        %get3A_294 = arith.index_cast %add3A_293 : i32 to index
        %get3A_295 = arith.constant 112 : index
        %get3A_296 = tpu.vector_load %arg16[%get3A_294, %get3A_295] {strides = array<i32>} : memref<48x512xf32, #tpu.memory_space<vmem>>, vector<1x16xf32>,
        %get3A_297 = vector.shape_cast %get3A_296 : vector<1x16xf32> to vector<16xf32>
        %mul3A_298 = arith.mulf %get3A_297, %get3A_97 : vector<16xf32>
        %add3A_299 = arith.addf %add3A_291, %mul3A_298 : vector<16xf32>
        %swap3A_300 = arith.index_cast %scan3A_84 : i32 to index
        %swap3A_301 = arith.constant 112 : index
        %swap3A_302 = tpu.vector_load %arg18[%swap3A_300, %swap3A_301] {strides = array<i32>} : memref<16x512xf32, #tpu.memory_space<vmem>>, vector<1x16xf32>,
        %swap3A_303 = vector.shape_cast %swap3A_302 : vector<1x16xf32> to vector<16xf32>
        %swap3A_304 = vector.shape_cast %add3A_299 : vector<16xf32> to vector<1x16xf32>
        tpu.vector_store %arg18[%swap3A_300, %swap3A_301], %swap3A_304 {strides = array<i32>} : memref<16x512xf32, #tpu.memory_space<vmem>>, vector<1x16xf32>,
        %get3A_305 = arith.index_cast %scan3A_84 : i32 to index
        %get3A_306 = arith.constant 128 : index
        %get3A_307 = tpu.vector_load %arg16[%get3A_305, %get3A_306] {strides = array<i32>} : memref<48x512xf32, #tpu.memory_space<vmem>>, vector<1x16xf32>,
        %get3A_308 = vector.shape_cast %get3A_307 : vector<1x16xf32> to vector<16xf32>
        %mul3A_309 = arith.mulf %get3A_308, %get3A_91 : vector<16xf32>
        %add3A_310 = arith.constant 16 : i32
        %add3A_311 = arith.addi %add3A_310, %scan3A_84 : i32
        %get3A_312 = arith.index_cast %add3A_311 : i32 to index
        %get3A_313 = arith.constant 128 : index
        %get3A_314 = tpu.vector_load %arg16[%get3A_312, %get3A_313] {strides = array<i32>} : memref<48x512xf32, #tpu.memory_space<vmem>>, vector<1x16xf32>,
        %get3A_315 = vector.shape_cast %get3A_314 : vector<1x16xf32> to vector<16xf32>
        %mul3A_316 = arith.mulf %get3A_315, %get3A_94 : vector<16xf32>
        %add3A_317 = arith.addf %mul3A_309, %mul3A_316 : vector<16xf32>
        %add3A_318 = arith.constant 32 : i32
        %add3A_319 = arith.addi %add3A_318, %scan3A_84 : i32
        %get3A_320 = arith.index_cast %add3A_319 : i32 to index
        %get3A_321 = arith.constant 128 : index
        %get3A_322 = tpu.vector_load %arg16[%get3A_320, %get3A_321] {strides = array<i32>} : memref<48x512xf32, #tpu.memory_space<vmem>>, vector<1x16xf32>,
        %get3A_323 = vector.shape_cast %get3A_322 : vector<1x16xf32> to vector<16xf32>
        %mul3A_324 = arith.mulf %get3A_323, %get3A_97 : vector<16xf32>
        %add3A_325 = arith.addf %add3A_317, %mul3A_324 : vector<16xf32>
        %swap3A_326 = arith.index_cast %scan3A_84 : i32 to index
        %swap3A_327 = arith.constant 128 : index
        %swap3A_328 = tpu.vector_load %arg18[%swap3A_326, %swap3A_327] {strides = array<i32>} : memref<16x512xf32, #tpu.memory_space<vmem>>, vector<1x16xf32>,
        %swap3A_329 = vector.shape_cast %swap3A_328 : vector<1x16xf32> to vector<16xf32>
        %swap3A_330 = vector.shape_cast %add3A_325 : vector<16xf32> to vector<1x16xf32>
        tpu.vector_store %arg18[%swap3A_326, %swap3A_327], %swap3A_330 {strides = array<i32>} : memref<16x512xf32, #tpu.memory_space<vmem>>, vector<1x16xf32>,
        %get3A_331 = arith.index_cast %scan3A_84 : i32 to index
        %get3A_332 = arith.constant 144 : index
        %get3A_333 = tpu.vector_load %arg16[%get3A_331, %get3A_332] {strides = array<i32>} : memref<48x512xf32, #tpu.memory_space<vmem>>, vector<1x16xf32>,
        %get3A_334 = vector.shape_cast %get3A_333 : vector<1x16xf32> to vector<16xf32>
        %mul3A_335 = arith.mulf %get3A_334, %get3A_91 : vector<16xf32>
        %add3A_336 = arith.constant 16 : i32
        %add3A_337 = arith.addi %add3A_336, %scan3A_84 : i32
        %get3A_338 = arith.index_cast %add3A_337 : i32 to index
        %get3A_339 = arith.constant 144 : index
        %get3A_340 = tpu.vector_load %arg16[%get3A_338, %get3A_339] {strides = array<i32>} : memref<48x512xf32, #tpu.memory_space<vmem>>, vector<1x16xf32>,
        %get3A_341 = vector.shape_cast %get3A_340 : vector<1x16xf32> to vector<16xf32>
        %mul3A_342 = arith.mulf %get3A_341, %get3A_94 : vector<16xf32>
        %add3A_343 = arith.addf %mul3A_335, %mul3A_342 : vector<16xf32>
        %add3A_344 = arith.constant 32 : i32
        %add3A_345 = arith.addi %add3A_344, %scan3A_84 : i32
        %get3A_346 = arith.index_cast %add3A_345 : i32 to index
        %get3A_347 = arith.constant 144 : index
        %get3A_348 = tpu.vector_load %arg16[%get3A_346, %get3A_347] {strides = array<i32>} : memref<48x512xf32, #tpu.memory_space<vmem>>, vector<1x16xf32>,
        %get3A_349 = vector.shape_cast %get3A_348 : vector<1x16xf32> to vector<16xf32>
        %mul3A_350 = arith.mulf %get3A_349, %get3A_97 : vector<16xf32>
        %add3A_351 = arith.addf %add3A_343, %mul3A_350 : vector<16xf32>
        %swap3A_352 = arith.index_cast %scan3A_84 : i32 to index
        %swap3A_353 = arith.constant 144 : index
        %swap3A_354 = tpu.vector_load %arg18[%swap3A_352, %swap3A_353] {strides = array<i32>} : memref<16x512xf32, #tpu.memory_space<vmem>>, vector<1x16xf32>,
        %swap3A_355 = vector.shape_cast %swap3A_354 : vector<1x16xf32> to vector<16xf32>
        %swap3A_356 = vector.shape_cast %add3A_351 : vector<16xf32> to vector<1x16xf32>
        tpu.vector_store %arg18[%swap3A_352, %swap3A_353], %swap3A_356 {strides = array<i32>} : memref<16x512xf32, #tpu.memory_space<vmem>>, vector<1x16xf32>,
        %get3A_357 = arith.index_cast %scan3A_84 : i32 to index
        %get3A_358 = arith.constant 160 : index
        %get3A_359 = tpu.vector_load %arg16[%get3A_357, %get3A_358] {strides = array<i32>} : memref<48x512xf32, #tpu.memory_space<vmem>>, vector<1x16xf32>,
        %get3A_360 = vector.shape_cast %get3A_359 : vector<1x16xf32> to vector<16xf32>
        %mul3A_361 = arith.mulf %get3A_360, %get3A_91 : vector<16xf32>
        %add3A_362 = arith.constant 16 : i32
        %add3A_363 = arith.addi %add3A_362, %scan3A_84 : i32
        %get3A_364 = arith.index_cast %add3A_363 : i32 to index
        %get3A_365 = arith.constant 160 : index
        %get3A_366 = tpu.vector_load %arg16[%get3A_364, %get3A_365] {strides = array<i32>} : memref<48x512xf32, #tpu.memory_space<vmem>>, vector<1x16xf32>,
        %get3A_367 = vector.shape_cast %get3A_366 : vector<1x16xf32> to vector<16xf32>
        %mul3A_368 = arith.mulf %get3A_367, %get3A_94 : vector<16xf32>
        %add3A_369 = arith.addf %mul3A_361, %mul3A_368 : vector<16xf32>
        %add3A_370 = arith.constant 32 : i32
        %add3A_371 = arith.addi %add3A_370, %scan3A_84 : i32
        %get3A_372 = arith.index_cast %add3A_371 : i32 to index
        %get3A_373 = arith.constant 160 : index
        %get3A_374 = tpu.vector_load %arg16[%get3A_372, %get3A_373] {strides = array<i32>} : memref<48x512xf32, #tpu.memory_space<vmem>>, vector<1x16xf32>,
        %get3A_375 = vector.shape_cast %get3A_374 : vector<1x16xf32> to vector<16xf32>
        %mul3A_376 = arith.mulf %get3A_375, %get3A_97 : vector<16xf32>
        %add3A_377 = arith.addf %add3A_369, %mul3A_376 : vector<16xf32>
        %swap3A_378 = arith.index_cast %scan3A_84 : i32 to index
        %swap3A_379 = arith.constant 160 : index
        %swap3A_380 = tpu.vector_load %arg18[%swap3A_378, %swap3A_379] {strides = array<i32>} : memref<16x512xf32, #tpu.memory_space<vmem>>, vector<1x16xf32>,
        %swap3A_381 = vector.shape_cast %swap3A_380 : vector<1x16xf32> to vector<16xf32>
        %swap3A_382 = vector.shape_cast %add3A_377 : vector<16xf32> to vector<1x16xf32>
        tpu.vector_store %arg18[%swap3A_378, %swap3A_379], %swap3A_382 {strides = array<i32>} : memref<16x512xf32, #tpu.memory_space<vmem>>, vector<1x16xf32>,
        %get3A_383 = arith.index_cast %scan3A_84 : i32 to index
        %get3A_384 = arith.constant 176 : index
        %get3A_385 = tpu.vector_load %arg16[%get3A_383, %get3A_384] {strides = array<i32>} : memref<48x512xf32, #tpu.memory_space<vmem>>, vector<1x16xf32>,
        %get3A_386 = vector.shape_cast %get3A_385 : vector<1x16xf32> to vector<16xf32>
        %mul3A_387 = arith.mulf %get3A_386, %get3A_91 : vector<16xf32>
        %add3A_388 = arith.constant 16 : i32
        %add3A_389 = arith.addi %add3A_388, %scan3A_84 : i32
        %get3A_390 = arith.index_cast %add3A_389 : i32 to index
        %get3A_391 = arith.constant 176 : index
        %get3A_392 = tpu.vector_load %arg16[%get3A_390, %get3A_391] {strides = array<i32>} : memref<48x512xf32, #tpu.memory_space<vmem>>, vector<1x16xf32>,
        %get3A_393 = vector.shape_cast %get3A_392 : vector<1x16xf32> to vector<16xf32>
        %mul3A_394 = arith.mulf %get3A_393, %get3A_94 : vector<16xf32>
        %add3A_395 = arith.addf %mul3A_387, %mul3A_394 : vector<16xf32>
        %add3A_396 = arith.constant 32 : i32
        %add3A_397 = arith.addi %add3A_396, %scan3A_84 : i32
        %get3A_398 = arith.index_cast %add3A_397 : i32 to index
        %get3A_399 = arith.constant 176 : index
        %get3A_400 = tpu.vector_load %arg16[%get3A_398, %get3A_399] {strides = array<i32>} : memref<48x512xf32, #tpu.memory_space<vmem>>, vector<1x16xf32>,
        %get3A_401 = vector.shape_cast %get3A_400 : vector<1x16xf32> to vector<16xf32>
        %mul3A_402 = arith.mulf %get3A_401, %get3A_97 : vector<16xf32>
        %add3A_403 = arith.addf %add3A_395, %mul3A_402 : vector<16xf32>
        %swap3A_404 = arith.index_cast %scan3A_84 : i32 to index
        %swap3A_405 = arith.constant 176 : index
        %swap3A_406 = tpu.vector_load %arg18[%swap3A_404, %swap3A_405] {strides = array<i32>} : memref<16x512xf32, #tpu.memory_space<vmem>>, vector<1x16xf32>,
        %swap3A_407 = vector.shape_cast %swap3A_406 : vector<1x16xf32> to vector<16xf32>
        %swap3A_408 = vector.shape_cast %add3A_403 : vector<16xf32> to vector<1x16xf32>
        tpu.vector_store %arg18[%swap3A_404, %swap3A_405], %swap3A_408 {strides = array<i32>} : memref<16x512xf32, #tpu.memory_space<vmem>>, vector<1x16xf32>,
        %get3A_409 = arith.index_cast %scan3A_84 : i32 to index
        %get3A_410 = arith.constant 192 : index
        %get3A_411 = tpu.vector_load %arg16[%get3A_409, %get3A_410] {strides = array<i32>} : memref<48x512xf32, #tpu.memory_space<vmem>>, vector<1x16xf32>,
        %get3A_412 = vector.shape_cast %get3A_411 : vector<1x16xf32> to vector<16xf32>
        %mul3A_413 = arith.mulf %get3A_412, %get3A_91 : vector<16xf32>
        %add3A_414 = arith.constant 16 : i32
        %add3A_415 = arith.addi %add3A_414, %scan3A_84 : i32
        %get3A_416 = arith.index_cast %add3A_415 : i32 to index
        %get3A_417 = arith.constant 192 : index
        %get3A_418 = tpu.vector_load %arg16[%get3A_416, %get3A_417] {strides = array<i32>} : memref<48x512xf32, #tpu.memory_space<vmem>>, vector<1x16xf32>,
        %get3A_419 = vector.shape_cast %get3A_418 : vector<1x16xf32> to vector<16xf32>
        %mul3A_420 = arith.mulf %get3A_419, %get3A_94 : vector<16xf32>
        %add3A_421 = arith.addf %mul3A_413, %mul3A_420 : vector<16xf32>
        %add3A_422 = arith.constant 32 : i32
        %add3A_423 = arith.addi %add3A_422, %scan3A_84 : i32
        %get3A_424 = arith.index_cast %add3A_423 : i32 to index
        %get3A_425 = arith.constant 192 : index
        %get3A_426 = tpu.vector_load %arg16[%get3A_424, %get3A_425] {strides = array<i32>} : memref<48x512xf32, #tpu.memory_space<vmem>>, vector<1x16xf32>,
        %get3A_427 = vector.shape_cast %get3A_426 : vector<1x16xf32> to vector<16xf32>
        %mul3A_428 = arith.mulf %get3A_427, %get3A_97 : vector<16xf32>
        %add3A_429 = arith.addf %add3A_421, %mul3A_428 : vector<16xf32>
        %swap3A_430 = arith.index_cast %scan3A_84 : i32 to index
        %swap3A_431 = arith.constant 192 : index
        %swap3A_432 = tpu.vector_load %arg18[%swap3A_430, %swap3A_431] {strides = array<i32>} : memref<16x512xf32, #tpu.memory_space<vmem>>, vector<1x16xf32>,
        %swap3A_433 = vector.shape_cast %swap3A_432 : vector<1x16xf32> to vector<16xf32>
        %swap3A_434 = vector.shape_cast %add3A_429 : vector<16xf32> to vector<1x16xf32>
        tpu.vector_store %arg18[%swap3A_430, %swap3A_431], %swap3A_434 {strides = array<i32>} : memref<16x512xf32, #tpu.memory_space<vmem>>, vector<1x16xf32>,
        %get3A_435 = arith.index_cast %scan3A_84 : i32 to index
        %get3A_436 = arith.constant 208 : index
        %get3A_437 = tpu.vector_load %arg16[%get3A_435, %get3A_436] {strides = array<i32>} : memref<48x512xf32, #tpu.memory_space<vmem>>, vector<1x16xf32>,
        %get3A_438 = vector.shape_cast %get3A_437 : vector<1x16xf32> to vector<16xf32>
        %mul3A_439 = arith.mulf %get3A_438, %get3A_91 : vector<16xf32>
        %add3A_440 = arith.constant 16 : i32
        %add3A_441 = arith.addi %add3A_440, %scan3A_84 : i32
        %get3A_442 = arith.index_cast %add3A_441 : i32 to index
        %get3A_443 = arith.constant 208 : index
        %get3A_444 = tpu.vector_load %arg16[%get3A_442, %get3A_443] {strides = array<i32>} : memref<48x512xf32, #tpu.memory_space<vmem>>, vector<1x16xf32>,
        %get3A_445 = vector.shape_cast %get3A_444 : vector<1x16xf32> to vector<16xf32>
        %mul3A_446 = arith.mulf %get3A_445, %get3A_94 : vector<16xf32>
        %add3A_447 = arith.addf %mul3A_439, %mul3A_446 : vector<16xf32>
        %add3A_448 = arith.constant 32 : i32
        %add3A_449 = arith.addi %add3A_448, %scan3A_84 : i32
        %get3A_450 = arith.index_cast %add3A_449 : i32 to index
        %get3A_451 = arith.constant 208 : index
        %get3A_452 = tpu.vector_load %arg16[%get3A_450, %get3A_451] {strides = array<i32>} : memref<48x512xf32, #tpu.memory_space<vmem>>, vector<1x16xf32>,
        %get3A_453 = vector.shape_cast %get3A_452 : vector<1x16xf32> to vector<16xf32>
        %mul3A_454 = arith.mulf %get3A_453, %get3A_97 : vector<16xf32>
        %add3A_455 = arith.addf %add3A_447, %mul3A_454 : vector<16xf32>
        %swap3A_456 = arith.index_cast %scan3A_84 : i32 to index
        %swap3A_457 = arith.constant 208 : index
        %swap3A_458 = tpu.vector_load %arg18[%swap3A_456, %swap3A_457] {strides = array<i32>} : memref<16x512xf32, #tpu.memory_space<vmem>>, vector<1x16xf32>,
        %swap3A_459 = vector.shape_cast %swap3A_458 : vector<1x16xf32> to vector<16xf32>
        %swap3A_460 = vector.shape_cast %add3A_455 : vector<16xf32> to vector<1x16xf32>
        tpu.vector_store %arg18[%swap3A_456, %swap3A_457], %swap3A_460 {strides = array<i32>} : memref<16x512xf32, #tpu.memory_space<vmem>>, vector<1x16xf32>,
        %get3A_461 = arith.index_cast %scan3A_84 : i32 to index
        %get3A_462 = arith.constant 224 : index
        %get3A_463 = tpu.vector_load %arg16[%get3A_461, %get3A_462] {strides = array<i32>} : memref<48x512xf32, #tpu.memory_space<vmem>>, vector<1x16xf32>,
        %get3A_464 = vector.shape_cast %get3A_463 : vector<1x16xf32> to vector<16xf32>
        %mul3A_465 = arith.mulf %get3A_464, %get3A_91 : vector<16xf32>
        %add3A_466 = arith.constant 16 : i32
        %add3A_467 = arith.addi %add3A_466, %scan3A_84 : i32
        %get3A_468 = arith.index_cast %add3A_467 : i32 to index
        %get3A_469 = arith.constant 224 : index
        %get3A_470 = tpu.vector_load %arg16[%get3A_468, %get3A_469] {strides = array<i32>} : memref<48x512xf32, #tpu.memory_space<vmem>>, vector<1x16xf32>,
        %get3A_471 = vector.shape_cast %get3A_470 : vector<1x16xf32> to vector<16xf32>
        %mul3A_472 = arith.mulf %get3A_471, %get3A_94 : vector<16xf32>
        %add3A_473 = arith.addf %mul3A_465, %mul3A_472 : vector<16xf32>
        %add3A_474 = arith.constant 32 : i32
        %add3A_475 = arith.addi %add3A_474, %scan3A_84 : i32
        %get3A_476 = arith.index_cast %add3A_475 : i32 to index
        %get3A_477 = arith.constant 224 : index
        %get3A_478 = tpu.vector_load %arg16[%get3A_476, %get3A_477] {strides = array<i32>} : memref<48x512xf32, #tpu.memory_space<vmem>>, vector<1x16xf32>,
        %get3A_479 = vector.shape_cast %get3A_478 : vector<1x16xf32> to vector<16xf32>
        %mul3A_480 = arith.mulf %get3A_479, %get3A_97 : vector<16xf32>
        %add3A_481 = arith.addf %add3A_473, %mul3A_480 : vector<16xf32>
        %swap3A_482 = arith.index_cast %scan3A_84 : i32 to index
        %swap3A_483 = arith.constant 224 : index
        %swap3A_484 = tpu.vector_load %arg18[%swap3A_482, %swap3A_483] {strides = array<i32>} : memref<16x512xf32, #tpu.memory_space<vmem>>, vector<1x16xf32>,
        %swap3A_485 = vector.shape_cast %swap3A_484 : vector<1x16xf32> to vector<16xf32>
        %swap3A_486 = vector.shape_cast %add3A_481 : vector<16xf32> to vector<1x16xf32>
        tpu.vector_store %arg18[%swap3A_482, %swap3A_483], %swap3A_486 {strides = array<i32>} : memref<16x512xf32, #tpu.memory_space<vmem>>, vector<1x16xf32>,
        %get3A_487 = arith.index_cast %scan3A_84 : i32 to index
        %get3A_488 = arith.constant 240 : index
        %get3A_489 = tpu.vector_load %arg16[%get3A_487, %get3A_488] {strides = array<i32>} : memref<48x512xf32, #tpu.memory_space<vmem>>, vector<1x16xf32>,
        %get3A_490 = vector.shape_cast %get3A_489 : vector<1x16xf32> to vector<16xf32>
        %mul3A_491 = arith.mulf %get3A_490, %get3A_91 : vector<16xf32>
        %add3A_492 = arith.constant 16 : i32
        %add3A_493 = arith.addi %add3A_492, %scan3A_84 : i32
        %get3A_494 = arith.index_cast %add3A_493 : i32 to index
        %get3A_495 = arith.constant 240 : index
        %get3A_496 = tpu.vector_load %arg16[%get3A_494, %get3A_495] {strides = array<i32>} : memref<48x512xf32, #tpu.memory_space<vmem>>, vector<1x16xf32>,
        %get3A_497 = vector.shape_cast %get3A_496 : vector<1x16xf32> to vector<16xf32>
        %mul3A_498 = arith.mulf %get3A_497, %get3A_94 : vector<16xf32>
        %add3A_499 = arith.addf %mul3A_491, %mul3A_498 : vector<16xf32>
        %add3A_500 = arith.constant 32 : i32
        %add3A_501 = arith.addi %add3A_500, %scan3A_84 : i32
        %get3A_502 = arith.index_cast %add3A_501 : i32 to index
        %get3A_503 = arith.constant 240 : index
        %get3A_504 = tpu.vector_load %arg16[%get3A_502, %get3A_503] {strides = array<i32>} : memref<48x512xf32, #tpu.memory_space<vmem>>, vector<1x16xf32>,
        %get3A_505 = vector.shape_cast %get3A_504 : vector<1x16xf32> to vector<16xf32>
        %mul3A_506 = arith.mulf %get3A_505, %get3A_97 : vector<16xf32>
        %add3A_507 = arith.addf %add3A_499, %mul3A_506 : vector<16xf32>
        %swap3A_508 = arith.index_cast %scan3A_84 : i32 to index
        %swap3A_509 = arith.constant 240 : index
        %swap3A_510 = tpu.vector_load %arg18[%swap3A_508, %swap3A_509] {strides = array<i32>} : memref<16x512xf32, #tpu.memory_space<vmem>>, vector<1x16xf32>,
        %swap3A_511 = vector.shape_cast %swap3A_510 : vector<1x16xf32> to vector<16xf32>
        %swap3A_512 = vector.shape_cast %add3A_507 : vector<16xf32> to vector<1x16xf32>
        tpu.vector_store %arg18[%swap3A_508, %swap3A_509], %swap3A_512 {strides = array<i32>} : memref<16x512xf32, #tpu.memory_space<vmem>>, vector<1x16xf32>,
        %get3A_513 = arith.index_cast %scan3A_84 : i32 to index
        %get3A_514 = arith.constant 256 : index
        %get3A_515 = tpu.vector_load %arg16[%get3A_513, %get3A_514] {strides = array<i32>} : memref<48x512xf32, #tpu.memory_space<vmem>>, vector<1x16xf32>,
        %get3A_516 = vector.shape_cast %get3A_515 : vector<1x16xf32> to vector<16xf32>
        %mul3A_517 = arith.mulf %get3A_516, %get3A_91 : vector<16xf32>
        %add3A_518 = arith.constant 16 : i32
        %add3A_519 = arith.addi %add3A_518, %scan3A_84 : i32
        %get3A_520 = arith.index_cast %add3A_519 : i32 to index
        %get3A_521 = arith.constant 256 : index
        %get3A_522 = tpu.vector_load %arg16[%get3A_520, %get3A_521] {strides = array<i32>} : memref<48x512xf32, #tpu.memory_space<vmem>>, vector<1x16xf32>,
        %get3A_523 = vector.shape_cast %get3A_522 : vector<1x16xf32> to vector<16xf32>
        %mul3A_524 = arith.mulf %get3A_523, %get3A_94 : vector<16xf32>
        %add3A_525 = arith.addf %mul3A_517, %mul3A_524 : vector<16xf32>
        %add3A_526 = arith.constant 32 : i32
        %add3A_527 = arith.addi %add3A_526, %scan3A_84 : i32
        %get3A_528 = arith.index_cast %add3A_527 : i32 to index
        %get3A_529 = arith.constant 256 : index
        %get3A_530 = tpu.vector_load %arg16[%get3A_528, %get3A_529] {strides = array<i32>} : memref<48x512xf32, #tpu.memory_space<vmem>>, vector<1x16xf32>,
        %get3A_531 = vector.shape_cast %get3A_530 : vector<1x16xf32> to vector<16xf32>
        %mul3A_532 = arith.mulf %get3A_531, %get3A_97 : vector<16xf32>
        %add3A_533 = arith.addf %add3A_525, %mul3A_532 : vector<16xf32>
        %swap3A_534 = arith.index_cast %scan3A_84 : i32 to index
        %swap3A_535 = arith.constant 256 : index
        %swap3A_536 = tpu.vector_load %arg18[%swap3A_534, %swap3A_535] {strides = array<i32>} : memref<16x512xf32, #tpu.memory_space<vmem>>, vector<1x16xf32>,
        %swap3A_537 = vector.shape_cast %swap3A_536 : vector<1x16xf32> to vector<16xf32>
        %swap3A_538 = vector.shape_cast %add3A_533 : vector<16xf32> to vector<1x16xf32>
        tpu.vector_store %arg18[%swap3A_534, %swap3A_535], %swap3A_538 {strides = array<i32>} : memref<16x512xf32, #tpu.memory_space<vmem>>, vector<1x16xf32>,
        %get3A_539 = arith.index_cast %scan3A_84 : i32 to index
        %get3A_540 = arith.constant 272 : index
        %get3A_541 = tpu.vector_load %arg16[%get3A_539, %get3A_540] {strides = array<i32>} : memref<48x512xf32, #tpu.memory_space<vmem>>, vector<1x16xf32>,
        %get3A_542 = vector.shape_cast %get3A_541 : vector<1x16xf32> to vector<16xf32>
        %mul3A_543 = arith.mulf %get3A_542, %get3A_91 : vector<16xf32>
        %add3A_544 = arith.constant 16 : i32
        %add3A_545 = arith.addi %add3A_544, %scan3A_84 : i32
        %get3A_546 = arith.index_cast %add3A_545 : i32 to index
        %get3A_547 = arith.constant 272 : index
        %get3A_548 = tpu.vector_load %arg16[%get3A_546, %get3A_547] {strides = array<i32>} : memref<48x512xf32, #tpu.memory_space<vmem>>, vector<1x16xf32>,
        %get3A_549 = vector.shape_cast %get3A_548 : vector<1x16xf32> to vector<16xf32>
        %mul3A_550 = arith.mulf %get3A_549, %get3A_94 : vector<16xf32>
        %add3A_551 = arith.addf %mul3A_543, %mul3A_550 : vector<16xf32>
        %add3A_552 = arith.constant 32 : i32
        %add3A_553 = arith.addi %add3A_552, %scan3A_84 : i32
        %get3A_554 = arith.index_cast %add3A_553 : i32 to index
        %get3A_555 = arith.constant 272 : index
        %get3A_556 = tpu.vector_load %arg16[%get3A_554, %get3A_555] {strides = array<i32>} : memref<48x512xf32, #tpu.memory_space<vmem>>, vector<1x16xf32>,
        %get3A_557 = vector.shape_cast %get3A_556 : vector<1x16xf32> to vector<16xf32>
        %mul3A_558 = arith.mulf %get3A_557, %get3A_97 : vector<16xf32>
        %add3A_559 = arith.addf %add3A_551, %mul3A_558 : vector<16xf32>
        %swap3A_560 = arith.index_cast %scan3A_84 : i32 to index
        %swap3A_561 = arith.constant 272 : index
        %swap3A_562 = tpu.vector_load %arg18[%swap3A_560, %swap3A_561] {strides = array<i32>} : memref<16x512xf32, #tpu.memory_space<vmem>>, vector<1x16xf32>,
        %swap3A_563 = vector.shape_cast %swap3A_562 : vector<1x16xf32> to vector<16xf32>
        %swap3A_564 = vector.shape_cast %add3A_559 : vector<16xf32> to vector<1x16xf32>
        tpu.vector_store %arg18[%swap3A_560, %swap3A_561], %swap3A_564 {strides = array<i32>} : memref<16x512xf32, #tpu.memory_space<vmem>>, vector<1x16xf32>,
        %get3A_565 = arith.index_cast %scan3A_84 : i32 to index
        %get3A_566 = arith.constant 288 : index
        %get3A_567 = tpu.vector_load %arg16[%get3A_565, %get3A_566] {strides = array<i32>} : memref<48x512xf32, #tpu.memory_space<vmem>>, vector<1x16xf32>,
        %get3A_568 = vector.shape_cast %get3A_567 : vector<1x16xf32> to vector<16xf32>
        %mul3A_569 = arith.mulf %get3A_568, %get3A_91 : vector<16xf32>
        %add3A_570 = arith.constant 16 : i32
        %add3A_571 = arith.addi %add3A_570, %scan3A_84 : i32
        %get3A_572 = arith.index_cast %add3A_571 : i32 to index
        %get3A_573 = arith.constant 288 : index
        %get3A_574 = tpu.vector_load %arg16[%get3A_572, %get3A_573] {strides = array<i32>} : memref<48x512xf32, #tpu.memory_space<vmem>>, vector<1x16xf32>,
        %get3A_575 = vector.shape_cast %get3A_574 : vector<1x16xf32> to vector<16xf32>
        %mul3A_576 = arith.mulf %get3A_575, %get3A_94 : vector<16xf32>
        %add3A_577 = arith.addf %mul3A_569, %mul3A_576 : vector<16xf32>
        %add3A_578 = arith.constant 32 : i32
        %add3A_579 = arith.addi %add3A_578, %scan3A_84 : i32
        %get3A_580 = arith.index_cast %add3A_579 : i32 to index
        %get3A_581 = arith.constant 288 : index
        %get3A_582 = tpu.vector_load %arg16[%get3A_580, %get3A_581] {strides = array<i32>} : memref<48x512xf32, #tpu.memory_space<vmem>>, vector<1x16xf32>,
        %get3A_583 = vector.shape_cast %get3A_582 : vector<1x16xf32> to vector<16xf32>
        %mul3A_584 = arith.mulf %get3A_583, %get3A_97 : vector<16xf32>
        %add3A_585 = arith.addf %add3A_577, %mul3A_584 : vector<16xf32>
        %swap3A_586 = arith.index_cast %scan3A_84 : i32 to index
        %swap3A_587 = arith.constant 288 : index
        %swap3A_588 = tpu.vector_load %arg18[%swap3A_586, %swap3A_587] {strides = array<i32>} : memref<16x512xf32, #tpu.memory_space<vmem>>, vector<1x16xf32>,
        %swap3A_589 = vector.shape_cast %swap3A_588 : vector<1x16xf32> to vector<16xf32>
        %swap3A_590 = vector.shape_cast %add3A_585 : vector<16xf32> to vector<1x16xf32>
        tpu.vector_store %arg18[%swap3A_586, %swap3A_587], %swap3A_590 {strides = array<i32>} : memref<16x512xf32, #tpu.memory_space<vmem>>, vector<1x16xf32>,
        %get3A_591 = arith.index_cast %scan3A_84 : i32 to index
        %get3A_592 = arith.constant 304 : index
        %get3A_593 = tpu.vector_load %arg16[%get3A_591, %get3A_592] {strides = array<i32>} : memref<48x512xf32, #tpu.memory_space<vmem>>, vector<1x16xf32>,
        %get3A_594 = vector.shape_cast %get3A_593 : vector<1x16xf32> to vector<16xf32>
        %mul3A_595 = arith.mulf %get3A_594, %get3A_91 : vector<16xf32>
        %add3A_596 = arith.constant 16 : i32
        %add3A_597 = arith.addi %add3A_596, %scan3A_84 : i32
        %get3A_598 = arith.index_cast %add3A_597 : i32 to index
        %get3A_599 = arith.constant 304 : index
        %get3A_600 = tpu.vector_load %arg16[%get3A_598, %get3A_599] {strides = array<i32>} : memref<48x512xf32, #tpu.memory_space<vmem>>, vector<1x16xf32>,
        %get3A_601 = vector.shape_cast %get3A_600 : vector<1x16xf32> to vector<16xf32>
        %mul3A_602 = arith.mulf %get3A_601, %get3A_94 : vector<16xf32>
        %add3A_603 = arith.addf %mul3A_595, %mul3A_602 : vector<16xf32>
        %add3A_604 = arith.constant 32 : i32
        %add3A_605 = arith.addi %add3A_604, %scan3A_84 : i32
        %get3A_606 = arith.index_cast %add3A_605 : i32 to index
        %get3A_607 = arith.constant 304 : index
        %get3A_608 = tpu.vector_load %arg16[%get3A_606, %get3A_607] {strides = array<i32>} : memref<48x512xf32, #tpu.memory_space<vmem>>, vector<1x16xf32>,
        %get3A_609 = vector.shape_cast %get3A_608 : vector<1x16xf32> to vector<16xf32>
        %mul3A_610 = arith.mulf %get3A_609, %get3A_97 : vector<16xf32>
        %add3A_611 = arith.addf %add3A_603, %mul3A_610 : vector<16xf32>
        %swap3A_612 = arith.index_cast %scan3A_84 : i32 to index
        %swap3A_613 = arith.constant 304 : index
        %swap3A_614 = tpu.vector_load %arg18[%swap3A_612, %swap3A_613] {strides = array<i32>} : memref<16x512xf32, #tpu.memory_space<vmem>>, vector<1x16xf32>,
        %swap3A_615 = vector.shape_cast %swap3A_614 : vector<1x16xf32> to vector<16xf32>
        %swap3A_616 = vector.shape_cast %add3A_611 : vector<16xf32> to vector<1x16xf32>
        tpu.vector_store %arg18[%swap3A_612, %swap3A_613], %swap3A_616 {strides = array<i32>} : memref<16x512xf32, #tpu.memory_space<vmem>>, vector<1x16xf32>,
        %get3A_617 = arith.index_cast %scan3A_84 : i32 to index
        %get3A_618 = arith.constant 320 : index
        %get3A_619 = tpu.vector_load %arg16[%get3A_617, %get3A_618] {strides = array<i32>} : memref<48x512xf32, #tpu.memory_space<vmem>>, vector<1x16xf32>,
        %get3A_620 = vector.shape_cast %get3A_619 : vector<1x16xf32> to vector<16xf32>
        %mul3A_621 = arith.mulf %get3A_620, %get3A_91 : vector<16xf32>
        %add3A_622 = arith.constant 16 : i32
        %add3A_623 = arith.addi %add3A_622, %scan3A_84 : i32
        %get3A_624 = arith.index_cast %add3A_623 : i32 to index
        %get3A_625 = arith.constant 320 : index
        %get3A_626 = tpu.vector_load %arg16[%get3A_624, %get3A_625] {strides = array<i32>} : memref<48x512xf32, #tpu.memory_space<vmem>>, vector<1x16xf32>,
        %get3A_627 = vector.shape_cast %get3A_626 : vector<1x16xf32> to vector<16xf32>
        %mul3A_628 = arith.mulf %get3A_627, %get3A_94 : vector<16xf32>
        %add3A_629 = arith.addf %mul3A_621, %mul3A_628 : vector<16xf32>
        %add3A_630 = arith.constant 32 : i32
        %add3A_631 = arith.addi %add3A_630, %scan3A_84 : i32
        %get3A_632 = arith.index_cast %add3A_631 : i32 to index
        %get3A_633 = arith.constant 320 : index
        %get3A_634 = tpu.vector_load %arg16[%get3A_632, %get3A_633] {strides = array<i32>} : memref<48x512xf32, #tpu.memory_space<vmem>>, vector<1x16xf32>,
        %get3A_635 = vector.shape_cast %get3A_634 : vector<1x16xf32> to vector<16xf32>
        %mul3A_636 = arith.mulf %get3A_635, %get3A_97 : vector<16xf32>
        %add3A_637 = arith.addf %add3A_629, %mul3A_636 : vector<16xf32>
        %swap3A_638 = arith.index_cast %scan3A_84 : i32 to index
        %swap3A_639 = arith.constant 320 : index
        %swap3A_640 = tpu.vector_load %arg18[%swap3A_638, %swap3A_639] {strides = array<i32>} : memref<16x512xf32, #tpu.memory_space<vmem>>, vector<1x16xf32>,
        %swap3A_641 = vector.shape_cast %swap3A_640 : vector<1x16xf32> to vector<16xf32>
        %swap3A_642 = vector.shape_cast %add3A_637 : vector<16xf32> to vector<1x16xf32>
        tpu.vector_store %arg18[%swap3A_638, %swap3A_639], %swap3A_642 {strides = array<i32>} : memref<16x512xf32, #tpu.memory_space<vmem>>, vector<1x16xf32>,
        %get3A_643 = arith.index_cast %scan3A_84 : i32 to index
        %get3A_644 = arith.constant 336 : index
        %get3A_645 = tpu.vector_load %arg16[%get3A_643, %get3A_644] {strides = array<i32>} : memref<48x512xf32, #tpu.memory_space<vmem>>, vector<1x16xf32>,
        %get3A_646 = vector.shape_cast %get3A_645 : vector<1x16xf32> to vector<16xf32>
        %mul3A_647 = arith.mulf %get3A_646, %get3A_91 : vector<16xf32>
        %add3A_648 = arith.constant 16 : i32
        %add3A_649 = arith.addi %add3A_648, %scan3A_84 : i32
        %get3A_650 = arith.index_cast %add3A_649 : i32 to index
        %get3A_651 = arith.constant 336 : index
        %get3A_652 = tpu.vector_load %arg16[%get3A_650, %get3A_651] {strides = array<i32>} : memref<48x512xf32, #tpu.memory_space<vmem>>, vector<1x16xf32>,
        %get3A_653 = vector.shape_cast %get3A_652 : vector<1x16xf32> to vector<16xf32>
        %mul3A_654 = arith.mulf %get3A_653, %get3A_94 : vector<16xf32>
        %add3A_655 = arith.addf %mul3A_647, %mul3A_654 : vector<16xf32>
        %add3A_656 = arith.constant 32 : i32
        %add3A_657 = arith.addi %add3A_656, %scan3A_84 : i32
        %get3A_658 = arith.index_cast %add3A_657 : i32 to index
        %get3A_659 = arith.constant 336 : index
        %get3A_660 = tpu.vector_load %arg16[%get3A_658, %get3A_659] {strides = array<i32>} : memref<48x512xf32, #tpu.memory_space<vmem>>, vector<1x16xf32>,
        %get3A_661 = vector.shape_cast %get3A_660 : vector<1x16xf32> to vector<16xf32>
        %mul3A_662 = arith.mulf %get3A_661, %get3A_97 : vector<16xf32>
        %add3A_663 = arith.addf %add3A_655, %mul3A_662 : vector<16xf32>
        %swap3A_664 = arith.index_cast %scan3A_84 : i32 to index
        %swap3A_665 = arith.constant 336 : index
        %swap3A_666 = tpu.vector_load %arg18[%swap3A_664, %swap3A_665] {strides = array<i32>} : memref<16x512xf32, #tpu.memory_space<vmem>>, vector<1x16xf32>,
        %swap3A_667 = vector.shape_cast %swap3A_666 : vector<1x16xf32> to vector<16xf32>
        %swap3A_668 = vector.shape_cast %add3A_663 : vector<16xf32> to vector<1x16xf32>
        tpu.vector_store %arg18[%swap3A_664, %swap3A_665], %swap3A_668 {strides = array<i32>} : memref<16x512xf32, #tpu.memory_space<vmem>>, vector<1x16xf32>,
        %get3A_669 = arith.index_cast %scan3A_84 : i32 to index
        %get3A_670 = arith.constant 352 : index
        %get3A_671 = tpu.vector_load %arg16[%get3A_669, %get3A_670] {strides = array<i32>} : memref<48x512xf32, #tpu.memory_space<vmem>>, vector<1x16xf32>,
        %get3A_672 = vector.shape_cast %get3A_671 : vector<1x16xf32> to vector<16xf32>
        %mul3A_673 = arith.mulf %get3A_672, %get3A_91 : vector<16xf32>
        %add3A_674 = arith.constant 16 : i32
        %add3A_675 = arith.addi %add3A_674, %scan3A_84 : i32
        %get3A_676 = arith.index_cast %add3A_675 : i32 to index
        %get3A_677 = arith.constant 352 : index
        %get3A_678 = tpu.vector_load %arg16[%get3A_676, %get3A_677] {strides = array<i32>} : memref<48x512xf32, #tpu.memory_space<vmem>>, vector<1x16xf32>,
        %get3A_679 = vector.shape_cast %get3A_678 : vector<1x16xf32> to vector<16xf32>
        %mul3A_680 = arith.mulf %get3A_679, %get3A_94 : vector<16xf32>
        %add3A_681 = arith.addf %mul3A_673, %mul3A_680 : vector<16xf32>
        %add3A_682 = arith.constant 32 : i32
        %add3A_683 = arith.addi %add3A_682, %scan3A_84 : i32
        %get3A_684 = arith.index_cast %add3A_683 : i32 to index
        %get3A_685 = arith.constant 352 : index
        %get3A_686 = tpu.vector_load %arg16[%get3A_684, %get3A_685] {strides = array<i32>} : memref<48x512xf32, #tpu.memory_space<vmem>>, vector<1x16xf32>,
        %get3A_687 = vector.shape_cast %get3A_686 : vector<1x16xf32> to vector<16xf32>
        %mul3A_688 = arith.mulf %get3A_687, %get3A_97 : vector<16xf32>
        %add3A_689 = arith.addf %add3A_681, %mul3A_688 : vector<16xf32>
        %swap3A_690 = arith.index_cast %scan3A_84 : i32 to index
        %swap3A_691 = arith.constant 352 : index
        %swap3A_692 = tpu.vector_load %arg18[%swap3A_690, %swap3A_691] {strides = array<i32>} : memref<16x512xf32, #tpu.memory_space<vmem>>, vector<1x16xf32>,
        %swap3A_693 = vector.shape_cast %swap3A_692 : vector<1x16xf32> to vector<16xf32>
        %swap3A_694 = vector.shape_cast %add3A_689 : vector<16xf32> to vector<1x16xf32>
        tpu.vector_store %arg18[%swap3A_690, %swap3A_691], %swap3A_694 {strides = array<i32>} : memref<16x512xf32, #tpu.memory_space<vmem>>, vector<1x16xf32>,
        %get3A_695 = arith.index_cast %scan3A_84 : i32 to index
        %get3A_696 = arith.constant 368 : index
        %get3A_697 = tpu.vector_load %arg16[%get3A_695, %get3A_696] {strides = array<i32>} : memref<48x512xf32, #tpu.memory_space<vmem>>, vector<1x16xf32>,
        %get3A_698 = vector.shape_cast %get3A_697 : vector<1x16xf32> to vector<16xf32>
        %mul3A_699 = arith.mulf %get3A_698, %get3A_91 : vector<16xf32>
        %add3A_700 = arith.constant 16 : i32
        %add3A_701 = arith.addi %add3A_700, %scan3A_84 : i32
        %get3A_702 = arith.index_cast %add3A_701 : i32 to index
        %get3A_703 = arith.constant 368 : index
        %get3A_704 = tpu.vector_load %arg16[%get3A_702, %get3A_703] {strides = array<i32>} : memref<48x512xf32, #tpu.memory_space<vmem>>, vector<1x16xf32>,
        %get3A_705 = vector.shape_cast %get3A_704 : vector<1x16xf32> to vector<16xf32>
        %mul3A_706 = arith.mulf %get3A_705, %get3A_94 : vector<16xf32>
        %add3A_707 = arith.addf %mul3A_699, %mul3A_706 : vector<16xf32>
        %add3A_708 = arith.constant 32 : i32
        %add3A_709 = arith.addi %add3A_708, %scan3A_84 : i32
        %get3A_710 = arith.index_cast %add3A_709 : i32 to index
        %get3A_711 = arith.constant 368 : index
        %get3A_712 = tpu.vector_load %arg16[%get3A_710, %get3A_711] {strides = array<i32>} : memref<48x512xf32, #tpu.memory_space<vmem>>, vector<1x16xf32>,
        %get3A_713 = vector.shape_cast %get3A_712 : vector<1x16xf32> to vector<16xf32>
        %mul3A_714 = arith.mulf %get3A_713, %get3A_97 : vector<16xf32>
        %add3A_715 = arith.addf %add3A_707, %mul3A_714 : vector<16xf32>
        %swap3A_716 = arith.index_cast %scan3A_84 : i32 to index
        %swap3A_717 = arith.constant 368 : index
        %swap3A_718 = tpu.vector_load %arg18[%swap3A_716, %swap3A_717] {strides = array<i32>} : memref<16x512xf32, #tpu.memory_space<vmem>>, vector<1x16xf32>,
        %swap3A_719 = vector.shape_cast %swap3A_718 : vector<1x16xf32> to vector<16xf32>
        %swap3A_720 = vector.shape_cast %add3A_715 : vector<16xf32> to vector<1x16xf32>
        tpu.vector_store %arg18[%swap3A_716, %swap3A_717], %swap3A_720 {strides = array<i32>} : memref<16x512xf32, #tpu.memory_space<vmem>>, vector<1x16xf32>,
        %get3A_721 = arith.index_cast %scan3A_84 : i32 to index
        %get3A_722 = arith.constant 384 : index
        %get3A_723 = tpu.vector_load %arg16[%get3A_721, %get3A_722] {strides = array<i32>} : memref<48x512xf32, #tpu.memory_space<vmem>>, vector<1x16xf32>,
        %get3A_724 = vector.shape_cast %get3A_723 : vector<1x16xf32> to vector<16xf32>
        %mul3A_725 = arith.mulf %get3A_724, %get3A_91 : vector<16xf32>
        %add3A_726 = arith.constant 16 : i32
        %add3A_727 = arith.addi %add3A_726, %scan3A_84 : i32
        %get3A_728 = arith.index_cast %add3A_727 : i32 to index
        %get3A_729 = arith.constant 384 : index
        %get3A_730 = tpu.vector_load %arg16[%get3A_728, %get3A_729] {strides = array<i32>} : memref<48x512xf32, #tpu.memory_space<vmem>>, vector<1x16xf32>,
        %get3A_731 = vector.shape_cast %get3A_730 : vector<1x16xf32> to vector<16xf32>
        %mul3A_732 = arith.mulf %get3A_731, %get3A_94 : vector<16xf32>
        %add3A_733 = arith.addf %mul3A_725, %mul3A_732 : vector<16xf32>
        %add3A_734 = arith.constant 32 : i32
        %add3A_735 = arith.addi %add3A_734, %scan3A_84 : i32
        %get3A_736 = arith.index_cast %add3A_735 : i32 to index
        %get3A_737 = arith.constant 384 : index
        %get3A_738 = tpu.vector_load %arg16[%get3A_736, %get3A_737] {strides = array<i32>} : memref<48x512xf32, #tpu.memory_space<vmem>>, vector<1x16xf32>,
        %get3A_739 = vector.shape_cast %get3A_738 : vector<1x16xf32> to vector<16xf32>
        %mul3A_740 = arith.mulf %get3A_739, %get3A_97 : vector<16xf32>
        %add3A_741 = arith.addf %add3A_733, %mul3A_740 : vector<16xf32>
        %swap3A_742 = arith.index_cast %scan3A_84 : i32 to index
        %swap3A_743 = arith.constant 384 : index
        %swap3A_744 = tpu.vector_load %arg18[%swap3A_742, %swap3A_743] {strides = array<i32>} : memref<16x512xf32, #tpu.memory_space<vmem>>, vector<1x16xf32>,
        %swap3A_745 = vector.shape_cast %swap3A_744 : vector<1x16xf32> to vector<16xf32>
        %swap3A_746 = vector.shape_cast %add3A_741 : vector<16xf32> to vector<1x16xf32>
        tpu.vector_store %arg18[%swap3A_742, %swap3A_743], %swap3A_746 {strides = array<i32>} : memref<16x512xf32, #tpu.memory_space<vmem>>, vector<1x16xf32>,
        %get3A_747 = arith.index_cast %scan3A_84 : i32 to index
        %get3A_748 = arith.constant 400 : index
        %get3A_749 = tpu.vector_load %arg16[%get3A_747, %get3A_748] {strides = array<i32>} : memref<48x512xf32, #tpu.memory_space<vmem>>, vector<1x16xf32>,
        %get3A_750 = vector.shape_cast %get3A_749 : vector<1x16xf32> to vector<16xf32>
        %mul3A_751 = arith.mulf %get3A_750, %get3A_91 : vector<16xf32>
        %add3A_752 = arith.constant 16 : i32
        %add3A_753 = arith.addi %add3A_752, %scan3A_84 : i32
        %get3A_754 = arith.index_cast %add3A_753 : i32 to index
        %get3A_755 = arith.constant 400 : index
        %get3A_756 = tpu.vector_load %arg16[%get3A_754, %get3A_755] {strides = array<i32>} : memref<48x512xf32, #tpu.memory_space<vmem>>, vector<1x16xf32>,
        %get3A_757 = vector.shape_cast %get3A_756 : vector<1x16xf32> to vector<16xf32>
        %mul3A_758 = arith.mulf %get3A_757, %get3A_94 : vector<16xf32>
        %add3A_759 = arith.addf %mul3A_751, %mul3A_758 : vector<16xf32>
        %add3A_760 = arith.constant 32 : i32
        %add3A_761 = arith.addi %add3A_760, %scan3A_84 : i32
        %get3A_762 = arith.index_cast %add3A_761 : i32 to index
        %get3A_763 = arith.constant 400 : index
        %get3A_764 = tpu.vector_load %arg16[%get3A_762, %get3A_763] {strides = array<i32>} : memref<48x512xf32, #tpu.memory_space<vmem>>, vector<1x16xf32>,
        %get3A_765 = vector.shape_cast %get3A_764 : vector<1x16xf32> to vector<16xf32>
        %mul3A_766 = arith.mulf %get3A_765, %get3A_97 : vector<16xf32>
        %add3A_767 = arith.addf %add3A_759, %mul3A_766 : vector<16xf32>
        %swap3A_768 = arith.index_cast %scan3A_84 : i32 to index
        %swap3A_769 = arith.constant 400 : index
        %swap3A_770 = tpu.vector_load %arg18[%swap3A_768, %swap3A_769] {strides = array<i32>} : memref<16x512xf32, #tpu.memory_space<vmem>>, vector<1x16xf32>,
        %swap3A_771 = vector.shape_cast %swap3A_770 : vector<1x16xf32> to vector<16xf32>
        %swap3A_772 = vector.shape_cast %add3A_767 : vector<16xf32> to vector<1x16xf32>
        tpu.vector_store %arg18[%swap3A_768, %swap3A_769], %swap3A_772 {strides = array<i32>} : memref<16x512xf32, #tpu.memory_space<vmem>>, vector<1x16xf32>,
        %get3A_773 = arith.index_cast %scan3A_84 : i32 to index
        %get3A_774 = arith.constant 416 : index
        %get3A_775 = tpu.vector_load %arg16[%get3A_773, %get3A_774] {strides = array<i32>} : memref<48x512xf32, #tpu.memory_space<vmem>>, vector<1x16xf32>,
        %get3A_776 = vector.shape_cast %get3A_775 : vector<1x16xf32> to vector<16xf32>
        %mul3A_777 = arith.mulf %get3A_776, %get3A_91 : vector<16xf32>
        %add3A_778 = arith.constant 16 : i32
        %add3A_779 = arith.addi %add3A_778, %scan3A_84 : i32
        %get3A_780 = arith.index_cast %add3A_779 : i32 to index
        %get3A_781 = arith.constant 416 : index
        %get3A_782 = tpu.vector_load %arg16[%get3A_780, %get3A_781] {strides = array<i32>} : memref<48x512xf32, #tpu.memory_space<vmem>>, vector<1x16xf32>,
        %get3A_783 = vector.shape_cast %get3A_782 : vector<1x16xf32> to vector<16xf32>
        %mul3A_784 = arith.mulf %get3A_783, %get3A_94 : vector<16xf32>
        %add3A_785 = arith.addf %mul3A_777, %mul3A_784 : vector<16xf32>
        %add3A_786 = arith.constant 32 : i32
        %add3A_787 = arith.addi %add3A_786, %scan3A_84 : i32
        %get3A_788 = arith.index_cast %add3A_787 : i32 to index
        %get3A_789 = arith.constant 416 : index
        %get3A_790 = tpu.vector_load %arg16[%get3A_788, %get3A_789] {strides = array<i32>} : memref<48x512xf32, #tpu.memory_space<vmem>>, vector<1x16xf32>,
        %get3A_791 = vector.shape_cast %get3A_790 : vector<1x16xf32> to vector<16xf32>
        %mul3A_792 = arith.mulf %get3A_791, %get3A_97 : vector<16xf32>
        %add3A_793 = arith.addf %add3A_785, %mul3A_792 : vector<16xf32>
        %swap3A_794 = arith.index_cast %scan3A_84 : i32 to index
        %swap3A_795 = arith.constant 416 : index
        %swap3A_796 = tpu.vector_load %arg18[%swap3A_794, %swap3A_795] {strides = array<i32>} : memref<16x512xf32, #tpu.memory_space<vmem>>, vector<1x16xf32>,
        %swap3A_797 = vector.shape_cast %swap3A_796 : vector<1x16xf32> to vector<16xf32>
        %swap3A_798 = vector.shape_cast %add3A_793 : vector<16xf32> to vector<1x16xf32>
        tpu.vector_store %arg18[%swap3A_794, %swap3A_795], %swap3A_798 {strides = array<i32>} : memref<16x512xf32, #tpu.memory_space<vmem>>, vector<1x16xf32>,
        %get3A_799 = arith.index_cast %scan3A_84 : i32 to index
        %get3A_800 = arith.constant 432 : index
        %get3A_801 = tpu.vector_load %arg16[%get3A_799, %get3A_800] {strides = array<i32>} : memref<48x512xf32, #tpu.memory_space<vmem>>, vector<1x16xf32>,
        %get3A_802 = vector.shape_cast %get3A_801 : vector<1x16xf32> to vector<16xf32>
        %mul3A_803 = arith.mulf %get3A_802, %get3A_91 : vector<16xf32>
        %add3A_804 = arith.constant 16 : i32
        %add3A_805 = arith.addi %add3A_804, %scan3A_84 : i32
        %get3A_806 = arith.index_cast %add3A_805 : i32 to index
        %get3A_807 = arith.constant 432 : index
        %get3A_808 = tpu.vector_load %arg16[%get3A_806, %get3A_807] {strides = array<i32>} : memref<48x512xf32, #tpu.memory_space<vmem>>, vector<1x16xf32>,
        %get3A_809 = vector.shape_cast %get3A_808 : vector<1x16xf32> to vector<16xf32>
        %mul3A_810 = arith.mulf %get3A_809, %get3A_94 : vector<16xf32>
        %add3A_811 = arith.addf %mul3A_803, %mul3A_810 : vector<16xf32>
        %add3A_812 = arith.constant 32 : i32
        %add3A_813 = arith.addi %add3A_812, %scan3A_84 : i32
        %get3A_814 = arith.index_cast %add3A_813 : i32 to index
        %get3A_815 = arith.constant 432 : index
        %get3A_816 = tpu.vector_load %arg16[%get3A_814, %get3A_815] {strides = array<i32>} : memref<48x512xf32, #tpu.memory_space<vmem>>, vector<1x16xf32>,
        %get3A_817 = vector.shape_cast %get3A_816 : vector<1x16xf32> to vector<16xf32>
        %mul3A_818 = arith.mulf %get3A_817, %get3A_97 : vector<16xf32>
        %add3A_819 = arith.addf %add3A_811, %mul3A_818 : vector<16xf32>
        %swap3A_820 = arith.index_cast %scan3A_84 : i32 to index
        %swap3A_821 = arith.constant 432 : index
        %swap3A_822 = tpu.vector_load %arg18[%swap3A_820, %swap3A_821] {strides = array<i32>} : memref<16x512xf32, #tpu.memory_space<vmem>>, vector<1x16xf32>,
        %swap3A_823 = vector.shape_cast %swap3A_822 : vector<1x16xf32> to vector<16xf32>
        %swap3A_824 = vector.shape_cast %add3A_819 : vector<16xf32> to vector<1x16xf32>
        tpu.vector_store %arg18[%swap3A_820, %swap3A_821], %swap3A_824 {strides = array<i32>} : memref<16x512xf32, #tpu.memory_space<vmem>>, vector<1x16xf32>,
        %get3A_825 = arith.index_cast %scan3A_84 : i32 to index
        %get3A_826 = arith.constant 448 : index
        %get3A_827 = tpu.vector_load %arg16[%get3A_825, %get3A_826] {strides = array<i32>} : memref<48x512xf32, #tpu.memory_space<vmem>>, vector<1x16xf32>,
        %get3A_828 = vector.shape_cast %get3A_827 : vector<1x16xf32> to vector<16xf32>
        %mul3A_829 = arith.mulf %get3A_828, %get3A_91 : vector<16xf32>
        %add3A_830 = arith.constant 16 : i32
        %add3A_831 = arith.addi %add3A_830, %scan3A_84 : i32
        %get3A_832 = arith.index_cast %add3A_831 : i32 to index
        %get3A_833 = arith.constant 448 : index
        %get3A_834 = tpu.vector_load %arg16[%get3A_832, %get3A_833] {strides = array<i32>} : memref<48x512xf32, #tpu.memory_space<vmem>>, vector<1x16xf32>,
        %get3A_835 = vector.shape_cast %get3A_834 : vector<1x16xf32> to vector<16xf32>
        %mul3A_836 = arith.mulf %get3A_835, %get3A_94 : vector<16xf32>
        %add3A_837 = arith.addf %mul3A_829, %mul3A_836 : vector<16xf32>
        %add3A_838 = arith.constant 32 : i32
        %add3A_839 = arith.addi %add3A_838, %scan3A_84 : i32
        %get3A_840 = arith.index_cast %add3A_839 : i32 to index
        %get3A_841 = arith.constant 448 : index
        %get3A_842 = tpu.vector_load %arg16[%get3A_840, %get3A_841] {strides = array<i32>} : memref<48x512xf32, #tpu.memory_space<vmem>>, vector<1x16xf32>,
        %get3A_843 = vector.shape_cast %get3A_842 : vector<1x16xf32> to vector<16xf32>
        %mul3A_844 = arith.mulf %get3A_843, %get3A_97 : vector<16xf32>
        %add3A_845 = arith.addf %add3A_837, %mul3A_844 : vector<16xf32>
        %swap3A_846 = arith.index_cast %scan3A_84 : i32 to index
        %swap3A_847 = arith.constant 448 : index
        %swap3A_848 = tpu.vector_load %arg18[%swap3A_846, %swap3A_847] {strides = array<i32>} : memref<16x512xf32, #tpu.memory_space<vmem>>, vector<1x16xf32>,
        %swap3A_849 = vector.shape_cast %swap3A_848 : vector<1x16xf32> to vector<16xf32>
        %swap3A_850 = vector.shape_cast %add3A_845 : vector<16xf32> to vector<1x16xf32>
        tpu.vector_store %arg18[%swap3A_846, %swap3A_847], %swap3A_850 {strides = array<i32>} : memref<16x512xf32, #tpu.memory_space<vmem>>, vector<1x16xf32>,
        %get3A_851 = arith.index_cast %scan3A_84 : i32 to index
        %get3A_852 = arith.constant 464 : index
        %get3A_853 = tpu.vector_load %arg16[%get3A_851, %get3A_852] {strides = array<i32>} : memref<48x512xf32, #tpu.memory_space<vmem>>, vector<1x16xf32>,
        %get3A_854 = vector.shape_cast %get3A_853 : vector<1x16xf32> to vector<16xf32>
        %mul3A_855 = arith.mulf %get3A_854, %get3A_91 : vector<16xf32>
        %add3A_856 = arith.constant 16 : i32
        %add3A_857 = arith.addi %add3A_856, %scan3A_84 : i32
        %get3A_858 = arith.index_cast %add3A_857 : i32 to index
        %get3A_859 = arith.constant 464 : index
        %get3A_860 = tpu.vector_load %arg16[%get3A_858, %get3A_859] {strides = array<i32>} : memref<48x512xf32, #tpu.memory_space<vmem>>, vector<1x16xf32>,
        %get3A_861 = vector.shape_cast %get3A_860 : vector<1x16xf32> to vector<16xf32>
        %mul3A_862 = arith.mulf %get3A_861, %get3A_94 : vector<16xf32>
        %add3A_863 = arith.addf %mul3A_855, %mul3A_862 : vector<16xf32>
        %add3A_864 = arith.constant 32 : i32
        %add3A_865 = arith.addi %add3A_864, %scan3A_84 : i32
        %get3A_866 = arith.index_cast %add3A_865 : i32 to index
        %get3A_867 = arith.constant 464 : index
        %get3A_868 = tpu.vector_load %arg16[%get3A_866, %get3A_867] {strides = array<i32>} : memref<48x512xf32, #tpu.memory_space<vmem>>, vector<1x16xf32>,
        %get3A_869 = vector.shape_cast %get3A_868 : vector<1x16xf32> to vector<16xf32>
        %mul3A_870 = arith.mulf %get3A_869, %get3A_97 : vector<16xf32>
        %add3A_871 = arith.addf %add3A_863, %mul3A_870 : vector<16xf32>
        %swap3A_872 = arith.index_cast %scan3A_84 : i32 to index
        %swap3A_873 = arith.constant 464 : index
        %swap3A_874 = tpu.vector_load %arg18[%swap3A_872, %swap3A_873] {strides = array<i32>} : memref<16x512xf32, #tpu.memory_space<vmem>>, vector<1x16xf32>,
        %swap3A_875 = vector.shape_cast %swap3A_874 : vector<1x16xf32> to vector<16xf32>
        %swap3A_876 = vector.shape_cast %add3A_871 : vector<16xf32> to vector<1x16xf32>
        tpu.vector_store %arg18[%swap3A_872, %swap3A_873], %swap3A_876 {strides = array<i32>} : memref<16x512xf32, #tpu.memory_space<vmem>>, vector<1x16xf32>,
        %get3A_877 = arith.index_cast %scan3A_84 : i32 to index
        %get3A_878 = arith.constant 480 : index
        %get3A_879 = tpu.vector_load %arg16[%get3A_877, %get3A_878] {strides = array<i32>} : memref<48x512xf32, #tpu.memory_space<vmem>>, vector<1x16xf32>,
        %get3A_880 = vector.shape_cast %get3A_879 : vector<1x16xf32> to vector<16xf32>
        %mul3A_881 = arith.mulf %get3A_880, %get3A_91 : vector<16xf32>
        %add3A_882 = arith.constant 16 : i32
        %add3A_883 = arith.addi %add3A_882, %scan3A_84 : i32
        %get3A_884 = arith.index_cast %add3A_883 : i32 to index
        %get3A_885 = arith.constant 480 : index
        %get3A_886 = tpu.vector_load %arg16[%get3A_884, %get3A_885] {strides = array<i32>} : memref<48x512xf32, #tpu.memory_space<vmem>>, vector<1x16xf32>,
        %get3A_887 = vector.shape_cast %get3A_886 : vector<1x16xf32> to vector<16xf32>
        %mul3A_888 = arith.mulf %get3A_887, %get3A_94 : vector<16xf32>
        %add3A_889 = arith.addf %mul3A_881, %mul3A_888 : vector<16xf32>
        %add3A_890 = arith.constant 32 : i32
        %add3A_891 = arith.addi %add3A_890, %scan3A_84 : i32
        %get3A_892 = arith.index_cast %add3A_891 : i32 to index
        %get3A_893 = arith.constant 480 : index
        %get3A_894 = tpu.vector_load %arg16[%get3A_892, %get3A_893] {strides = array<i32>} : memref<48x512xf32, #tpu.memory_space<vmem>>, vector<1x16xf32>,
        %get3A_895 = vector.shape_cast %get3A_894 : vector<1x16xf32> to vector<16xf32>
        %mul3A_896 = arith.mulf %get3A_895, %get3A_97 : vector<16xf32>
        %add3A_897 = arith.addf %add3A_889, %mul3A_896 : vector<16xf32>
        %swap3A_898 = arith.index_cast %scan3A_84 : i32 to index
        %swap3A_899 = arith.constant 480 : index
        %swap3A_900 = tpu.vector_load %arg18[%swap3A_898, %swap3A_899] {strides = array<i32>} : memref<16x512xf32, #tpu.memory_space<vmem>>, vector<1x16xf32>,
        %swap3A_901 = vector.shape_cast %swap3A_900 : vector<1x16xf32> to vector<16xf32>
        %swap3A_902 = vector.shape_cast %add3A_897 : vector<16xf32> to vector<1x16xf32>
        tpu.vector_store %arg18[%swap3A_898, %swap3A_899], %swap3A_902 {strides = array<i32>} : memref<16x512xf32, #tpu.memory_space<vmem>>, vector<1x16xf32>,
        %get3A_903 = arith.index_cast %scan3A_84 : i32 to index
        %get3A_904 = arith.constant 496 : index
        %get3A_905 = tpu.vector_load %arg16[%get3A_903, %get3A_904] {strides = array<i32>} : memref<48x512xf32, #tpu.memory_space<vmem>>, vector<1x16xf32>,
        %get3A_906 = vector.shape_cast %get3A_905 : vector<1x16xf32> to vector<16xf32>
        %mul3A_907 = arith.mulf %get3A_906, %get3A_91 : vector<16xf32>
        %add3A_908 = arith.constant 16 : i32
        %add3A_909 = arith.addi %add3A_908, %scan3A_84 : i32
        %get3A_910 = arith.index_cast %add3A_909 : i32 to index
        %get3A_911 = arith.constant 496 : index
        %get3A_912 = tpu.vector_load %arg16[%get3A_910, %get3A_911] {strides = array<i32>} : memref<48x512xf32, #tpu.memory_space<vmem>>, vector<1x16xf32>,
        %get3A_913 = vector.shape_cast %get3A_912 : vector<1x16xf32> to vector<16xf32>
        %mul3A_914 = arith.mulf %get3A_913, %get3A_94 : vector<16xf32>
        %add3A_915 = arith.addf %mul3A_907, %mul3A_914 : vector<16xf32>
        %add3A_916 = arith.constant 32 : i32
        %add3A_917 = arith.addi %add3A_916, %scan3A_84 : i32
        %get3A_918 = arith.index_cast %add3A_917 : i32 to index
        %get3A_919 = arith.constant 496 : index
        %get3A_920 = tpu.vector_load %arg16[%get3A_918, %get3A_919] {strides = array<i32>} : memref<48x512xf32, #tpu.memory_space<vmem>>, vector<1x16xf32>,
        %get3A_921 = vector.shape_cast %get3A_920 : vector<1x16xf32> to vector<16xf32>
        %mul3A_922 = arith.mulf %get3A_921, %get3A_97 : vector<16xf32>
        %add3A_923 = arith.addf %add3A_915, %mul3A_922 : vector<16xf32>
        %swap3A_924 = arith.index_cast %scan3A_84 : i32 to index
        %swap3A_925 = arith.constant 496 : index
        %swap3A_926 = tpu.vector_load %arg18[%swap3A_924, %swap3A_925] {strides = array<i32>} : memref<16x512xf32, #tpu.memory_space<vmem>>, vector<1x16xf32>,
        %swap3A_927 = vector.shape_cast %swap3A_926 : vector<1x16xf32> to vector<16xf32>
        %swap3A_928 = vector.shape_cast %add3A_923 : vector<16xf32> to vector<1x16xf32>
        tpu.vector_store %arg18[%swap3A_924, %swap3A_925], %swap3A_928 {strides = array<i32>} : memref<16x512xf32, #tpu.memory_space<vmem>>, vector<1x16xf32>,
      }
      %scan3A_55 = arith.constant 16 : i32
      %mul3A_56 = arith.constant 16 : i32
      %mul3A_57 = arith.muli %add3A_41, %mul3A_56 : i32
      %add3A_58 = arith.addi %mul3A_2, %mul3A_57 : i32
      "tpu.region"() ({
        %run_scoped3A = tpu.sem_alloc : memref<!tpu.dma_semaphore, #tpu.memory_space<semaphore_mem>>
        %dma_start3A_84 = arith.constant 0 : i32
        %dma_start3A_85 = tpu.memref_slice %arg9[%add3A_58, %dma_start3A_84] : memref<8192x512xf32, #tpu.memory_space<hbm>> -> memref<16x512xf32, #tpu.memory_space<hbm>>
        %dma_start3A_86 = arith.constant 0 : i32
        %dma_start3A_87 = tpu.memref_slice %arg9[%add3A_58, %dma_start3A_86] : memref<8192x512xf32, #tpu.memory_space<hbm>> -> memref<16x512xf32, #tpu.memory_space<hbm>>
        tpu.enqueue_dma source(%arg18 : memref<16x512xf32, #tpu.memory_space<vmem>>) target(%dma_start3A_87 : memref<16x512xf32, #tpu.memory_space<hbm>>) target_semaphore(%run_scoped3A : memref<!tpu.dma_semaphore, #tpu.memory_space<semaphore_mem>>)
        %dma_wait3A_88 = arith.constant 0 : i32
        %dma_wait3A_89 = tpu.memref_slice %arg9[%add3A_58, %dma_wait3A_88] : memref<8192x512xf32, #tpu.memory_space<hbm>> -> memref<16x512xf32, #tpu.memory_space<hbm>>
        %dma_wait3A_90 = arith.constant 0 : i32
        %dma_wait3A_91 = tpu.memref_slice %arg9[%add3A_58, %dma_wait3A_90] : memref<8192x512xf32, #tpu.memory_space<hbm>> -> memref<16x512xf32, #tpu.memory_space<hbm>>
        tpu.wait_dma2 semaphore(%run_scoped3A : memref<!tpu.dma_semaphore, #tpu.memory_space<semaphore_mem>>) src(%arg18 : memref<16x512xf32, #tpu.memory_space<vmem>>) dst(%dma_wait3A_91 : memref<16x512xf32, #tpu.memory_space<hbm>>)
        tpu.yield
      }) : () -> ()
      %mul3A_59 = arith.constant 2 : i32
      %mul3A_60 = arith.muli %mul3A_59, %scan3A_37 : i32
      %add3A_61 = arith.constant 1 : i32
      %add3A_62 = arith.addi %mul3A_60, %add3A_61 : i32
      %dma_wait3A_63 = arith.constant 0 : i32
      %dma_wait3A_64 = tpu.memref_slice %arg10[%dma_wait3A_63] : memref<256xi32, #tpu.memory_space<vmem>> -> memref<48xi32, #tpu.memory_space<vmem>>
      %dma_wait3A_65 = arith.constant 0 : i32
      %dma_wait3A_66 = arith.constant 0 : i32
      %dma_wait3A_67 = tpu.memref_slice %arg2[%dma_wait3A_65, %dma_wait3A_66] : memref<4096x512xf32, #tpu.memory_space<hbm>> -> memref<4096x512xf32, #tpu.memory_space<hbm>>
      tpu.wait_indirect_dma semaphore(%arg20 : memref<!tpu.dma_semaphore, #tpu.memory_space<semaphore_mem>>) src(%dma_wait3A_67 : memref<4096x512xf32, #tpu.memory_space<hbm>>) dst(%arg17 : memref<48x512xf32, #tpu.memory_space<vmem>>)
      %add3A_68 = arith.constant 1 : i32
      %add3A_69 = arith.addi %add3A_62, %add3A_68 : i32
      %lt3A_70 = arith.constant 16 : i32
      %lt3A_71 = arith.cmpi slt, %add3A_69, %lt3A_70 : i32
      %convert_element_type3A_72 = arith.extui %lt3A_71 : i1 to i32
      %cond3A_73 = arith.constant 0 : i32
      %cond3A_74 = arith.cmpi ne, %convert_element_type3A_72, %cond3A_73 : i32
      scf.if %cond3A_74 {
        %add3A_84 = arith.constant 1 : i32
        %add3A_85 = arith.addi %add3A_62, %add3A_84 : i32
        %mul3A_86 = arith.constant 16 : i32
        %mul3A_87 = arith.muli %add3A_85, %mul3A_86 : i32
        %dma_start3A_88 = arith.constant 0 : i32
        %dma_start3A_89 = arith.constant 0 : i32
        %dma_start3A_90 = tpu.memref_slice %arg16[%dma_start3A_88, %dma_start3A_89] : memref<48x512xf32, #tpu.memory_space<vmem>> -> memref<16x512xf32, #tpu.memory_space<vmem>>
        %dma_start3A_91 = tpu.memref_slice %arg10[%mul3A_87] : memref<256xi32, #tpu.memory_space<vmem>> -> memref<16xi32, #tpu.memory_space<vmem>>
        %dma_start3A_92 = arith.constant 0 : i32
        %dma_start3A_93 = arith.constant 0 : i32
        %dma_start3A_94 = tpu.memref_slice %arg2[%dma_start3A_92, %dma_start3A_93] : memref<4096x512xf32, #tpu.memory_space<hbm>> -> memref<4096x512xf32, #tpu.memory_space<hbm>>
        tpu.enqueue_indirect_dma source(%dma_start3A_94 : memref<4096x512xf32, #tpu.memory_space<hbm>>) target(%dma_start3A_90 : memref<16x512xf32, #tpu.memory_space<vmem>>) offsets(%dma_start3A_91 : memref<16xi32, #tpu.memory_space<vmem>>) semaphore(%arg19 : memref<!tpu.dma_semaphore, #tpu.memory_space<semaphore_mem>>)
        %dma_start3A_95 = arith.constant 16 : i32
        %dma_start3A_96 = arith.constant 0 : i32
        %dma_start3A_97 = tpu.memref_slice %arg16[%dma_start3A_95, %dma_start3A_96] : memref<48x512xf32, #tpu.memory_space<vmem>> -> memref<16x512xf32, #tpu.memory_space<vmem>>
        %dma_start3A_98 = tpu.memref_slice %arg11[%mul3A_87] : memref<256xi32, #tpu.memory_space<vmem>> -> memref<16xi32, #tpu.memory_space<vmem>>
        %dma_start3A_99 = arith.constant 0 : i32
        %dma_start3A_100 = arith.constant 0 : i32
        %dma_start3A_101 = tpu.memref_slice %arg2[%dma_start3A_99, %dma_start3A_100] : memref<4096x512xf32, #tpu.memory_space<hbm>> -> memref<4096x512xf32, #tpu.memory_space<hbm>>
        tpu.enqueue_indirect_dma source(%dma_start3A_101 : memref<4096x512xf32, #tpu.memory_space<hbm>>) target(%dma_start3A_97 : memref<16x512xf32, #tpu.memory_space<vmem>>) offsets(%dma_start3A_98 : memref<16xi32, #tpu.memory_space<vmem>>) semaphore(%arg19 : memref<!tpu.dma_semaphore, #tpu.memory_space<semaphore_mem>>)
        %dma_start3A_102 = arith.constant 32 : i32
        %dma_start3A_103 = arith.constant 0 : i32
        %dma_start3A_104 = tpu.memref_slice %arg16[%dma_start3A_102, %dma_start3A_103] : memref<48x512xf32, #tpu.memory_space<vmem>> -> memref<16x512xf32, #tpu.memory_space<vmem>>
        %dma_start3A_105 = tpu.memref_slice %arg12[%mul3A_87] : memref<256xi32, #tpu.memory_space<vmem>> -> memref<16xi32, #tpu.memory_space<vmem>>
        %dma_start3A_106 = arith.constant 0 : i32
        %dma_start3A_107 = arith.constant 0 : i32
        %dma_start3A_108 = tpu.memref_slice %arg2[%dma_start3A_106, %dma_start3A_107] : memref<4096x512xf32, #tpu.memory_space<hbm>> -> memref<4096x512xf32, #tpu.memory_space<hbm>>
        tpu.enqueue_indirect_dma source(%dma_start3A_108 : memref<4096x512xf32, #tpu.memory_space<hbm>>) target(%dma_start3A_104 : memref<16x512xf32, #tpu.memory_space<vmem>>) offsets(%dma_start3A_105 : memref<16xi32, #tpu.memory_space<vmem>>) semaphore(%arg19 : memref<!tpu.dma_semaphore, #tpu.memory_space<semaphore_mem>>)
      } else {
      }
      %scan3A_75 = arith.constant 0 : i32
      %scan3A_76 = arith.constant 0 : i32
      %scan3A_77 = arith.constant 16 : i32
      %scan3A_78 = arith.addi %scan3A_76, %scan3A_77 : i32
      %scan3A_79 = arith.constant 1 : i32
      scf.for %scan3A_84 = %scan3A_76 to %scan3A_78 step %scan3A_79  : i32 {
        %mul3A_85 = arith.constant 16 : i32
        %mul3A_86 = arith.muli %add3A_62, %mul3A_85 : i32
        %add3A_87 = arith.addi %mul3A_86, %scan3A_84 : i32
        %mul3A_88 = arith.constant 16 : i32
        %mul3A_89 = arith.muli %add3A_87, %mul3A_88 : i32
        %get3A = arith.index_cast %mul3A_89 : i32 to index
        %get3A_90 = tpu.vector_load %arg13[%get3A] {strides = array<i32>} : memref<4096xf32, #tpu.memory_space<vmem>>, vector<16xf32>,
        %get3A_91 = vector.shape_cast %get3A_90 : vector<16xf32> to vector<16xf32>
        %get3A_92 = arith.index_cast %mul3A_89 : i32 to index
        %get3A_93 = tpu.vector_load %arg14[%get3A_92] {strides = array<i32>} : memref<4096xf32, #tpu.memory_space<vmem>>, vector<16xf32>,
        %get3A_94 = vector.shape_cast %get3A_93 : vector<16xf32> to vector<16xf32>
        %get3A_95 = arith.index_cast %mul3A_89 : i32 to index
        %get3A_96 = tpu.vector_load %arg15[%get3A_95] {strides = array<i32>} : memref<4096xf32, #tpu.memory_space<vmem>>, vector<16xf32>,
        %get3A_97 = vector.shape_cast %get3A_96 : vector<16xf32> to vector<16xf32>
        %get3A_98 = arith.index_cast %scan3A_84 : i32 to index
        %get3A_99 = arith.constant 0 : index
        %get3A_100 = tpu.vector_load %arg17[%get3A_98, %get3A_99] {strides = array<i32>} : memref<48x512xf32, #tpu.memory_space<vmem>>, vector<1x16xf32>,
        %get3A_101 = vector.shape_cast %get3A_100 : vector<1x16xf32> to vector<16xf32>
        %mul3A_102 = arith.mulf %get3A_101, %get3A_91 : vector<16xf32>
        %add3A_103 = arith.constant 16 : i32
        %add3A_104 = arith.addi %add3A_103, %scan3A_84 : i32
        %get3A_105 = arith.index_cast %add3A_104 : i32 to index
        %get3A_106 = arith.constant 0 : index
        %get3A_107 = tpu.vector_load %arg17[%get3A_105, %get3A_106] {strides = array<i32>} : memref<48x512xf32, #tpu.memory_space<vmem>>, vector<1x16xf32>,
        %get3A_108 = vector.shape_cast %get3A_107 : vector<1x16xf32> to vector<16xf32>
        %mul3A_109 = arith.mulf %get3A_108, %get3A_94 : vector<16xf32>
        %add3A_110 = arith.addf %mul3A_102, %mul3A_109 : vector<16xf32>
        %add3A_111 = arith.constant 32 : i32
        %add3A_112 = arith.addi %add3A_111, %scan3A_84 : i32
        %get3A_113 = arith.index_cast %add3A_112 : i32 to index
        %get3A_114 = arith.constant 0 : index
        %get3A_115 = tpu.vector_load %arg17[%get3A_113, %get3A_114] {strides = array<i32>} : memref<48x512xf32, #tpu.memory_space<vmem>>, vector<1x16xf32>,
        %get3A_116 = vector.shape_cast %get3A_115 : vector<1x16xf32> to vector<16xf32>
        %mul3A_117 = arith.mulf %get3A_116, %get3A_97 : vector<16xf32>
        %add3A_118 = arith.addf %add3A_110, %mul3A_117 : vector<16xf32>
        %swap3A = arith.index_cast %scan3A_84 : i32 to index
        %swap3A_119 = arith.constant 0 : index
        %swap3A_120 = tpu.vector_load %arg18[%swap3A, %swap3A_119] {strides = array<i32>} : memref<16x512xf32, #tpu.memory_space<vmem>>, vector<1x16xf32>,
        %swap3A_121 = vector.shape_cast %swap3A_120 : vector<1x16xf32> to vector<16xf32>
        %swap3A_122 = vector.shape_cast %add3A_118 : vector<16xf32> to vector<1x16xf32>
        tpu.vector_store %arg18[%swap3A, %swap3A_119], %swap3A_122 {strides = array<i32>} : memref<16x512xf32, #tpu.memory_space<vmem>>, vector<1x16xf32>,
        %get3A_123 = arith.index_cast %scan3A_84 : i32 to index
        %get3A_124 = arith.constant 16 : index
        %get3A_125 = tpu.vector_load %arg17[%get3A_123, %get3A_124] {strides = array<i32>} : memref<48x512xf32, #tpu.memory_space<vmem>>, vector<1x16xf32>,
        %get3A_126 = vector.shape_cast %get3A_125 : vector<1x16xf32> to vector<16xf32>
        %mul3A_127 = arith.mulf %get3A_126, %get3A_91 : vector<16xf32>
        %add3A_128 = arith.constant 16 : i32
        %add3A_129 = arith.addi %add3A_128, %scan3A_84 : i32
        %get3A_130 = arith.index_cast %add3A_129 : i32 to index
        %get3A_131 = arith.constant 16 : index
        %get3A_132 = tpu.vector_load %arg17[%get3A_130, %get3A_131] {strides = array<i32>} : memref<48x512xf32, #tpu.memory_space<vmem>>, vector<1x16xf32>,
        %get3A_133 = vector.shape_cast %get3A_132 : vector<1x16xf32> to vector<16xf32>
        %mul3A_134 = arith.mulf %get3A_133, %get3A_94 : vector<16xf32>
        %add3A_135 = arith.addf %mul3A_127, %mul3A_134 : vector<16xf32>
        %add3A_136 = arith.constant 32 : i32
        %add3A_137 = arith.addi %add3A_136, %scan3A_84 : i32
        %get3A_138 = arith.index_cast %add3A_137 : i32 to index
        %get3A_139 = arith.constant 16 : index
        %get3A_140 = tpu.vector_load %arg17[%get3A_138, %get3A_139] {strides = array<i32>} : memref<48x512xf32, #tpu.memory_space<vmem>>, vector<1x16xf32>,
        %get3A_141 = vector.shape_cast %get3A_140 : vector<1x16xf32> to vector<16xf32>
        %mul3A_142 = arith.mulf %get3A_141, %get3A_97 : vector<16xf32>
        %add3A_143 = arith.addf %add3A_135, %mul3A_142 : vector<16xf32>
        %swap3A_144 = arith.index_cast %scan3A_84 : i32 to index
        %swap3A_145 = arith.constant 16 : index
        %swap3A_146 = tpu.vector_load %arg18[%swap3A_144, %swap3A_145] {strides = array<i32>} : memref<16x512xf32, #tpu.memory_space<vmem>>, vector<1x16xf32>,
        %swap3A_147 = vector.shape_cast %swap3A_146 : vector<1x16xf32> to vector<16xf32>
        %swap3A_148 = vector.shape_cast %add3A_143 : vector<16xf32> to vector<1x16xf32>
        tpu.vector_store %arg18[%swap3A_144, %swap3A_145], %swap3A_148 {strides = array<i32>} : memref<16x512xf32, #tpu.memory_space<vmem>>, vector<1x16xf32>,
        %get3A_149 = arith.index_cast %scan3A_84 : i32 to index
        %get3A_150 = arith.constant 32 : index
        %get3A_151 = tpu.vector_load %arg17[%get3A_149, %get3A_150] {strides = array<i32>} : memref<48x512xf32, #tpu.memory_space<vmem>>, vector<1x16xf32>,
        %get3A_152 = vector.shape_cast %get3A_151 : vector<1x16xf32> to vector<16xf32>
        %mul3A_153 = arith.mulf %get3A_152, %get3A_91 : vector<16xf32>
        %add3A_154 = arith.constant 16 : i32
        %add3A_155 = arith.addi %add3A_154, %scan3A_84 : i32
        %get3A_156 = arith.index_cast %add3A_155 : i32 to index
        %get3A_157 = arith.constant 32 : index
        %get3A_158 = tpu.vector_load %arg17[%get3A_156, %get3A_157] {strides = array<i32>} : memref<48x512xf32, #tpu.memory_space<vmem>>, vector<1x16xf32>,
        %get3A_159 = vector.shape_cast %get3A_158 : vector<1x16xf32> to vector<16xf32>
        %mul3A_160 = arith.mulf %get3A_159, %get3A_94 : vector<16xf32>
        %add3A_161 = arith.addf %mul3A_153, %mul3A_160 : vector<16xf32>
        %add3A_162 = arith.constant 32 : i32
        %add3A_163 = arith.addi %add3A_162, %scan3A_84 : i32
        %get3A_164 = arith.index_cast %add3A_163 : i32 to index
        %get3A_165 = arith.constant 32 : index
        %get3A_166 = tpu.vector_load %arg17[%get3A_164, %get3A_165] {strides = array<i32>} : memref<48x512xf32, #tpu.memory_space<vmem>>, vector<1x16xf32>,
        %get3A_167 = vector.shape_cast %get3A_166 : vector<1x16xf32> to vector<16xf32>
        %mul3A_168 = arith.mulf %get3A_167, %get3A_97 : vector<16xf32>
        %add3A_169 = arith.addf %add3A_161, %mul3A_168 : vector<16xf32>
        %swap3A_170 = arith.index_cast %scan3A_84 : i32 to index
        %swap3A_171 = arith.constant 32 : index
        %swap3A_172 = tpu.vector_load %arg18[%swap3A_170, %swap3A_171] {strides = array<i32>} : memref<16x512xf32, #tpu.memory_space<vmem>>, vector<1x16xf32>,
        %swap3A_173 = vector.shape_cast %swap3A_172 : vector<1x16xf32> to vector<16xf32>
        %swap3A_174 = vector.shape_cast %add3A_169 : vector<16xf32> to vector<1x16xf32>
        tpu.vector_store %arg18[%swap3A_170, %swap3A_171], %swap3A_174 {strides = array<i32>} : memref<16x512xf32, #tpu.memory_space<vmem>>, vector<1x16xf32>,
        %get3A_175 = arith.index_cast %scan3A_84 : i32 to index
        %get3A_176 = arith.constant 48 : index
        %get3A_177 = tpu.vector_load %arg17[%get3A_175, %get3A_176] {strides = array<i32>} : memref<48x512xf32, #tpu.memory_space<vmem>>, vector<1x16xf32>,
        %get3A_178 = vector.shape_cast %get3A_177 : vector<1x16xf32> to vector<16xf32>
        %mul3A_179 = arith.mulf %get3A_178, %get3A_91 : vector<16xf32>
        %add3A_180 = arith.constant 16 : i32
        %add3A_181 = arith.addi %add3A_180, %scan3A_84 : i32
        %get3A_182 = arith.index_cast %add3A_181 : i32 to index
        %get3A_183 = arith.constant 48 : index
        %get3A_184 = tpu.vector_load %arg17[%get3A_182, %get3A_183] {strides = array<i32>} : memref<48x512xf32, #tpu.memory_space<vmem>>, vector<1x16xf32>,
        %get3A_185 = vector.shape_cast %get3A_184 : vector<1x16xf32> to vector<16xf32>
        %mul3A_186 = arith.mulf %get3A_185, %get3A_94 : vector<16xf32>
        %add3A_187 = arith.addf %mul3A_179, %mul3A_186 : vector<16xf32>
        %add3A_188 = arith.constant 32 : i32
        %add3A_189 = arith.addi %add3A_188, %scan3A_84 : i32
        %get3A_190 = arith.index_cast %add3A_189 : i32 to index
        %get3A_191 = arith.constant 48 : index
        %get3A_192 = tpu.vector_load %arg17[%get3A_190, %get3A_191] {strides = array<i32>} : memref<48x512xf32, #tpu.memory_space<vmem>>, vector<1x16xf32>,
        %get3A_193 = vector.shape_cast %get3A_192 : vector<1x16xf32> to vector<16xf32>
        %mul3A_194 = arith.mulf %get3A_193, %get3A_97 : vector<16xf32>
        %add3A_195 = arith.addf %add3A_187, %mul3A_194 : vector<16xf32>
        %swap3A_196 = arith.index_cast %scan3A_84 : i32 to index
        %swap3A_197 = arith.constant 48 : index
        %swap3A_198 = tpu.vector_load %arg18[%swap3A_196, %swap3A_197] {strides = array<i32>} : memref<16x512xf32, #tpu.memory_space<vmem>>, vector<1x16xf32>,
        %swap3A_199 = vector.shape_cast %swap3A_198 : vector<1x16xf32> to vector<16xf32>
        %swap3A_200 = vector.shape_cast %add3A_195 : vector<16xf32> to vector<1x16xf32>
        tpu.vector_store %arg18[%swap3A_196, %swap3A_197], %swap3A_200 {strides = array<i32>} : memref<16x512xf32, #tpu.memory_space<vmem>>, vector<1x16xf32>,
        %get3A_201 = arith.index_cast %scan3A_84 : i32 to index
        %get3A_202 = arith.constant 64 : index
        %get3A_203 = tpu.vector_load %arg17[%get3A_201, %get3A_202] {strides = array<i32>} : memref<48x512xf32, #tpu.memory_space<vmem>>, vector<1x16xf32>,
        %get3A_204 = vector.shape_cast %get3A_203 : vector<1x16xf32> to vector<16xf32>
        %mul3A_205 = arith.mulf %get3A_204, %get3A_91 : vector<16xf32>
        %add3A_206 = arith.constant 16 : i32
        %add3A_207 = arith.addi %add3A_206, %scan3A_84 : i32
        %get3A_208 = arith.index_cast %add3A_207 : i32 to index
        %get3A_209 = arith.constant 64 : index
        %get3A_210 = tpu.vector_load %arg17[%get3A_208, %get3A_209] {strides = array<i32>} : memref<48x512xf32, #tpu.memory_space<vmem>>, vector<1x16xf32>,
        %get3A_211 = vector.shape_cast %get3A_210 : vector<1x16xf32> to vector<16xf32>
        %mul3A_212 = arith.mulf %get3A_211, %get3A_94 : vector<16xf32>
        %add3A_213 = arith.addf %mul3A_205, %mul3A_212 : vector<16xf32>
        %add3A_214 = arith.constant 32 : i32
        %add3A_215 = arith.addi %add3A_214, %scan3A_84 : i32
        %get3A_216 = arith.index_cast %add3A_215 : i32 to index
        %get3A_217 = arith.constant 64 : index
        %get3A_218 = tpu.vector_load %arg17[%get3A_216, %get3A_217] {strides = array<i32>} : memref<48x512xf32, #tpu.memory_space<vmem>>, vector<1x16xf32>,
        %get3A_219 = vector.shape_cast %get3A_218 : vector<1x16xf32> to vector<16xf32>
        %mul3A_220 = arith.mulf %get3A_219, %get3A_97 : vector<16xf32>
        %add3A_221 = arith.addf %add3A_213, %mul3A_220 : vector<16xf32>
        %swap3A_222 = arith.index_cast %scan3A_84 : i32 to index
        %swap3A_223 = arith.constant 64 : index
        %swap3A_224 = tpu.vector_load %arg18[%swap3A_222, %swap3A_223] {strides = array<i32>} : memref<16x512xf32, #tpu.memory_space<vmem>>, vector<1x16xf32>,
        %swap3A_225 = vector.shape_cast %swap3A_224 : vector<1x16xf32> to vector<16xf32>
        %swap3A_226 = vector.shape_cast %add3A_221 : vector<16xf32> to vector<1x16xf32>
        tpu.vector_store %arg18[%swap3A_222, %swap3A_223], %swap3A_226 {strides = array<i32>} : memref<16x512xf32, #tpu.memory_space<vmem>>, vector<1x16xf32>,
        %get3A_227 = arith.index_cast %scan3A_84 : i32 to index
        %get3A_228 = arith.constant 80 : index
        %get3A_229 = tpu.vector_load %arg17[%get3A_227, %get3A_228] {strides = array<i32>} : memref<48x512xf32, #tpu.memory_space<vmem>>, vector<1x16xf32>,
        %get3A_230 = vector.shape_cast %get3A_229 : vector<1x16xf32> to vector<16xf32>
        %mul3A_231 = arith.mulf %get3A_230, %get3A_91 : vector<16xf32>
        %add3A_232 = arith.constant 16 : i32
        %add3A_233 = arith.addi %add3A_232, %scan3A_84 : i32
        %get3A_234 = arith.index_cast %add3A_233 : i32 to index
        %get3A_235 = arith.constant 80 : index
        %get3A_236 = tpu.vector_load %arg17[%get3A_234, %get3A_235] {strides = array<i32>} : memref<48x512xf32, #tpu.memory_space<vmem>>, vector<1x16xf32>,
        %get3A_237 = vector.shape_cast %get3A_236 : vector<1x16xf32> to vector<16xf32>
        %mul3A_238 = arith.mulf %get3A_237, %get3A_94 : vector<16xf32>
        %add3A_239 = arith.addf %mul3A_231, %mul3A_238 : vector<16xf32>
        %add3A_240 = arith.constant 32 : i32
        %add3A_241 = arith.addi %add3A_240, %scan3A_84 : i32
        %get3A_242 = arith.index_cast %add3A_241 : i32 to index
        %get3A_243 = arith.constant 80 : index
        %get3A_244 = tpu.vector_load %arg17[%get3A_242, %get3A_243] {strides = array<i32>} : memref<48x512xf32, #tpu.memory_space<vmem>>, vector<1x16xf32>,
        %get3A_245 = vector.shape_cast %get3A_244 : vector<1x16xf32> to vector<16xf32>
        %mul3A_246 = arith.mulf %get3A_245, %get3A_97 : vector<16xf32>
        %add3A_247 = arith.addf %add3A_239, %mul3A_246 : vector<16xf32>
        %swap3A_248 = arith.index_cast %scan3A_84 : i32 to index
        %swap3A_249 = arith.constant 80 : index
        %swap3A_250 = tpu.vector_load %arg18[%swap3A_248, %swap3A_249] {strides = array<i32>} : memref<16x512xf32, #tpu.memory_space<vmem>>, vector<1x16xf32>,
        %swap3A_251 = vector.shape_cast %swap3A_250 : vector<1x16xf32> to vector<16xf32>
        %swap3A_252 = vector.shape_cast %add3A_247 : vector<16xf32> to vector<1x16xf32>
        tpu.vector_store %arg18[%swap3A_248, %swap3A_249], %swap3A_252 {strides = array<i32>} : memref<16x512xf32, #tpu.memory_space<vmem>>, vector<1x16xf32>,
        %get3A_253 = arith.index_cast %scan3A_84 : i32 to index
        %get3A_254 = arith.constant 96 : index
        %get3A_255 = tpu.vector_load %arg17[%get3A_253, %get3A_254] {strides = array<i32>} : memref<48x512xf32, #tpu.memory_space<vmem>>, vector<1x16xf32>,
        %get3A_256 = vector.shape_cast %get3A_255 : vector<1x16xf32> to vector<16xf32>
        %mul3A_257 = arith.mulf %get3A_256, %get3A_91 : vector<16xf32>
        %add3A_258 = arith.constant 16 : i32
        %add3A_259 = arith.addi %add3A_258, %scan3A_84 : i32
        %get3A_260 = arith.index_cast %add3A_259 : i32 to index
        %get3A_261 = arith.constant 96 : index
        %get3A_262 = tpu.vector_load %arg17[%get3A_260, %get3A_261] {strides = array<i32>} : memref<48x512xf32, #tpu.memory_space<vmem>>, vector<1x16xf32>,
        %get3A_263 = vector.shape_cast %get3A_262 : vector<1x16xf32> to vector<16xf32>
        %mul3A_264 = arith.mulf %get3A_263, %get3A_94 : vector<16xf32>
        %add3A_265 = arith.addf %mul3A_257, %mul3A_264 : vector<16xf32>
        %add3A_266 = arith.constant 32 : i32
        %add3A_267 = arith.addi %add3A_266, %scan3A_84 : i32
        %get3A_268 = arith.index_cast %add3A_267 : i32 to index
        %get3A_269 = arith.constant 96 : index
        %get3A_270 = tpu.vector_load %arg17[%get3A_268, %get3A_269] {strides = array<i32>} : memref<48x512xf32, #tpu.memory_space<vmem>>, vector<1x16xf32>,
        %get3A_271 = vector.shape_cast %get3A_270 : vector<1x16xf32> to vector<16xf32>
        %mul3A_272 = arith.mulf %get3A_271, %get3A_97 : vector<16xf32>
        %add3A_273 = arith.addf %add3A_265, %mul3A_272 : vector<16xf32>
        %swap3A_274 = arith.index_cast %scan3A_84 : i32 to index
        %swap3A_275 = arith.constant 96 : index
        %swap3A_276 = tpu.vector_load %arg18[%swap3A_274, %swap3A_275] {strides = array<i32>} : memref<16x512xf32, #tpu.memory_space<vmem>>, vector<1x16xf32>,
        %swap3A_277 = vector.shape_cast %swap3A_276 : vector<1x16xf32> to vector<16xf32>
        %swap3A_278 = vector.shape_cast %add3A_273 : vector<16xf32> to vector<1x16xf32>
        tpu.vector_store %arg18[%swap3A_274, %swap3A_275], %swap3A_278 {strides = array<i32>} : memref<16x512xf32, #tpu.memory_space<vmem>>, vector<1x16xf32>,
        %get3A_279 = arith.index_cast %scan3A_84 : i32 to index
        %get3A_280 = arith.constant 112 : index
        %get3A_281 = tpu.vector_load %arg17[%get3A_279, %get3A_280] {strides = array<i32>} : memref<48x512xf32, #tpu.memory_space<vmem>>, vector<1x16xf32>,
        %get3A_282 = vector.shape_cast %get3A_281 : vector<1x16xf32> to vector<16xf32>
        %mul3A_283 = arith.mulf %get3A_282, %get3A_91 : vector<16xf32>
        %add3A_284 = arith.constant 16 : i32
        %add3A_285 = arith.addi %add3A_284, %scan3A_84 : i32
        %get3A_286 = arith.index_cast %add3A_285 : i32 to index
        %get3A_287 = arith.constant 112 : index
        %get3A_288 = tpu.vector_load %arg17[%get3A_286, %get3A_287] {strides = array<i32>} : memref<48x512xf32, #tpu.memory_space<vmem>>, vector<1x16xf32>,
        %get3A_289 = vector.shape_cast %get3A_288 : vector<1x16xf32> to vector<16xf32>
        %mul3A_290 = arith.mulf %get3A_289, %get3A_94 : vector<16xf32>
        %add3A_291 = arith.addf %mul3A_283, %mul3A_290 : vector<16xf32>
        %add3A_292 = arith.constant 32 : i32
        %add3A_293 = arith.addi %add3A_292, %scan3A_84 : i32
        %get3A_294 = arith.index_cast %add3A_293 : i32 to index
        %get3A_295 = arith.constant 112 : index
        %get3A_296 = tpu.vector_load %arg17[%get3A_294, %get3A_295] {strides = array<i32>} : memref<48x512xf32, #tpu.memory_space<vmem>>, vector<1x16xf32>,
        %get3A_297 = vector.shape_cast %get3A_296 : vector<1x16xf32> to vector<16xf32>
        %mul3A_298 = arith.mulf %get3A_297, %get3A_97 : vector<16xf32>
        %add3A_299 = arith.addf %add3A_291, %mul3A_298 : vector<16xf32>
        %swap3A_300 = arith.index_cast %scan3A_84 : i32 to index
        %swap3A_301 = arith.constant 112 : index
        %swap3A_302 = tpu.vector_load %arg18[%swap3A_300, %swap3A_301] {strides = array<i32>} : memref<16x512xf32, #tpu.memory_space<vmem>>, vector<1x16xf32>,
        %swap3A_303 = vector.shape_cast %swap3A_302 : vector<1x16xf32> to vector<16xf32>
        %swap3A_304 = vector.shape_cast %add3A_299 : vector<16xf32> to vector<1x16xf32>
        tpu.vector_store %arg18[%swap3A_300, %swap3A_301], %swap3A_304 {strides = array<i32>} : memref<16x512xf32, #tpu.memory_space<vmem>>, vector<1x16xf32>,
        %get3A_305 = arith.index_cast %scan3A_84 : i32 to index
        %get3A_306 = arith.constant 128 : index
        %get3A_307 = tpu.vector_load %arg17[%get3A_305, %get3A_306] {strides = array<i32>} : memref<48x512xf32, #tpu.memory_space<vmem>>, vector<1x16xf32>,
        %get3A_308 = vector.shape_cast %get3A_307 : vector<1x16xf32> to vector<16xf32>
        %mul3A_309 = arith.mulf %get3A_308, %get3A_91 : vector<16xf32>
        %add3A_310 = arith.constant 16 : i32
        %add3A_311 = arith.addi %add3A_310, %scan3A_84 : i32
        %get3A_312 = arith.index_cast %add3A_311 : i32 to index
        %get3A_313 = arith.constant 128 : index
        %get3A_314 = tpu.vector_load %arg17[%get3A_312, %get3A_313] {strides = array<i32>} : memref<48x512xf32, #tpu.memory_space<vmem>>, vector<1x16xf32>,
        %get3A_315 = vector.shape_cast %get3A_314 : vector<1x16xf32> to vector<16xf32>
        %mul3A_316 = arith.mulf %get3A_315, %get3A_94 : vector<16xf32>
        %add3A_317 = arith.addf %mul3A_309, %mul3A_316 : vector<16xf32>
        %add3A_318 = arith.constant 32 : i32
        %add3A_319 = arith.addi %add3A_318, %scan3A_84 : i32
        %get3A_320 = arith.index_cast %add3A_319 : i32 to index
        %get3A_321 = arith.constant 128 : index
        %get3A_322 = tpu.vector_load %arg17[%get3A_320, %get3A_321] {strides = array<i32>} : memref<48x512xf32, #tpu.memory_space<vmem>>, vector<1x16xf32>,
        %get3A_323 = vector.shape_cast %get3A_322 : vector<1x16xf32> to vector<16xf32>
        %mul3A_324 = arith.mulf %get3A_323, %get3A_97 : vector<16xf32>
        %add3A_325 = arith.addf %add3A_317, %mul3A_324 : vector<16xf32>
        %swap3A_326 = arith.index_cast %scan3A_84 : i32 to index
        %swap3A_327 = arith.constant 128 : index
        %swap3A_328 = tpu.vector_load %arg18[%swap3A_326, %swap3A_327] {strides = array<i32>} : memref<16x512xf32, #tpu.memory_space<vmem>>, vector<1x16xf32>,
        %swap3A_329 = vector.shape_cast %swap3A_328 : vector<1x16xf32> to vector<16xf32>
        %swap3A_330 = vector.shape_cast %add3A_325 : vector<16xf32> to vector<1x16xf32>
        tpu.vector_store %arg18[%swap3A_326, %swap3A_327], %swap3A_330 {strides = array<i32>} : memref<16x512xf32, #tpu.memory_space<vmem>>, vector<1x16xf32>,
        %get3A_331 = arith.index_cast %scan3A_84 : i32 to index
        %get3A_332 = arith.constant 144 : index
        %get3A_333 = tpu.vector_load %arg17[%get3A_331, %get3A_332] {strides = array<i32>} : memref<48x512xf32, #tpu.memory_space<vmem>>, vector<1x16xf32>,
        %get3A_334 = vector.shape_cast %get3A_333 : vector<1x16xf32> to vector<16xf32>
        %mul3A_335 = arith.mulf %get3A_334, %get3A_91 : vector<16xf32>
        %add3A_336 = arith.constant 16 : i32
        %add3A_337 = arith.addi %add3A_336, %scan3A_84 : i32
        %get3A_338 = arith.index_cast %add3A_337 : i32 to index
        %get3A_339 = arith.constant 144 : index
        %get3A_340 = tpu.vector_load %arg17[%get3A_338, %get3A_339] {strides = array<i32>} : memref<48x512xf32, #tpu.memory_space<vmem>>, vector<1x16xf32>,
        %get3A_341 = vector.shape_cast %get3A_340 : vector<1x16xf32> to vector<16xf32>
        %mul3A_342 = arith.mulf %get3A_341, %get3A_94 : vector<16xf32>
        %add3A_343 = arith.addf %mul3A_335, %mul3A_342 : vector<16xf32>
        %add3A_344 = arith.constant 32 : i32
        %add3A_345 = arith.addi %add3A_344, %scan3A_84 : i32
        %get3A_346 = arith.index_cast %add3A_345 : i32 to index
        %get3A_347 = arith.constant 144 : index
        %get3A_348 = tpu.vector_load %arg17[%get3A_346, %get3A_347] {strides = array<i32>} : memref<48x512xf32, #tpu.memory_space<vmem>>, vector<1x16xf32>,
        %get3A_349 = vector.shape_cast %get3A_348 : vector<1x16xf32> to vector<16xf32>
        %mul3A_350 = arith.mulf %get3A_349, %get3A_97 : vector<16xf32>
        %add3A_351 = arith.addf %add3A_343, %mul3A_350 : vector<16xf32>
        %swap3A_352 = arith.index_cast %scan3A_84 : i32 to index
        %swap3A_353 = arith.constant 144 : index
        %swap3A_354 = tpu.vector_load %arg18[%swap3A_352, %swap3A_353] {strides = array<i32>} : memref<16x512xf32, #tpu.memory_space<vmem>>, vector<1x16xf32>,
        %swap3A_355 = vector.shape_cast %swap3A_354 : vector<1x16xf32> to vector<16xf32>
        %swap3A_356 = vector.shape_cast %add3A_351 : vector<16xf32> to vector<1x16xf32>
        tpu.vector_store %arg18[%swap3A_352, %swap3A_353], %swap3A_356 {strides = array<i32>} : memref<16x512xf32, #tpu.memory_space<vmem>>, vector<1x16xf32>,
        %get3A_357 = arith.index_cast %scan3A_84 : i32 to index
        %get3A_358 = arith.constant 160 : index
        %get3A_359 = tpu.vector_load %arg17[%get3A_357, %get3A_358] {strides = array<i32>} : memref<48x512xf32, #tpu.memory_space<vmem>>, vector<1x16xf32>,
        %get3A_360 = vector.shape_cast %get3A_359 : vector<1x16xf32> to vector<16xf32>
        %mul3A_361 = arith.mulf %get3A_360, %get3A_91 : vector<16xf32>
        %add3A_362 = arith.constant 16 : i32
        %add3A_363 = arith.addi %add3A_362, %scan3A_84 : i32
        %get3A_364 = arith.index_cast %add3A_363 : i32 to index
        %get3A_365 = arith.constant 160 : index
        %get3A_366 = tpu.vector_load %arg17[%get3A_364, %get3A_365] {strides = array<i32>} : memref<48x512xf32, #tpu.memory_space<vmem>>, vector<1x16xf32>,
        %get3A_367 = vector.shape_cast %get3A_366 : vector<1x16xf32> to vector<16xf32>
        %mul3A_368 = arith.mulf %get3A_367, %get3A_94 : vector<16xf32>
        %add3A_369 = arith.addf %mul3A_361, %mul3A_368 : vector<16xf32>
        %add3A_370 = arith.constant 32 : i32
        %add3A_371 = arith.addi %add3A_370, %scan3A_84 : i32
        %get3A_372 = arith.index_cast %add3A_371 : i32 to index
        %get3A_373 = arith.constant 160 : index
        %get3A_374 = tpu.vector_load %arg17[%get3A_372, %get3A_373] {strides = array<i32>} : memref<48x512xf32, #tpu.memory_space<vmem>>, vector<1x16xf32>,
        %get3A_375 = vector.shape_cast %get3A_374 : vector<1x16xf32> to vector<16xf32>
        %mul3A_376 = arith.mulf %get3A_375, %get3A_97 : vector<16xf32>
        %add3A_377 = arith.addf %add3A_369, %mul3A_376 : vector<16xf32>
        %swap3A_378 = arith.index_cast %scan3A_84 : i32 to index
        %swap3A_379 = arith.constant 160 : index
        %swap3A_380 = tpu.vector_load %arg18[%swap3A_378, %swap3A_379] {strides = array<i32>} : memref<16x512xf32, #tpu.memory_space<vmem>>, vector<1x16xf32>,
        %swap3A_381 = vector.shape_cast %swap3A_380 : vector<1x16xf32> to vector<16xf32>
        %swap3A_382 = vector.shape_cast %add3A_377 : vector<16xf32> to vector<1x16xf32>
        tpu.vector_store %arg18[%swap3A_378, %swap3A_379], %swap3A_382 {strides = array<i32>} : memref<16x512xf32, #tpu.memory_space<vmem>>, vector<1x16xf32>,
        %get3A_383 = arith.index_cast %scan3A_84 : i32 to index
        %get3A_384 = arith.constant 176 : index
        %get3A_385 = tpu.vector_load %arg17[%get3A_383, %get3A_384] {strides = array<i32>} : memref<48x512xf32, #tpu.memory_space<vmem>>, vector<1x16xf32>,
        %get3A_386 = vector.shape_cast %get3A_385 : vector<1x16xf32> to vector<16xf32>
        %mul3A_387 = arith.mulf %get3A_386, %get3A_91 : vector<16xf32>
        %add3A_388 = arith.constant 16 : i32
        %add3A_389 = arith.addi %add3A_388, %scan3A_84 : i32
        %get3A_390 = arith.index_cast %add3A_389 : i32 to index
        %get3A_391 = arith.constant 176 : index
        %get3A_392 = tpu.vector_load %arg17[%get3A_390, %get3A_391] {strides = array<i32>} : memref<48x512xf32, #tpu.memory_space<vmem>>, vector<1x16xf32>,
        %get3A_393 = vector.shape_cast %get3A_392 : vector<1x16xf32> to vector<16xf32>
        %mul3A_394 = arith.mulf %get3A_393, %get3A_94 : vector<16xf32>
        %add3A_395 = arith.addf %mul3A_387, %mul3A_394 : vector<16xf32>
        %add3A_396 = arith.constant 32 : i32
        %add3A_397 = arith.addi %add3A_396, %scan3A_84 : i32
        %get3A_398 = arith.index_cast %add3A_397 : i32 to index
        %get3A_399 = arith.constant 176 : index
        %get3A_400 = tpu.vector_load %arg17[%get3A_398, %get3A_399] {strides = array<i32>} : memref<48x512xf32, #tpu.memory_space<vmem>>, vector<1x16xf32>,
        %get3A_401 = vector.shape_cast %get3A_400 : vector<1x16xf32> to vector<16xf32>
        %mul3A_402 = arith.mulf %get3A_401, %get3A_97 : vector<16xf32>
        %add3A_403 = arith.addf %add3A_395, %mul3A_402 : vector<16xf32>
        %swap3A_404 = arith.index_cast %scan3A_84 : i32 to index
        %swap3A_405 = arith.constant 176 : index
        %swap3A_406 = tpu.vector_load %arg18[%swap3A_404, %swap3A_405] {strides = array<i32>} : memref<16x512xf32, #tpu.memory_space<vmem>>, vector<1x16xf32>,
        %swap3A_407 = vector.shape_cast %swap3A_406 : vector<1x16xf32> to vector<16xf32>
        %swap3A_408 = vector.shape_cast %add3A_403 : vector<16xf32> to vector<1x16xf32>
        tpu.vector_store %arg18[%swap3A_404, %swap3A_405], %swap3A_408 {strides = array<i32>} : memref<16x512xf32, #tpu.memory_space<vmem>>, vector<1x16xf32>,
        %get3A_409 = arith.index_cast %scan3A_84 : i32 to index
        %get3A_410 = arith.constant 192 : index
        %get3A_411 = tpu.vector_load %arg17[%get3A_409, %get3A_410] {strides = array<i32>} : memref<48x512xf32, #tpu.memory_space<vmem>>, vector<1x16xf32>,
        %get3A_412 = vector.shape_cast %get3A_411 : vector<1x16xf32> to vector<16xf32>
        %mul3A_413 = arith.mulf %get3A_412, %get3A_91 : vector<16xf32>
        %add3A_414 = arith.constant 16 : i32
        %add3A_415 = arith.addi %add3A_414, %scan3A_84 : i32
        %get3A_416 = arith.index_cast %add3A_415 : i32 to index
        %get3A_417 = arith.constant 192 : index
        %get3A_418 = tpu.vector_load %arg17[%get3A_416, %get3A_417] {strides = array<i32>} : memref<48x512xf32, #tpu.memory_space<vmem>>, vector<1x16xf32>,
        %get3A_419 = vector.shape_cast %get3A_418 : vector<1x16xf32> to vector<16xf32>
        %mul3A_420 = arith.mulf %get3A_419, %get3A_94 : vector<16xf32>
        %add3A_421 = arith.addf %mul3A_413, %mul3A_420 : vector<16xf32>
        %add3A_422 = arith.constant 32 : i32
        %add3A_423 = arith.addi %add3A_422, %scan3A_84 : i32
        %get3A_424 = arith.index_cast %add3A_423 : i32 to index
        %get3A_425 = arith.constant 192 : index
        %get3A_426 = tpu.vector_load %arg17[%get3A_424, %get3A_425] {strides = array<i32>} : memref<48x512xf32, #tpu.memory_space<vmem>>, vector<1x16xf32>,
        %get3A_427 = vector.shape_cast %get3A_426 : vector<1x16xf32> to vector<16xf32>
        %mul3A_428 = arith.mulf %get3A_427, %get3A_97 : vector<16xf32>
        %add3A_429 = arith.addf %add3A_421, %mul3A_428 : vector<16xf32>
        %swap3A_430 = arith.index_cast %scan3A_84 : i32 to index
        %swap3A_431 = arith.constant 192 : index
        %swap3A_432 = tpu.vector_load %arg18[%swap3A_430, %swap3A_431] {strides = array<i32>} : memref<16x512xf32, #tpu.memory_space<vmem>>, vector<1x16xf32>,
        %swap3A_433 = vector.shape_cast %swap3A_432 : vector<1x16xf32> to vector<16xf32>
        %swap3A_434 = vector.shape_cast %add3A_429 : vector<16xf32> to vector<1x16xf32>
        tpu.vector_store %arg18[%swap3A_430, %swap3A_431], %swap3A_434 {strides = array<i32>} : memref<16x512xf32, #tpu.memory_space<vmem>>, vector<1x16xf32>,
        %get3A_435 = arith.index_cast %scan3A_84 : i32 to index
        %get3A_436 = arith.constant 208 : index
        %get3A_437 = tpu.vector_load %arg17[%get3A_435, %get3A_436] {strides = array<i32>} : memref<48x512xf32, #tpu.memory_space<vmem>>, vector<1x16xf32>,
        %get3A_438 = vector.shape_cast %get3A_437 : vector<1x16xf32> to vector<16xf32>
        %mul3A_439 = arith.mulf %get3A_438, %get3A_91 : vector<16xf32>
        %add3A_440 = arith.constant 16 : i32
        %add3A_441 = arith.addi %add3A_440, %scan3A_84 : i32
        %get3A_442 = arith.index_cast %add3A_441 : i32 to index
        %get3A_443 = arith.constant 208 : index
        %get3A_444 = tpu.vector_load %arg17[%get3A_442, %get3A_443] {strides = array<i32>} : memref<48x512xf32, #tpu.memory_space<vmem>>, vector<1x16xf32>,
        %get3A_445 = vector.shape_cast %get3A_444 : vector<1x16xf32> to vector<16xf32>
        %mul3A_446 = arith.mulf %get3A_445, %get3A_94 : vector<16xf32>
        %add3A_447 = arith.addf %mul3A_439, %mul3A_446 : vector<16xf32>
        %add3A_448 = arith.constant 32 : i32
        %add3A_449 = arith.addi %add3A_448, %scan3A_84 : i32
        %get3A_450 = arith.index_cast %add3A_449 : i32 to index
        %get3A_451 = arith.constant 208 : index
        %get3A_452 = tpu.vector_load %arg17[%get3A_450, %get3A_451] {strides = array<i32>} : memref<48x512xf32, #tpu.memory_space<vmem>>, vector<1x16xf32>,
        %get3A_453 = vector.shape_cast %get3A_452 : vector<1x16xf32> to vector<16xf32>
        %mul3A_454 = arith.mulf %get3A_453, %get3A_97 : vector<16xf32>
        %add3A_455 = arith.addf %add3A_447, %mul3A_454 : vector<16xf32>
        %swap3A_456 = arith.index_cast %scan3A_84 : i32 to index
        %swap3A_457 = arith.constant 208 : index
        %swap3A_458 = tpu.vector_load %arg18[%swap3A_456, %swap3A_457] {strides = array<i32>} : memref<16x512xf32, #tpu.memory_space<vmem>>, vector<1x16xf32>,
        %swap3A_459 = vector.shape_cast %swap3A_458 : vector<1x16xf32> to vector<16xf32>
        %swap3A_460 = vector.shape_cast %add3A_455 : vector<16xf32> to vector<1x16xf32>
        tpu.vector_store %arg18[%swap3A_456, %swap3A_457], %swap3A_460 {strides = array<i32>} : memref<16x512xf32, #tpu.memory_space<vmem>>, vector<1x16xf32>,
        %get3A_461 = arith.index_cast %scan3A_84 : i32 to index
        %get3A_462 = arith.constant 224 : index
        %get3A_463 = tpu.vector_load %arg17[%get3A_461, %get3A_462] {strides = array<i32>} : memref<48x512xf32, #tpu.memory_space<vmem>>, vector<1x16xf32>,
        %get3A_464 = vector.shape_cast %get3A_463 : vector<1x16xf32> to vector<16xf32>
        %mul3A_465 = arith.mulf %get3A_464, %get3A_91 : vector<16xf32>
        %add3A_466 = arith.constant 16 : i32
        %add3A_467 = arith.addi %add3A_466, %scan3A_84 : i32
        %get3A_468 = arith.index_cast %add3A_467 : i32 to index
        %get3A_469 = arith.constant 224 : index
        %get3A_470 = tpu.vector_load %arg17[%get3A_468, %get3A_469] {strides = array<i32>} : memref<48x512xf32, #tpu.memory_space<vmem>>, vector<1x16xf32>,
        %get3A_471 = vector.shape_cast %get3A_470 : vector<1x16xf32> to vector<16xf32>
        %mul3A_472 = arith.mulf %get3A_471, %get3A_94 : vector<16xf32>
        %add3A_473 = arith.addf %mul3A_465, %mul3A_472 : vector<16xf32>
        %add3A_474 = arith.constant 32 : i32
        %add3A_475 = arith.addi %add3A_474, %scan3A_84 : i32
        %get3A_476 = arith.index_cast %add3A_475 : i32 to index
        %get3A_477 = arith.constant 224 : index
        %get3A_478 = tpu.vector_load %arg17[%get3A_476, %get3A_477] {strides = array<i32>} : memref<48x512xf32, #tpu.memory_space<vmem>>, vector<1x16xf32>,
        %get3A_479 = vector.shape_cast %get3A_478 : vector<1x16xf32> to vector<16xf32>
        %mul3A_480 = arith.mulf %get3A_479, %get3A_97 : vector<16xf32>
        %add3A_481 = arith.addf %add3A_473, %mul3A_480 : vector<16xf32>
        %swap3A_482 = arith.index_cast %scan3A_84 : i32 to index
        %swap3A_483 = arith.constant 224 : index
        %swap3A_484 = tpu.vector_load %arg18[%swap3A_482, %swap3A_483] {strides = array<i32>} : memref<16x512xf32, #tpu.memory_space<vmem>>, vector<1x16xf32>,
        %swap3A_485 = vector.shape_cast %swap3A_484 : vector<1x16xf32> to vector<16xf32>
        %swap3A_486 = vector.shape_cast %add3A_481 : vector<16xf32> to vector<1x16xf32>
        tpu.vector_store %arg18[%swap3A_482, %swap3A_483], %swap3A_486 {strides = array<i32>} : memref<16x512xf32, #tpu.memory_space<vmem>>, vector<1x16xf32>,
        %get3A_487 = arith.index_cast %scan3A_84 : i32 to index
        %get3A_488 = arith.constant 240 : index
        %get3A_489 = tpu.vector_load %arg17[%get3A_487, %get3A_488] {strides = array<i32>} : memref<48x512xf32, #tpu.memory_space<vmem>>, vector<1x16xf32>,
        %get3A_490 = vector.shape_cast %get3A_489 : vector<1x16xf32> to vector<16xf32>
        %mul3A_491 = arith.mulf %get3A_490, %get3A_91 : vector<16xf32>
        %add3A_492 = arith.constant 16 : i32
        %add3A_493 = arith.addi %add3A_492, %scan3A_84 : i32
        %get3A_494 = arith.index_cast %add3A_493 : i32 to index
        %get3A_495 = arith.constant 240 : index
        %get3A_496 = tpu.vector_load %arg17[%get3A_494, %get3A_495] {strides = array<i32>} : memref<48x512xf32, #tpu.memory_space<vmem>>, vector<1x16xf32>,
        %get3A_497 = vector.shape_cast %get3A_496 : vector<1x16xf32> to vector<16xf32>
        %mul3A_498 = arith.mulf %get3A_497, %get3A_94 : vector<16xf32>
        %add3A_499 = arith.addf %mul3A_491, %mul3A_498 : vector<16xf32>
        %add3A_500 = arith.constant 32 : i32
        %add3A_501 = arith.addi %add3A_500, %scan3A_84 : i32
        %get3A_502 = arith.index_cast %add3A_501 : i32 to index
        %get3A_503 = arith.constant 240 : index
        %get3A_504 = tpu.vector_load %arg17[%get3A_502, %get3A_503] {strides = array<i32>} : memref<48x512xf32, #tpu.memory_space<vmem>>, vector<1x16xf32>,
        %get3A_505 = vector.shape_cast %get3A_504 : vector<1x16xf32> to vector<16xf32>
        %mul3A_506 = arith.mulf %get3A_505, %get3A_97 : vector<16xf32>
        %add3A_507 = arith.addf %add3A_499, %mul3A_506 : vector<16xf32>
        %swap3A_508 = arith.index_cast %scan3A_84 : i32 to index
        %swap3A_509 = arith.constant 240 : index
        %swap3A_510 = tpu.vector_load %arg18[%swap3A_508, %swap3A_509] {strides = array<i32>} : memref<16x512xf32, #tpu.memory_space<vmem>>, vector<1x16xf32>,
        %swap3A_511 = vector.shape_cast %swap3A_510 : vector<1x16xf32> to vector<16xf32>
        %swap3A_512 = vector.shape_cast %add3A_507 : vector<16xf32> to vector<1x16xf32>
        tpu.vector_store %arg18[%swap3A_508, %swap3A_509], %swap3A_512 {strides = array<i32>} : memref<16x512xf32, #tpu.memory_space<vmem>>, vector<1x16xf32>,
        %get3A_513 = arith.index_cast %scan3A_84 : i32 to index
        %get3A_514 = arith.constant 256 : index
        %get3A_515 = tpu.vector_load %arg17[%get3A_513, %get3A_514] {strides = array<i32>} : memref<48x512xf32, #tpu.memory_space<vmem>>, vector<1x16xf32>,
        %get3A_516 = vector.shape_cast %get3A_515 : vector<1x16xf32> to vector<16xf32>
        %mul3A_517 = arith.mulf %get3A_516, %get3A_91 : vector<16xf32>
        %add3A_518 = arith.constant 16 : i32
        %add3A_519 = arith.addi %add3A_518, %scan3A_84 : i32
        %get3A_520 = arith.index_cast %add3A_519 : i32 to index
        %get3A_521 = arith.constant 256 : index
        %get3A_522 = tpu.vector_load %arg17[%get3A_520, %get3A_521] {strides = array<i32>} : memref<48x512xf32, #tpu.memory_space<vmem>>, vector<1x16xf32>,
        %get3A_523 = vector.shape_cast %get3A_522 : vector<1x16xf32> to vector<16xf32>
        %mul3A_524 = arith.mulf %get3A_523, %get3A_94 : vector<16xf32>
        %add3A_525 = arith.addf %mul3A_517, %mul3A_524 : vector<16xf32>
        %add3A_526 = arith.constant 32 : i32
        %add3A_527 = arith.addi %add3A_526, %scan3A_84 : i32
        %get3A_528 = arith.index_cast %add3A_527 : i32 to index
        %get3A_529 = arith.constant 256 : index
        %get3A_530 = tpu.vector_load %arg17[%get3A_528, %get3A_529] {strides = array<i32>} : memref<48x512xf32, #tpu.memory_space<vmem>>, vector<1x16xf32>,
        %get3A_531 = vector.shape_cast %get3A_530 : vector<1x16xf32> to vector<16xf32>
        %mul3A_532 = arith.mulf %get3A_531, %get3A_97 : vector<16xf32>
        %add3A_533 = arith.addf %add3A_525, %mul3A_532 : vector<16xf32>
        %swap3A_534 = arith.index_cast %scan3A_84 : i32 to index
        %swap3A_535 = arith.constant 256 : index
        %swap3A_536 = tpu.vector_load %arg18[%swap3A_534, %swap3A_535] {strides = array<i32>} : memref<16x512xf32, #tpu.memory_space<vmem>>, vector<1x16xf32>,
        %swap3A_537 = vector.shape_cast %swap3A_536 : vector<1x16xf32> to vector<16xf32>
        %swap3A_538 = vector.shape_cast %add3A_533 : vector<16xf32> to vector<1x16xf32>
        tpu.vector_store %arg18[%swap3A_534, %swap3A_535], %swap3A_538 {strides = array<i32>} : memref<16x512xf32, #tpu.memory_space<vmem>>, vector<1x16xf32>,
        %get3A_539 = arith.index_cast %scan3A_84 : i32 to index
        %get3A_540 = arith.constant 272 : index
        %get3A_541 = tpu.vector_load %arg17[%get3A_539, %get3A_540] {strides = array<i32>} : memref<48x512xf32, #tpu.memory_space<vmem>>, vector<1x16xf32>,
        %get3A_542 = vector.shape_cast %get3A_541 : vector<1x16xf32> to vector<16xf32>
        %mul3A_543 = arith.mulf %get3A_542, %get3A_91 : vector<16xf32>
        %add3A_544 = arith.constant 16 : i32
        %add3A_545 = arith.addi %add3A_544, %scan3A_84 : i32
        %get3A_546 = arith.index_cast %add3A_545 : i32 to index
        %get3A_547 = arith.constant 272 : index
        %get3A_548 = tpu.vector_load %arg17[%get3A_546, %get3A_547] {strides = array<i32>} : memref<48x512xf32, #tpu.memory_space<vmem>>, vector<1x16xf32>,
        %get3A_549 = vector.shape_cast %get3A_548 : vector<1x16xf32> to vector<16xf32>
        %mul3A_550 = arith.mulf %get3A_549, %get3A_94 : vector<16xf32>
        %add3A_551 = arith.addf %mul3A_543, %mul3A_550 : vector<16xf32>
        %add3A_552 = arith.constant 32 : i32
        %add3A_553 = arith.addi %add3A_552, %scan3A_84 : i32
        %get3A_554 = arith.index_cast %add3A_553 : i32 to index
        %get3A_555 = arith.constant 272 : index
        %get3A_556 = tpu.vector_load %arg17[%get3A_554, %get3A_555] {strides = array<i32>} : memref<48x512xf32, #tpu.memory_space<vmem>>, vector<1x16xf32>,
        %get3A_557 = vector.shape_cast %get3A_556 : vector<1x16xf32> to vector<16xf32>
        %mul3A_558 = arith.mulf %get3A_557, %get3A_97 : vector<16xf32>
        %add3A_559 = arith.addf %add3A_551, %mul3A_558 : vector<16xf32>
        %swap3A_560 = arith.index_cast %scan3A_84 : i32 to index
        %swap3A_561 = arith.constant 272 : index
        %swap3A_562 = tpu.vector_load %arg18[%swap3A_560, %swap3A_561] {strides = array<i32>} : memref<16x512xf32, #tpu.memory_space<vmem>>, vector<1x16xf32>,
        %swap3A_563 = vector.shape_cast %swap3A_562 : vector<1x16xf32> to vector<16xf32>
        %swap3A_564 = vector.shape_cast %add3A_559 : vector<16xf32> to vector<1x16xf32>
        tpu.vector_store %arg18[%swap3A_560, %swap3A_561], %swap3A_564 {strides = array<i32>} : memref<16x512xf32, #tpu.memory_space<vmem>>, vector<1x16xf32>,
        %get3A_565 = arith.index_cast %scan3A_84 : i32 to index
        %get3A_566 = arith.constant 288 : index
        %get3A_567 = tpu.vector_load %arg17[%get3A_565, %get3A_566] {strides = array<i32>} : memref<48x512xf32, #tpu.memory_space<vmem>>, vector<1x16xf32>,
        %get3A_568 = vector.shape_cast %get3A_567 : vector<1x16xf32> to vector<16xf32>
        %mul3A_569 = arith.mulf %get3A_568, %get3A_91 : vector<16xf32>
        %add3A_570 = arith.constant 16 : i32
        %add3A_571 = arith.addi %add3A_570, %scan3A_84 : i32
        %get3A_572 = arith.index_cast %add3A_571 : i32 to index
        %get3A_573 = arith.constant 288 : index
        %get3A_574 = tpu.vector_load %arg17[%get3A_572, %get3A_573] {strides = array<i32>} : memref<48x512xf32, #tpu.memory_space<vmem>>, vector<1x16xf32>,
        %get3A_575 = vector.shape_cast %get3A_574 : vector<1x16xf32> to vector<16xf32>
        %mul3A_576 = arith.mulf %get3A_575, %get3A_94 : vector<16xf32>
        %add3A_577 = arith.addf %mul3A_569, %mul3A_576 : vector<16xf32>
        %add3A_578 = arith.constant 32 : i32
        %add3A_579 = arith.addi %add3A_578, %scan3A_84 : i32
        %get3A_580 = arith.index_cast %add3A_579 : i32 to index
        %get3A_581 = arith.constant 288 : index
        %get3A_582 = tpu.vector_load %arg17[%get3A_580, %get3A_581] {strides = array<i32>} : memref<48x512xf32, #tpu.memory_space<vmem>>, vector<1x16xf32>,
        %get3A_583 = vector.shape_cast %get3A_582 : vector<1x16xf32> to vector<16xf32>
        %mul3A_584 = arith.mulf %get3A_583, %get3A_97 : vector<16xf32>
        %add3A_585 = arith.addf %add3A_577, %mul3A_584 : vector<16xf32>
        %swap3A_586 = arith.index_cast %scan3A_84 : i32 to index
        %swap3A_587 = arith.constant 288 : index
        %swap3A_588 = tpu.vector_load %arg18[%swap3A_586, %swap3A_587] {strides = array<i32>} : memref<16x512xf32, #tpu.memory_space<vmem>>, vector<1x16xf32>,
        %swap3A_589 = vector.shape_cast %swap3A_588 : vector<1x16xf32> to vector<16xf32>
        %swap3A_590 = vector.shape_cast %add3A_585 : vector<16xf32> to vector<1x16xf32>
        tpu.vector_store %arg18[%swap3A_586, %swap3A_587], %swap3A_590 {strides = array<i32>} : memref<16x512xf32, #tpu.memory_space<vmem>>, vector<1x16xf32>,
        %get3A_591 = arith.index_cast %scan3A_84 : i32 to index
        %get3A_592 = arith.constant 304 : index
        %get3A_593 = tpu.vector_load %arg17[%get3A_591, %get3A_592] {strides = array<i32>} : memref<48x512xf32, #tpu.memory_space<vmem>>, vector<1x16xf32>,
        %get3A_594 = vector.shape_cast %get3A_593 : vector<1x16xf32> to vector<16xf32>
        %mul3A_595 = arith.mulf %get3A_594, %get3A_91 : vector<16xf32>
        %add3A_596 = arith.constant 16 : i32
        %add3A_597 = arith.addi %add3A_596, %scan3A_84 : i32
        %get3A_598 = arith.index_cast %add3A_597 : i32 to index
        %get3A_599 = arith.constant 304 : index
        %get3A_600 = tpu.vector_load %arg17[%get3A_598, %get3A_599] {strides = array<i32>} : memref<48x512xf32, #tpu.memory_space<vmem>>, vector<1x16xf32>,
        %get3A_601 = vector.shape_cast %get3A_600 : vector<1x16xf32> to vector<16xf32>
        %mul3A_602 = arith.mulf %get3A_601, %get3A_94 : vector<16xf32>
        %add3A_603 = arith.addf %mul3A_595, %mul3A_602 : vector<16xf32>
        %add3A_604 = arith.constant 32 : i32
        %add3A_605 = arith.addi %add3A_604, %scan3A_84 : i32
        %get3A_606 = arith.index_cast %add3A_605 : i32 to index
        %get3A_607 = arith.constant 304 : index
        %get3A_608 = tpu.vector_load %arg17[%get3A_606, %get3A_607] {strides = array<i32>} : memref<48x512xf32, #tpu.memory_space<vmem>>, vector<1x16xf32>,
        %get3A_609 = vector.shape_cast %get3A_608 : vector<1x16xf32> to vector<16xf32>
        %mul3A_610 = arith.mulf %get3A_609, %get3A_97 : vector<16xf32>
        %add3A_611 = arith.addf %add3A_603, %mul3A_610 : vector<16xf32>
        %swap3A_612 = arith.index_cast %scan3A_84 : i32 to index
        %swap3A_613 = arith.constant 304 : index
        %swap3A_614 = tpu.vector_load %arg18[%swap3A_612, %swap3A_613] {strides = array<i32>} : memref<16x512xf32, #tpu.memory_space<vmem>>, vector<1x16xf32>,
        %swap3A_615 = vector.shape_cast %swap3A_614 : vector<1x16xf32> to vector<16xf32>
        %swap3A_616 = vector.shape_cast %add3A_611 : vector<16xf32> to vector<1x16xf32>
        tpu.vector_store %arg18[%swap3A_612, %swap3A_613], %swap3A_616 {strides = array<i32>} : memref<16x512xf32, #tpu.memory_space<vmem>>, vector<1x16xf32>,
        %get3A_617 = arith.index_cast %scan3A_84 : i32 to index
        %get3A_618 = arith.constant 320 : index
        %get3A_619 = tpu.vector_load %arg17[%get3A_617, %get3A_618] {strides = array<i32>} : memref<48x512xf32, #tpu.memory_space<vmem>>, vector<1x16xf32>,
        %get3A_620 = vector.shape_cast %get3A_619 : vector<1x16xf32> to vector<16xf32>
        %mul3A_621 = arith.mulf %get3A_620, %get3A_91 : vector<16xf32>
        %add3A_622 = arith.constant 16 : i32
        %add3A_623 = arith.addi %add3A_622, %scan3A_84 : i32
        %get3A_624 = arith.index_cast %add3A_623 : i32 to index
        %get3A_625 = arith.constant 320 : index
        %get3A_626 = tpu.vector_load %arg17[%get3A_624, %get3A_625] {strides = array<i32>} : memref<48x512xf32, #tpu.memory_space<vmem>>, vector<1x16xf32>,
        %get3A_627 = vector.shape_cast %get3A_626 : vector<1x16xf32> to vector<16xf32>
        %mul3A_628 = arith.mulf %get3A_627, %get3A_94 : vector<16xf32>
        %add3A_629 = arith.addf %mul3A_621, %mul3A_628 : vector<16xf32>
        %add3A_630 = arith.constant 32 : i32
        %add3A_631 = arith.addi %add3A_630, %scan3A_84 : i32
        %get3A_632 = arith.index_cast %add3A_631 : i32 to index
        %get3A_633 = arith.constant 320 : index
        %get3A_634 = tpu.vector_load %arg17[%get3A_632, %get3A_633] {strides = array<i32>} : memref<48x512xf32, #tpu.memory_space<vmem>>, vector<1x16xf32>,
        %get3A_635 = vector.shape_cast %get3A_634 : vector<1x16xf32> to vector<16xf32>
        %mul3A_636 = arith.mulf %get3A_635, %get3A_97 : vector<16xf32>
        %add3A_637 = arith.addf %add3A_629, %mul3A_636 : vector<16xf32>
        %swap3A_638 = arith.index_cast %scan3A_84 : i32 to index
        %swap3A_639 = arith.constant 320 : index
        %swap3A_640 = tpu.vector_load %arg18[%swap3A_638, %swap3A_639] {strides = array<i32>} : memref<16x512xf32, #tpu.memory_space<vmem>>, vector<1x16xf32>,
        %swap3A_641 = vector.shape_cast %swap3A_640 : vector<1x16xf32> to vector<16xf32>
        %swap3A_642 = vector.shape_cast %add3A_637 : vector<16xf32> to vector<1x16xf32>
        tpu.vector_store %arg18[%swap3A_638, %swap3A_639], %swap3A_642 {strides = array<i32>} : memref<16x512xf32, #tpu.memory_space<vmem>>, vector<1x16xf32>,
        %get3A_643 = arith.index_cast %scan3A_84 : i32 to index
        %get3A_644 = arith.constant 336 : index
        %get3A_645 = tpu.vector_load %arg17[%get3A_643, %get3A_644] {strides = array<i32>} : memref<48x512xf32, #tpu.memory_space<vmem>>, vector<1x16xf32>,
        %get3A_646 = vector.shape_cast %get3A_645 : vector<1x16xf32> to vector<16xf32>
        %mul3A_647 = arith.mulf %get3A_646, %get3A_91 : vector<16xf32>
        %add3A_648 = arith.constant 16 : i32
        %add3A_649 = arith.addi %add3A_648, %scan3A_84 : i32
        %get3A_650 = arith.index_cast %add3A_649 : i32 to index
        %get3A_651 = arith.constant 336 : index
        %get3A_652 = tpu.vector_load %arg17[%get3A_650, %get3A_651] {strides = array<i32>} : memref<48x512xf32, #tpu.memory_space<vmem>>, vector<1x16xf32>,
        %get3A_653 = vector.shape_cast %get3A_652 : vector<1x16xf32> to vector<16xf32>
        %mul3A_654 = arith.mulf %get3A_653, %get3A_94 : vector<16xf32>
        %add3A_655 = arith.addf %mul3A_647, %mul3A_654 : vector<16xf32>
        %add3A_656 = arith.constant 32 : i32
        %add3A_657 = arith.addi %add3A_656, %scan3A_84 : i32
        %get3A_658 = arith.index_cast %add3A_657 : i32 to index
        %get3A_659 = arith.constant 336 : index
        %get3A_660 = tpu.vector_load %arg17[%get3A_658, %get3A_659] {strides = array<i32>} : memref<48x512xf32, #tpu.memory_space<vmem>>, vector<1x16xf32>,
        %get3A_661 = vector.shape_cast %get3A_660 : vector<1x16xf32> to vector<16xf32>
        %mul3A_662 = arith.mulf %get3A_661, %get3A_97 : vector<16xf32>
        %add3A_663 = arith.addf %add3A_655, %mul3A_662 : vector<16xf32>
        %swap3A_664 = arith.index_cast %scan3A_84 : i32 to index
        %swap3A_665 = arith.constant 336 : index
        %swap3A_666 = tpu.vector_load %arg18[%swap3A_664, %swap3A_665] {strides = array<i32>} : memref<16x512xf32, #tpu.memory_space<vmem>>, vector<1x16xf32>,
        %swap3A_667 = vector.shape_cast %swap3A_666 : vector<1x16xf32> to vector<16xf32>
        %swap3A_668 = vector.shape_cast %add3A_663 : vector<16xf32> to vector<1x16xf32>
        tpu.vector_store %arg18[%swap3A_664, %swap3A_665], %swap3A_668 {strides = array<i32>} : memref<16x512xf32, #tpu.memory_space<vmem>>, vector<1x16xf32>,
        %get3A_669 = arith.index_cast %scan3A_84 : i32 to index
        %get3A_670 = arith.constant 352 : index
        %get3A_671 = tpu.vector_load %arg17[%get3A_669, %get3A_670] {strides = array<i32>} : memref<48x512xf32, #tpu.memory_space<vmem>>, vector<1x16xf32>,
        %get3A_672 = vector.shape_cast %get3A_671 : vector<1x16xf32> to vector<16xf32>
        %mul3A_673 = arith.mulf %get3A_672, %get3A_91 : vector<16xf32>
        %add3A_674 = arith.constant 16 : i32
        %add3A_675 = arith.addi %add3A_674, %scan3A_84 : i32
        %get3A_676 = arith.index_cast %add3A_675 : i32 to index
        %get3A_677 = arith.constant 352 : index
        %get3A_678 = tpu.vector_load %arg17[%get3A_676, %get3A_677] {strides = array<i32>} : memref<48x512xf32, #tpu.memory_space<vmem>>, vector<1x16xf32>,
        %get3A_679 = vector.shape_cast %get3A_678 : vector<1x16xf32> to vector<16xf32>
        %mul3A_680 = arith.mulf %get3A_679, %get3A_94 : vector<16xf32>
        %add3A_681 = arith.addf %mul3A_673, %mul3A_680 : vector<16xf32>
        %add3A_682 = arith.constant 32 : i32
        %add3A_683 = arith.addi %add3A_682, %scan3A_84 : i32
        %get3A_684 = arith.index_cast %add3A_683 : i32 to index
        %get3A_685 = arith.constant 352 : index
        %get3A_686 = tpu.vector_load %arg17[%get3A_684, %get3A_685] {strides = array<i32>} : memref<48x512xf32, #tpu.memory_space<vmem>>, vector<1x16xf32>,
        %get3A_687 = vector.shape_cast %get3A_686 : vector<1x16xf32> to vector<16xf32>
        %mul3A_688 = arith.mulf %get3A_687, %get3A_97 : vector<16xf32>
        %add3A_689 = arith.addf %add3A_681, %mul3A_688 : vector<16xf32>
        %swap3A_690 = arith.index_cast %scan3A_84 : i32 to index
        %swap3A_691 = arith.constant 352 : index
        %swap3A_692 = tpu.vector_load %arg18[%swap3A_690, %swap3A_691] {strides = array<i32>} : memref<16x512xf32, #tpu.memory_space<vmem>>, vector<1x16xf32>,
        %swap3A_693 = vector.shape_cast %swap3A_692 : vector<1x16xf32> to vector<16xf32>
        %swap3A_694 = vector.shape_cast %add3A_689 : vector<16xf32> to vector<1x16xf32>
        tpu.vector_store %arg18[%swap3A_690, %swap3A_691], %swap3A_694 {strides = array<i32>} : memref<16x512xf32, #tpu.memory_space<vmem>>, vector<1x16xf32>,
        %get3A_695 = arith.index_cast %scan3A_84 : i32 to index
        %get3A_696 = arith.constant 368 : index
        %get3A_697 = tpu.vector_load %arg17[%get3A_695, %get3A_696] {strides = array<i32>} : memref<48x512xf32, #tpu.memory_space<vmem>>, vector<1x16xf32>,
        %get3A_698 = vector.shape_cast %get3A_697 : vector<1x16xf32> to vector<16xf32>
        %mul3A_699 = arith.mulf %get3A_698, %get3A_91 : vector<16xf32>
        %add3A_700 = arith.constant 16 : i32
        %add3A_701 = arith.addi %add3A_700, %scan3A_84 : i32
        %get3A_702 = arith.index_cast %add3A_701 : i32 to index
        %get3A_703 = arith.constant 368 : index
        %get3A_704 = tpu.vector_load %arg17[%get3A_702, %get3A_703] {strides = array<i32>} : memref<48x512xf32, #tpu.memory_space<vmem>>, vector<1x16xf32>,
        %get3A_705 = vector.shape_cast %get3A_704 : vector<1x16xf32> to vector<16xf32>
        %mul3A_706 = arith.mulf %get3A_705, %get3A_94 : vector<16xf32>
        %add3A_707 = arith.addf %mul3A_699, %mul3A_706 : vector<16xf32>
        %add3A_708 = arith.constant 32 : i32
        %add3A_709 = arith.addi %add3A_708, %scan3A_84 : i32
        %get3A_710 = arith.index_cast %add3A_709 : i32 to index
        %get3A_711 = arith.constant 368 : index
        %get3A_712 = tpu.vector_load %arg17[%get3A_710, %get3A_711] {strides = array<i32>} : memref<48x512xf32, #tpu.memory_space<vmem>>, vector<1x16xf32>,
        %get3A_713 = vector.shape_cast %get3A_712 : vector<1x16xf32> to vector<16xf32>
        %mul3A_714 = arith.mulf %get3A_713, %get3A_97 : vector<16xf32>
        %add3A_715 = arith.addf %add3A_707, %mul3A_714 : vector<16xf32>
        %swap3A_716 = arith.index_cast %scan3A_84 : i32 to index
        %swap3A_717 = arith.constant 368 : index
        %swap3A_718 = tpu.vector_load %arg18[%swap3A_716, %swap3A_717] {strides = array<i32>} : memref<16x512xf32, #tpu.memory_space<vmem>>, vector<1x16xf32>,
        %swap3A_719 = vector.shape_cast %swap3A_718 : vector<1x16xf32> to vector<16xf32>
        %swap3A_720 = vector.shape_cast %add3A_715 : vector<16xf32> to vector<1x16xf32>
        tpu.vector_store %arg18[%swap3A_716, %swap3A_717], %swap3A_720 {strides = array<i32>} : memref<16x512xf32, #tpu.memory_space<vmem>>, vector<1x16xf32>,
        %get3A_721 = arith.index_cast %scan3A_84 : i32 to index
        %get3A_722 = arith.constant 384 : index
        %get3A_723 = tpu.vector_load %arg17[%get3A_721, %get3A_722] {strides = array<i32>} : memref<48x512xf32, #tpu.memory_space<vmem>>, vector<1x16xf32>,
        %get3A_724 = vector.shape_cast %get3A_723 : vector<1x16xf32> to vector<16xf32>
        %mul3A_725 = arith.mulf %get3A_724, %get3A_91 : vector<16xf32>
        %add3A_726 = arith.constant 16 : i32
        %add3A_727 = arith.addi %add3A_726, %scan3A_84 : i32
        %get3A_728 = arith.index_cast %add3A_727 : i32 to index
        %get3A_729 = arith.constant 384 : index
        %get3A_730 = tpu.vector_load %arg17[%get3A_728, %get3A_729] {strides = array<i32>} : memref<48x512xf32, #tpu.memory_space<vmem>>, vector<1x16xf32>,
        %get3A_731 = vector.shape_cast %get3A_730 : vector<1x16xf32> to vector<16xf32>
        %mul3A_732 = arith.mulf %get3A_731, %get3A_94 : vector<16xf32>
        %add3A_733 = arith.addf %mul3A_725, %mul3A_732 : vector<16xf32>
        %add3A_734 = arith.constant 32 : i32
        %add3A_735 = arith.addi %add3A_734, %scan3A_84 : i32
        %get3A_736 = arith.index_cast %add3A_735 : i32 to index
        %get3A_737 = arith.constant 384 : index
        %get3A_738 = tpu.vector_load %arg17[%get3A_736, %get3A_737] {strides = array<i32>} : memref<48x512xf32, #tpu.memory_space<vmem>>, vector<1x16xf32>,
        %get3A_739 = vector.shape_cast %get3A_738 : vector<1x16xf32> to vector<16xf32>
        %mul3A_740 = arith.mulf %get3A_739, %get3A_97 : vector<16xf32>
        %add3A_741 = arith.addf %add3A_733, %mul3A_740 : vector<16xf32>
        %swap3A_742 = arith.index_cast %scan3A_84 : i32 to index
        %swap3A_743 = arith.constant 384 : index
        %swap3A_744 = tpu.vector_load %arg18[%swap3A_742, %swap3A_743] {strides = array<i32>} : memref<16x512xf32, #tpu.memory_space<vmem>>, vector<1x16xf32>,
        %swap3A_745 = vector.shape_cast %swap3A_744 : vector<1x16xf32> to vector<16xf32>
        %swap3A_746 = vector.shape_cast %add3A_741 : vector<16xf32> to vector<1x16xf32>
        tpu.vector_store %arg18[%swap3A_742, %swap3A_743], %swap3A_746 {strides = array<i32>} : memref<16x512xf32, #tpu.memory_space<vmem>>, vector<1x16xf32>,
        %get3A_747 = arith.index_cast %scan3A_84 : i32 to index
        %get3A_748 = arith.constant 400 : index
        %get3A_749 = tpu.vector_load %arg17[%get3A_747, %get3A_748] {strides = array<i32>} : memref<48x512xf32, #tpu.memory_space<vmem>>, vector<1x16xf32>,
        %get3A_750 = vector.shape_cast %get3A_749 : vector<1x16xf32> to vector<16xf32>
        %mul3A_751 = arith.mulf %get3A_750, %get3A_91 : vector<16xf32>
        %add3A_752 = arith.constant 16 : i32
        %add3A_753 = arith.addi %add3A_752, %scan3A_84 : i32
        %get3A_754 = arith.index_cast %add3A_753 : i32 to index
        %get3A_755 = arith.constant 400 : index
        %get3A_756 = tpu.vector_load %arg17[%get3A_754, %get3A_755] {strides = array<i32>} : memref<48x512xf32, #tpu.memory_space<vmem>>, vector<1x16xf32>,
        %get3A_757 = vector.shape_cast %get3A_756 : vector<1x16xf32> to vector<16xf32>
        %mul3A_758 = arith.mulf %get3A_757, %get3A_94 : vector<16xf32>
        %add3A_759 = arith.addf %mul3A_751, %mul3A_758 : vector<16xf32>
        %add3A_760 = arith.constant 32 : i32
        %add3A_761 = arith.addi %add3A_760, %scan3A_84 : i32
        %get3A_762 = arith.index_cast %add3A_761 : i32 to index
        %get3A_763 = arith.constant 400 : index
        %get3A_764 = tpu.vector_load %arg17[%get3A_762, %get3A_763] {strides = array<i32>} : memref<48x512xf32, #tpu.memory_space<vmem>>, vector<1x16xf32>,
        %get3A_765 = vector.shape_cast %get3A_764 : vector<1x16xf32> to vector<16xf32>
        %mul3A_766 = arith.mulf %get3A_765, %get3A_97 : vector<16xf32>
        %add3A_767 = arith.addf %add3A_759, %mul3A_766 : vector<16xf32>
        %swap3A_768 = arith.index_cast %scan3A_84 : i32 to index
        %swap3A_769 = arith.constant 400 : index
        %swap3A_770 = tpu.vector_load %arg18[%swap3A_768, %swap3A_769] {strides = array<i32>} : memref<16x512xf32, #tpu.memory_space<vmem>>, vector<1x16xf32>,
        %swap3A_771 = vector.shape_cast %swap3A_770 : vector<1x16xf32> to vector<16xf32>
        %swap3A_772 = vector.shape_cast %add3A_767 : vector<16xf32> to vector<1x16xf32>
        tpu.vector_store %arg18[%swap3A_768, %swap3A_769], %swap3A_772 {strides = array<i32>} : memref<16x512xf32, #tpu.memory_space<vmem>>, vector<1x16xf32>,
        %get3A_773 = arith.index_cast %scan3A_84 : i32 to index
        %get3A_774 = arith.constant 416 : index
        %get3A_775 = tpu.vector_load %arg17[%get3A_773, %get3A_774] {strides = array<i32>} : memref<48x512xf32, #tpu.memory_space<vmem>>, vector<1x16xf32>,
        %get3A_776 = vector.shape_cast %get3A_775 : vector<1x16xf32> to vector<16xf32>
        %mul3A_777 = arith.mulf %get3A_776, %get3A_91 : vector<16xf32>
        %add3A_778 = arith.constant 16 : i32
        %add3A_779 = arith.addi %add3A_778, %scan3A_84 : i32
        %get3A_780 = arith.index_cast %add3A_779 : i32 to index
        %get3A_781 = arith.constant 416 : index
        %get3A_782 = tpu.vector_load %arg17[%get3A_780, %get3A_781] {strides = array<i32>} : memref<48x512xf32, #tpu.memory_space<vmem>>, vector<1x16xf32>,
        %get3A_783 = vector.shape_cast %get3A_782 : vector<1x16xf32> to vector<16xf32>
        %mul3A_784 = arith.mulf %get3A_783, %get3A_94 : vector<16xf32>
        %add3A_785 = arith.addf %mul3A_777, %mul3A_784 : vector<16xf32>
        %add3A_786 = arith.constant 32 : i32
        %add3A_787 = arith.addi %add3A_786, %scan3A_84 : i32
        %get3A_788 = arith.index_cast %add3A_787 : i32 to index
        %get3A_789 = arith.constant 416 : index
        %get3A_790 = tpu.vector_load %arg17[%get3A_788, %get3A_789] {strides = array<i32>} : memref<48x512xf32, #tpu.memory_space<vmem>>, vector<1x16xf32>,
        %get3A_791 = vector.shape_cast %get3A_790 : vector<1x16xf32> to vector<16xf32>
        %mul3A_792 = arith.mulf %get3A_791, %get3A_97 : vector<16xf32>
        %add3A_793 = arith.addf %add3A_785, %mul3A_792 : vector<16xf32>
        %swap3A_794 = arith.index_cast %scan3A_84 : i32 to index
        %swap3A_795 = arith.constant 416 : index
        %swap3A_796 = tpu.vector_load %arg18[%swap3A_794, %swap3A_795] {strides = array<i32>} : memref<16x512xf32, #tpu.memory_space<vmem>>, vector<1x16xf32>,
        %swap3A_797 = vector.shape_cast %swap3A_796 : vector<1x16xf32> to vector<16xf32>
        %swap3A_798 = vector.shape_cast %add3A_793 : vector<16xf32> to vector<1x16xf32>
        tpu.vector_store %arg18[%swap3A_794, %swap3A_795], %swap3A_798 {strides = array<i32>} : memref<16x512xf32, #tpu.memory_space<vmem>>, vector<1x16xf32>,
        %get3A_799 = arith.index_cast %scan3A_84 : i32 to index
        %get3A_800 = arith.constant 432 : index
        %get3A_801 = tpu.vector_load %arg17[%get3A_799, %get3A_800] {strides = array<i32>} : memref<48x512xf32, #tpu.memory_space<vmem>>, vector<1x16xf32>,
        %get3A_802 = vector.shape_cast %get3A_801 : vector<1x16xf32> to vector<16xf32>
        %mul3A_803 = arith.mulf %get3A_802, %get3A_91 : vector<16xf32>
        %add3A_804 = arith.constant 16 : i32
        %add3A_805 = arith.addi %add3A_804, %scan3A_84 : i32
        %get3A_806 = arith.index_cast %add3A_805 : i32 to index
        %get3A_807 = arith.constant 432 : index
        %get3A_808 = tpu.vector_load %arg17[%get3A_806, %get3A_807] {strides = array<i32>} : memref<48x512xf32, #tpu.memory_space<vmem>>, vector<1x16xf32>,
        %get3A_809 = vector.shape_cast %get3A_808 : vector<1x16xf32> to vector<16xf32>
        %mul3A_810 = arith.mulf %get3A_809, %get3A_94 : vector<16xf32>
        %add3A_811 = arith.addf %mul3A_803, %mul3A_810 : vector<16xf32>
        %add3A_812 = arith.constant 32 : i32
        %add3A_813 = arith.addi %add3A_812, %scan3A_84 : i32
        %get3A_814 = arith.index_cast %add3A_813 : i32 to index
        %get3A_815 = arith.constant 432 : index
        %get3A_816 = tpu.vector_load %arg17[%get3A_814, %get3A_815] {strides = array<i32>} : memref<48x512xf32, #tpu.memory_space<vmem>>, vector<1x16xf32>,
        %get3A_817 = vector.shape_cast %get3A_816 : vector<1x16xf32> to vector<16xf32>
        %mul3A_818 = arith.mulf %get3A_817, %get3A_97 : vector<16xf32>
        %add3A_819 = arith.addf %add3A_811, %mul3A_818 : vector<16xf32>
        %swap3A_820 = arith.index_cast %scan3A_84 : i32 to index
        %swap3A_821 = arith.constant 432 : index
        %swap3A_822 = tpu.vector_load %arg18[%swap3A_820, %swap3A_821] {strides = array<i32>} : memref<16x512xf32, #tpu.memory_space<vmem>>, vector<1x16xf32>,
        %swap3A_823 = vector.shape_cast %swap3A_822 : vector<1x16xf32> to vector<16xf32>
        %swap3A_824 = vector.shape_cast %add3A_819 : vector<16xf32> to vector<1x16xf32>
        tpu.vector_store %arg18[%swap3A_820, %swap3A_821], %swap3A_824 {strides = array<i32>} : memref<16x512xf32, #tpu.memory_space<vmem>>, vector<1x16xf32>,
        %get3A_825 = arith.index_cast %scan3A_84 : i32 to index
        %get3A_826 = arith.constant 448 : index
        %get3A_827 = tpu.vector_load %arg17[%get3A_825, %get3A_826] {strides = array<i32>} : memref<48x512xf32, #tpu.memory_space<vmem>>, vector<1x16xf32>,
        %get3A_828 = vector.shape_cast %get3A_827 : vector<1x16xf32> to vector<16xf32>
        %mul3A_829 = arith.mulf %get3A_828, %get3A_91 : vector<16xf32>
        %add3A_830 = arith.constant 16 : i32
        %add3A_831 = arith.addi %add3A_830, %scan3A_84 : i32
        %get3A_832 = arith.index_cast %add3A_831 : i32 to index
        %get3A_833 = arith.constant 448 : index
        %get3A_834 = tpu.vector_load %arg17[%get3A_832, %get3A_833] {strides = array<i32>} : memref<48x512xf32, #tpu.memory_space<vmem>>, vector<1x16xf32>,
        %get3A_835 = vector.shape_cast %get3A_834 : vector<1x16xf32> to vector<16xf32>
        %mul3A_836 = arith.mulf %get3A_835, %get3A_94 : vector<16xf32>
        %add3A_837 = arith.addf %mul3A_829, %mul3A_836 : vector<16xf32>
        %add3A_838 = arith.constant 32 : i32
        %add3A_839 = arith.addi %add3A_838, %scan3A_84 : i32
        %get3A_840 = arith.index_cast %add3A_839 : i32 to index
        %get3A_841 = arith.constant 448 : index
        %get3A_842 = tpu.vector_load %arg17[%get3A_840, %get3A_841] {strides = array<i32>} : memref<48x512xf32, #tpu.memory_space<vmem>>, vector<1x16xf32>,
        %get3A_843 = vector.shape_cast %get3A_842 : vector<1x16xf32> to vector<16xf32>
        %mul3A_844 = arith.mulf %get3A_843, %get3A_97 : vector<16xf32>
        %add3A_845 = arith.addf %add3A_837, %mul3A_844 : vector<16xf32>
        %swap3A_846 = arith.index_cast %scan3A_84 : i32 to index
        %swap3A_847 = arith.constant 448 : index
        %swap3A_848 = tpu.vector_load %arg18[%swap3A_846, %swap3A_847] {strides = array<i32>} : memref<16x512xf32, #tpu.memory_space<vmem>>, vector<1x16xf32>,
        %swap3A_849 = vector.shape_cast %swap3A_848 : vector<1x16xf32> to vector<16xf32>
        %swap3A_850 = vector.shape_cast %add3A_845 : vector<16xf32> to vector<1x16xf32>
        tpu.vector_store %arg18[%swap3A_846, %swap3A_847], %swap3A_850 {strides = array<i32>} : memref<16x512xf32, #tpu.memory_space<vmem>>, vector<1x16xf32>,
        %get3A_851 = arith.index_cast %scan3A_84 : i32 to index
        %get3A_852 = arith.constant 464 : index
        %get3A_853 = tpu.vector_load %arg17[%get3A_851, %get3A_852] {strides = array<i32>} : memref<48x512xf32, #tpu.memory_space<vmem>>, vector<1x16xf32>,
        %get3A_854 = vector.shape_cast %get3A_853 : vector<1x16xf32> to vector<16xf32>
        %mul3A_855 = arith.mulf %get3A_854, %get3A_91 : vector<16xf32>
        %add3A_856 = arith.constant 16 : i32
        %add3A_857 = arith.addi %add3A_856, %scan3A_84 : i32
        %get3A_858 = arith.index_cast %add3A_857 : i32 to index
        %get3A_859 = arith.constant 464 : index
        %get3A_860 = tpu.vector_load %arg17[%get3A_858, %get3A_859] {strides = array<i32>} : memref<48x512xf32, #tpu.memory_space<vmem>>, vector<1x16xf32>,
        %get3A_861 = vector.shape_cast %get3A_860 : vector<1x16xf32> to vector<16xf32>
        %mul3A_862 = arith.mulf %get3A_861, %get3A_94 : vector<16xf32>
        %add3A_863 = arith.addf %mul3A_855, %mul3A_862 : vector<16xf32>
        %add3A_864 = arith.constant 32 : i32
        %add3A_865 = arith.addi %add3A_864, %scan3A_84 : i32
        %get3A_866 = arith.index_cast %add3A_865 : i32 to index
        %get3A_867 = arith.constant 464 : index
        %get3A_868 = tpu.vector_load %arg17[%get3A_866, %get3A_867] {strides = array<i32>} : memref<48x512xf32, #tpu.memory_space<vmem>>, vector<1x16xf32>,
        %get3A_869 = vector.shape_cast %get3A_868 : vector<1x16xf32> to vector<16xf32>
        %mul3A_870 = arith.mulf %get3A_869, %get3A_97 : vector<16xf32>
        %add3A_871 = arith.addf %add3A_863, %mul3A_870 : vector<16xf32>
        %swap3A_872 = arith.index_cast %scan3A_84 : i32 to index
        %swap3A_873 = arith.constant 464 : index
        %swap3A_874 = tpu.vector_load %arg18[%swap3A_872, %swap3A_873] {strides = array<i32>} : memref<16x512xf32, #tpu.memory_space<vmem>>, vector<1x16xf32>,
        %swap3A_875 = vector.shape_cast %swap3A_874 : vector<1x16xf32> to vector<16xf32>
        %swap3A_876 = vector.shape_cast %add3A_871 : vector<16xf32> to vector<1x16xf32>
        tpu.vector_store %arg18[%swap3A_872, %swap3A_873], %swap3A_876 {strides = array<i32>} : memref<16x512xf32, #tpu.memory_space<vmem>>, vector<1x16xf32>,
        %get3A_877 = arith.index_cast %scan3A_84 : i32 to index
        %get3A_878 = arith.constant 480 : index
        %get3A_879 = tpu.vector_load %arg17[%get3A_877, %get3A_878] {strides = array<i32>} : memref<48x512xf32, #tpu.memory_space<vmem>>, vector<1x16xf32>,
        %get3A_880 = vector.shape_cast %get3A_879 : vector<1x16xf32> to vector<16xf32>
        %mul3A_881 = arith.mulf %get3A_880, %get3A_91 : vector<16xf32>
        %add3A_882 = arith.constant 16 : i32
        %add3A_883 = arith.addi %add3A_882, %scan3A_84 : i32
        %get3A_884 = arith.index_cast %add3A_883 : i32 to index
        %get3A_885 = arith.constant 480 : index
        %get3A_886 = tpu.vector_load %arg17[%get3A_884, %get3A_885] {strides = array<i32>} : memref<48x512xf32, #tpu.memory_space<vmem>>, vector<1x16xf32>,
        %get3A_887 = vector.shape_cast %get3A_886 : vector<1x16xf32> to vector<16xf32>
        %mul3A_888 = arith.mulf %get3A_887, %get3A_94 : vector<16xf32>
        %add3A_889 = arith.addf %mul3A_881, %mul3A_888 : vector<16xf32>
        %add3A_890 = arith.constant 32 : i32
        %add3A_891 = arith.addi %add3A_890, %scan3A_84 : i32
        %get3A_892 = arith.index_cast %add3A_891 : i32 to index
        %get3A_893 = arith.constant 480 : index
        %get3A_894 = tpu.vector_load %arg17[%get3A_892, %get3A_893] {strides = array<i32>} : memref<48x512xf32, #tpu.memory_space<vmem>>, vector<1x16xf32>,
        %get3A_895 = vector.shape_cast %get3A_894 : vector<1x16xf32> to vector<16xf32>
        %mul3A_896 = arith.mulf %get3A_895, %get3A_97 : vector<16xf32>
        %add3A_897 = arith.addf %add3A_889, %mul3A_896 : vector<16xf32>
        %swap3A_898 = arith.index_cast %scan3A_84 : i32 to index
        %swap3A_899 = arith.constant 480 : index
        %swap3A_900 = tpu.vector_load %arg18[%swap3A_898, %swap3A_899] {strides = array<i32>} : memref<16x512xf32, #tpu.memory_space<vmem>>, vector<1x16xf32>,
        %swap3A_901 = vector.shape_cast %swap3A_900 : vector<1x16xf32> to vector<16xf32>
        %swap3A_902 = vector.shape_cast %add3A_897 : vector<16xf32> to vector<1x16xf32>
        tpu.vector_store %arg18[%swap3A_898, %swap3A_899], %swap3A_902 {strides = array<i32>} : memref<16x512xf32, #tpu.memory_space<vmem>>, vector<1x16xf32>,
        %get3A_903 = arith.index_cast %scan3A_84 : i32 to index
        %get3A_904 = arith.constant 496 : index
        %get3A_905 = tpu.vector_load %arg17[%get3A_903, %get3A_904] {strides = array<i32>} : memref<48x512xf32, #tpu.memory_space<vmem>>, vector<1x16xf32>,
        %get3A_906 = vector.shape_cast %get3A_905 : vector<1x16xf32> to vector<16xf32>
        %mul3A_907 = arith.mulf %get3A_906, %get3A_91 : vector<16xf32>
        %add3A_908 = arith.constant 16 : i32
        %add3A_909 = arith.addi %add3A_908, %scan3A_84 : i32
        %get3A_910 = arith.index_cast %add3A_909 : i32 to index
        %get3A_911 = arith.constant 496 : index
        %get3A_912 = tpu.vector_load %arg17[%get3A_910, %get3A_911] {strides = array<i32>} : memref<48x512xf32, #tpu.memory_space<vmem>>, vector<1x16xf32>,
        %get3A_913 = vector.shape_cast %get3A_912 : vector<1x16xf32> to vector<16xf32>
        %mul3A_914 = arith.mulf %get3A_913, %get3A_94 : vector<16xf32>
        %add3A_915 = arith.addf %mul3A_907, %mul3A_914 : vector<16xf32>
        %add3A_916 = arith.constant 32 : i32
        %add3A_917 = arith.addi %add3A_916, %scan3A_84 : i32
        %get3A_918 = arith.index_cast %add3A_917 : i32 to index
        %get3A_919 = arith.constant 496 : index
        %get3A_920 = tpu.vector_load %arg17[%get3A_918, %get3A_919] {strides = array<i32>} : memref<48x512xf32, #tpu.memory_space<vmem>>, vector<1x16xf32>,
        %get3A_921 = vector.shape_cast %get3A_920 : vector<1x16xf32> to vector<16xf32>
        %mul3A_922 = arith.mulf %get3A_921, %get3A_97 : vector<16xf32>
        %add3A_923 = arith.addf %add3A_915, %mul3A_922 : vector<16xf32>
        %swap3A_924 = arith.index_cast %scan3A_84 : i32 to index
        %swap3A_925 = arith.constant 496 : index
        %swap3A_926 = tpu.vector_load %arg18[%swap3A_924, %swap3A_925] {strides = array<i32>} : memref<16x512xf32, #tpu.memory_space<vmem>>, vector<1x16xf32>,
        %swap3A_927 = vector.shape_cast %swap3A_926 : vector<1x16xf32> to vector<16xf32>
        %swap3A_928 = vector.shape_cast %add3A_923 : vector<16xf32> to vector<1x16xf32>
        tpu.vector_store %arg18[%swap3A_924, %swap3A_925], %swap3A_928 {strides = array<i32>} : memref<16x512xf32, #tpu.memory_space<vmem>>, vector<1x16xf32>,
      }
      %scan3A_80 = arith.constant 16 : i32
      %mul3A_81 = arith.constant 16 : i32
      %mul3A_82 = arith.muli %add3A_62, %mul3A_81 : i32
      %add3A_83 = arith.addi %mul3A_2, %mul3A_82 : i32
      "tpu.region"() ({
        %run_scoped3A = tpu.sem_alloc : memref<!tpu.dma_semaphore, #tpu.memory_space<semaphore_mem>>
        %dma_start3A_84 = arith.constant 0 : i32
        %dma_start3A_85 = tpu.memref_slice %arg9[%add3A_83, %dma_start3A_84] : memref<8192x512xf32, #tpu.memory_space<hbm>> -> memref<16x512xf32, #tpu.memory_space<hbm>>
        %dma_start3A_86 = arith.constant 0 : i32
        %dma_start3A_87 = tpu.memref_slice %arg9[%add3A_83, %dma_start3A_86] : memref<8192x512xf32, #tpu.memory_space<hbm>> -> memref<16x512xf32, #tpu.memory_space<hbm>>
        tpu.enqueue_dma source(%arg18 : memref<16x512xf32, #tpu.memory_space<vmem>>) target(%dma_start3A_87 : memref<16x512xf32, #tpu.memory_space<hbm>>) target_semaphore(%run_scoped3A : memref<!tpu.dma_semaphore, #tpu.memory_space<semaphore_mem>>)
        %dma_wait3A_88 = arith.constant 0 : i32
        %dma_wait3A_89 = tpu.memref_slice %arg9[%add3A_83, %dma_wait3A_88] : memref<8192x512xf32, #tpu.memory_space<hbm>> -> memref<16x512xf32, #tpu.memory_space<hbm>>
        %dma_wait3A_90 = arith.constant 0 : i32
        %dma_wait3A_91 = tpu.memref_slice %arg9[%add3A_83, %dma_wait3A_90] : memref<8192x512xf32, #tpu.memory_space<hbm>> -> memref<16x512xf32, #tpu.memory_space<hbm>>
        tpu.wait_dma2 semaphore(%run_scoped3A : memref<!tpu.dma_semaphore, #tpu.memory_space<semaphore_mem>>) src(%arg18 : memref<16x512xf32, #tpu.memory_space<vmem>>) dst(%dma_wait3A_91 : memref<16x512xf32, #tpu.memory_space<hbm>>)
        tpu.yield
      }) : () -> ()
    }
    %scan3A_36 = arith.constant 8 : i32
    return
  }
}

#map = affine_map<(d0, d1) -> (0, 0)>
#map1 = affine_map<(d0, d1) -> (0)>
module attributes {stable_mosaic.version = 14 : i64} {
  func.func @k(%arg0: i32, %arg1: i32, %arg2: memref<4096x512xf32, #tpu.memory_space<hbm>>, %arg3: memref<8192xi32, #tpu.memory_space<hbm>>, %arg4: memref<8192xi32, #tpu.memory_space<hbm>>, %arg5: memref<8192xi32, #tpu.memory_space<hbm>>, %arg6: memref<131072xf32, #tpu.memory_space<hbm>>, %arg7: memref<131072xf32, #tpu.memory_space<hbm>>, %arg8: memref<131072xf32, #tpu.memory_space<hbm>>, %arg9: memref<8192x512xf32, #tpu.memory_space<hbm>>, %arg10: memref<256xi32, #tpu.memory_space<vmem>>, %arg11: memref<256xi32, #tpu.memory_space<vmem>>, %arg12: memref<256xi32, #tpu.memory_space<vmem>>, %arg13: memref<4096xf32, #tpu.memory_space<vmem>>, %arg14: memref<4096xf32, #tpu.memory_space<vmem>>, %arg15: memref<4096xf32, #tpu.memory_space<vmem>>, %arg16: memref<48x512xf32, #tpu.memory_space<vmem>>, %arg17: memref<48x512xf32, #tpu.memory_space<vmem>>, %arg18: memref<16x512xf32, #tpu.memory_space<vmem>>, %arg19: memref<!tpu.dma_semaphore, #tpu.memory_space<semaphore_mem>>, %arg20: memref<!tpu.dma_semaphore, #tpu.memory_space<semaphore_mem>>) attributes {dimension_semantics = [#tpu.dimension_semantics<core_parallel>, #tpu.dimension_semantics<subcore_parallel>], iteration_bounds = array<i64: 2, 16>, scalar_prefetch = 0 : i64, scratch_operands = 11 : i64, tpu.core_type = #tpu.core_type<sc_vector_subcore>, window_params = [{transform_indices = #map}, {transform_indices = #map1}, {transform_indices = #map1}, {transform_indices = #map1}, {transform_indices = #map1}, {transform_indices = #map1}, {transform_indices = #map1}, {transform_indices = #map}]} {
    %mul3A = arith.constant 2 : i32
    %mul3A_0 = arith.muli %arg1, %mul3A : i32
    %add3A = arith.addi %mul3A_0, %arg0 : i32
    %mul3A_1 = arith.constant 256 : i32
    %mul3A_2 = arith.muli %add3A, %mul3A_1 : i32
    "tpu.region"() ({
      %run_scoped3A = tpu.sem_alloc : memref<!tpu.dma_semaphore, #tpu.memory_space<semaphore_mem>>
      %dma_start3A_37 = tpu.memref_slice %arg3[%mul3A_2] : memref<8192xi32, #tpu.memory_space<hbm>> -> memref<256xi32, #tpu.memory_space<hbm>>
      %dma_start3A_38 = tpu.memref_slice %arg3[%mul3A_2] : memref<8192xi32, #tpu.memory_space<hbm>> -> memref<256xi32, #tpu.memory_space<hbm>>
      tpu.enqueue_dma source(%dma_start3A_38 : memref<256xi32, #tpu.memory_space<hbm>>) target(%arg10 : memref<256xi32, #tpu.memory_space<vmem>>) target_semaphore(%run_scoped3A : memref<!tpu.dma_semaphore, #tpu.memory_space<semaphore_mem>>)
      %dma_wait3A = tpu.memref_slice %arg3[%mul3A_2] : memref<8192xi32, #tpu.memory_space<hbm>> -> memref<256xi32, #tpu.memory_space<hbm>>
      %dma_wait3A_39 = tpu.memref_slice %arg3[%mul3A_2] : memref<8192xi32, #tpu.memory_space<hbm>> -> memref<256xi32, #tpu.memory_space<hbm>>
      tpu.wait_dma2 semaphore(%run_scoped3A : memref<!tpu.dma_semaphore, #tpu.memory_space<semaphore_mem>>) src(%dma_wait3A_39 : memref<256xi32, #tpu.memory_space<hbm>>) dst(%arg10 : memref<256xi32, #tpu.memory_space<vmem>>)
      tpu.yield
    }) : () -> ()
    "tpu.region"() ({
      %run_scoped3A = tpu.sem_alloc : memref<!tpu.dma_semaphore, #tpu.memory_space<semaphore_mem>>
      %dma_start3A_37 = tpu.memref_slice %arg4[%mul3A_2] : memref<8192xi32, #tpu.memory_space<hbm>> -> memref<256xi32, #tpu.memory_space<hbm>>
      %dma_start3A_38 = tpu.memref_slice %arg4[%mul3A_2] : memref<8192xi32, #tpu.memory_space<hbm>> -> memref<256xi32, #tpu.memory_space<hbm>>
      tpu.enqueue_dma source(%dma_start3A_38 : memref<256xi32, #tpu.memory_space<hbm>>) target(%arg11 : memref<256xi32, #tpu.memory_space<vmem>>) target_semaphore(%run_scoped3A : memref<!tpu.dma_semaphore, #tpu.memory_space<semaphore_mem>>)
      %dma_wait3A = tpu.memref_slice %arg4[%mul3A_2] : memref<8192xi32, #tpu.memory_space<hbm>> -> memref<256xi32, #tpu.memory_space<hbm>>
      %dma_wait3A_39 = tpu.memref_slice %arg4[%mul3A_2] : memref<8192xi32, #tpu.memory_space<hbm>> -> memref<256xi32, #tpu.memory_space<hbm>>
      tpu.wait_dma2 semaphore(%run_scoped3A : memref<!tpu.dma_semaphore, #tpu.memory_space<semaphore_mem>>) src(%dma_wait3A_39 : memref<256xi32, #tpu.memory_space<hbm>>) dst(%arg11 : memref<256xi32, #tpu.memory_space<vmem>>)
      tpu.yield
    }) : () -> ()
    "tpu.region"() ({
      %run_scoped3A = tpu.sem_alloc : memref<!tpu.dma_semaphore, #tpu.memory_space<semaphore_mem>>
      %dma_start3A_37 = tpu.memref_slice %arg5[%mul3A_2] : memref<8192xi32, #tpu.memory_space<hbm>> -> memref<256xi32, #tpu.memory_space<hbm>>
      %dma_start3A_38 = tpu.memref_slice %arg5[%mul3A_2] : memref<8192xi32, #tpu.memory_space<hbm>> -> memref<256xi32, #tpu.memory_space<hbm>>
      tpu.enqueue_dma source(%dma_start3A_38 : memref<256xi32, #tpu.memory_space<hbm>>) target(%arg12 : memref<256xi32, #tpu.memory_space<vmem>>) target_semaphore(%run_scoped3A : memref<!tpu.dma_semaphore, #tpu.memory_space<semaphore_mem>>)
      %dma_wait3A = tpu.memref_slice %arg5[%mul3A_2] : memref<8192xi32, #tpu.memory_space<hbm>> -> memref<256xi32, #tpu.memory_space<hbm>>
      %dma_wait3A_39 = tpu.memref_slice %arg5[%mul3A_2] : memref<8192xi32, #tpu.memory_space<hbm>> -> memref<256xi32, #tpu.memory_space<hbm>>
      tpu.wait_dma2 semaphore(%run_scoped3A : memref<!tpu.dma_semaphore, #tpu.memory_space<semaphore_mem>>) src(%dma_wait3A_39 : memref<256xi32, #tpu.memory_space<hbm>>) dst(%arg12 : memref<256xi32, #tpu.memory_space<vmem>>)
      tpu.yield
    }) : () -> ()
    %mul3A_3 = arith.constant 16 : i32
    %mul3A_4 = arith.muli %mul3A_2, %mul3A_3 : i32
    "tpu.region"() ({
      %run_scoped3A = tpu.sem_alloc : memref<!tpu.dma_semaphore, #tpu.memory_space<semaphore_mem>>
      %dma_start3A_37 = tpu.memref_slice %arg6[%mul3A_4] : memref<131072xf32, #tpu.memory_space<hbm>> -> memref<4096xf32, #tpu.memory_space<hbm>>
      %dma_start3A_38 = tpu.memref_slice %arg6[%mul3A_4] : memref<131072xf32, #tpu.memory_space<hbm>> -> memref<4096xf32, #tpu.memory_space<hbm>>
      tpu.enqueue_dma source(%dma_start3A_38 : memref<4096xf32, #tpu.memory_space<hbm>>) target(%arg13 : memref<4096xf32, #tpu.memory_space<vmem>>) target_semaphore(%run_scoped3A : memref<!tpu.dma_semaphore, #tpu.memory_space<semaphore_mem>>)
      %dma_wait3A = tpu.memref_slice %arg6[%mul3A_4] : memref<131072xf32, #tpu.memory_space<hbm>> -> memref<4096xf32, #tpu.memory_space<hbm>>
      %dma_wait3A_39 = tpu.memref_slice %arg6[%mul3A_4] : memref<131072xf32, #tpu.memory_space<hbm>> -> memref<4096xf32, #tpu.memory_space<hbm>>
      tpu.wait_dma2 semaphore(%run_scoped3A : memref<!tpu.dma_semaphore, #tpu.memory_space<semaphore_mem>>) src(%dma_wait3A_39 : memref<4096xf32, #tpu.memory_space<hbm>>) dst(%arg13 : memref<4096xf32, #tpu.memory_space<vmem>>)
      tpu.yield
    }) : () -> ()
    %mul3A_5 = arith.constant 16 : i32
    %mul3A_6 = arith.muli %mul3A_2, %mul3A_5 : i32
    "tpu.region"() ({
      %run_scoped3A = tpu.sem_alloc : memref<!tpu.dma_semaphore, #tpu.memory_space<semaphore_mem>>
      %dma_start3A_37 = tpu.memref_slice %arg7[%mul3A_6] : memref<131072xf32, #tpu.memory_space<hbm>> -> memref<4096xf32, #tpu.memory_space<hbm>>
      %dma_start3A_38 = tpu.memref_slice %arg7[%mul3A_6] : memref<131072xf32, #tpu.memory_space<hbm>> -> memref<4096xf32, #tpu.memory_space<hbm>>
      tpu.enqueue_dma source(%dma_start3A_38 : memref<4096xf32, #tpu.memory_space<hbm>>) target(%arg14 : memref<4096xf32, #tpu.memory_space<vmem>>) target_semaphore(%run_scoped3A : memref<!tpu.dma_semaphore, #tpu.memory_space<semaphore_mem>>)
      %dma_wait3A = tpu.memref_slice %arg7[%mul3A_6] : memref<131072xf32, #tpu.memory_space<hbm>> -> memref<4096xf32, #tpu.memory_space<hbm>>
      %dma_wait3A_39 = tpu.memref_slice %arg7[%mul3A_6] : memref<131072xf32, #tpu.memory_space<hbm>> -> memref<4096xf32, #tpu.memory_space<hbm>>
      tpu.wait_dma2 semaphore(%run_scoped3A : memref<!tpu.dma_semaphore, #tpu.memory_space<semaphore_mem>>) src(%dma_wait3A_39 : memref<4096xf32, #tpu.memory_space<hbm>>) dst(%arg14 : memref<4096xf32, #tpu.memory_space<vmem>>)
      tpu.yield
    }) : () -> ()
    %mul3A_7 = arith.constant 16 : i32
    %mul3A_8 = arith.muli %mul3A_2, %mul3A_7 : i32
    "tpu.region"() ({
      %run_scoped3A = tpu.sem_alloc : memref<!tpu.dma_semaphore, #tpu.memory_space<semaphore_mem>>
      %dma_start3A_37 = tpu.memref_slice %arg8[%mul3A_8] : memref<131072xf32, #tpu.memory_space<hbm>> -> memref<4096xf32, #tpu.memory_space<hbm>>
      %dma_start3A_38 = tpu.memref_slice %arg8[%mul3A_8] : memref<131072xf32, #tpu.memory_space<hbm>> -> memref<4096xf32, #tpu.memory_space<hbm>>
      tpu.enqueue_dma source(%dma_start3A_38 : memref<4096xf32, #tpu.memory_space<hbm>>) target(%arg15 : memref<4096xf32, #tpu.memory_space<vmem>>) target_semaphore(%run_scoped3A : memref<!tpu.dma_semaphore, #tpu.memory_space<semaphore_mem>>)
      %dma_wait3A = tpu.memref_slice %arg8[%mul3A_8] : memref<131072xf32, #tpu.memory_space<hbm>> -> memref<4096xf32, #tpu.memory_space<hbm>>
      %dma_wait3A_39 = tpu.memref_slice %arg8[%mul3A_8] : memref<131072xf32, #tpu.memory_space<hbm>> -> memref<4096xf32, #tpu.memory_space<hbm>>
      tpu.wait_dma2 semaphore(%run_scoped3A : memref<!tpu.dma_semaphore, #tpu.memory_space<semaphore_mem>>) src(%dma_wait3A_39 : memref<4096xf32, #tpu.memory_space<hbm>>) dst(%arg15 : memref<4096xf32, #tpu.memory_space<vmem>>)
      tpu.yield
    }) : () -> ()
    %dma_start3A = arith.constant 0 : i32
    %dma_start3A_9 = arith.constant 0 : i32
    %dma_start3A_10 = tpu.memref_slice %arg16[%dma_start3A, %dma_start3A_9] : memref<48x512xf32, #tpu.memory_space<vmem>> -> memref<16x512xf32, #tpu.memory_space<vmem>>
    %dma_start3A_11 = arith.constant 0 : i32
    %dma_start3A_12 = tpu.memref_slice %arg10[%dma_start3A_11] : memref<256xi32, #tpu.memory_space<vmem>> -> memref<16xi32, #tpu.memory_space<vmem>>
    %dma_start3A_13 = arith.constant 0 : i32
    %dma_start3A_14 = arith.constant 0 : i32
    %dma_start3A_15 = tpu.memref_slice %arg2[%dma_start3A_13, %dma_start3A_14] : memref<4096x512xf32, #tpu.memory_space<hbm>> -> memref<4096x512xf32, #tpu.memory_space<hbm>>
    tpu.enqueue_indirect_dma source(%dma_start3A_15 : memref<4096x512xf32, #tpu.memory_space<hbm>>) target(%dma_start3A_10 : memref<16x512xf32, #tpu.memory_space<vmem>>) offsets(%dma_start3A_12 : memref<16xi32, #tpu.memory_space<vmem>>) semaphore(%arg19 : memref<!tpu.dma_semaphore, #tpu.memory_space<semaphore_mem>>)
    %dma_start3A_16 = arith.constant 16 : i32
    %dma_start3A_17 = arith.constant 0 : i32
    %dma_start3A_18 = tpu.memref_slice %arg16[%dma_start3A_16, %dma_start3A_17] : memref<48x512xf32, #tpu.memory_space<vmem>> -> memref<16x512xf32, #tpu.memory_space<vmem>>
    %dma_start3A_19 = arith.constant 0 : i32
    %dma_start3A_20 = tpu.memref_slice %arg11[%dma_start3A_19] : memref<256xi32, #tpu.memory_space<vmem>> -> memref<16xi32, #tpu.memory_space<vmem>>
    %dma_start3A_21 = arith.constant 0 : i32
    %dma_start3A_22 = arith.constant 0 : i32
    %dma_start3A_23 = tpu.memref_slice %arg2[%dma_start3A_21, %dma_start3A_22] : memref<4096x512xf32, #tpu.memory_space<hbm>> -> memref<4096x512xf32, #tpu.memory_space<hbm>>
    tpu.enqueue_indirect_dma source(%dma_start3A_23 : memref<4096x512xf32, #tpu.memory_space<hbm>>) target(%dma_start3A_18 : memref<16x512xf32, #tpu.memory_space<vmem>>) offsets(%dma_start3A_20 : memref<16xi32, #tpu.memory_space<vmem>>) semaphore(%arg19 : memref<!tpu.dma_semaphore, #tpu.memory_space<semaphore_mem>>)
    %dma_start3A_24 = arith.constant 32 : i32
    %dma_start3A_25 = arith.constant 0 : i32
    %dma_start3A_26 = tpu.memref_slice %arg16[%dma_start3A_24, %dma_start3A_25] : memref<48x512xf32, #tpu.memory_space<vmem>> -> memref<16x512xf32, #tpu.memory_space<vmem>>
    %dma_start3A_27 = arith.constant 0 : i32
    %dma_start3A_28 = tpu.memref_slice %arg12[%dma_start3A_27] : memref<256xi32, #tpu.memory_space<vmem>> -> memref<16xi32, #tpu.memory_space<vmem>>
    %dma_start3A_29 = arith.constant 0 : i32
    %dma_start3A_30 = arith.constant 0 : i32
    %dma_start3A_31 = tpu.memref_slice %arg2[%dma_start3A_29, %dma_start3A_30] : memref<4096x512xf32, #tpu.memory_space<hbm>> -> memref<4096x512xf32, #tpu.memory_space<hbm>>
    tpu.enqueue_indirect_dma source(%dma_start3A_31 : memref<4096x512xf32, #tpu.memory_space<hbm>>) target(%dma_start3A_26 : memref<16x512xf32, #tpu.memory_space<vmem>>) offsets(%dma_start3A_28 : memref<16xi32, #tpu.memory_space<vmem>>) semaphore(%arg19 : memref<!tpu.dma_semaphore, #tpu.memory_space<semaphore_mem>>)
    %scan3A = arith.constant 0 : i32
    %scan3A_32 = arith.constant 0 : i32
    %scan3A_33 = arith.constant 8 : i32
    %scan3A_34 = arith.addi %scan3A_32, %scan3A_33 : i32
    %scan3A_35 = arith.constant 1 : i32
    scf.for %scan3A_37 = %scan3A_32 to %scan3A_34 step %scan3A_35  : i32 {
      %mul3A_38 = arith.constant 2 : i32
      %mul3A_39 = arith.muli %mul3A_38, %scan3A_37 : i32
      %add3A_40 = arith.constant 0 : i32
      %add3A_41 = arith.addi %mul3A_39, %add3A_40 : i32
      %dma_wait3A = arith.constant 0 : i32
      %dma_wait3A_42 = tpu.memref_slice %arg10[%dma_wait3A] : memref<256xi32, #tpu.memory_space<vmem>> -> memref<48xi32, #tpu.memory_space<vmem>>
      %dma_wait3A_43 = arith.constant 0 : i32
      %dma_wait3A_44 = arith.constant 0 : i32
      %dma_wait3A_45 = tpu.memref_slice %arg2[%dma_wait3A_43, %dma_wait3A_44] : memref<4096x512xf32, #tpu.memory_space<hbm>> -> memref<4096x512xf32, #tpu.memory_space<hbm>>
      tpu.wait_indirect_dma semaphore(%arg19 : memref<!tpu.dma_semaphore, #tpu.memory_space<semaphore_mem>>) src(%dma_wait3A_45 : memref<4096x512xf32, #tpu.memory_space<hbm>>) dst(%arg16 : memref<48x512xf32, #tpu.memory_space<vmem>>)
      %add3A_46 = arith.constant 1 : i32
      %add3A_47 = arith.addi %add3A_41, %add3A_46 : i32
      %lt3A = arith.constant 16 : i32
      %lt3A_48 = arith.cmpi slt, %add3A_47, %lt3A : i32
      %convert_element_type3A = arith.extui %lt3A_48 : i1 to i32
      %cond3A = arith.constant 0 : i32
      %cond3A_49 = arith.cmpi ne, %convert_element_type3A, %cond3A : i32
      scf.if %cond3A_49 {
        %add3A_84 = arith.constant 1 : i32
        %add3A_85 = arith.addi %add3A_41, %add3A_84 : i32
        %mul3A_86 = arith.constant 16 : i32
        %mul3A_87 = arith.muli %add3A_85, %mul3A_86 : i32
        %dma_start3A_88 = arith.constant 0 : i32
        %dma_start3A_89 = arith.constant 0 : i32
        %dma_start3A_90 = tpu.memref_slice %arg17[%dma_start3A_88, %dma_start3A_89] : memref<48x512xf32, #tpu.memory_space<vmem>> -> memref<16x512xf32, #tpu.memory_space<vmem>>
        %dma_start3A_91 = tpu.memref_slice %arg10[%mul3A_87] : memref<256xi32, #tpu.memory_space<vmem>> -> memref<16xi32, #tpu.memory_space<vmem>>
        %dma_start3A_92 = arith.constant 0 : i32
        %dma_start3A_93 = arith.constant 0 : i32
        %dma_start3A_94 = tpu.memref_slice %arg2[%dma_start3A_92, %dma_start3A_93] : memref<4096x512xf32, #tpu.memory_space<hbm>> -> memref<4096x512xf32, #tpu.memory_space<hbm>>
        tpu.enqueue_indirect_dma source(%dma_start3A_94 : memref<4096x512xf32, #tpu.memory_space<hbm>>) target(%dma_start3A_90 : memref<16x512xf32, #tpu.memory_space<vmem>>) offsets(%dma_start3A_91 : memref<16xi32, #tpu.memory_space<vmem>>) semaphore(%arg20 : memref<!tpu.dma_semaphore, #tpu.memory_space<semaphore_mem>>)
        %dma_start3A_95 = arith.constant 16 : i32
        %dma_start3A_96 = arith.constant 0 : i32
        %dma_start3A_97 = tpu.memref_slice %arg17[%dma_start3A_95, %dma_start3A_96] : memref<48x512xf32, #tpu.memory_space<vmem>> -> memref<16x512xf32, #tpu.memory_space<vmem>>
        %dma_start3A_98 = tpu.memref_slice %arg11[%mul3A_87] : memref<256xi32, #tpu.memory_space<vmem>> -> memref<16xi32, #tpu.memory_space<vmem>>
        %dma_start3A_99 = arith.constant 0 : i32
        %dma_start3A_100 = arith.constant 0 : i32
        %dma_start3A_101 = tpu.memref_slice %arg2[%dma_start3A_99, %dma_start3A_100] : memref<4096x512xf32, #tpu.memory_space<hbm>> -> memref<4096x512xf32, #tpu.memory_space<hbm>>
        tpu.enqueue_indirect_dma source(%dma_start3A_101 : memref<4096x512xf32, #tpu.memory_space<hbm>>) target(%dma_start3A_97 : memref<16x512xf32, #tpu.memory_space<vmem>>) offsets(%dma_start3A_98 : memref<16xi32, #tpu.memory_space<vmem>>) semaphore(%arg20 : memref<!tpu.dma_semaphore, #tpu.memory_space<semaphore_mem>>)
        %dma_start3A_102 = arith.constant 32 : i32
        %dma_start3A_103 = arith.constant 0 : i32
        %dma_start3A_104 = tpu.memref_slice %arg17[%dma_start3A_102, %dma_start3A_103] : memref<48x512xf32, #tpu.memory_space<vmem>> -> memref<16x512xf32, #tpu.memory_space<vmem>>
        %dma_start3A_105 = tpu.memref_slice %arg12[%mul3A_87] : memref<256xi32, #tpu.memory_space<vmem>> -> memref<16xi32, #tpu.memory_space<vmem>>
        %dma_start3A_106 = arith.constant 0 : i32
        %dma_start3A_107 = arith.constant 0 : i32
        %dma_start3A_108 = tpu.memref_slice %arg2[%dma_start3A_106, %dma_start3A_107] : memref<4096x512xf32, #tpu.memory_space<hbm>> -> memref<4096x512xf32, #tpu.memory_space<hbm>>
        tpu.enqueue_indirect_dma source(%dma_start3A_108 : memref<4096x512xf32, #tpu.memory_space<hbm>>) target(%dma_start3A_104 : memref<16x512xf32, #tpu.memory_space<vmem>>) offsets(%dma_start3A_105 : memref<16xi32, #tpu.memory_space<vmem>>) semaphore(%arg20 : memref<!tpu.dma_semaphore, #tpu.memory_space<semaphore_mem>>)
      } else {
      }
      %scan3A_50 = arith.constant 0 : i32
      %scan3A_51 = arith.constant 0 : i32
      %scan3A_52 = arith.constant 16 : i32
      %scan3A_53 = arith.addi %scan3A_51, %scan3A_52 : i32
      %scan3A_54 = arith.constant 1 : i32
      scf.for %scan3A_84 = %scan3A_51 to %scan3A_53 step %scan3A_54  : i32 {
        %mul3A_85 = arith.constant 16 : i32
        %mul3A_86 = arith.muli %add3A_41, %mul3A_85 : i32
        %add3A_87 = arith.addi %mul3A_86, %scan3A_84 : i32
        %mul3A_88 = arith.constant 16 : i32
        %mul3A_89 = arith.muli %add3A_87, %mul3A_88 : i32
        %get3A = arith.index_cast %mul3A_89 : i32 to index
        %get3A_90 = tpu.vector_load %arg13[%get3A] {strides = array<i32>} : memref<4096xf32, #tpu.memory_space<vmem>>, vector<16xf32>,
        %get3A_91 = vector.shape_cast %get3A_90 : vector<16xf32> to vector<16xf32>
        %get3A_92 = arith.index_cast %mul3A_89 : i32 to index
        %get3A_93 = tpu.vector_load %arg14[%get3A_92] {strides = array<i32>} : memref<4096xf32, #tpu.memory_space<vmem>>, vector<16xf32>,
        %get3A_94 = vector.shape_cast %get3A_93 : vector<16xf32> to vector<16xf32>
        %get3A_95 = arith.index_cast %mul3A_89 : i32 to index
        %get3A_96 = tpu.vector_load %arg15[%get3A_95] {strides = array<i32>} : memref<4096xf32, #tpu.memory_space<vmem>>, vector<16xf32>,
        %get3A_97 = vector.shape_cast %get3A_96 : vector<16xf32> to vector<16xf32>
        %get3A_98 = arith.index_cast %scan3A_84 : i32 to index
        %get3A_99 = arith.constant 0 : index
        %get3A_100 = tpu.vector_load %arg16[%get3A_98, %get3A_99] {strides = array<i32>} : memref<48x512xf32, #tpu.memory_space<vmem>>, vector<1x16xf32>,
        %get3A_101 = vector.shape_cast %get3A_100 : vector<1x16xf32> to vector<16xf32>
        %mul3A_102 = arith.mulf %get3A_101, %get3A_91 : vector<16xf32>
        %add3A_103 = arith.constant 16 : i32
        %add3A_104 = arith.addi %add3A_103, %scan3A_84 : i32
        %get3A_105 = arith.index_cast %add3A_104 : i32 to index
        %get3A_106 = arith.constant 0 : index
        %get3A_107 = tpu.vector_load %arg16[%get3A_105, %get3A_106] {strides = array<i32>} : memref<48x512xf32, #tpu.memory_space<vmem>>, vector<1x16xf32>,
        %get3A_108 = vector.shape_cast %get3A_107 : vector<1x16xf32> to vector<16xf32>
        %mul3A_109 = arith.mulf %get3A_108, %get3A_94 : vector<16xf32>
        %add3A_110 = arith.addf %mul3A_102, %mul3A_109 : vector<16xf32>
        %add3A_111 = arith.constant 32 : i32
        %add3A_112 = arith.addi %add3A_111, %scan3A_84 : i32
        %get3A_113 = arith.index_cast %add3A_112 : i32 to index
        %get3A_114 = arith.constant 0 : index
        %get3A_115 = tpu.vector_load %arg16[%get3A_113, %get3A_114] {strides = array<i32>} : memref<48x512xf32, #tpu.memory_space<vmem>>, vector<1x16xf32>,
        %get3A_116 = vector.shape_cast %get3A_115 : vector<1x16xf32> to vector<16xf32>
        %mul3A_117 = arith.mulf %get3A_116, %get3A_97 : vector<16xf32>
        %add3A_118 = arith.addf %add3A_110, %mul3A_117 : vector<16xf32>
        %swap3A = arith.index_cast %scan3A_84 : i32 to index
        %swap3A_119 = arith.constant 0 : index
        %swap3A_120 = tpu.vector_load %arg18[%swap3A, %swap3A_119] {strides = array<i32>} : memref<16x512xf32, #tpu.memory_space<vmem>>, vector<1x16xf32>,
        %swap3A_121 = vector.shape_cast %swap3A_120 : vector<1x16xf32> to vector<16xf32>
        %swap3A_122 = vector.shape_cast %add3A_118 : vector<16xf32> to vector<1x16xf32>
        tpu.vector_store %arg18[%swap3A, %swap3A_119], %swap3A_122 {strides = array<i32>} : memref<16x512xf32, #tpu.memory_space<vmem>>, vector<1x16xf32>,
        %get3A_123 = arith.index_cast %scan3A_84 : i32 to index
        %get3A_124 = arith.constant 16 : index
        %get3A_125 = tpu.vector_load %arg16[%get3A_123, %get3A_124] {strides = array<i32>} : memref<48x512xf32, #tpu.memory_space<vmem>>, vector<1x16xf32>,
        %get3A_126 = vector.shape_cast %get3A_125 : vector<1x16xf32> to vector<16xf32>
        %mul3A_127 = arith.mulf %get3A_126, %get3A_91 : vector<16xf32>
        %add3A_128 = arith.constant 16 : i32
        %add3A_129 = arith.addi %add3A_128, %scan3A_84 : i32
        %get3A_130 = arith.index_cast %add3A_129 : i32 to index
        %get3A_131 = arith.constant 16 : index
        %get3A_132 = tpu.vector_load %arg16[%get3A_130, %get3A_131] {strides = array<i32>} : memref<48x512xf32, #tpu.memory_space<vmem>>, vector<1x16xf32>,
        %get3A_133 = vector.shape_cast %get3A_132 : vector<1x16xf32> to vector<16xf32>
        %mul3A_134 = arith.mulf %get3A_133, %get3A_94 : vector<16xf32>
        %add3A_135 = arith.addf %mul3A_127, %mul3A_134 : vector<16xf32>
        %add3A_136 = arith.constant 32 : i32
        %add3A_137 = arith.addi %add3A_136, %scan3A_84 : i32
        %get3A_138 = arith.index_cast %add3A_137 : i32 to index
        %get3A_139 = arith.constant 16 : index
        %get3A_140 = tpu.vector_load %arg16[%get3A_138, %get3A_139] {strides = array<i32>} : memref<48x512xf32, #tpu.memory_space<vmem>>, vector<1x16xf32>,
        %get3A_141 = vector.shape_cast %get3A_140 : vector<1x16xf32> to vector<16xf32>
        %mul3A_142 = arith.mulf %get3A_141, %get3A_97 : vector<16xf32>
        %add3A_143 = arith.addf %add3A_135, %mul3A_142 : vector<16xf32>
        %swap3A_144 = arith.index_cast %scan3A_84 : i32 to index
        %swap3A_145 = arith.constant 16 : index
        %swap3A_146 = tpu.vector_load %arg18[%swap3A_144, %swap3A_145] {strides = array<i32>} : memref<16x512xf32, #tpu.memory_space<vmem>>, vector<1x16xf32>,
        %swap3A_147 = vector.shape_cast %swap3A_146 : vector<1x16xf32> to vector<16xf32>
        %swap3A_148 = vector.shape_cast %add3A_143 : vector<16xf32> to vector<1x16xf32>
        tpu.vector_store %arg18[%swap3A_144, %swap3A_145], %swap3A_148 {strides = array<i32>} : memref<16x512xf32, #tpu.memory_space<vmem>>, vector<1x16xf32>,
        %get3A_149 = arith.index_cast %scan3A_84 : i32 to index
        %get3A_150 = arith.constant 32 : index
        %get3A_151 = tpu.vector_load %arg16[%get3A_149, %get3A_150] {strides = array<i32>} : memref<48x512xf32, #tpu.memory_space<vmem>>, vector<1x16xf32>,
        %get3A_152 = vector.shape_cast %get3A_151 : vector<1x16xf32> to vector<16xf32>
        %mul3A_153 = arith.mulf %get3A_152, %get3A_91 : vector<16xf32>
        %add3A_154 = arith.constant 16 : i32
        %add3A_155 = arith.addi %add3A_154, %scan3A_84 : i32
        %get3A_156 = arith.index_cast %add3A_155 : i32 to index
        %get3A_157 = arith.constant 32 : index
        %get3A_158 = tpu.vector_load %arg16[%get3A_156, %get3A_157] {strides = array<i32>} : memref<48x512xf32, #tpu.memory_space<vmem>>, vector<1x16xf32>,
        %get3A_159 = vector.shape_cast %get3A_158 : vector<1x16xf32> to vector<16xf32>
        %mul3A_160 = arith.mulf %get3A_159, %get3A_94 : vector<16xf32>
        %add3A_161 = arith.addf %mul3A_153, %mul3A_160 : vector<16xf32>
        %add3A_162 = arith.constant 32 : i32
        %add3A_163 = arith.addi %add3A_162, %scan3A_84 : i32
        %get3A_164 = arith.index_cast %add3A_163 : i32 to index
        %get3A_165 = arith.constant 32 : index
        %get3A_166 = tpu.vector_load %arg16[%get3A_164, %get3A_165] {strides = array<i32>} : memref<48x512xf32, #tpu.memory_space<vmem>>, vector<1x16xf32>,
        %get3A_167 = vector.shape_cast %get3A_166 : vector<1x16xf32> to vector<16xf32>
        %mul3A_168 = arith.mulf %get3A_167, %get3A_97 : vector<16xf32>
        %add3A_169 = arith.addf %add3A_161, %mul3A_168 : vector<16xf32>
        %swap3A_170 = arith.index_cast %scan3A_84 : i32 to index
        %swap3A_171 = arith.constant 32 : index
        %swap3A_172 = tpu.vector_load %arg18[%swap3A_170, %swap3A_171] {strides = array<i32>} : memref<16x512xf32, #tpu.memory_space<vmem>>, vector<1x16xf32>,
        %swap3A_173 = vector.shape_cast %swap3A_172 : vector<1x16xf32> to vector<16xf32>
        %swap3A_174 = vector.shape_cast %add3A_169 : vector<16xf32> to vector<1x16xf32>
        tpu.vector_store %arg18[%swap3A_170, %swap3A_171], %swap3A_174 {strides = array<i32>} : memref<16x512xf32, #tpu.memory_space<vmem>>, vector<1x16xf32>,
        %get3A_175 = arith.index_cast %scan3A_84 : i32 to index
        %get3A_176 = arith.constant 48 : index
        %get3A_177 = tpu.vector_load %arg16[%get3A_175, %get3A_176] {strides = array<i32>} : memref<48x512xf32, #tpu.memory_space<vmem>>, vector<1x16xf32>,
        %get3A_178 = vector.shape_cast %get3A_177 : vector<1x16xf32> to vector<16xf32>
        %mul3A_179 = arith.mulf %get3A_178, %get3A_91 : vector<16xf32>
        %add3A_180 = arith.constant 16 : i32
        %add3A_181 = arith.addi %add3A_180, %scan3A_84 : i32
        %get3A_182 = arith.index_cast %add3A_181 : i32 to index
        %get3A_183 = arith.constant 48 : index
        %get3A_184 = tpu.vector_load %arg16[%get3A_182, %get3A_183] {strides = array<i32>} : memref<48x512xf32, #tpu.memory_space<vmem>>, vector<1x16xf32>,
        %get3A_185 = vector.shape_cast %get3A_184 : vector<1x16xf32> to vector<16xf32>
        %mul3A_186 = arith.mulf %get3A_185, %get3A_94 : vector<16xf32>
        %add3A_187 = arith.addf %mul3A_179, %mul3A_186 : vector<16xf32>
        %add3A_188 = arith.constant 32 : i32
        %add3A_189 = arith.addi %add3A_188, %scan3A_84 : i32
        %get3A_190 = arith.index_cast %add3A_189 : i32 to index
        %get3A_191 = arith.constant 48 : index
        %get3A_192 = tpu.vector_load %arg16[%get3A_190, %get3A_191] {strides = array<i32>} : memref<48x512xf32, #tpu.memory_space<vmem>>, vector<1x16xf32>,
        %get3A_193 = vector.shape_cast %get3A_192 : vector<1x16xf32> to vector<16xf32>
        %mul3A_194 = arith.mulf %get3A_193, %get3A_97 : vector<16xf32>
        %add3A_195 = arith.addf %add3A_187, %mul3A_194 : vector<16xf32>
        %swap3A_196 = arith.index_cast %scan3A_84 : i32 to index
        %swap3A_197 = arith.constant 48 : index
        %swap3A_198 = tpu.vector_load %arg18[%swap3A_196, %swap3A_197] {strides = array<i32>} : memref<16x512xf32, #tpu.memory_space<vmem>>, vector<1x16xf32>,
        %swap3A_199 = vector.shape_cast %swap3A_198 : vector<1x16xf32> to vector<16xf32>
        %swap3A_200 = vector.shape_cast %add3A_195 : vector<16xf32> to vector<1x16xf32>
        tpu.vector_store %arg18[%swap3A_196, %swap3A_197], %swap3A_200 {strides = array<i32>} : memref<16x512xf32, #tpu.memory_space<vmem>>, vector<1x16xf32>,
        %get3A_201 = arith.index_cast %scan3A_84 : i32 to index
        %get3A_202 = arith.constant 64 : index
        %get3A_203 = tpu.vector_load %arg16[%get3A_201, %get3A_202] {strides = array<i32>} : memref<48x512xf32, #tpu.memory_space<vmem>>, vector<1x16xf32>,
        %get3A_204 = vector.shape_cast %get3A_203 : vector<1x16xf32> to vector<16xf32>
        %mul3A_205 = arith.mulf %get3A_204, %get3A_91 : vector<16xf32>
        %add3A_206 = arith.constant 16 : i32
        %add3A_207 = arith.addi %add3A_206, %scan3A_84 : i32
        %get3A_208 = arith.index_cast %add3A_207 : i32 to index
        %get3A_209 = arith.constant 64 : index
        %get3A_210 = tpu.vector_load %arg16[%get3A_208, %get3A_209] {strides = array<i32>} : memref<48x512xf32, #tpu.memory_space<vmem>>, vector<1x16xf32>,
        %get3A_211 = vector.shape_cast %get3A_210 : vector<1x16xf32> to vector<16xf32>
        %mul3A_212 = arith.mulf %get3A_211, %get3A_94 : vector<16xf32>
        %add3A_213 = arith.addf %mul3A_205, %mul3A_212 : vector<16xf32>
        %add3A_214 = arith.constant 32 : i32
        %add3A_215 = arith.addi %add3A_214, %scan3A_84 : i32
        %get3A_216 = arith.index_cast %add3A_215 : i32 to index
        %get3A_217 = arith.constant 64 : index
        %get3A_218 = tpu.vector_load %arg16[%get3A_216, %get3A_217] {strides = array<i32>} : memref<48x512xf32, #tpu.memory_space<vmem>>, vector<1x16xf32>,
        %get3A_219 = vector.shape_cast %get3A_218 : vector<1x16xf32> to vector<16xf32>
        %mul3A_220 = arith.mulf %get3A_219, %get3A_97 : vector<16xf32>
        %add3A_221 = arith.addf %add3A_213, %mul3A_220 : vector<16xf32>
        %swap3A_222 = arith.index_cast %scan3A_84 : i32 to index
        %swap3A_223 = arith.constant 64 : index
        %swap3A_224 = tpu.vector_load %arg18[%swap3A_222, %swap3A_223] {strides = array<i32>} : memref<16x512xf32, #tpu.memory_space<vmem>>, vector<1x16xf32>,
        %swap3A_225 = vector.shape_cast %swap3A_224 : vector<1x16xf32> to vector<16xf32>
        %swap3A_226 = vector.shape_cast %add3A_221 : vector<16xf32> to vector<1x16xf32>
        tpu.vector_store %arg18[%swap3A_222, %swap3A_223], %swap3A_226 {strides = array<i32>} : memref<16x512xf32, #tpu.memory_space<vmem>>, vector<1x16xf32>,
        %get3A_227 = arith.index_cast %scan3A_84 : i32 to index
        %get3A_228 = arith.constant 80 : index
        %get3A_229 = tpu.vector_load %arg16[%get3A_227, %get3A_228] {strides = array<i32>} : memref<48x512xf32, #tpu.memory_space<vmem>>, vector<1x16xf32>,
        %get3A_230 = vector.shape_cast %get3A_229 : vector<1x16xf32> to vector<16xf32>
        %mul3A_231 = arith.mulf %get3A_230, %get3A_91 : vector<16xf32>
        %add3A_232 = arith.constant 16 : i32
        %add3A_233 = arith.addi %add3A_232, %scan3A_84 : i32
        %get3A_234 = arith.index_cast %add3A_233 : i32 to index
        %get3A_235 = arith.constant 80 : index
        %get3A_236 = tpu.vector_load %arg16[%get3A_234, %get3A_235] {strides = array<i32>} : memref<48x512xf32, #tpu.memory_space<vmem>>, vector<1x16xf32>,
        %get3A_237 = vector.shape_cast %get3A_236 : vector<1x16xf32> to vector<16xf32>
        %mul3A_238 = arith.mulf %get3A_237, %get3A_94 : vector<16xf32>
        %add3A_239 = arith.addf %mul3A_231, %mul3A_238 : vector<16xf32>
        %add3A_240 = arith.constant 32 : i32
        %add3A_241 = arith.addi %add3A_240, %scan3A_84 : i32
        %get3A_242 = arith.index_cast %add3A_241 : i32 to index
        %get3A_243 = arith.constant 80 : index
        %get3A_244 = tpu.vector_load %arg16[%get3A_242, %get3A_243] {strides = array<i32>} : memref<48x512xf32, #tpu.memory_space<vmem>>, vector<1x16xf32>,
        %get3A_245 = vector.shape_cast %get3A_244 : vector<1x16xf32> to vector<16xf32>
        %mul3A_246 = arith.mulf %get3A_245, %get3A_97 : vector<16xf32>
        %add3A_247 = arith.addf %add3A_239, %mul3A_246 : vector<16xf32>
        %swap3A_248 = arith.index_cast %scan3A_84 : i32 to index
        %swap3A_249 = arith.constant 80 : index
        %swap3A_250 = tpu.vector_load %arg18[%swap3A_248, %swap3A_249] {strides = array<i32>} : memref<16x512xf32, #tpu.memory_space<vmem>>, vector<1x16xf32>,
        %swap3A_251 = vector.shape_cast %swap3A_250 : vector<1x16xf32> to vector<16xf32>
        %swap3A_252 = vector.shape_cast %add3A_247 : vector<16xf32> to vector<1x16xf32>
        tpu.vector_store %arg18[%swap3A_248, %swap3A_249], %swap3A_252 {strides = array<i32>} : memref<16x512xf32, #tpu.memory_space<vmem>>, vector<1x16xf32>,
        %get3A_253 = arith.index_cast %scan3A_84 : i32 to index
        %get3A_254 = arith.constant 96 : index
        %get3A_255 = tpu.vector_load %arg16[%get3A_253, %get3A_254] {strides = array<i32>} : memref<48x512xf32, #tpu.memory_space<vmem>>, vector<1x16xf32>,
        %get3A_256 = vector.shape_cast %get3A_255 : vector<1x16xf32> to vector<16xf32>
        %mul3A_257 = arith.mulf %get3A_256, %get3A_91 : vector<16xf32>
        %add3A_258 = arith.constant 16 : i32
        %add3A_259 = arith.addi %add3A_258, %scan3A_84 : i32
        %get3A_260 = arith.index_cast %add3A_259 : i32 to index
        %get3A_261 = arith.constant 96 : index
        %get3A_262 = tpu.vector_load %arg16[%get3A_260, %get3A_261] {strides = array<i32>} : memref<48x512xf32, #tpu.memory_space<vmem>>, vector<1x16xf32>,
        %get3A_263 = vector.shape_cast %get3A_262 : vector<1x16xf32> to vector<16xf32>
        %mul3A_264 = arith.mulf %get3A_263, %get3A_94 : vector<16xf32>
        %add3A_265 = arith.addf %mul3A_257, %mul3A_264 : vector<16xf32>
        %add3A_266 = arith.constant 32 : i32
        %add3A_267 = arith.addi %add3A_266, %scan3A_84 : i32
        %get3A_268 = arith.index_cast %add3A_267 : i32 to index
        %get3A_269 = arith.constant 96 : index
        %get3A_270 = tpu.vector_load %arg16[%get3A_268, %get3A_269] {strides = array<i32>} : memref<48x512xf32, #tpu.memory_space<vmem>>, vector<1x16xf32>,
        %get3A_271 = vector.shape_cast %get3A_270 : vector<1x16xf32> to vector<16xf32>
        %mul3A_272 = arith.mulf %get3A_271, %get3A_97 : vector<16xf32>
        %add3A_273 = arith.addf %add3A_265, %mul3A_272 : vector<16xf32>
        %swap3A_274 = arith.index_cast %scan3A_84 : i32 to index
        %swap3A_275 = arith.constant 96 : index
        %swap3A_276 = tpu.vector_load %arg18[%swap3A_274, %swap3A_275] {strides = array<i32>} : memref<16x512xf32, #tpu.memory_space<vmem>>, vector<1x16xf32>,
        %swap3A_277 = vector.shape_cast %swap3A_276 : vector<1x16xf32> to vector<16xf32>
        %swap3A_278 = vector.shape_cast %add3A_273 : vector<16xf32> to vector<1x16xf32>
        tpu.vector_store %arg18[%swap3A_274, %swap3A_275], %swap3A_278 {strides = array<i32>} : memref<16x512xf32, #tpu.memory_space<vmem>>, vector<1x16xf32>,
        %get3A_279 = arith.index_cast %scan3A_84 : i32 to index
        %get3A_280 = arith.constant 112 : index
        %get3A_281 = tpu.vector_load %arg16[%get3A_279, %get3A_280] {strides = array<i32>} : memref<48x512xf32, #tpu.memory_space<vmem>>, vector<1x16xf32>,
        %get3A_282 = vector.shape_cast %get3A_281 : vector<1x16xf32> to vector<16xf32>
        %mul3A_283 = arith.mulf %get3A_282, %get3A_91 : vector<16xf32>
        %add3A_284 = arith.constant 16 : i32
        %add3A_285 = arith.addi %add3A_284, %scan3A_84 : i32
        %get3A_286 = arith.index_cast %add3A_285 : i32 to index
        %get3A_287 = arith.constant 112 : index
        %get3A_288 = tpu.vector_load %arg16[%get3A_286, %get3A_287] {strides = array<i32>} : memref<48x512xf32, #tpu.memory_space<vmem>>, vector<1x16xf32>,
        %get3A_289 = vector.shape_cast %get3A_288 : vector<1x16xf32> to vector<16xf32>
        %mul3A_290 = arith.mulf %get3A_289, %get3A_94 : vector<16xf32>
        %add3A_291 = arith.addf %mul3A_283, %mul3A_290 : vector<16xf32>
        %add3A_292 = arith.constant 32 : i32
        %add3A_293 = arith.addi %add3A_292, %scan3A_84 : i32
        %get3A_294 = arith.index_cast %add3A_293 : i32 to index
        %get3A_295 = arith.constant 112 : index
        %get3A_296 = tpu.vector_load %arg16[%get3A_294, %get3A_295] {strides = array<i32>} : memref<48x512xf32, #tpu.memory_space<vmem>>, vector<1x16xf32>,
        %get3A_297 = vector.shape_cast %get3A_296 : vector<1x16xf32> to vector<16xf32>
        %mul3A_298 = arith.mulf %get3A_297, %get3A_97 : vector<16xf32>
        %add3A_299 = arith.addf %add3A_291, %mul3A_298 : vector<16xf32>
        %swap3A_300 = arith.index_cast %scan3A_84 : i32 to index
        %swap3A_301 = arith.constant 112 : index
        %swap3A_302 = tpu.vector_load %arg18[%swap3A_300, %swap3A_301] {strides = array<i32>} : memref<16x512xf32, #tpu.memory_space<vmem>>, vector<1x16xf32>,
        %swap3A_303 = vector.shape_cast %swap3A_302 : vector<1x16xf32> to vector<16xf32>
        %swap3A_304 = vector.shape_cast %add3A_299 : vector<16xf32> to vector<1x16xf32>
        tpu.vector_store %arg18[%swap3A_300, %swap3A_301], %swap3A_304 {strides = array<i32>} : memref<16x512xf32, #tpu.memory_space<vmem>>, vector<1x16xf32>,
        %get3A_305 = arith.index_cast %scan3A_84 : i32 to index
        %get3A_306 = arith.constant 128 : index
        %get3A_307 = tpu.vector_load %arg16[%get3A_305, %get3A_306] {strides = array<i32>} : memref<48x512xf32, #tpu.memory_space<vmem>>, vector<1x16xf32>,
        %get3A_308 = vector.shape_cast %get3A_307 : vector<1x16xf32> to vector<16xf32>
        %mul3A_309 = arith.mulf %get3A_308, %get3A_91 : vector<16xf32>
        %add3A_310 = arith.constant 16 : i32
        %add3A_311 = arith.addi %add3A_310, %scan3A_84 : i32
        %get3A_312 = arith.index_cast %add3A_311 : i32 to index
        %get3A_313 = arith.constant 128 : index
        %get3A_314 = tpu.vector_load %arg16[%get3A_312, %get3A_313] {strides = array<i32>} : memref<48x512xf32, #tpu.memory_space<vmem>>, vector<1x16xf32>,
        %get3A_315 = vector.shape_cast %get3A_314 : vector<1x16xf32> to vector<16xf32>
        %mul3A_316 = arith.mulf %get3A_315, %get3A_94 : vector<16xf32>
        %add3A_317 = arith.addf %mul3A_309, %mul3A_316 : vector<16xf32>
        %add3A_318 = arith.constant 32 : i32
        %add3A_319 = arith.addi %add3A_318, %scan3A_84 : i32
        %get3A_320 = arith.index_cast %add3A_319 : i32 to index
        %get3A_321 = arith.constant 128 : index
        %get3A_322 = tpu.vector_load %arg16[%get3A_320, %get3A_321] {strides = array<i32>} : memref<48x512xf32, #tpu.memory_space<vmem>>, vector<1x16xf32>,
        %get3A_323 = vector.shape_cast %get3A_322 : vector<1x16xf32> to vector<16xf32>
        %mul3A_324 = arith.mulf %get3A_323, %get3A_97 : vector<16xf32>
        %add3A_325 = arith.addf %add3A_317, %mul3A_324 : vector<16xf32>
        %swap3A_326 = arith.index_cast %scan3A_84 : i32 to index
        %swap3A_327 = arith.constant 128 : index
        %swap3A_328 = tpu.vector_load %arg18[%swap3A_326, %swap3A_327] {strides = array<i32>} : memref<16x512xf32, #tpu.memory_space<vmem>>, vector<1x16xf32>,
        %swap3A_329 = vector.shape_cast %swap3A_328 : vector<1x16xf32> to vector<16xf32>
        %swap3A_330 = vector.shape_cast %add3A_325 : vector<16xf32> to vector<1x16xf32>
        tpu.vector_store %arg18[%swap3A_326, %swap3A_327], %swap3A_330 {strides = array<i32>} : memref<16x512xf32, #tpu.memory_space<vmem>>, vector<1x16xf32>,
        %get3A_331 = arith.index_cast %scan3A_84 : i32 to index
        %get3A_332 = arith.constant 144 : index
        %get3A_333 = tpu.vector_load %arg16[%get3A_331, %get3A_332] {strides = array<i32>} : memref<48x512xf32, #tpu.memory_space<vmem>>, vector<1x16xf32>,
        %get3A_334 = vector.shape_cast %get3A_333 : vector<1x16xf32> to vector<16xf32>
        %mul3A_335 = arith.mulf %get3A_334, %get3A_91 : vector<16xf32>
        %add3A_336 = arith.constant 16 : i32
        %add3A_337 = arith.addi %add3A_336, %scan3A_84 : i32
        %get3A_338 = arith.index_cast %add3A_337 : i32 to index
        %get3A_339 = arith.constant 144 : index
        %get3A_340 = tpu.vector_load %arg16[%get3A_338, %get3A_339] {strides = array<i32>} : memref<48x512xf32, #tpu.memory_space<vmem>>, vector<1x16xf32>,
        %get3A_341 = vector.shape_cast %get3A_340 : vector<1x16xf32> to vector<16xf32>
        %mul3A_342 = arith.mulf %get3A_341, %get3A_94 : vector<16xf32>
        %add3A_343 = arith.addf %mul3A_335, %mul3A_342 : vector<16xf32>
        %add3A_344 = arith.constant 32 : i32
        %add3A_345 = arith.addi %add3A_344, %scan3A_84 : i32
        %get3A_346 = arith.index_cast %add3A_345 : i32 to index
        %get3A_347 = arith.constant 144 : index
        %get3A_348 = tpu.vector_load %arg16[%get3A_346, %get3A_347] {strides = array<i32>} : memref<48x512xf32, #tpu.memory_space<vmem>>, vector<1x16xf32>,
        %get3A_349 = vector.shape_cast %get3A_348 : vector<1x16xf32> to vector<16xf32>
        %mul3A_350 = arith.mulf %get3A_349, %get3A_97 : vector<16xf32>
        %add3A_351 = arith.addf %add3A_343, %mul3A_350 : vector<16xf32>
        %swap3A_352 = arith.index_cast %scan3A_84 : i32 to index
        %swap3A_353 = arith.constant 144 : index
        %swap3A_354 = tpu.vector_load %arg18[%swap3A_352, %swap3A_353] {strides = array<i32>} : memref<16x512xf32, #tpu.memory_space<vmem>>, vector<1x16xf32>,
        %swap3A_355 = vector.shape_cast %swap3A_354 : vector<1x16xf32> to vector<16xf32>
        %swap3A_356 = vector.shape_cast %add3A_351 : vector<16xf32> to vector<1x16xf32>
        tpu.vector_store %arg18[%swap3A_352, %swap3A_353], %swap3A_356 {strides = array<i32>} : memref<16x512xf32, #tpu.memory_space<vmem>>, vector<1x16xf32>,
        %get3A_357 = arith.index_cast %scan3A_84 : i32 to index
        %get3A_358 = arith.constant 160 : index
        %get3A_359 = tpu.vector_load %arg16[%get3A_357, %get3A_358] {strides = array<i32>} : memref<48x512xf32, #tpu.memory_space<vmem>>, vector<1x16xf32>,
        %get3A_360 = vector.shape_cast %get3A_359 : vector<1x16xf32> to vector<16xf32>
        %mul3A_361 = arith.mulf %get3A_360, %get3A_91 : vector<16xf32>
        %add3A_362 = arith.constant 16 : i32
        %add3A_363 = arith.addi %add3A_362, %scan3A_84 : i32
        %get3A_364 = arith.index_cast %add3A_363 : i32 to index
        %get3A_365 = arith.constant 160 : index
        %get3A_366 = tpu.vector_load %arg16[%get3A_364, %get3A_365] {strides = array<i32>} : memref<48x512xf32, #tpu.memory_space<vmem>>, vector<1x16xf32>,
        %get3A_367 = vector.shape_cast %get3A_366 : vector<1x16xf32> to vector<16xf32>
        %mul3A_368 = arith.mulf %get3A_367, %get3A_94 : vector<16xf32>
        %add3A_369 = arith.addf %mul3A_361, %mul3A_368 : vector<16xf32>
        %add3A_370 = arith.constant 32 : i32
        %add3A_371 = arith.addi %add3A_370, %scan3A_84 : i32
        %get3A_372 = arith.index_cast %add3A_371 : i32 to index
        %get3A_373 = arith.constant 160 : index
        %get3A_374 = tpu.vector_load %arg16[%get3A_372, %get3A_373] {strides = array<i32>} : memref<48x512xf32, #tpu.memory_space<vmem>>, vector<1x16xf32>,
        %get3A_375 = vector.shape_cast %get3A_374 : vector<1x16xf32> to vector<16xf32>
        %mul3A_376 = arith.mulf %get3A_375, %get3A_97 : vector<16xf32>
        %add3A_377 = arith.addf %add3A_369, %mul3A_376 : vector<16xf32>
        %swap3A_378 = arith.index_cast %scan3A_84 : i32 to index
        %swap3A_379 = arith.constant 160 : index
        %swap3A_380 = tpu.vector_load %arg18[%swap3A_378, %swap3A_379] {strides = array<i32>} : memref<16x512xf32, #tpu.memory_space<vmem>>, vector<1x16xf32>,
        %swap3A_381 = vector.shape_cast %swap3A_380 : vector<1x16xf32> to vector<16xf32>
        %swap3A_382 = vector.shape_cast %add3A_377 : vector<16xf32> to vector<1x16xf32>
        tpu.vector_store %arg18[%swap3A_378, %swap3A_379], %swap3A_382 {strides = array<i32>} : memref<16x512xf32, #tpu.memory_space<vmem>>, vector<1x16xf32>,
        %get3A_383 = arith.index_cast %scan3A_84 : i32 to index
        %get3A_384 = arith.constant 176 : index
        %get3A_385 = tpu.vector_load %arg16[%get3A_383, %get3A_384] {strides = array<i32>} : memref<48x512xf32, #tpu.memory_space<vmem>>, vector<1x16xf32>,
        %get3A_386 = vector.shape_cast %get3A_385 : vector<1x16xf32> to vector<16xf32>
        %mul3A_387 = arith.mulf %get3A_386, %get3A_91 : vector<16xf32>
        %add3A_388 = arith.constant 16 : i32
        %add3A_389 = arith.addi %add3A_388, %scan3A_84 : i32
        %get3A_390 = arith.index_cast %add3A_389 : i32 to index
        %get3A_391 = arith.constant 176 : index
        %get3A_392 = tpu.vector_load %arg16[%get3A_390, %get3A_391] {strides = array<i32>} : memref<48x512xf32, #tpu.memory_space<vmem>>, vector<1x16xf32>,
        %get3A_393 = vector.shape_cast %get3A_392 : vector<1x16xf32> to vector<16xf32>
        %mul3A_394 = arith.mulf %get3A_393, %get3A_94 : vector<16xf32>
        %add3A_395 = arith.addf %mul3A_387, %mul3A_394 : vector<16xf32>
        %add3A_396 = arith.constant 32 : i32
        %add3A_397 = arith.addi %add3A_396, %scan3A_84 : i32
        %get3A_398 = arith.index_cast %add3A_397 : i32 to index
        %get3A_399 = arith.constant 176 : index
        %get3A_400 = tpu.vector_load %arg16[%get3A_398, %get3A_399] {strides = array<i32>} : memref<48x512xf32, #tpu.memory_space<vmem>>, vector<1x16xf32>,
        %get3A_401 = vector.shape_cast %get3A_400 : vector<1x16xf32> to vector<16xf32>
        %mul3A_402 = arith.mulf %get3A_401, %get3A_97 : vector<16xf32>
        %add3A_403 = arith.addf %add3A_395, %mul3A_402 : vector<16xf32>
        %swap3A_404 = arith.index_cast %scan3A_84 : i32 to index
        %swap3A_405 = arith.constant 176 : index
        %swap3A_406 = tpu.vector_load %arg18[%swap3A_404, %swap3A_405] {strides = array<i32>} : memref<16x512xf32, #tpu.memory_space<vmem>>, vector<1x16xf32>,
        %swap3A_407 = vector.shape_cast %swap3A_406 : vector<1x16xf32> to vector<16xf32>
        %swap3A_408 = vector.shape_cast %add3A_403 : vector<16xf32> to vector<1x16xf32>
        tpu.vector_store %arg18[%swap3A_404, %swap3A_405], %swap3A_408 {strides = array<i32>} : memref<16x512xf32, #tpu.memory_space<vmem>>, vector<1x16xf32>,
        %get3A_409 = arith.index_cast %scan3A_84 : i32 to index
        %get3A_410 = arith.constant 192 : index
        %get3A_411 = tpu.vector_load %arg16[%get3A_409, %get3A_410] {strides = array<i32>} : memref<48x512xf32, #tpu.memory_space<vmem>>, vector<1x16xf32>,
        %get3A_412 = vector.shape_cast %get3A_411 : vector<1x16xf32> to vector<16xf32>
        %mul3A_413 = arith.mulf %get3A_412, %get3A_91 : vector<16xf32>
        %add3A_414 = arith.constant 16 : i32
        %add3A_415 = arith.addi %add3A_414, %scan3A_84 : i32
        %get3A_416 = arith.index_cast %add3A_415 : i32 to index
        %get3A_417 = arith.constant 192 : index
        %get3A_418 = tpu.vector_load %arg16[%get3A_416, %get3A_417] {strides = array<i32>} : memref<48x512xf32, #tpu.memory_space<vmem>>, vector<1x16xf32>,
        %get3A_419 = vector.shape_cast %get3A_418 : vector<1x16xf32> to vector<16xf32>
        %mul3A_420 = arith.mulf %get3A_419, %get3A_94 : vector<16xf32>
        %add3A_421 = arith.addf %mul3A_413, %mul3A_420 : vector<16xf32>
        %add3A_422 = arith.constant 32 : i32
        %add3A_423 = arith.addi %add3A_422, %scan3A_84 : i32
        %get3A_424 = arith.index_cast %add3A_423 : i32 to index
        %get3A_425 = arith.constant 192 : index
        %get3A_426 = tpu.vector_load %arg16[%get3A_424, %get3A_425] {strides = array<i32>} : memref<48x512xf32, #tpu.memory_space<vmem>>, vector<1x16xf32>,
        %get3A_427 = vector.shape_cast %get3A_426 : vector<1x16xf32> to vector<16xf32>
        %mul3A_428 = arith.mulf %get3A_427, %get3A_97 : vector<16xf32>
        %add3A_429 = arith.addf %add3A_421, %mul3A_428 : vector<16xf32>
        %swap3A_430 = arith.index_cast %scan3A_84 : i32 to index
        %swap3A_431 = arith.constant 192 : index
        %swap3A_432 = tpu.vector_load %arg18[%swap3A_430, %swap3A_431] {strides = array<i32>} : memref<16x512xf32, #tpu.memory_space<vmem>>, vector<1x16xf32>,
        %swap3A_433 = vector.shape_cast %swap3A_432 : vector<1x16xf32> to vector<16xf32>
        %swap3A_434 = vector.shape_cast %add3A_429 : vector<16xf32> to vector<1x16xf32>
        tpu.vector_store %arg18[%swap3A_430, %swap3A_431], %swap3A_434 {strides = array<i32>} : memref<16x512xf32, #tpu.memory_space<vmem>>, vector<1x16xf32>,
        %get3A_435 = arith.index_cast %scan3A_84 : i32 to index
        %get3A_436 = arith.constant 208 : index
        %get3A_437 = tpu.vector_load %arg16[%get3A_435, %get3A_436] {strides = array<i32>} : memref<48x512xf32, #tpu.memory_space<vmem>>, vector<1x16xf32>,
        %get3A_438 = vector.shape_cast %get3A_437 : vector<1x16xf32> to vector<16xf32>
        %mul3A_439 = arith.mulf %get3A_438, %get3A_91 : vector<16xf32>
        %add3A_440 = arith.constant 16 : i32
        %add3A_441 = arith.addi %add3A_440, %scan3A_84 : i32
        %get3A_442 = arith.index_cast %add3A_441 : i32 to index
        %get3A_443 = arith.constant 208 : index
        %get3A_444 = tpu.vector_load %arg16[%get3A_442, %get3A_443] {strides = array<i32>} : memref<48x512xf32, #tpu.memory_space<vmem>>, vector<1x16xf32>,
        %get3A_445 = vector.shape_cast %get3A_444 : vector<1x16xf32> to vector<16xf32>
        %mul3A_446 = arith.mulf %get3A_445, %get3A_94 : vector<16xf32>
        %add3A_447 = arith.addf %mul3A_439, %mul3A_446 : vector<16xf32>
        %add3A_448 = arith.constant 32 : i32
        %add3A_449 = arith.addi %add3A_448, %scan3A_84 : i32
        %get3A_450 = arith.index_cast %add3A_449 : i32 to index
        %get3A_451 = arith.constant 208 : index
        %get3A_452 = tpu.vector_load %arg16[%get3A_450, %get3A_451] {strides = array<i32>} : memref<48x512xf32, #tpu.memory_space<vmem>>, vector<1x16xf32>,
        %get3A_453 = vector.shape_cast %get3A_452 : vector<1x16xf32> to vector<16xf32>
        %mul3A_454 = arith.mulf %get3A_453, %get3A_97 : vector<16xf32>
        %add3A_455 = arith.addf %add3A_447, %mul3A_454 : vector<16xf32>
        %swap3A_456 = arith.index_cast %scan3A_84 : i32 to index
        %swap3A_457 = arith.constant 208 : index
        %swap3A_458 = tpu.vector_load %arg18[%swap3A_456, %swap3A_457] {strides = array<i32>} : memref<16x512xf32, #tpu.memory_space<vmem>>, vector<1x16xf32>,
        %swap3A_459 = vector.shape_cast %swap3A_458 : vector<1x16xf32> to vector<16xf32>
        %swap3A_460 = vector.shape_cast %add3A_455 : vector<16xf32> to vector<1x16xf32>
        tpu.vector_store %arg18[%swap3A_456, %swap3A_457], %swap3A_460 {strides = array<i32>} : memref<16x512xf32, #tpu.memory_space<vmem>>, vector<1x16xf32>,
        %get3A_461 = arith.index_cast %scan3A_84 : i32 to index
        %get3A_462 = arith.constant 224 : index
        %get3A_463 = tpu.vector_load %arg16[%get3A_461, %get3A_462] {strides = array<i32>} : memref<48x512xf32, #tpu.memory_space<vmem>>, vector<1x16xf32>,
        %get3A_464 = vector.shape_cast %get3A_463 : vector<1x16xf32> to vector<16xf32>
        %mul3A_465 = arith.mulf %get3A_464, %get3A_91 : vector<16xf32>
        %add3A_466 = arith.constant 16 : i32
        %add3A_467 = arith.addi %add3A_466, %scan3A_84 : i32
        %get3A_468 = arith.index_cast %add3A_467 : i32 to index
        %get3A_469 = arith.constant 224 : index
        %get3A_470 = tpu.vector_load %arg16[%get3A_468, %get3A_469] {strides = array<i32>} : memref<48x512xf32, #tpu.memory_space<vmem>>, vector<1x16xf32>,
        %get3A_471 = vector.shape_cast %get3A_470 : vector<1x16xf32> to vector<16xf32>
        %mul3A_472 = arith.mulf %get3A_471, %get3A_94 : vector<16xf32>
        %add3A_473 = arith.addf %mul3A_465, %mul3A_472 : vector<16xf32>
        %add3A_474 = arith.constant 32 : i32
        %add3A_475 = arith.addi %add3A_474, %scan3A_84 : i32
        %get3A_476 = arith.index_cast %add3A_475 : i32 to index
        %get3A_477 = arith.constant 224 : index
        %get3A_478 = tpu.vector_load %arg16[%get3A_476, %get3A_477] {strides = array<i32>} : memref<48x512xf32, #tpu.memory_space<vmem>>, vector<1x16xf32>,
        %get3A_479 = vector.shape_cast %get3A_478 : vector<1x16xf32> to vector<16xf32>
        %mul3A_480 = arith.mulf %get3A_479, %get3A_97 : vector<16xf32>
        %add3A_481 = arith.addf %add3A_473, %mul3A_480 : vector<16xf32>
        %swap3A_482 = arith.index_cast %scan3A_84 : i32 to index
        %swap3A_483 = arith.constant 224 : index
        %swap3A_484 = tpu.vector_load %arg18[%swap3A_482, %swap3A_483] {strides = array<i32>} : memref<16x512xf32, #tpu.memory_space<vmem>>, vector<1x16xf32>,
        %swap3A_485 = vector.shape_cast %swap3A_484 : vector<1x16xf32> to vector<16xf32>
        %swap3A_486 = vector.shape_cast %add3A_481 : vector<16xf32> to vector<1x16xf32>
        tpu.vector_store %arg18[%swap3A_482, %swap3A_483], %swap3A_486 {strides = array<i32>} : memref<16x512xf32, #tpu.memory_space<vmem>>, vector<1x16xf32>,
        %get3A_487 = arith.index_cast %scan3A_84 : i32 to index
        %get3A_488 = arith.constant 240 : index
        %get3A_489 = tpu.vector_load %arg16[%get3A_487, %get3A_488] {strides = array<i32>} : memref<48x512xf32, #tpu.memory_space<vmem>>, vector<1x16xf32>,
        %get3A_490 = vector.shape_cast %get3A_489 : vector<1x16xf32> to vector<16xf32>
        %mul3A_491 = arith.mulf %get3A_490, %get3A_91 : vector<16xf32>
        %add3A_492 = arith.constant 16 : i32
        %add3A_493 = arith.addi %add3A_492, %scan3A_84 : i32
        %get3A_494 = arith.index_cast %add3A_493 : i32 to index
        %get3A_495 = arith.constant 240 : index
        %get3A_496 = tpu.vector_load %arg16[%get3A_494, %get3A_495] {strides = array<i32>} : memref<48x512xf32, #tpu.memory_space<vmem>>, vector<1x16xf32>,
        %get3A_497 = vector.shape_cast %get3A_496 : vector<1x16xf32> to vector<16xf32>
        %mul3A_498 = arith.mulf %get3A_497, %get3A_94 : vector<16xf32>
        %add3A_499 = arith.addf %mul3A_491, %mul3A_498 : vector<16xf32>
        %add3A_500 = arith.constant 32 : i32
        %add3A_501 = arith.addi %add3A_500, %scan3A_84 : i32
        %get3A_502 = arith.index_cast %add3A_501 : i32 to index
        %get3A_503 = arith.constant 240 : index
        %get3A_504 = tpu.vector_load %arg16[%get3A_502, %get3A_503] {strides = array<i32>} : memref<48x512xf32, #tpu.memory_space<vmem>>, vector<1x16xf32>,
        %get3A_505 = vector.shape_cast %get3A_504 : vector<1x16xf32> to vector<16xf32>
        %mul3A_506 = arith.mulf %get3A_505, %get3A_97 : vector<16xf32>
        %add3A_507 = arith.addf %add3A_499, %mul3A_506 : vector<16xf32>
        %swap3A_508 = arith.index_cast %scan3A_84 : i32 to index
        %swap3A_509 = arith.constant 240 : index
        %swap3A_510 = tpu.vector_load %arg18[%swap3A_508, %swap3A_509] {strides = array<i32>} : memref<16x512xf32, #tpu.memory_space<vmem>>, vector<1x16xf32>,
        %swap3A_511 = vector.shape_cast %swap3A_510 : vector<1x16xf32> to vector<16xf32>
        %swap3A_512 = vector.shape_cast %add3A_507 : vector<16xf32> to vector<1x16xf32>
        tpu.vector_store %arg18[%swap3A_508, %swap3A_509], %swap3A_512 {strides = array<i32>} : memref<16x512xf32, #tpu.memory_space<vmem>>, vector<1x16xf32>,
        %get3A_513 = arith.index_cast %scan3A_84 : i32 to index
        %get3A_514 = arith.constant 256 : index
        %get3A_515 = tpu.vector_load %arg16[%get3A_513, %get3A_514] {strides = array<i32>} : memref<48x512xf32, #tpu.memory_space<vmem>>, vector<1x16xf32>,
        %get3A_516 = vector.shape_cast %get3A_515 : vector<1x16xf32> to vector<16xf32>
        %mul3A_517 = arith.mulf %get3A_516, %get3A_91 : vector<16xf32>
        %add3A_518 = arith.constant 16 : i32
        %add3A_519 = arith.addi %add3A_518, %scan3A_84 : i32
        %get3A_520 = arith.index_cast %add3A_519 : i32 to index
        %get3A_521 = arith.constant 256 : index
        %get3A_522 = tpu.vector_load %arg16[%get3A_520, %get3A_521] {strides = array<i32>} : memref<48x512xf32, #tpu.memory_space<vmem>>, vector<1x16xf32>,
        %get3A_523 = vector.shape_cast %get3A_522 : vector<1x16xf32> to vector<16xf32>
        %mul3A_524 = arith.mulf %get3A_523, %get3A_94 : vector<16xf32>
        %add3A_525 = arith.addf %mul3A_517, %mul3A_524 : vector<16xf32>
        %add3A_526 = arith.constant 32 : i32
        %add3A_527 = arith.addi %add3A_526, %scan3A_84 : i32
        %get3A_528 = arith.index_cast %add3A_527 : i32 to index
        %get3A_529 = arith.constant 256 : index
        %get3A_530 = tpu.vector_load %arg16[%get3A_528, %get3A_529] {strides = array<i32>} : memref<48x512xf32, #tpu.memory_space<vmem>>, vector<1x16xf32>,
        %get3A_531 = vector.shape_cast %get3A_530 : vector<1x16xf32> to vector<16xf32>
        %mul3A_532 = arith.mulf %get3A_531, %get3A_97 : vector<16xf32>
        %add3A_533 = arith.addf %add3A_525, %mul3A_532 : vector<16xf32>
        %swap3A_534 = arith.index_cast %scan3A_84 : i32 to index
        %swap3A_535 = arith.constant 256 : index
        %swap3A_536 = tpu.vector_load %arg18[%swap3A_534, %swap3A_535] {strides = array<i32>} : memref<16x512xf32, #tpu.memory_space<vmem>>, vector<1x16xf32>,
        %swap3A_537 = vector.shape_cast %swap3A_536 : vector<1x16xf32> to vector<16xf32>
        %swap3A_538 = vector.shape_cast %add3A_533 : vector<16xf32> to vector<1x16xf32>
        tpu.vector_store %arg18[%swap3A_534, %swap3A_535], %swap3A_538 {strides = array<i32>} : memref<16x512xf32, #tpu.memory_space<vmem>>, vector<1x16xf32>,
        %get3A_539 = arith.index_cast %scan3A_84 : i32 to index
        %get3A_540 = arith.constant 272 : index
        %get3A_541 = tpu.vector_load %arg16[%get3A_539, %get3A_540] {strides = array<i32>} : memref<48x512xf32, #tpu.memory_space<vmem>>, vector<1x16xf32>,
        %get3A_542 = vector.shape_cast %get3A_541 : vector<1x16xf32> to vector<16xf32>
        %mul3A_543 = arith.mulf %get3A_542, %get3A_91 : vector<16xf32>
        %add3A_544 = arith.constant 16 : i32
        %add3A_545 = arith.addi %add3A_544, %scan3A_84 : i32
        %get3A_546 = arith.index_cast %add3A_545 : i32 to index
        %get3A_547 = arith.constant 272 : index
        %get3A_548 = tpu.vector_load %arg16[%get3A_546, %get3A_547] {strides = array<i32>} : memref<48x512xf32, #tpu.memory_space<vmem>>, vector<1x16xf32>,
        %get3A_549 = vector.shape_cast %get3A_548 : vector<1x16xf32> to vector<16xf32>
        %mul3A_550 = arith.mulf %get3A_549, %get3A_94 : vector<16xf32>
        %add3A_551 = arith.addf %mul3A_543, %mul3A_550 : vector<16xf32>
        %add3A_552 = arith.constant 32 : i32
        %add3A_553 = arith.addi %add3A_552, %scan3A_84 : i32
        %get3A_554 = arith.index_cast %add3A_553 : i32 to index
        %get3A_555 = arith.constant 272 : index
        %get3A_556 = tpu.vector_load %arg16[%get3A_554, %get3A_555] {strides = array<i32>} : memref<48x512xf32, #tpu.memory_space<vmem>>, vector<1x16xf32>,
        %get3A_557 = vector.shape_cast %get3A_556 : vector<1x16xf32> to vector<16xf32>
        %mul3A_558 = arith.mulf %get3A_557, %get3A_97 : vector<16xf32>
        %add3A_559 = arith.addf %add3A_551, %mul3A_558 : vector<16xf32>
        %swap3A_560 = arith.index_cast %scan3A_84 : i32 to index
        %swap3A_561 = arith.constant 272 : index
        %swap3A_562 = tpu.vector_load %arg18[%swap3A_560, %swap3A_561] {strides = array<i32>} : memref<16x512xf32, #tpu.memory_space<vmem>>, vector<1x16xf32>,
        %swap3A_563 = vector.shape_cast %swap3A_562 : vector<1x16xf32> to vector<16xf32>
        %swap3A_564 = vector.shape_cast %add3A_559 : vector<16xf32> to vector<1x16xf32>
        tpu.vector_store %arg18[%swap3A_560, %swap3A_561], %swap3A_564 {strides = array<i32>} : memref<16x512xf32, #tpu.memory_space<vmem>>, vector<1x16xf32>,
        %get3A_565 = arith.index_cast %scan3A_84 : i32 to index
        %get3A_566 = arith.constant 288 : index
        %get3A_567 = tpu.vector_load %arg16[%get3A_565, %get3A_566] {strides = array<i32>} : memref<48x512xf32, #tpu.memory_space<vmem>>, vector<1x16xf32>,
        %get3A_568 = vector.shape_cast %get3A_567 : vector<1x16xf32> to vector<16xf32>
        %mul3A_569 = arith.mulf %get3A_568, %get3A_91 : vector<16xf32>
        %add3A_570 = arith.constant 16 : i32
        %add3A_571 = arith.addi %add3A_570, %scan3A_84 : i32
        %get3A_572 = arith.index_cast %add3A_571 : i32 to index
        %get3A_573 = arith.constant 288 : index
        %get3A_574 = tpu.vector_load %arg16[%get3A_572, %get3A_573] {strides = array<i32>} : memref<48x512xf32, #tpu.memory_space<vmem>>, vector<1x16xf32>,
        %get3A_575 = vector.shape_cast %get3A_574 : vector<1x16xf32> to vector<16xf32>
        %mul3A_576 = arith.mulf %get3A_575, %get3A_94 : vector<16xf32>
        %add3A_577 = arith.addf %mul3A_569, %mul3A_576 : vector<16xf32>
        %add3A_578 = arith.constant 32 : i32
        %add3A_579 = arith.addi %add3A_578, %scan3A_84 : i32
        %get3A_580 = arith.index_cast %add3A_579 : i32 to index
        %get3A_581 = arith.constant 288 : index
        %get3A_582 = tpu.vector_load %arg16[%get3A_580, %get3A_581] {strides = array<i32>} : memref<48x512xf32, #tpu.memory_space<vmem>>, vector<1x16xf32>,
        %get3A_583 = vector.shape_cast %get3A_582 : vector<1x16xf32> to vector<16xf32>
        %mul3A_584 = arith.mulf %get3A_583, %get3A_97 : vector<16xf32>
        %add3A_585 = arith.addf %add3A_577, %mul3A_584 : vector<16xf32>
        %swap3A_586 = arith.index_cast %scan3A_84 : i32 to index
        %swap3A_587 = arith.constant 288 : index
        %swap3A_588 = tpu.vector_load %arg18[%swap3A_586, %swap3A_587] {strides = array<i32>} : memref<16x512xf32, #tpu.memory_space<vmem>>, vector<1x16xf32>,
        %swap3A_589 = vector.shape_cast %swap3A_588 : vector<1x16xf32> to vector<16xf32>
        %swap3A_590 = vector.shape_cast %add3A_585 : vector<16xf32> to vector<1x16xf32>
        tpu.vector_store %arg18[%swap3A_586, %swap3A_587], %swap3A_590 {strides = array<i32>} : memref<16x512xf32, #tpu.memory_space<vmem>>, vector<1x16xf32>,
        %get3A_591 = arith.index_cast %scan3A_84 : i32 to index
        %get3A_592 = arith.constant 304 : index
        %get3A_593 = tpu.vector_load %arg16[%get3A_591, %get3A_592] {strides = array<i32>} : memref<48x512xf32, #tpu.memory_space<vmem>>, vector<1x16xf32>,
        %get3A_594 = vector.shape_cast %get3A_593 : vector<1x16xf32> to vector<16xf32>
        %mul3A_595 = arith.mulf %get3A_594, %get3A_91 : vector<16xf32>
        %add3A_596 = arith.constant 16 : i32
        %add3A_597 = arith.addi %add3A_596, %scan3A_84 : i32
        %get3A_598 = arith.index_cast %add3A_597 : i32 to index
        %get3A_599 = arith.constant 304 : index
        %get3A_600 = tpu.vector_load %arg16[%get3A_598, %get3A_599] {strides = array<i32>} : memref<48x512xf32, #tpu.memory_space<vmem>>, vector<1x16xf32>,
        %get3A_601 = vector.shape_cast %get3A_600 : vector<1x16xf32> to vector<16xf32>
        %mul3A_602 = arith.mulf %get3A_601, %get3A_94 : vector<16xf32>
        %add3A_603 = arith.addf %mul3A_595, %mul3A_602 : vector<16xf32>
        %add3A_604 = arith.constant 32 : i32
        %add3A_605 = arith.addi %add3A_604, %scan3A_84 : i32
        %get3A_606 = arith.index_cast %add3A_605 : i32 to index
        %get3A_607 = arith.constant 304 : index
        %get3A_608 = tpu.vector_load %arg16[%get3A_606, %get3A_607] {strides = array<i32>} : memref<48x512xf32, #tpu.memory_space<vmem>>, vector<1x16xf32>,
        %get3A_609 = vector.shape_cast %get3A_608 : vector<1x16xf32> to vector<16xf32>
        %mul3A_610 = arith.mulf %get3A_609, %get3A_97 : vector<16xf32>
        %add3A_611 = arith.addf %add3A_603, %mul3A_610 : vector<16xf32>
        %swap3A_612 = arith.index_cast %scan3A_84 : i32 to index
        %swap3A_613 = arith.constant 304 : index
        %swap3A_614 = tpu.vector_load %arg18[%swap3A_612, %swap3A_613] {strides = array<i32>} : memref<16x512xf32, #tpu.memory_space<vmem>>, vector<1x16xf32>,
        %swap3A_615 = vector.shape_cast %swap3A_614 : vector<1x16xf32> to vector<16xf32>
        %swap3A_616 = vector.shape_cast %add3A_611 : vector<16xf32> to vector<1x16xf32>
        tpu.vector_store %arg18[%swap3A_612, %swap3A_613], %swap3A_616 {strides = array<i32>} : memref<16x512xf32, #tpu.memory_space<vmem>>, vector<1x16xf32>,
        %get3A_617 = arith.index_cast %scan3A_84 : i32 to index
        %get3A_618 = arith.constant 320 : index
        %get3A_619 = tpu.vector_load %arg16[%get3A_617, %get3A_618] {strides = array<i32>} : memref<48x512xf32, #tpu.memory_space<vmem>>, vector<1x16xf32>,
        %get3A_620 = vector.shape_cast %get3A_619 : vector<1x16xf32> to vector<16xf32>
        %mul3A_621 = arith.mulf %get3A_620, %get3A_91 : vector<16xf32>
        %add3A_622 = arith.constant 16 : i32
        %add3A_623 = arith.addi %add3A_622, %scan3A_84 : i32
        %get3A_624 = arith.index_cast %add3A_623 : i32 to index
        %get3A_625 = arith.constant 320 : index
        %get3A_626 = tpu.vector_load %arg16[%get3A_624, %get3A_625] {strides = array<i32>} : memref<48x512xf32, #tpu.memory_space<vmem>>, vector<1x16xf32>,
        %get3A_627 = vector.shape_cast %get3A_626 : vector<1x16xf32> to vector<16xf32>
        %mul3A_628 = arith.mulf %get3A_627, %get3A_94 : vector<16xf32>
        %add3A_629 = arith.addf %mul3A_621, %mul3A_628 : vector<16xf32>
        %add3A_630 = arith.constant 32 : i32
        %add3A_631 = arith.addi %add3A_630, %scan3A_84 : i32
        %get3A_632 = arith.index_cast %add3A_631 : i32 to index
        %get3A_633 = arith.constant 320 : index
        %get3A_634 = tpu.vector_load %arg16[%get3A_632, %get3A_633] {strides = array<i32>} : memref<48x512xf32, #tpu.memory_space<vmem>>, vector<1x16xf32>,
        %get3A_635 = vector.shape_cast %get3A_634 : vector<1x16xf32> to vector<16xf32>
        %mul3A_636 = arith.mulf %get3A_635, %get3A_97 : vector<16xf32>
        %add3A_637 = arith.addf %add3A_629, %mul3A_636 : vector<16xf32>
        %swap3A_638 = arith.index_cast %scan3A_84 : i32 to index
        %swap3A_639 = arith.constant 320 : index
        %swap3A_640 = tpu.vector_load %arg18[%swap3A_638, %swap3A_639] {strides = array<i32>} : memref<16x512xf32, #tpu.memory_space<vmem>>, vector<1x16xf32>,
        %swap3A_641 = vector.shape_cast %swap3A_640 : vector<1x16xf32> to vector<16xf32>
        %swap3A_642 = vector.shape_cast %add3A_637 : vector<16xf32> to vector<1x16xf32>
        tpu.vector_store %arg18[%swap3A_638, %swap3A_639], %swap3A_642 {strides = array<i32>} : memref<16x512xf32, #tpu.memory_space<vmem>>, vector<1x16xf32>,
        %get3A_643 = arith.index_cast %scan3A_84 : i32 to index
        %get3A_644 = arith.constant 336 : index
        %get3A_645 = tpu.vector_load %arg16[%get3A_643, %get3A_644] {strides = array<i32>} : memref<48x512xf32, #tpu.memory_space<vmem>>, vector<1x16xf32>,
        %get3A_646 = vector.shape_cast %get3A_645 : vector<1x16xf32> to vector<16xf32>
        %mul3A_647 = arith.mulf %get3A_646, %get3A_91 : vector<16xf32>
        %add3A_648 = arith.constant 16 : i32
        %add3A_649 = arith.addi %add3A_648, %scan3A_84 : i32
        %get3A_650 = arith.index_cast %add3A_649 : i32 to index
        %get3A_651 = arith.constant 336 : index
        %get3A_652 = tpu.vector_load %arg16[%get3A_650, %get3A_651] {strides = array<i32>} : memref<48x512xf32, #tpu.memory_space<vmem>>, vector<1x16xf32>,
        %get3A_653 = vector.shape_cast %get3A_652 : vector<1x16xf32> to vector<16xf32>
        %mul3A_654 = arith.mulf %get3A_653, %get3A_94 : vector<16xf32>
        %add3A_655 = arith.addf %mul3A_647, %mul3A_654 : vector<16xf32>
        %add3A_656 = arith.constant 32 : i32
        %add3A_657 = arith.addi %add3A_656, %scan3A_84 : i32
        %get3A_658 = arith.index_cast %add3A_657 : i32 to index
        %get3A_659 = arith.constant 336 : index
        %get3A_660 = tpu.vector_load %arg16[%get3A_658, %get3A_659] {strides = array<i32>} : memref<48x512xf32, #tpu.memory_space<vmem>>, vector<1x16xf32>,
        %get3A_661 = vector.shape_cast %get3A_660 : vector<1x16xf32> to vector<16xf32>
        %mul3A_662 = arith.mulf %get3A_661, %get3A_97 : vector<16xf32>
        %add3A_663 = arith.addf %add3A_655, %mul3A_662 : vector<16xf32>
        %swap3A_664 = arith.index_cast %scan3A_84 : i32 to index
        %swap3A_665 = arith.constant 336 : index
        %swap3A_666 = tpu.vector_load %arg18[%swap3A_664, %swap3A_665] {strides = array<i32>} : memref<16x512xf32, #tpu.memory_space<vmem>>, vector<1x16xf32>,
        %swap3A_667 = vector.shape_cast %swap3A_666 : vector<1x16xf32> to vector<16xf32>
        %swap3A_668 = vector.shape_cast %add3A_663 : vector<16xf32> to vector<1x16xf32>
        tpu.vector_store %arg18[%swap3A_664, %swap3A_665], %swap3A_668 {strides = array<i32>} : memref<16x512xf32, #tpu.memory_space<vmem>>, vector<1x16xf32>,
        %get3A_669 = arith.index_cast %scan3A_84 : i32 to index
        %get3A_670 = arith.constant 352 : index
        %get3A_671 = tpu.vector_load %arg16[%get3A_669, %get3A_670] {strides = array<i32>} : memref<48x512xf32, #tpu.memory_space<vmem>>, vector<1x16xf32>,
        %get3A_672 = vector.shape_cast %get3A_671 : vector<1x16xf32> to vector<16xf32>
        %mul3A_673 = arith.mulf %get3A_672, %get3A_91 : vector<16xf32>
        %add3A_674 = arith.constant 16 : i32
        %add3A_675 = arith.addi %add3A_674, %scan3A_84 : i32
        %get3A_676 = arith.index_cast %add3A_675 : i32 to index
        %get3A_677 = arith.constant 352 : index
        %get3A_678 = tpu.vector_load %arg16[%get3A_676, %get3A_677] {strides = array<i32>} : memref<48x512xf32, #tpu.memory_space<vmem>>, vector<1x16xf32>,
        %get3A_679 = vector.shape_cast %get3A_678 : vector<1x16xf32> to vector<16xf32>
        %mul3A_680 = arith.mulf %get3A_679, %get3A_94 : vector<16xf32>
        %add3A_681 = arith.addf %mul3A_673, %mul3A_680 : vector<16xf32>
        %add3A_682 = arith.constant 32 : i32
        %add3A_683 = arith.addi %add3A_682, %scan3A_84 : i32
        %get3A_684 = arith.index_cast %add3A_683 : i32 to index
        %get3A_685 = arith.constant 352 : index
        %get3A_686 = tpu.vector_load %arg16[%get3A_684, %get3A_685] {strides = array<i32>} : memref<48x512xf32, #tpu.memory_space<vmem>>, vector<1x16xf32>,
        %get3A_687 = vector.shape_cast %get3A_686 : vector<1x16xf32> to vector<16xf32>
        %mul3A_688 = arith.mulf %get3A_687, %get3A_97 : vector<16xf32>
        %add3A_689 = arith.addf %add3A_681, %mul3A_688 : vector<16xf32>
        %swap3A_690 = arith.index_cast %scan3A_84 : i32 to index
        %swap3A_691 = arith.constant 352 : index
        %swap3A_692 = tpu.vector_load %arg18[%swap3A_690, %swap3A_691] {strides = array<i32>} : memref<16x512xf32, #tpu.memory_space<vmem>>, vector<1x16xf32>,
        %swap3A_693 = vector.shape_cast %swap3A_692 : vector<1x16xf32> to vector<16xf32>
        %swap3A_694 = vector.shape_cast %add3A_689 : vector<16xf32> to vector<1x16xf32>
        tpu.vector_store %arg18[%swap3A_690, %swap3A_691], %swap3A_694 {strides = array<i32>} : memref<16x512xf32, #tpu.memory_space<vmem>>, vector<1x16xf32>,
        %get3A_695 = arith.index_cast %scan3A_84 : i32 to index
        %get3A_696 = arith.constant 368 : index
        %get3A_697 = tpu.vector_load %arg16[%get3A_695, %get3A_696] {strides = array<i32>} : memref<48x512xf32, #tpu.memory_space<vmem>>, vector<1x16xf32>,
        %get3A_698 = vector.shape_cast %get3A_697 : vector<1x16xf32> to vector<16xf32>
        %mul3A_699 = arith.mulf %get3A_698, %get3A_91 : vector<16xf32>
        %add3A_700 = arith.constant 16 : i32
        %add3A_701 = arith.addi %add3A_700, %scan3A_84 : i32
        %get3A_702 = arith.index_cast %add3A_701 : i32 to index
        %get3A_703 = arith.constant 368 : index
        %get3A_704 = tpu.vector_load %arg16[%get3A_702, %get3A_703] {strides = array<i32>} : memref<48x512xf32, #tpu.memory_space<vmem>>, vector<1x16xf32>,
        %get3A_705 = vector.shape_cast %get3A_704 : vector<1x16xf32> to vector<16xf32>
        %mul3A_706 = arith.mulf %get3A_705, %get3A_94 : vector<16xf32>
        %add3A_707 = arith.addf %mul3A_699, %mul3A_706 : vector<16xf32>
        %add3A_708 = arith.constant 32 : i32
        %add3A_709 = arith.addi %add3A_708, %scan3A_84 : i32
        %get3A_710 = arith.index_cast %add3A_709 : i32 to index
        %get3A_711 = arith.constant 368 : index
        %get3A_712 = tpu.vector_load %arg16[%get3A_710, %get3A_711] {strides = array<i32>} : memref<48x512xf32, #tpu.memory_space<vmem>>, vector<1x16xf32>,
        %get3A_713 = vector.shape_cast %get3A_712 : vector<1x16xf32> to vector<16xf32>
        %mul3A_714 = arith.mulf %get3A_713, %get3A_97 : vector<16xf32>
        %add3A_715 = arith.addf %add3A_707, %mul3A_714 : vector<16xf32>
        %swap3A_716 = arith.index_cast %scan3A_84 : i32 to index
        %swap3A_717 = arith.constant 368 : index
        %swap3A_718 = tpu.vector_load %arg18[%swap3A_716, %swap3A_717] {strides = array<i32>} : memref<16x512xf32, #tpu.memory_space<vmem>>, vector<1x16xf32>,
        %swap3A_719 = vector.shape_cast %swap3A_718 : vector<1x16xf32> to vector<16xf32>
        %swap3A_720 = vector.shape_cast %add3A_715 : vector<16xf32> to vector<1x16xf32>
        tpu.vector_store %arg18[%swap3A_716, %swap3A_717], %swap3A_720 {strides = array<i32>} : memref<16x512xf32, #tpu.memory_space<vmem>>, vector<1x16xf32>,
        %get3A_721 = arith.index_cast %scan3A_84 : i32 to index
        %get3A_722 = arith.constant 384 : index
        %get3A_723 = tpu.vector_load %arg16[%get3A_721, %get3A_722] {strides = array<i32>} : memref<48x512xf32, #tpu.memory_space<vmem>>, vector<1x16xf32>,
        %get3A_724 = vector.shape_cast %get3A_723 : vector<1x16xf32> to vector<16xf32>
        %mul3A_725 = arith.mulf %get3A_724, %get3A_91 : vector<16xf32>
        %add3A_726 = arith.constant 16 : i32
        %add3A_727 = arith.addi %add3A_726, %scan3A_84 : i32
        %get3A_728 = arith.index_cast %add3A_727 : i32 to index
        %get3A_729 = arith.constant 384 : index
        %get3A_730 = tpu.vector_load %arg16[%get3A_728, %get3A_729] {strides = array<i32>} : memref<48x512xf32, #tpu.memory_space<vmem>>, vector<1x16xf32>,
        %get3A_731 = vector.shape_cast %get3A_730 : vector<1x16xf32> to vector<16xf32>
        %mul3A_732 = arith.mulf %get3A_731, %get3A_94 : vector<16xf32>
        %add3A_733 = arith.addf %mul3A_725, %mul3A_732 : vector<16xf32>
        %add3A_734 = arith.constant 32 : i32
        %add3A_735 = arith.addi %add3A_734, %scan3A_84 : i32
        %get3A_736 = arith.index_cast %add3A_735 : i32 to index
        %get3A_737 = arith.constant 384 : index
        %get3A_738 = tpu.vector_load %arg16[%get3A_736, %get3A_737] {strides = array<i32>} : memref<48x512xf32, #tpu.memory_space<vmem>>, vector<1x16xf32>,
        %get3A_739 = vector.shape_cast %get3A_738 : vector<1x16xf32> to vector<16xf32>
        %mul3A_740 = arith.mulf %get3A_739, %get3A_97 : vector<16xf32>
        %add3A_741 = arith.addf %add3A_733, %mul3A_740 : vector<16xf32>
        %swap3A_742 = arith.index_cast %scan3A_84 : i32 to index
        %swap3A_743 = arith.constant 384 : index
        %swap3A_744 = tpu.vector_load %arg18[%swap3A_742, %swap3A_743] {strides = array<i32>} : memref<16x512xf32, #tpu.memory_space<vmem>>, vector<1x16xf32>,
        %swap3A_745 = vector.shape_cast %swap3A_744 : vector<1x16xf32> to vector<16xf32>
        %swap3A_746 = vector.shape_cast %add3A_741 : vector<16xf32> to vector<1x16xf32>
        tpu.vector_store %arg18[%swap3A_742, %swap3A_743], %swap3A_746 {strides = array<i32>} : memref<16x512xf32, #tpu.memory_space<vmem>>, vector<1x16xf32>,
        %get3A_747 = arith.index_cast %scan3A_84 : i32 to index
        %get3A_748 = arith.constant 400 : index
        %get3A_749 = tpu.vector_load %arg16[%get3A_747, %get3A_748] {strides = array<i32>} : memref<48x512xf32, #tpu.memory_space<vmem>>, vector<1x16xf32>,
        %get3A_750 = vector.shape_cast %get3A_749 : vector<1x16xf32> to vector<16xf32>
        %mul3A_751 = arith.mulf %get3A_750, %get3A_91 : vector<16xf32>
        %add3A_752 = arith.constant 16 : i32
        %add3A_753 = arith.addi %add3A_752, %scan3A_84 : i32
        %get3A_754 = arith.index_cast %add3A_753 : i32 to index
        %get3A_755 = arith.constant 400 : index
        %get3A_756 = tpu.vector_load %arg16[%get3A_754, %get3A_755] {strides = array<i32>} : memref<48x512xf32, #tpu.memory_space<vmem>>, vector<1x16xf32>,
        %get3A_757 = vector.shape_cast %get3A_756 : vector<1x16xf32> to vector<16xf32>
        %mul3A_758 = arith.mulf %get3A_757, %get3A_94 : vector<16xf32>
        %add3A_759 = arith.addf %mul3A_751, %mul3A_758 : vector<16xf32>
        %add3A_760 = arith.constant 32 : i32
        %add3A_761 = arith.addi %add3A_760, %scan3A_84 : i32
        %get3A_762 = arith.index_cast %add3A_761 : i32 to index
        %get3A_763 = arith.constant 400 : index
        %get3A_764 = tpu.vector_load %arg16[%get3A_762, %get3A_763] {strides = array<i32>} : memref<48x512xf32, #tpu.memory_space<vmem>>, vector<1x16xf32>,
        %get3A_765 = vector.shape_cast %get3A_764 : vector<1x16xf32> to vector<16xf32>
        %mul3A_766 = arith.mulf %get3A_765, %get3A_97 : vector<16xf32>
        %add3A_767 = arith.addf %add3A_759, %mul3A_766 : vector<16xf32>
        %swap3A_768 = arith.index_cast %scan3A_84 : i32 to index
        %swap3A_769 = arith.constant 400 : index
        %swap3A_770 = tpu.vector_load %arg18[%swap3A_768, %swap3A_769] {strides = array<i32>} : memref<16x512xf32, #tpu.memory_space<vmem>>, vector<1x16xf32>,
        %swap3A_771 = vector.shape_cast %swap3A_770 : vector<1x16xf32> to vector<16xf32>
        %swap3A_772 = vector.shape_cast %add3A_767 : vector<16xf32> to vector<1x16xf32>
        tpu.vector_store %arg18[%swap3A_768, %swap3A_769], %swap3A_772 {strides = array<i32>} : memref<16x512xf32, #tpu.memory_space<vmem>>, vector<1x16xf32>,
        %get3A_773 = arith.index_cast %scan3A_84 : i32 to index
        %get3A_774 = arith.constant 416 : index
        %get3A_775 = tpu.vector_load %arg16[%get3A_773, %get3A_774] {strides = array<i32>} : memref<48x512xf32, #tpu.memory_space<vmem>>, vector<1x16xf32>,
        %get3A_776 = vector.shape_cast %get3A_775 : vector<1x16xf32> to vector<16xf32>
        %mul3A_777 = arith.mulf %get3A_776, %get3A_91 : vector<16xf32>
        %add3A_778 = arith.constant 16 : i32
        %add3A_779 = arith.addi %add3A_778, %scan3A_84 : i32
        %get3A_780 = arith.index_cast %add3A_779 : i32 to index
        %get3A_781 = arith.constant 416 : index
        %get3A_782 = tpu.vector_load %arg16[%get3A_780, %get3A_781] {strides = array<i32>} : memref<48x512xf32, #tpu.memory_space<vmem>>, vector<1x16xf32>,
        %get3A_783 = vector.shape_cast %get3A_782 : vector<1x16xf32> to vector<16xf32>
        %mul3A_784 = arith.mulf %get3A_783, %get3A_94 : vector<16xf32>
        %add3A_785 = arith.addf %mul3A_777, %mul3A_784 : vector<16xf32>
        %add3A_786 = arith.constant 32 : i32
        %add3A_787 = arith.addi %add3A_786, %scan3A_84 : i32
        %get3A_788 = arith.index_cast %add3A_787 : i32 to index
        %get3A_789 = arith.constant 416 : index
        %get3A_790 = tpu.vector_load %arg16[%get3A_788, %get3A_789] {strides = array<i32>} : memref<48x512xf32, #tpu.memory_space<vmem>>, vector<1x16xf32>,
        %get3A_791 = vector.shape_cast %get3A_790 : vector<1x16xf32> to vector<16xf32>
        %mul3A_792 = arith.mulf %get3A_791, %get3A_97 : vector<16xf32>
        %add3A_793 = arith.addf %add3A_785, %mul3A_792 : vector<16xf32>
        %swap3A_794 = arith.index_cast %scan3A_84 : i32 to index
        %swap3A_795 = arith.constant 416 : index
        %swap3A_796 = tpu.vector_load %arg18[%swap3A_794, %swap3A_795] {strides = array<i32>} : memref<16x512xf32, #tpu.memory_space<vmem>>, vector<1x16xf32>,
        %swap3A_797 = vector.shape_cast %swap3A_796 : vector<1x16xf32> to vector<16xf32>
        %swap3A_798 = vector.shape_cast %add3A_793 : vector<16xf32> to vector<1x16xf32>
        tpu.vector_store %arg18[%swap3A_794, %swap3A_795], %swap3A_798 {strides = array<i32>} : memref<16x512xf32, #tpu.memory_space<vmem>>, vector<1x16xf32>,
        %get3A_799 = arith.index_cast %scan3A_84 : i32 to index
        %get3A_800 = arith.constant 432 : index
        %get3A_801 = tpu.vector_load %arg16[%get3A_799, %get3A_800] {strides = array<i32>} : memref<48x512xf32, #tpu.memory_space<vmem>>, vector<1x16xf32>,
        %get3A_802 = vector.shape_cast %get3A_801 : vector<1x16xf32> to vector<16xf32>
        %mul3A_803 = arith.mulf %get3A_802, %get3A_91 : vector<16xf32>
        %add3A_804 = arith.constant 16 : i32
        %add3A_805 = arith.addi %add3A_804, %scan3A_84 : i32
        %get3A_806 = arith.index_cast %add3A_805 : i32 to index
        %get3A_807 = arith.constant 432 : index
        %get3A_808 = tpu.vector_load %arg16[%get3A_806, %get3A_807] {strides = array<i32>} : memref<48x512xf32, #tpu.memory_space<vmem>>, vector<1x16xf32>,
        %get3A_809 = vector.shape_cast %get3A_808 : vector<1x16xf32> to vector<16xf32>
        %mul3A_810 = arith.mulf %get3A_809, %get3A_94 : vector<16xf32>
        %add3A_811 = arith.addf %mul3A_803, %mul3A_810 : vector<16xf32>
        %add3A_812 = arith.constant 32 : i32
        %add3A_813 = arith.addi %add3A_812, %scan3A_84 : i32
        %get3A_814 = arith.index_cast %add3A_813 : i32 to index
        %get3A_815 = arith.constant 432 : index
        %get3A_816 = tpu.vector_load %arg16[%get3A_814, %get3A_815] {strides = array<i32>} : memref<48x512xf32, #tpu.memory_space<vmem>>, vector<1x16xf32>,
        %get3A_817 = vector.shape_cast %get3A_816 : vector<1x16xf32> to vector<16xf32>
        %mul3A_818 = arith.mulf %get3A_817, %get3A_97 : vector<16xf32>
        %add3A_819 = arith.addf %add3A_811, %mul3A_818 : vector<16xf32>
        %swap3A_820 = arith.index_cast %scan3A_84 : i32 to index
        %swap3A_821 = arith.constant 432 : index
        %swap3A_822 = tpu.vector_load %arg18[%swap3A_820, %swap3A_821] {strides = array<i32>} : memref<16x512xf32, #tpu.memory_space<vmem>>, vector<1x16xf32>,
        %swap3A_823 = vector.shape_cast %swap3A_822 : vector<1x16xf32> to vector<16xf32>
        %swap3A_824 = vector.shape_cast %add3A_819 : vector<16xf32> to vector<1x16xf32>
        tpu.vector_store %arg18[%swap3A_820, %swap3A_821], %swap3A_824 {strides = array<i32>} : memref<16x512xf32, #tpu.memory_space<vmem>>, vector<1x16xf32>,
        %get3A_825 = arith.index_cast %scan3A_84 : i32 to index
        %get3A_826 = arith.constant 448 : index
        %get3A_827 = tpu.vector_load %arg16[%get3A_825, %get3A_826] {strides = array<i32>} : memref<48x512xf32, #tpu.memory_space<vmem>>, vector<1x16xf32>,
        %get3A_828 = vector.shape_cast %get3A_827 : vector<1x16xf32> to vector<16xf32>
        %mul3A_829 = arith.mulf %get3A_828, %get3A_91 : vector<16xf32>
        %add3A_830 = arith.constant 16 : i32
        %add3A_831 = arith.addi %add3A_830, %scan3A_84 : i32
        %get3A_832 = arith.index_cast %add3A_831 : i32 to index
        %get3A_833 = arith.constant 448 : index
        %get3A_834 = tpu.vector_load %arg16[%get3A_832, %get3A_833] {strides = array<i32>} : memref<48x512xf32, #tpu.memory_space<vmem>>, vector<1x16xf32>,
        %get3A_835 = vector.shape_cast %get3A_834 : vector<1x16xf32> to vector<16xf32>
        %mul3A_836 = arith.mulf %get3A_835, %get3A_94 : vector<16xf32>
        %add3A_837 = arith.addf %mul3A_829, %mul3A_836 : vector<16xf32>
        %add3A_838 = arith.constant 32 : i32
        %add3A_839 = arith.addi %add3A_838, %scan3A_84 : i32
        %get3A_840 = arith.index_cast %add3A_839 : i32 to index
        %get3A_841 = arith.constant 448 : index
        %get3A_842 = tpu.vector_load %arg16[%get3A_840, %get3A_841] {strides = array<i32>} : memref<48x512xf32, #tpu.memory_space<vmem>>, vector<1x16xf32>,
        %get3A_843 = vector.shape_cast %get3A_842 : vector<1x16xf32> to vector<16xf32>
        %mul3A_844 = arith.mulf %get3A_843, %get3A_97 : vector<16xf32>
        %add3A_845 = arith.addf %add3A_837, %mul3A_844 : vector<16xf32>
        %swap3A_846 = arith.index_cast %scan3A_84 : i32 to index
        %swap3A_847 = arith.constant 448 : index
        %swap3A_848 = tpu.vector_load %arg18[%swap3A_846, %swap3A_847] {strides = array<i32>} : memref<16x512xf32, #tpu.memory_space<vmem>>, vector<1x16xf32>,
        %swap3A_849 = vector.shape_cast %swap3A_848 : vector<1x16xf32> to vector<16xf32>
        %swap3A_850 = vector.shape_cast %add3A_845 : vector<16xf32> to vector<1x16xf32>
        tpu.vector_store %arg18[%swap3A_846, %swap3A_847], %swap3A_850 {strides = array<i32>} : memref<16x512xf32, #tpu.memory_space<vmem>>, vector<1x16xf32>,
        %get3A_851 = arith.index_cast %scan3A_84 : i32 to index
        %get3A_852 = arith.constant 464 : index
        %get3A_853 = tpu.vector_load %arg16[%get3A_851, %get3A_852] {strides = array<i32>} : memref<48x512xf32, #tpu.memory_space<vmem>>, vector<1x16xf32>,
        %get3A_854 = vector.shape_cast %get3A_853 : vector<1x16xf32> to vector<16xf32>
        %mul3A_855 = arith.mulf %get3A_854, %get3A_91 : vector<16xf32>
        %add3A_856 = arith.constant 16 : i32
        %add3A_857 = arith.addi %add3A_856, %scan3A_84 : i32
        %get3A_858 = arith.index_cast %add3A_857 : i32 to index
        %get3A_859 = arith.constant 464 : index
        %get3A_860 = tpu.vector_load %arg16[%get3A_858, %get3A_859] {strides = array<i32>} : memref<48x512xf32, #tpu.memory_space<vmem>>, vector<1x16xf32>,
        %get3A_861 = vector.shape_cast %get3A_860 : vector<1x16xf32> to vector<16xf32>
        %mul3A_862 = arith.mulf %get3A_861, %get3A_94 : vector<16xf32>
        %add3A_863 = arith.addf %mul3A_855, %mul3A_862 : vector<16xf32>
        %add3A_864 = arith.constant 32 : i32
        %add3A_865 = arith.addi %add3A_864, %scan3A_84 : i32
        %get3A_866 = arith.index_cast %add3A_865 : i32 to index
        %get3A_867 = arith.constant 464 : index
        %get3A_868 = tpu.vector_load %arg16[%get3A_866, %get3A_867] {strides = array<i32>} : memref<48x512xf32, #tpu.memory_space<vmem>>, vector<1x16xf32>,
        %get3A_869 = vector.shape_cast %get3A_868 : vector<1x16xf32> to vector<16xf32>
        %mul3A_870 = arith.mulf %get3A_869, %get3A_97 : vector<16xf32>
        %add3A_871 = arith.addf %add3A_863, %mul3A_870 : vector<16xf32>
        %swap3A_872 = arith.index_cast %scan3A_84 : i32 to index
        %swap3A_873 = arith.constant 464 : index
        %swap3A_874 = tpu.vector_load %arg18[%swap3A_872, %swap3A_873] {strides = array<i32>} : memref<16x512xf32, #tpu.memory_space<vmem>>, vector<1x16xf32>,
        %swap3A_875 = vector.shape_cast %swap3A_874 : vector<1x16xf32> to vector<16xf32>
        %swap3A_876 = vector.shape_cast %add3A_871 : vector<16xf32> to vector<1x16xf32>
        tpu.vector_store %arg18[%swap3A_872, %swap3A_873], %swap3A_876 {strides = array<i32>} : memref<16x512xf32, #tpu.memory_space<vmem>>, vector<1x16xf32>,
        %get3A_877 = arith.index_cast %scan3A_84 : i32 to index
        %get3A_878 = arith.constant 480 : index
        %get3A_879 = tpu.vector_load %arg16[%get3A_877, %get3A_878] {strides = array<i32>} : memref<48x512xf32, #tpu.memory_space<vmem>>, vector<1x16xf32>,
        %get3A_880 = vector.shape_cast %get3A_879 : vector<1x16xf32> to vector<16xf32>
        %mul3A_881 = arith.mulf %get3A_880, %get3A_91 : vector<16xf32>
        %add3A_882 = arith.constant 16 : i32
        %add3A_883 = arith.addi %add3A_882, %scan3A_84 : i32
        %get3A_884 = arith.index_cast %add3A_883 : i32 to index
        %get3A_885 = arith.constant 480 : index
        %get3A_886 = tpu.vector_load %arg16[%get3A_884, %get3A_885] {strides = array<i32>} : memref<48x512xf32, #tpu.memory_space<vmem>>, vector<1x16xf32>,
        %get3A_887 = vector.shape_cast %get3A_886 : vector<1x16xf32> to vector<16xf32>
        %mul3A_888 = arith.mulf %get3A_887, %get3A_94 : vector<16xf32>
        %add3A_889 = arith.addf %mul3A_881, %mul3A_888 : vector<16xf32>
        %add3A_890 = arith.constant 32 : i32
        %add3A_891 = arith.addi %add3A_890, %scan3A_84 : i32
        %get3A_892 = arith.index_cast %add3A_891 : i32 to index
        %get3A_893 = arith.constant 480 : index
        %get3A_894 = tpu.vector_load %arg16[%get3A_892, %get3A_893] {strides = array<i32>} : memref<48x512xf32, #tpu.memory_space<vmem>>, vector<1x16xf32>,
        %get3A_895 = vector.shape_cast %get3A_894 : vector<1x16xf32> to vector<16xf32>
        %mul3A_896 = arith.mulf %get3A_895, %get3A_97 : vector<16xf32>
        %add3A_897 = arith.addf %add3A_889, %mul3A_896 : vector<16xf32>
        %swap3A_898 = arith.index_cast %scan3A_84 : i32 to index
        %swap3A_899 = arith.constant 480 : index
        %swap3A_900 = tpu.vector_load %arg18[%swap3A_898, %swap3A_899] {strides = array<i32>} : memref<16x512xf32, #tpu.memory_space<vmem>>, vector<1x16xf32>,
        %swap3A_901 = vector.shape_cast %swap3A_900 : vector<1x16xf32> to vector<16xf32>
        %swap3A_902 = vector.shape_cast %add3A_897 : vector<16xf32> to vector<1x16xf32>
        tpu.vector_store %arg18[%swap3A_898, %swap3A_899], %swap3A_902 {strides = array<i32>} : memref<16x512xf32, #tpu.memory_space<vmem>>, vector<1x16xf32>,
        %get3A_903 = arith.index_cast %scan3A_84 : i32 to index
        %get3A_904 = arith.constant 496 : index
        %get3A_905 = tpu.vector_load %arg16[%get3A_903, %get3A_904] {strides = array<i32>} : memref<48x512xf32, #tpu.memory_space<vmem>>, vector<1x16xf32>,
        %get3A_906 = vector.shape_cast %get3A_905 : vector<1x16xf32> to vector<16xf32>
        %mul3A_907 = arith.mulf %get3A_906, %get3A_91 : vector<16xf32>
        %add3A_908 = arith.constant 16 : i32
        %add3A_909 = arith.addi %add3A_908, %scan3A_84 : i32
        %get3A_910 = arith.index_cast %add3A_909 : i32 to index
        %get3A_911 = arith.constant 496 : index
        %get3A_912 = tpu.vector_load %arg16[%get3A_910, %get3A_911] {strides = array<i32>} : memref<48x512xf32, #tpu.memory_space<vmem>>, vector<1x16xf32>,
        %get3A_913 = vector.shape_cast %get3A_912 : vector<1x16xf32> to vector<16xf32>
        %mul3A_914 = arith.mulf %get3A_913, %get3A_94 : vector<16xf32>
        %add3A_915 = arith.addf %mul3A_907, %mul3A_914 : vector<16xf32>
        %add3A_916 = arith.constant 32 : i32
        %add3A_917 = arith.addi %add3A_916, %scan3A_84 : i32
        %get3A_918 = arith.index_cast %add3A_917 : i32 to index
        %get3A_919 = arith.constant 496 : index
        %get3A_920 = tpu.vector_load %arg16[%get3A_918, %get3A_919] {strides = array<i32>} : memref<48x512xf32, #tpu.memory_space<vmem>>, vector<1x16xf32>,
        %get3A_921 = vector.shape_cast %get3A_920 : vector<1x16xf32> to vector<16xf32>
        %mul3A_922 = arith.mulf %get3A_921, %get3A_97 : vector<16xf32>
        %add3A_923 = arith.addf %add3A_915, %mul3A_922 : vector<16xf32>
        %swap3A_924 = arith.index_cast %scan3A_84 : i32 to index
        %swap3A_925 = arith.constant 496 : index
        %swap3A_926 = tpu.vector_load %arg18[%swap3A_924, %swap3A_925] {strides = array<i32>} : memref<16x512xf32, #tpu.memory_space<vmem>>, vector<1x16xf32>,
        %swap3A_927 = vector.shape_cast %swap3A_926 : vector<1x16xf32> to vector<16xf32>
        %swap3A_928 = vector.shape_cast %add3A_923 : vector<16xf32> to vector<1x16xf32>
        tpu.vector_store %arg18[%swap3A_924, %swap3A_925], %swap3A_928 {strides = array<i32>} : memref<16x512xf32, #tpu.memory_space<vmem>>, vector<1x16xf32>,
      }
      %scan3A_55 = arith.constant 16 : i32
      %mul3A_56 = arith.constant 16 : i32
      %mul3A_57 = arith.muli %add3A_41, %mul3A_56 : i32
      %add3A_58 = arith.addi %mul3A_2, %mul3A_57 : i32
      "tpu.region"() ({
        %run_scoped3A = tpu.sem_alloc : memref<!tpu.dma_semaphore, #tpu.memory_space<semaphore_mem>>
        %dma_start3A_84 = arith.constant 0 : i32
        %dma_start3A_85 = tpu.memref_slice %arg9[%add3A_58, %dma_start3A_84] : memref<8192x512xf32, #tpu.memory_space<hbm>> -> memref<16x512xf32, #tpu.memory_space<hbm>>
        %dma_start3A_86 = arith.constant 0 : i32
        %dma_start3A_87 = tpu.memref_slice %arg9[%add3A_58, %dma_start3A_86] : memref<8192x512xf32, #tpu.memory_space<hbm>> -> memref<16x512xf32, #tpu.memory_space<hbm>>
        tpu.enqueue_dma source(%arg18 : memref<16x512xf32, #tpu.memory_space<vmem>>) target(%dma_start3A_87 : memref<16x512xf32, #tpu.memory_space<hbm>>) target_semaphore(%run_scoped3A : memref<!tpu.dma_semaphore, #tpu.memory_space<semaphore_mem>>)
        %dma_wait3A_88 = arith.constant 0 : i32
        %dma_wait3A_89 = tpu.memref_slice %arg9[%add3A_58, %dma_wait3A_88] : memref<8192x512xf32, #tpu.memory_space<hbm>> -> memref<16x512xf32, #tpu.memory_space<hbm>>
        %dma_wait3A_90 = arith.constant 0 : i32
        %dma_wait3A_91 = tpu.memref_slice %arg9[%add3A_58, %dma_wait3A_90] : memref<8192x512xf32, #tpu.memory_space<hbm>> -> memref<16x512xf32, #tpu.memory_space<hbm>>
        tpu.wait_dma2 semaphore(%run_scoped3A : memref<!tpu.dma_semaphore, #tpu.memory_space<semaphore_mem>>) src(%arg18 : memref<16x512xf32, #tpu.memory_space<vmem>>) dst(%dma_wait3A_91 : memref<16x512xf32, #tpu.memory_space<hbm>>)
        tpu.yield
      }) : () -> ()
      %mul3A_59 = arith.constant 2 : i32
      %mul3A_60 = arith.muli %mul3A_59, %scan3A_37 : i32
      %add3A_61 = arith.constant 1 : i32
      %add3A_62 = arith.addi %mul3A_60, %add3A_61 : i32
      %dma_wait3A_63 = arith.constant 0 : i32
      %dma_wait3A_64 = tpu.memref_slice %arg10[%dma_wait3A_63] : memref<256xi32, #tpu.memory_space<vmem>> -> memref<48xi32, #tpu.memory_space<vmem>>
      %dma_wait3A_65 = arith.constant 0 : i32
      %dma_wait3A_66 = arith.constant 0 : i32
      %dma_wait3A_67 = tpu.memref_slice %arg2[%dma_wait3A_65, %dma_wait3A_66] : memref<4096x512xf32, #tpu.memory_space<hbm>> -> memref<4096x512xf32, #tpu.memory_space<hbm>>
      tpu.wait_indirect_dma semaphore(%arg20 : memref<!tpu.dma_semaphore, #tpu.memory_space<semaphore_mem>>) src(%dma_wait3A_67 : memref<4096x512xf32, #tpu.memory_space<hbm>>) dst(%arg17 : memref<48x512xf32, #tpu.memory_space<vmem>>)
      %add3A_68 = arith.constant 1 : i32
      %add3A_69 = arith.addi %add3A_62, %add3A_68 : i32
      %lt3A_70 = arith.constant 16 : i32
      %lt3A_71 = arith.cmpi slt, %add3A_69, %lt3A_70 : i32
      %convert_element_type3A_72 = arith.extui %lt3A_71 : i1 to i32
      %cond3A_73 = arith.constant 0 : i32
      %cond3A_74 = arith.cmpi ne, %convert_element_type3A_72, %cond3A_73 : i32
      scf.if %cond3A_74 {
        %add3A_84 = arith.constant 1 : i32
        %add3A_85 = arith.addi %add3A_62, %add3A_84 : i32
        %mul3A_86 = arith.constant 16 : i32
        %mul3A_87 = arith.muli %add3A_85, %mul3A_86 : i32
        %dma_start3A_88 = arith.constant 0 : i32
        %dma_start3A_89 = arith.constant 0 : i32
        %dma_start3A_90 = tpu.memref_slice %arg16[%dma_start3A_88, %dma_start3A_89] : memref<48x512xf32, #tpu.memory_space<vmem>> -> memref<16x512xf32, #tpu.memory_space<vmem>>
        %dma_start3A_91 = tpu.memref_slice %arg10[%mul3A_87] : memref<256xi32, #tpu.memory_space<vmem>> -> memref<16xi32, #tpu.memory_space<vmem>>
        %dma_start3A_92 = arith.constant 0 : i32
        %dma_start3A_93 = arith.constant 0 : i32
        %dma_start3A_94 = tpu.memref_slice %arg2[%dma_start3A_92, %dma_start3A_93] : memref<4096x512xf32, #tpu.memory_space<hbm>> -> memref<4096x512xf32, #tpu.memory_space<hbm>>
        tpu.enqueue_indirect_dma source(%dma_start3A_94 : memref<4096x512xf32, #tpu.memory_space<hbm>>) target(%dma_start3A_90 : memref<16x512xf32, #tpu.memory_space<vmem>>) offsets(%dma_start3A_91 : memref<16xi32, #tpu.memory_space<vmem>>) semaphore(%arg19 : memref<!tpu.dma_semaphore, #tpu.memory_space<semaphore_mem>>)
        %dma_start3A_95 = arith.constant 16 : i32
        %dma_start3A_96 = arith.constant 0 : i32
        %dma_start3A_97 = tpu.memref_slice %arg16[%dma_start3A_95, %dma_start3A_96] : memref<48x512xf32, #tpu.memory_space<vmem>> -> memref<16x512xf32, #tpu.memory_space<vmem>>
        %dma_start3A_98 = tpu.memref_slice %arg11[%mul3A_87] : memref<256xi32, #tpu.memory_space<vmem>> -> memref<16xi32, #tpu.memory_space<vmem>>
        %dma_start3A_99 = arith.constant 0 : i32
        %dma_start3A_100 = arith.constant 0 : i32
        %dma_start3A_101 = tpu.memref_slice %arg2[%dma_start3A_99, %dma_start3A_100] : memref<4096x512xf32, #tpu.memory_space<hbm>> -> memref<4096x512xf32, #tpu.memory_space<hbm>>
        tpu.enqueue_indirect_dma source(%dma_start3A_101 : memref<4096x512xf32, #tpu.memory_space<hbm>>) target(%dma_start3A_97 : memref<16x512xf32, #tpu.memory_space<vmem>>) offsets(%dma_start3A_98 : memref<16xi32, #tpu.memory_space<vmem>>) semaphore(%arg19 : memref<!tpu.dma_semaphore, #tpu.memory_space<semaphore_mem>>)
        %dma_start3A_102 = arith.constant 32 : i32
        %dma_start3A_103 = arith.constant 0 : i32
        %dma_start3A_104 = tpu.memref_slice %arg16[%dma_start3A_102, %dma_start3A_103] : memref<48x512xf32, #tpu.memory_space<vmem>> -> memref<16x512xf32, #tpu.memory_space<vmem>>
        %dma_start3A_105 = tpu.memref_slice %arg12[%mul3A_87] : memref<256xi32, #tpu.memory_space<vmem>> -> memref<16xi32, #tpu.memory_space<vmem>>
        %dma_start3A_106 = arith.constant 0 : i32
        %dma_start3A_107 = arith.constant 0 : i32
        %dma_start3A_108 = tpu.memref_slice %arg2[%dma_start3A_106, %dma_start3A_107] : memref<4096x512xf32, #tpu.memory_space<hbm>> -> memref<4096x512xf32, #tpu.memory_space<hbm>>
        tpu.enqueue_indirect_dma source(%dma_start3A_108 : memref<4096x512xf32, #tpu.memory_space<hbm>>) target(%dma_start3A_104 : memref<16x512xf32, #tpu.memory_space<vmem>>) offsets(%dma_start3A_105 : memref<16xi32, #tpu.memory_space<vmem>>) semaphore(%arg19 : memref<!tpu.dma_semaphore, #tpu.memory_space<semaphore_mem>>)
      } else {
      }
      %scan3A_75 = arith.constant 0 : i32
      %scan3A_76 = arith.constant 0 : i32
      %scan3A_77 = arith.constant 16 : i32
      %scan3A_78 = arith.addi %scan3A_76, %scan3A_77 : i32
      %scan3A_79 = arith.constant 1 : i32
      scf.for %scan3A_84 = %scan3A_76 to %scan3A_78 step %scan3A_79  : i32 {
        %mul3A_85 = arith.constant 16 : i32
        %mul3A_86 = arith.muli %add3A_62, %mul3A_85 : i32
        %add3A_87 = arith.addi %mul3A_86, %scan3A_84 : i32
        %mul3A_88 = arith.constant 16 : i32
        %mul3A_89 = arith.muli %add3A_87, %mul3A_88 : i32
        %get3A = arith.index_cast %mul3A_89 : i32 to index
        %get3A_90 = tpu.vector_load %arg13[%get3A] {strides = array<i32>} : memref<4096xf32, #tpu.memory_space<vmem>>, vector<16xf32>,
        %get3A_91 = vector.shape_cast %get3A_90 : vector<16xf32> to vector<16xf32>
        %get3A_92 = arith.index_cast %mul3A_89 : i32 to index
        %get3A_93 = tpu.vector_load %arg14[%get3A_92] {strides = array<i32>} : memref<4096xf32, #tpu.memory_space<vmem>>, vector<16xf32>,
        %get3A_94 = vector.shape_cast %get3A_93 : vector<16xf32> to vector<16xf32>
        %get3A_95 = arith.index_cast %mul3A_89 : i32 to index
        %get3A_96 = tpu.vector_load %arg15[%get3A_95] {strides = array<i32>} : memref<4096xf32, #tpu.memory_space<vmem>>, vector<16xf32>,
        %get3A_97 = vector.shape_cast %get3A_96 : vector<16xf32> to vector<16xf32>
        %get3A_98 = arith.index_cast %scan3A_84 : i32 to index
        %get3A_99 = arith.constant 0 : index
        %get3A_100 = tpu.vector_load %arg17[%get3A_98, %get3A_99] {strides = array<i32>} : memref<48x512xf32, #tpu.memory_space<vmem>>, vector<1x16xf32>,
        %get3A_101 = vector.shape_cast %get3A_100 : vector<1x16xf32> to vector<16xf32>
        %mul3A_102 = arith.mulf %get3A_101, %get3A_91 : vector<16xf32>
        %add3A_103 = arith.constant 16 : i32
        %add3A_104 = arith.addi %add3A_103, %scan3A_84 : i32
        %get3A_105 = arith.index_cast %add3A_104 : i32 to index
        %get3A_106 = arith.constant 0 : index
        %get3A_107 = tpu.vector_load %arg17[%get3A_105, %get3A_106] {strides = array<i32>} : memref<48x512xf32, #tpu.memory_space<vmem>>, vector<1x16xf32>,
        %get3A_108 = vector.shape_cast %get3A_107 : vector<1x16xf32> to vector<16xf32>
        %mul3A_109 = arith.mulf %get3A_108, %get3A_94 : vector<16xf32>
        %add3A_110 = arith.addf %mul3A_102, %mul3A_109 : vector<16xf32>
        %add3A_111 = arith.constant 32 : i32
        %add3A_112 = arith.addi %add3A_111, %scan3A_84 : i32
        %get3A_113 = arith.index_cast %add3A_112 : i32 to index
        %get3A_114 = arith.constant 0 : index
        %get3A_115 = tpu.vector_load %arg17[%get3A_113, %get3A_114] {strides = array<i32>} : memref<48x512xf32, #tpu.memory_space<vmem>>, vector<1x16xf32>,
        %get3A_116 = vector.shape_cast %get3A_115 : vector<1x16xf32> to vector<16xf32>
        %mul3A_117 = arith.mulf %get3A_116, %get3A_97 : vector<16xf32>
        %add3A_118 = arith.addf %add3A_110, %mul3A_117 : vector<16xf32>
        %swap3A = arith.index_cast %scan3A_84 : i32 to index
        %swap3A_119 = arith.constant 0 : index
        %swap3A_120 = tpu.vector_load %arg18[%swap3A, %swap3A_119] {strides = array<i32>} : memref<16x512xf32, #tpu.memory_space<vmem>>, vector<1x16xf32>,
        %swap3A_121 = vector.shape_cast %swap3A_120 : vector<1x16xf32> to vector<16xf32>
        %swap3A_122 = vector.shape_cast %add3A_118 : vector<16xf32> to vector<1x16xf32>
        tpu.vector_store %arg18[%swap3A, %swap3A_119], %swap3A_122 {strides = array<i32>} : memref<16x512xf32, #tpu.memory_space<vmem>>, vector<1x16xf32>,
        %get3A_123 = arith.index_cast %scan3A_84 : i32 to index
        %get3A_124 = arith.constant 16 : index
        %get3A_125 = tpu.vector_load %arg17[%get3A_123, %get3A_124] {strides = array<i32>} : memref<48x512xf32, #tpu.memory_space<vmem>>, vector<1x16xf32>,
        %get3A_126 = vector.shape_cast %get3A_125 : vector<1x16xf32> to vector<16xf32>
        %mul3A_127 = arith.mulf %get3A_126, %get3A_91 : vector<16xf32>
        %add3A_128 = arith.constant 16 : i32
        %add3A_129 = arith.addi %add3A_128, %scan3A_84 : i32
        %get3A_130 = arith.index_cast %add3A_129 : i32 to index
        %get3A_131 = arith.constant 16 : index
        %get3A_132 = tpu.vector_load %arg17[%get3A_130, %get3A_131] {strides = array<i32>} : memref<48x512xf32, #tpu.memory_space<vmem>>, vector<1x16xf32>,
        %get3A_133 = vector.shape_cast %get3A_132 : vector<1x16xf32> to vector<16xf32>
        %mul3A_134 = arith.mulf %get3A_133, %get3A_94 : vector<16xf32>
        %add3A_135 = arith.addf %mul3A_127, %mul3A_134 : vector<16xf32>
        %add3A_136 = arith.constant 32 : i32
        %add3A_137 = arith.addi %add3A_136, %scan3A_84 : i32
        %get3A_138 = arith.index_cast %add3A_137 : i32 to index
        %get3A_139 = arith.constant 16 : index
        %get3A_140 = tpu.vector_load %arg17[%get3A_138, %get3A_139] {strides = array<i32>} : memref<48x512xf32, #tpu.memory_space<vmem>>, vector<1x16xf32>,
        %get3A_141 = vector.shape_cast %get3A_140 : vector<1x16xf32> to vector<16xf32>
        %mul3A_142 = arith.mulf %get3A_141, %get3A_97 : vector<16xf32>
        %add3A_143 = arith.addf %add3A_135, %mul3A_142 : vector<16xf32>
        %swap3A_144 = arith.index_cast %scan3A_84 : i32 to index
        %swap3A_145 = arith.constant 16 : index
        %swap3A_146 = tpu.vector_load %arg18[%swap3A_144, %swap3A_145] {strides = array<i32>} : memref<16x512xf32, #tpu.memory_space<vmem>>, vector<1x16xf32>,
        %swap3A_147 = vector.shape_cast %swap3A_146 : vector<1x16xf32> to vector<16xf32>
        %swap3A_148 = vector.shape_cast %add3A_143 : vector<16xf32> to vector<1x16xf32>
        tpu.vector_store %arg18[%swap3A_144, %swap3A_145], %swap3A_148 {strides = array<i32>} : memref<16x512xf32, #tpu.memory_space<vmem>>, vector<1x16xf32>,
        %get3A_149 = arith.index_cast %scan3A_84 : i32 to index
        %get3A_150 = arith.constant 32 : index
        %get3A_151 = tpu.vector_load %arg17[%get3A_149, %get3A_150] {strides = array<i32>} : memref<48x512xf32, #tpu.memory_space<vmem>>, vector<1x16xf32>,
        %get3A_152 = vector.shape_cast %get3A_151 : vector<1x16xf32> to vector<16xf32>
        %mul3A_153 = arith.mulf %get3A_152, %get3A_91 : vector<16xf32>
        %add3A_154 = arith.constant 16 : i32
        %add3A_155 = arith.addi %add3A_154, %scan3A_84 : i32
        %get3A_156 = arith.index_cast %add3A_155 : i32 to index
        %get3A_157 = arith.constant 32 : index
        %get3A_158 = tpu.vector_load %arg17[%get3A_156, %get3A_157] {strides = array<i32>} : memref<48x512xf32, #tpu.memory_space<vmem>>, vector<1x16xf32>,
        %get3A_159 = vector.shape_cast %get3A_158 : vector<1x16xf32> to vector<16xf32>
        %mul3A_160 = arith.mulf %get3A_159, %get3A_94 : vector<16xf32>
        %add3A_161 = arith.addf %mul3A_153, %mul3A_160 : vector<16xf32>
        %add3A_162 = arith.constant 32 : i32
        %add3A_163 = arith.addi %add3A_162, %scan3A_84 : i32
        %get3A_164 = arith.index_cast %add3A_163 : i32 to index
        %get3A_165 = arith.constant 32 : index
        %get3A_166 = tpu.vector_load %arg17[%get3A_164, %get3A_165] {strides = array<i32>} : memref<48x512xf32, #tpu.memory_space<vmem>>, vector<1x16xf32>,
        %get3A_167 = vector.shape_cast %get3A_166 : vector<1x16xf32> to vector<16xf32>
        %mul3A_168 = arith.mulf %get3A_167, %get3A_97 : vector<16xf32>
        %add3A_169 = arith.addf %add3A_161, %mul3A_168 : vector<16xf32>
        %swap3A_170 = arith.index_cast %scan3A_84 : i32 to index
        %swap3A_171 = arith.constant 32 : index
        %swap3A_172 = tpu.vector_load %arg18[%swap3A_170, %swap3A_171] {strides = array<i32>} : memref<16x512xf32, #tpu.memory_space<vmem>>, vector<1x16xf32>,
        %swap3A_173 = vector.shape_cast %swap3A_172 : vector<1x16xf32> to vector<16xf32>
        %swap3A_174 = vector.shape_cast %add3A_169 : vector<16xf32> to vector<1x16xf32>
        tpu.vector_store %arg18[%swap3A_170, %swap3A_171], %swap3A_174 {strides = array<i32>} : memref<16x512xf32, #tpu.memory_space<vmem>>, vector<1x16xf32>,
        %get3A_175 = arith.index_cast %scan3A_84 : i32 to index
        %get3A_176 = arith.constant 48 : index
        %get3A_177 = tpu.vector_load %arg17[%get3A_175, %get3A_176] {strides = array<i32>} : memref<48x512xf32, #tpu.memory_space<vmem>>, vector<1x16xf32>,
        %get3A_178 = vector.shape_cast %get3A_177 : vector<1x16xf32> to vector<16xf32>
        %mul3A_179 = arith.mulf %get3A_178, %get3A_91 : vector<16xf32>
        %add3A_180 = arith.constant 16 : i32
        %add3A_181 = arith.addi %add3A_180, %scan3A_84 : i32
        %get3A_182 = arith.index_cast %add3A_181 : i32 to index
        %get3A_183 = arith.constant 48 : index
        %get3A_184 = tpu.vector_load %arg17[%get3A_182, %get3A_183] {strides = array<i32>} : memref<48x512xf32, #tpu.memory_space<vmem>>, vector<1x16xf32>,
        %get3A_185 = vector.shape_cast %get3A_184 : vector<1x16xf32> to vector<16xf32>
        %mul3A_186 = arith.mulf %get3A_185, %get3A_94 : vector<16xf32>
        %add3A_187 = arith.addf %mul3A_179, %mul3A_186 : vector<16xf32>
        %add3A_188 = arith.constant 32 : i32
        %add3A_189 = arith.addi %add3A_188, %scan3A_84 : i32
        %get3A_190 = arith.index_cast %add3A_189 : i32 to index
        %get3A_191 = arith.constant 48 : index
        %get3A_192 = tpu.vector_load %arg17[%get3A_190, %get3A_191] {strides = array<i32>} : memref<48x512xf32, #tpu.memory_space<vmem>>, vector<1x16xf32>,
        %get3A_193 = vector.shape_cast %get3A_192 : vector<1x16xf32> to vector<16xf32>
        %mul3A_194 = arith.mulf %get3A_193, %get3A_97 : vector<16xf32>
        %add3A_195 = arith.addf %add3A_187, %mul3A_194 : vector<16xf32>
        %swap3A_196 = arith.index_cast %scan3A_84 : i32 to index
        %swap3A_197 = arith.constant 48 : index
        %swap3A_198 = tpu.vector_load %arg18[%swap3A_196, %swap3A_197] {strides = array<i32>} : memref<16x512xf32, #tpu.memory_space<vmem>>, vector<1x16xf32>,
        %swap3A_199 = vector.shape_cast %swap3A_198 : vector<1x16xf32> to vector<16xf32>
        %swap3A_200 = vector.shape_cast %add3A_195 : vector<16xf32> to vector<1x16xf32>
        tpu.vector_store %arg18[%swap3A_196, %swap3A_197], %swap3A_200 {strides = array<i32>} : memref<16x512xf32, #tpu.memory_space<vmem>>, vector<1x16xf32>,
        %get3A_201 = arith.index_cast %scan3A_84 : i32 to index
        %get3A_202 = arith.constant 64 : index
        %get3A_203 = tpu.vector_load %arg17[%get3A_201, %get3A_202] {strides = array<i32>} : memref<48x512xf32, #tpu.memory_space<vmem>>, vector<1x16xf32>,
        %get3A_204 = vector.shape_cast %get3A_203 : vector<1x16xf32> to vector<16xf32>
        %mul3A_205 = arith.mulf %get3A_204, %get3A_91 : vector<16xf32>
        %add3A_206 = arith.constant 16 : i32
        %add3A_207 = arith.addi %add3A_206, %scan3A_84 : i32
        %get3A_208 = arith.index_cast %add3A_207 : i32 to index
        %get3A_209 = arith.constant 64 : index
        %get3A_210 = tpu.vector_load %arg17[%get3A_208, %get3A_209] {strides = array<i32>} : memref<48x512xf32, #tpu.memory_space<vmem>>, vector<1x16xf32>,
        %get3A_211 = vector.shape_cast %get3A_210 : vector<1x16xf32> to vector<16xf32>
        %mul3A_212 = arith.mulf %get3A_211, %get3A_94 : vector<16xf32>
        %add3A_213 = arith.addf %mul3A_205, %mul3A_212 : vector<16xf32>
        %add3A_214 = arith.constant 32 : i32
        %add3A_215 = arith.addi %add3A_214, %scan3A_84 : i32
        %get3A_216 = arith.index_cast %add3A_215 : i32 to index
        %get3A_217 = arith.constant 64 : index
        %get3A_218 = tpu.vector_load %arg17[%get3A_216, %get3A_217] {strides = array<i32>} : memref<48x512xf32, #tpu.memory_space<vmem>>, vector<1x16xf32>,
        %get3A_219 = vector.shape_cast %get3A_218 : vector<1x16xf32> to vector<16xf32>
        %mul3A_220 = arith.mulf %get3A_219, %get3A_97 : vector<16xf32>
        %add3A_221 = arith.addf %add3A_213, %mul3A_220 : vector<16xf32>
        %swap3A_222 = arith.index_cast %scan3A_84 : i32 to index
        %swap3A_223 = arith.constant 64 : index
        %swap3A_224 = tpu.vector_load %arg18[%swap3A_222, %swap3A_223] {strides = array<i32>} : memref<16x512xf32, #tpu.memory_space<vmem>>, vector<1x16xf32>,
        %swap3A_225 = vector.shape_cast %swap3A_224 : vector<1x16xf32> to vector<16xf32>
        %swap3A_226 = vector.shape_cast %add3A_221 : vector<16xf32> to vector<1x16xf32>
        tpu.vector_store %arg18[%swap3A_222, %swap3A_223], %swap3A_226 {strides = array<i32>} : memref<16x512xf32, #tpu.memory_space<vmem>>, vector<1x16xf32>,
        %get3A_227 = arith.index_cast %scan3A_84 : i32 to index
        %get3A_228 = arith.constant 80 : index
        %get3A_229 = tpu.vector_load %arg17[%get3A_227, %get3A_228] {strides = array<i32>} : memref<48x512xf32, #tpu.memory_space<vmem>>, vector<1x16xf32>,
        %get3A_230 = vector.shape_cast %get3A_229 : vector<1x16xf32> to vector<16xf32>
        %mul3A_231 = arith.mulf %get3A_230, %get3A_91 : vector<16xf32>
        %add3A_232 = arith.constant 16 : i32
        %add3A_233 = arith.addi %add3A_232, %scan3A_84 : i32
        %get3A_234 = arith.index_cast %add3A_233 : i32 to index
        %get3A_235 = arith.constant 80 : index
        %get3A_236 = tpu.vector_load %arg17[%get3A_234, %get3A_235] {strides = array<i32>} : memref<48x512xf32, #tpu.memory_space<vmem>>, vector<1x16xf32>,
        %get3A_237 = vector.shape_cast %get3A_236 : vector<1x16xf32> to vector<16xf32>
        %mul3A_238 = arith.mulf %get3A_237, %get3A_94 : vector<16xf32>
        %add3A_239 = arith.addf %mul3A_231, %mul3A_238 : vector<16xf32>
        %add3A_240 = arith.constant 32 : i32
        %add3A_241 = arith.addi %add3A_240, %scan3A_84 : i32
        %get3A_242 = arith.index_cast %add3A_241 : i32 to index
        %get3A_243 = arith.constant 80 : index
        %get3A_244 = tpu.vector_load %arg17[%get3A_242, %get3A_243] {strides = array<i32>} : memref<48x512xf32, #tpu.memory_space<vmem>>, vector<1x16xf32>,
        %get3A_245 = vector.shape_cast %get3A_244 : vector<1x16xf32> to vector<16xf32>
        %mul3A_246 = arith.mulf %get3A_245, %get3A_97 : vector<16xf32>
        %add3A_247 = arith.addf %add3A_239, %mul3A_246 : vector<16xf32>
        %swap3A_248 = arith.index_cast %scan3A_84 : i32 to index
        %swap3A_249 = arith.constant 80 : index
        %swap3A_250 = tpu.vector_load %arg18[%swap3A_248, %swap3A_249] {strides = array<i32>} : memref<16x512xf32, #tpu.memory_space<vmem>>, vector<1x16xf32>,
        %swap3A_251 = vector.shape_cast %swap3A_250 : vector<1x16xf32> to vector<16xf32>
        %swap3A_252 = vector.shape_cast %add3A_247 : vector<16xf32> to vector<1x16xf32>
        tpu.vector_store %arg18[%swap3A_248, %swap3A_249], %swap3A_252 {strides = array<i32>} : memref<16x512xf32, #tpu.memory_space<vmem>>, vector<1x16xf32>,
        %get3A_253 = arith.index_cast %scan3A_84 : i32 to index
        %get3A_254 = arith.constant 96 : index
        %get3A_255 = tpu.vector_load %arg17[%get3A_253, %get3A_254] {strides = array<i32>} : memref<48x512xf32, #tpu.memory_space<vmem>>, vector<1x16xf32>,
        %get3A_256 = vector.shape_cast %get3A_255 : vector<1x16xf32> to vector<16xf32>
        %mul3A_257 = arith.mulf %get3A_256, %get3A_91 : vector<16xf32>
        %add3A_258 = arith.constant 16 : i32
        %add3A_259 = arith.addi %add3A_258, %scan3A_84 : i32
        %get3A_260 = arith.index_cast %add3A_259 : i32 to index
        %get3A_261 = arith.constant 96 : index
        %get3A_262 = tpu.vector_load %arg17[%get3A_260, %get3A_261] {strides = array<i32>} : memref<48x512xf32, #tpu.memory_space<vmem>>, vector<1x16xf32>,
        %get3A_263 = vector.shape_cast %get3A_262 : vector<1x16xf32> to vector<16xf32>
        %mul3A_264 = arith.mulf %get3A_263, %get3A_94 : vector<16xf32>
        %add3A_265 = arith.addf %mul3A_257, %mul3A_264 : vector<16xf32>
        %add3A_266 = arith.constant 32 : i32
        %add3A_267 = arith.addi %add3A_266, %scan3A_84 : i32
        %get3A_268 = arith.index_cast %add3A_267 : i32 to index
        %get3A_269 = arith.constant 96 : index
        %get3A_270 = tpu.vector_load %arg17[%get3A_268, %get3A_269] {strides = array<i32>} : memref<48x512xf32, #tpu.memory_space<vmem>>, vector<1x16xf32>,
        %get3A_271 = vector.shape_cast %get3A_270 : vector<1x16xf32> to vector<16xf32>
        %mul3A_272 = arith.mulf %get3A_271, %get3A_97 : vector<16xf32>
        %add3A_273 = arith.addf %add3A_265, %mul3A_272 : vector<16xf32>
        %swap3A_274 = arith.index_cast %scan3A_84 : i32 to index
        %swap3A_275 = arith.constant 96 : index
        %swap3A_276 = tpu.vector_load %arg18[%swap3A_274, %swap3A_275] {strides = array<i32>} : memref<16x512xf32, #tpu.memory_space<vmem>>, vector<1x16xf32>,
        %swap3A_277 = vector.shape_cast %swap3A_276 : vector<1x16xf32> to vector<16xf32>
        %swap3A_278 = vector.shape_cast %add3A_273 : vector<16xf32> to vector<1x16xf32>
        tpu.vector_store %arg18[%swap3A_274, %swap3A_275], %swap3A_278 {strides = array<i32>} : memref<16x512xf32, #tpu.memory_space<vmem>>, vector<1x16xf32>,
        %get3A_279 = arith.index_cast %scan3A_84 : i32 to index
        %get3A_280 = arith.constant 112 : index
        %get3A_281 = tpu.vector_load %arg17[%get3A_279, %get3A_280] {strides = array<i32>} : memref<48x512xf32, #tpu.memory_space<vmem>>, vector<1x16xf32>,
        %get3A_282 = vector.shape_cast %get3A_281 : vector<1x16xf32> to vector<16xf32>
        %mul3A_283 = arith.mulf %get3A_282, %get3A_91 : vector<16xf32>
        %add3A_284 = arith.constant 16 : i32
        %add3A_285 = arith.addi %add3A_284, %scan3A_84 : i32
        %get3A_286 = arith.index_cast %add3A_285 : i32 to index
        %get3A_287 = arith.constant 112 : index
        %get3A_288 = tpu.vector_load %arg17[%get3A_286, %get3A_287] {strides = array<i32>} : memref<48x512xf32, #tpu.memory_space<vmem>>, vector<1x16xf32>,
        %get3A_289 = vector.shape_cast %get3A_288 : vector<1x16xf32> to vector<16xf32>
        %mul3A_290 = arith.mulf %get3A_289, %get3A_94 : vector<16xf32>
        %add3A_291 = arith.addf %mul3A_283, %mul3A_290 : vector<16xf32>
        %add3A_292 = arith.constant 32 : i32
        %add3A_293 = arith.addi %add3A_292, %scan3A_84 : i32
        %get3A_294 = arith.index_cast %add3A_293 : i32 to index
        %get3A_295 = arith.constant 112 : index
        %get3A_296 = tpu.vector_load %arg17[%get3A_294, %get3A_295] {strides = array<i32>} : memref<48x512xf32, #tpu.memory_space<vmem>>, vector<1x16xf32>,
        %get3A_297 = vector.shape_cast %get3A_296 : vector<1x16xf32> to vector<16xf32>
        %mul3A_298 = arith.mulf %get3A_297, %get3A_97 : vector<16xf32>
        %add3A_299 = arith.addf %add3A_291, %mul3A_298 : vector<16xf32>
        %swap3A_300 = arith.index_cast %scan3A_84 : i32 to index
        %swap3A_301 = arith.constant 112 : index
        %swap3A_302 = tpu.vector_load %arg18[%swap3A_300, %swap3A_301] {strides = array<i32>} : memref<16x512xf32, #tpu.memory_space<vmem>>, vector<1x16xf32>,
        %swap3A_303 = vector.shape_cast %swap3A_302 : vector<1x16xf32> to vector<16xf32>
        %swap3A_304 = vector.shape_cast %add3A_299 : vector<16xf32> to vector<1x16xf32>
        tpu.vector_store %arg18[%swap3A_300, %swap3A_301], %swap3A_304 {strides = array<i32>} : memref<16x512xf32, #tpu.memory_space<vmem>>, vector<1x16xf32>,
        %get3A_305 = arith.index_cast %scan3A_84 : i32 to index
        %get3A_306 = arith.constant 128 : index
        %get3A_307 = tpu.vector_load %arg17[%get3A_305, %get3A_306] {strides = array<i32>} : memref<48x512xf32, #tpu.memory_space<vmem>>, vector<1x16xf32>,
        %get3A_308 = vector.shape_cast %get3A_307 : vector<1x16xf32> to vector<16xf32>
        %mul3A_309 = arith.mulf %get3A_308, %get3A_91 : vector<16xf32>
        %add3A_310 = arith.constant 16 : i32
        %add3A_311 = arith.addi %add3A_310, %scan3A_84 : i32
        %get3A_312 = arith.index_cast %add3A_311 : i32 to index
        %get3A_313 = arith.constant 128 : index
        %get3A_314 = tpu.vector_load %arg17[%get3A_312, %get3A_313] {strides = array<i32>} : memref<48x512xf32, #tpu.memory_space<vmem>>, vector<1x16xf32>,
        %get3A_315 = vector.shape_cast %get3A_314 : vector<1x16xf32> to vector<16xf32>
        %mul3A_316 = arith.mulf %get3A_315, %get3A_94 : vector<16xf32>
        %add3A_317 = arith.addf %mul3A_309, %mul3A_316 : vector<16xf32>
        %add3A_318 = arith.constant 32 : i32
        %add3A_319 = arith.addi %add3A_318, %scan3A_84 : i32
        %get3A_320 = arith.index_cast %add3A_319 : i32 to index
        %get3A_321 = arith.constant 128 : index
        %get3A_322 = tpu.vector_load %arg17[%get3A_320, %get3A_321] {strides = array<i32>} : memref<48x512xf32, #tpu.memory_space<vmem>>, vector<1x16xf32>,
        %get3A_323 = vector.shape_cast %get3A_322 : vector<1x16xf32> to vector<16xf32>
        %mul3A_324 = arith.mulf %get3A_323, %get3A_97 : vector<16xf32>
        %add3A_325 = arith.addf %add3A_317, %mul3A_324 : vector<16xf32>
        %swap3A_326 = arith.index_cast %scan3A_84 : i32 to index
        %swap3A_327 = arith.constant 128 : index
        %swap3A_328 = tpu.vector_load %arg18[%swap3A_326, %swap3A_327] {strides = array<i32>} : memref<16x512xf32, #tpu.memory_space<vmem>>, vector<1x16xf32>,
        %swap3A_329 = vector.shape_cast %swap3A_328 : vector<1x16xf32> to vector<16xf32>
        %swap3A_330 = vector.shape_cast %add3A_325 : vector<16xf32> to vector<1x16xf32>
        tpu.vector_store %arg18[%swap3A_326, %swap3A_327], %swap3A_330 {strides = array<i32>} : memref<16x512xf32, #tpu.memory_space<vmem>>, vector<1x16xf32>,
        %get3A_331 = arith.index_cast %scan3A_84 : i32 to index
        %get3A_332 = arith.constant 144 : index
        %get3A_333 = tpu.vector_load %arg17[%get3A_331, %get3A_332] {strides = array<i32>} : memref<48x512xf32, #tpu.memory_space<vmem>>, vector<1x16xf32>,
        %get3A_334 = vector.shape_cast %get3A_333 : vector<1x16xf32> to vector<16xf32>
        %mul3A_335 = arith.mulf %get3A_334, %get3A_91 : vector<16xf32>
        %add3A_336 = arith.constant 16 : i32
        %add3A_337 = arith.addi %add3A_336, %scan3A_84 : i32
        %get3A_338 = arith.index_cast %add3A_337 : i32 to index
        %get3A_339 = arith.constant 144 : index
        %get3A_340 = tpu.vector_load %arg17[%get3A_338, %get3A_339] {strides = array<i32>} : memref<48x512xf32, #tpu.memory_space<vmem>>, vector<1x16xf32>,
        %get3A_341 = vector.shape_cast %get3A_340 : vector<1x16xf32> to vector<16xf32>
        %mul3A_342 = arith.mulf %get3A_341, %get3A_94 : vector<16xf32>
        %add3A_343 = arith.addf %mul3A_335, %mul3A_342 : vector<16xf32>
        %add3A_344 = arith.constant 32 : i32
        %add3A_345 = arith.addi %add3A_344, %scan3A_84 : i32
        %get3A_346 = arith.index_cast %add3A_345 : i32 to index
        %get3A_347 = arith.constant 144 : index
        %get3A_348 = tpu.vector_load %arg17[%get3A_346, %get3A_347] {strides = array<i32>} : memref<48x512xf32, #tpu.memory_space<vmem>>, vector<1x16xf32>,
        %get3A_349 = vector.shape_cast %get3A_348 : vector<1x16xf32> to vector<16xf32>
        %mul3A_350 = arith.mulf %get3A_349, %get3A_97 : vector<16xf32>
        %add3A_351 = arith.addf %add3A_343, %mul3A_350 : vector<16xf32>
        %swap3A_352 = arith.index_cast %scan3A_84 : i32 to index
        %swap3A_353 = arith.constant 144 : index
        %swap3A_354 = tpu.vector_load %arg18[%swap3A_352, %swap3A_353] {strides = array<i32>} : memref<16x512xf32, #tpu.memory_space<vmem>>, vector<1x16xf32>,
        %swap3A_355 = vector.shape_cast %swap3A_354 : vector<1x16xf32> to vector<16xf32>
        %swap3A_356 = vector.shape_cast %add3A_351 : vector<16xf32> to vector<1x16xf32>
        tpu.vector_store %arg18[%swap3A_352, %swap3A_353], %swap3A_356 {strides = array<i32>} : memref<16x512xf32, #tpu.memory_space<vmem>>, vector<1x16xf32>,
        %get3A_357 = arith.index_cast %scan3A_84 : i32 to index
        %get3A_358 = arith.constant 160 : index
        %get3A_359 = tpu.vector_load %arg17[%get3A_357, %get3A_358] {strides = array<i32>} : memref<48x512xf32, #tpu.memory_space<vmem>>, vector<1x16xf32>,
        %get3A_360 = vector.shape_cast %get3A_359 : vector<1x16xf32> to vector<16xf32>
        %mul3A_361 = arith.mulf %get3A_360, %get3A_91 : vector<16xf32>
        %add3A_362 = arith.constant 16 : i32
        %add3A_363 = arith.addi %add3A_362, %scan3A_84 : i32
        %get3A_364 = arith.index_cast %add3A_363 : i32 to index
        %get3A_365 = arith.constant 160 : index
        %get3A_366 = tpu.vector_load %arg17[%get3A_364, %get3A_365] {strides = array<i32>} : memref<48x512xf32, #tpu.memory_space<vmem>>, vector<1x16xf32>,
        %get3A_367 = vector.shape_cast %get3A_366 : vector<1x16xf32> to vector<16xf32>
        %mul3A_368 = arith.mulf %get3A_367, %get3A_94 : vector<16xf32>
        %add3A_369 = arith.addf %mul3A_361, %mul3A_368 : vector<16xf32>
        %add3A_370 = arith.constant 32 : i32
        %add3A_371 = arith.addi %add3A_370, %scan3A_84 : i32
        %get3A_372 = arith.index_cast %add3A_371 : i32 to index
        %get3A_373 = arith.constant 160 : index
        %get3A_374 = tpu.vector_load %arg17[%get3A_372, %get3A_373] {strides = array<i32>} : memref<48x512xf32, #tpu.memory_space<vmem>>, vector<1x16xf32>,
        %get3A_375 = vector.shape_cast %get3A_374 : vector<1x16xf32> to vector<16xf32>
        %mul3A_376 = arith.mulf %get3A_375, %get3A_97 : vector<16xf32>
        %add3A_377 = arith.addf %add3A_369, %mul3A_376 : vector<16xf32>
        %swap3A_378 = arith.index_cast %scan3A_84 : i32 to index
        %swap3A_379 = arith.constant 160 : index
        %swap3A_380 = tpu.vector_load %arg18[%swap3A_378, %swap3A_379] {strides = array<i32>} : memref<16x512xf32, #tpu.memory_space<vmem>>, vector<1x16xf32>,
        %swap3A_381 = vector.shape_cast %swap3A_380 : vector<1x16xf32> to vector<16xf32>
        %swap3A_382 = vector.shape_cast %add3A_377 : vector<16xf32> to vector<1x16xf32>
        tpu.vector_store %arg18[%swap3A_378, %swap3A_379], %swap3A_382 {strides = array<i32>} : memref<16x512xf32, #tpu.memory_space<vmem>>, vector<1x16xf32>,
        %get3A_383 = arith.index_cast %scan3A_84 : i32 to index
        %get3A_384 = arith.constant 176 : index
        %get3A_385 = tpu.vector_load %arg17[%get3A_383, %get3A_384] {strides = array<i32>} : memref<48x512xf32, #tpu.memory_space<vmem>>, vector<1x16xf32>,
        %get3A_386 = vector.shape_cast %get3A_385 : vector<1x16xf32> to vector<16xf32>
        %mul3A_387 = arith.mulf %get3A_386, %get3A_91 : vector<16xf32>
        %add3A_388 = arith.constant 16 : i32
        %add3A_389 = arith.addi %add3A_388, %scan3A_84 : i32
        %get3A_390 = arith.index_cast %add3A_389 : i32 to index
        %get3A_391 = arith.constant 176 : index
        %get3A_392 = tpu.vector_load %arg17[%get3A_390, %get3A_391] {strides = array<i32>} : memref<48x512xf32, #tpu.memory_space<vmem>>, vector<1x16xf32>,
        %get3A_393 = vector.shape_cast %get3A_392 : vector<1x16xf32> to vector<16xf32>
        %mul3A_394 = arith.mulf %get3A_393, %get3A_94 : vector<16xf32>
        %add3A_395 = arith.addf %mul3A_387, %mul3A_394 : vector<16xf32>
        %add3A_396 = arith.constant 32 : i32
        %add3A_397 = arith.addi %add3A_396, %scan3A_84 : i32
        %get3A_398 = arith.index_cast %add3A_397 : i32 to index
        %get3A_399 = arith.constant 176 : index
        %get3A_400 = tpu.vector_load %arg17[%get3A_398, %get3A_399] {strides = array<i32>} : memref<48x512xf32, #tpu.memory_space<vmem>>, vector<1x16xf32>,
        %get3A_401 = vector.shape_cast %get3A_400 : vector<1x16xf32> to vector<16xf32>
        %mul3A_402 = arith.mulf %get3A_401, %get3A_97 : vector<16xf32>
        %add3A_403 = arith.addf %add3A_395, %mul3A_402 : vector<16xf32>
        %swap3A_404 = arith.index_cast %scan3A_84 : i32 to index
        %swap3A_405 = arith.constant 176 : index
        %swap3A_406 = tpu.vector_load %arg18[%swap3A_404, %swap3A_405] {strides = array<i32>} : memref<16x512xf32, #tpu.memory_space<vmem>>, vector<1x16xf32>,
        %swap3A_407 = vector.shape_cast %swap3A_406 : vector<1x16xf32> to vector<16xf32>
        %swap3A_408 = vector.shape_cast %add3A_403 : vector<16xf32> to vector<1x16xf32>
        tpu.vector_store %arg18[%swap3A_404, %swap3A_405], %swap3A_408 {strides = array<i32>} : memref<16x512xf32, #tpu.memory_space<vmem>>, vector<1x16xf32>,
        %get3A_409 = arith.index_cast %scan3A_84 : i32 to index
        %get3A_410 = arith.constant 192 : index
        %get3A_411 = tpu.vector_load %arg17[%get3A_409, %get3A_410] {strides = array<i32>} : memref<48x512xf32, #tpu.memory_space<vmem>>, vector<1x16xf32>,
        %get3A_412 = vector.shape_cast %get3A_411 : vector<1x16xf32> to vector<16xf32>
        %mul3A_413 = arith.mulf %get3A_412, %get3A_91 : vector<16xf32>
        %add3A_414 = arith.constant 16 : i32
        %add3A_415 = arith.addi %add3A_414, %scan3A_84 : i32
        %get3A_416 = arith.index_cast %add3A_415 : i32 to index
        %get3A_417 = arith.constant 192 : index
        %get3A_418 = tpu.vector_load %arg17[%get3A_416, %get3A_417] {strides = array<i32>} : memref<48x512xf32, #tpu.memory_space<vmem>>, vector<1x16xf32>,
        %get3A_419 = vector.shape_cast %get3A_418 : vector<1x16xf32> to vector<16xf32>
        %mul3A_420 = arith.mulf %get3A_419, %get3A_94 : vector<16xf32>
        %add3A_421 = arith.addf %mul3A_413, %mul3A_420 : vector<16xf32>
        %add3A_422 = arith.constant 32 : i32
        %add3A_423 = arith.addi %add3A_422, %scan3A_84 : i32
        %get3A_424 = arith.index_cast %add3A_423 : i32 to index
        %get3A_425 = arith.constant 192 : index
        %get3A_426 = tpu.vector_load %arg17[%get3A_424, %get3A_425] {strides = array<i32>} : memref<48x512xf32, #tpu.memory_space<vmem>>, vector<1x16xf32>,
        %get3A_427 = vector.shape_cast %get3A_426 : vector<1x16xf32> to vector<16xf32>
        %mul3A_428 = arith.mulf %get3A_427, %get3A_97 : vector<16xf32>
        %add3A_429 = arith.addf %add3A_421, %mul3A_428 : vector<16xf32>
        %swap3A_430 = arith.index_cast %scan3A_84 : i32 to index
        %swap3A_431 = arith.constant 192 : index
        %swap3A_432 = tpu.vector_load %arg18[%swap3A_430, %swap3A_431] {strides = array<i32>} : memref<16x512xf32, #tpu.memory_space<vmem>>, vector<1x16xf32>,
        %swap3A_433 = vector.shape_cast %swap3A_432 : vector<1x16xf32> to vector<16xf32>
        %swap3A_434 = vector.shape_cast %add3A_429 : vector<16xf32> to vector<1x16xf32>
        tpu.vector_store %arg18[%swap3A_430, %swap3A_431], %swap3A_434 {strides = array<i32>} : memref<16x512xf32, #tpu.memory_space<vmem>>, vector<1x16xf32>,
        %get3A_435 = arith.index_cast %scan3A_84 : i32 to index
        %get3A_436 = arith.constant 208 : index
        %get3A_437 = tpu.vector_load %arg17[%get3A_435, %get3A_436] {strides = array<i32>} : memref<48x512xf32, #tpu.memory_space<vmem>>, vector<1x16xf32>,
        %get3A_438 = vector.shape_cast %get3A_437 : vector<1x16xf32> to vector<16xf32>
        %mul3A_439 = arith.mulf %get3A_438, %get3A_91 : vector<16xf32>
        %add3A_440 = arith.constant 16 : i32
        %add3A_441 = arith.addi %add3A_440, %scan3A_84 : i32
        %get3A_442 = arith.index_cast %add3A_441 : i32 to index
        %get3A_443 = arith.constant 208 : index
        %get3A_444 = tpu.vector_load %arg17[%get3A_442, %get3A_443] {strides = array<i32>} : memref<48x512xf32, #tpu.memory_space<vmem>>, vector<1x16xf32>,
        %get3A_445 = vector.shape_cast %get3A_444 : vector<1x16xf32> to vector<16xf32>
        %mul3A_446 = arith.mulf %get3A_445, %get3A_94 : vector<16xf32>
        %add3A_447 = arith.addf %mul3A_439, %mul3A_446 : vector<16xf32>
        %add3A_448 = arith.constant 32 : i32
        %add3A_449 = arith.addi %add3A_448, %scan3A_84 : i32
        %get3A_450 = arith.index_cast %add3A_449 : i32 to index
        %get3A_451 = arith.constant 208 : index
        %get3A_452 = tpu.vector_load %arg17[%get3A_450, %get3A_451] {strides = array<i32>} : memref<48x512xf32, #tpu.memory_space<vmem>>, vector<1x16xf32>,
        %get3A_453 = vector.shape_cast %get3A_452 : vector<1x16xf32> to vector<16xf32>
        %mul3A_454 = arith.mulf %get3A_453, %get3A_97 : vector<16xf32>
        %add3A_455 = arith.addf %add3A_447, %mul3A_454 : vector<16xf32>
        %swap3A_456 = arith.index_cast %scan3A_84 : i32 to index
        %swap3A_457 = arith.constant 208 : index
        %swap3A_458 = tpu.vector_load %arg18[%swap3A_456, %swap3A_457] {strides = array<i32>} : memref<16x512xf32, #tpu.memory_space<vmem>>, vector<1x16xf32>,
        %swap3A_459 = vector.shape_cast %swap3A_458 : vector<1x16xf32> to vector<16xf32>
        %swap3A_460 = vector.shape_cast %add3A_455 : vector<16xf32> to vector<1x16xf32>
        tpu.vector_store %arg18[%swap3A_456, %swap3A_457], %swap3A_460 {strides = array<i32>} : memref<16x512xf32, #tpu.memory_space<vmem>>, vector<1x16xf32>,
        %get3A_461 = arith.index_cast %scan3A_84 : i32 to index
        %get3A_462 = arith.constant 224 : index
        %get3A_463 = tpu.vector_load %arg17[%get3A_461, %get3A_462] {strides = array<i32>} : memref<48x512xf32, #tpu.memory_space<vmem>>, vector<1x16xf32>,
        %get3A_464 = vector.shape_cast %get3A_463 : vector<1x16xf32> to vector<16xf32>
        %mul3A_465 = arith.mulf %get3A_464, %get3A_91 : vector<16xf32>
        %add3A_466 = arith.constant 16 : i32
        %add3A_467 = arith.addi %add3A_466, %scan3A_84 : i32
        %get3A_468 = arith.index_cast %add3A_467 : i32 to index
        %get3A_469 = arith.constant 224 : index
        %get3A_470 = tpu.vector_load %arg17[%get3A_468, %get3A_469] {strides = array<i32>} : memref<48x512xf32, #tpu.memory_space<vmem>>, vector<1x16xf32>,
        %get3A_471 = vector.shape_cast %get3A_470 : vector<1x16xf32> to vector<16xf32>
        %mul3A_472 = arith.mulf %get3A_471, %get3A_94 : vector<16xf32>
        %add3A_473 = arith.addf %mul3A_465, %mul3A_472 : vector<16xf32>
        %add3A_474 = arith.constant 32 : i32
        %add3A_475 = arith.addi %add3A_474, %scan3A_84 : i32
        %get3A_476 = arith.index_cast %add3A_475 : i32 to index
        %get3A_477 = arith.constant 224 : index
        %get3A_478 = tpu.vector_load %arg17[%get3A_476, %get3A_477] {strides = array<i32>} : memref<48x512xf32, #tpu.memory_space<vmem>>, vector<1x16xf32>,
        %get3A_479 = vector.shape_cast %get3A_478 : vector<1x16xf32> to vector<16xf32>
        %mul3A_480 = arith.mulf %get3A_479, %get3A_97 : vector<16xf32>
        %add3A_481 = arith.addf %add3A_473, %mul3A_480 : vector<16xf32>
        %swap3A_482 = arith.index_cast %scan3A_84 : i32 to index
        %swap3A_483 = arith.constant 224 : index
        %swap3A_484 = tpu.vector_load %arg18[%swap3A_482, %swap3A_483] {strides = array<i32>} : memref<16x512xf32, #tpu.memory_space<vmem>>, vector<1x16xf32>,
        %swap3A_485 = vector.shape_cast %swap3A_484 : vector<1x16xf32> to vector<16xf32>
        %swap3A_486 = vector.shape_cast %add3A_481 : vector<16xf32> to vector<1x16xf32>
        tpu.vector_store %arg18[%swap3A_482, %swap3A_483], %swap3A_486 {strides = array<i32>} : memref<16x512xf32, #tpu.memory_space<vmem>>, vector<1x16xf32>,
        %get3A_487 = arith.index_cast %scan3A_84 : i32 to index
        %get3A_488 = arith.constant 240 : index
        %get3A_489 = tpu.vector_load %arg17[%get3A_487, %get3A_488] {strides = array<i32>} : memref<48x512xf32, #tpu.memory_space<vmem>>, vector<1x16xf32>,
        %get3A_490 = vector.shape_cast %get3A_489 : vector<1x16xf32> to vector<16xf32>
        %mul3A_491 = arith.mulf %get3A_490, %get3A_91 : vector<16xf32>
        %add3A_492 = arith.constant 16 : i32
        %add3A_493 = arith.addi %add3A_492, %scan3A_84 : i32
        %get3A_494 = arith.index_cast %add3A_493 : i32 to index
        %get3A_495 = arith.constant 240 : index
        %get3A_496 = tpu.vector_load %arg17[%get3A_494, %get3A_495] {strides = array<i32>} : memref<48x512xf32, #tpu.memory_space<vmem>>, vector<1x16xf32>,
        %get3A_497 = vector.shape_cast %get3A_496 : vector<1x16xf32> to vector<16xf32>
        %mul3A_498 = arith.mulf %get3A_497, %get3A_94 : vector<16xf32>
        %add3A_499 = arith.addf %mul3A_491, %mul3A_498 : vector<16xf32>
        %add3A_500 = arith.constant 32 : i32
        %add3A_501 = arith.addi %add3A_500, %scan3A_84 : i32
        %get3A_502 = arith.index_cast %add3A_501 : i32 to index
        %get3A_503 = arith.constant 240 : index
        %get3A_504 = tpu.vector_load %arg17[%get3A_502, %get3A_503] {strides = array<i32>} : memref<48x512xf32, #tpu.memory_space<vmem>>, vector<1x16xf32>,
        %get3A_505 = vector.shape_cast %get3A_504 : vector<1x16xf32> to vector<16xf32>
        %mul3A_506 = arith.mulf %get3A_505, %get3A_97 : vector<16xf32>
        %add3A_507 = arith.addf %add3A_499, %mul3A_506 : vector<16xf32>
        %swap3A_508 = arith.index_cast %scan3A_84 : i32 to index
        %swap3A_509 = arith.constant 240 : index
        %swap3A_510 = tpu.vector_load %arg18[%swap3A_508, %swap3A_509] {strides = array<i32>} : memref<16x512xf32, #tpu.memory_space<vmem>>, vector<1x16xf32>,
        %swap3A_511 = vector.shape_cast %swap3A_510 : vector<1x16xf32> to vector<16xf32>
        %swap3A_512 = vector.shape_cast %add3A_507 : vector<16xf32> to vector<1x16xf32>
        tpu.vector_store %arg18[%swap3A_508, %swap3A_509], %swap3A_512 {strides = array<i32>} : memref<16x512xf32, #tpu.memory_space<vmem>>, vector<1x16xf32>,
        %get3A_513 = arith.index_cast %scan3A_84 : i32 to index
        %get3A_514 = arith.constant 256 : index
        %get3A_515 = tpu.vector_load %arg17[%get3A_513, %get3A_514] {strides = array<i32>} : memref<48x512xf32, #tpu.memory_space<vmem>>, vector<1x16xf32>,
        %get3A_516 = vector.shape_cast %get3A_515 : vector<1x16xf32> to vector<16xf32>
        %mul3A_517 = arith.mulf %get3A_516, %get3A_91 : vector<16xf32>
        %add3A_518 = arith.constant 16 : i32
        %add3A_519 = arith.addi %add3A_518, %scan3A_84 : i32
        %get3A_520 = arith.index_cast %add3A_519 : i32 to index
        %get3A_521 = arith.constant 256 : index
        %get3A_522 = tpu.vector_load %arg17[%get3A_520, %get3A_521] {strides = array<i32>} : memref<48x512xf32, #tpu.memory_space<vmem>>, vector<1x16xf32>,
        %get3A_523 = vector.shape_cast %get3A_522 : vector<1x16xf32> to vector<16xf32>
        %mul3A_524 = arith.mulf %get3A_523, %get3A_94 : vector<16xf32>
        %add3A_525 = arith.addf %mul3A_517, %mul3A_524 : vector<16xf32>
        %add3A_526 = arith.constant 32 : i32
        %add3A_527 = arith.addi %add3A_526, %scan3A_84 : i32
        %get3A_528 = arith.index_cast %add3A_527 : i32 to index
        %get3A_529 = arith.constant 256 : index
        %get3A_530 = tpu.vector_load %arg17[%get3A_528, %get3A_529] {strides = array<i32>} : memref<48x512xf32, #tpu.memory_space<vmem>>, vector<1x16xf32>,
        %get3A_531 = vector.shape_cast %get3A_530 : vector<1x16xf32> to vector<16xf32>
        %mul3A_532 = arith.mulf %get3A_531, %get3A_97 : vector<16xf32>
        %add3A_533 = arith.addf %add3A_525, %mul3A_532 : vector<16xf32>
        %swap3A_534 = arith.index_cast %scan3A_84 : i32 to index
        %swap3A_535 = arith.constant 256 : index
        %swap3A_536 = tpu.vector_load %arg18[%swap3A_534, %swap3A_535] {strides = array<i32>} : memref<16x512xf32, #tpu.memory_space<vmem>>, vector<1x16xf32>,
        %swap3A_537 = vector.shape_cast %swap3A_536 : vector<1x16xf32> to vector<16xf32>
        %swap3A_538 = vector.shape_cast %add3A_533 : vector<16xf32> to vector<1x16xf32>
        tpu.vector_store %arg18[%swap3A_534, %swap3A_535], %swap3A_538 {strides = array<i32>} : memref<16x512xf32, #tpu.memory_space<vmem>>, vector<1x16xf32>,
        %get3A_539 = arith.index_cast %scan3A_84 : i32 to index
        %get3A_540 = arith.constant 272 : index
        %get3A_541 = tpu.vector_load %arg17[%get3A_539, %get3A_540] {strides = array<i32>} : memref<48x512xf32, #tpu.memory_space<vmem>>, vector<1x16xf32>,
        %get3A_542 = vector.shape_cast %get3A_541 : vector<1x16xf32> to vector<16xf32>
        %mul3A_543 = arith.mulf %get3A_542, %get3A_91 : vector<16xf32>
        %add3A_544 = arith.constant 16 : i32
        %add3A_545 = arith.addi %add3A_544, %scan3A_84 : i32
        %get3A_546 = arith.index_cast %add3A_545 : i32 to index
        %get3A_547 = arith.constant 272 : index
        %get3A_548 = tpu.vector_load %arg17[%get3A_546, %get3A_547] {strides = array<i32>} : memref<48x512xf32, #tpu.memory_space<vmem>>, vector<1x16xf32>,
        %get3A_549 = vector.shape_cast %get3A_548 : vector<1x16xf32> to vector<16xf32>
        %mul3A_550 = arith.mulf %get3A_549, %get3A_94 : vector<16xf32>
        %add3A_551 = arith.addf %mul3A_543, %mul3A_550 : vector<16xf32>
        %add3A_552 = arith.constant 32 : i32
        %add3A_553 = arith.addi %add3A_552, %scan3A_84 : i32
        %get3A_554 = arith.index_cast %add3A_553 : i32 to index
        %get3A_555 = arith.constant 272 : index
        %get3A_556 = tpu.vector_load %arg17[%get3A_554, %get3A_555] {strides = array<i32>} : memref<48x512xf32, #tpu.memory_space<vmem>>, vector<1x16xf32>,
        %get3A_557 = vector.shape_cast %get3A_556 : vector<1x16xf32> to vector<16xf32>
        %mul3A_558 = arith.mulf %get3A_557, %get3A_97 : vector<16xf32>
        %add3A_559 = arith.addf %add3A_551, %mul3A_558 : vector<16xf32>
        %swap3A_560 = arith.index_cast %scan3A_84 : i32 to index
        %swap3A_561 = arith.constant 272 : index
        %swap3A_562 = tpu.vector_load %arg18[%swap3A_560, %swap3A_561] {strides = array<i32>} : memref<16x512xf32, #tpu.memory_space<vmem>>, vector<1x16xf32>,
        %swap3A_563 = vector.shape_cast %swap3A_562 : vector<1x16xf32> to vector<16xf32>
        %swap3A_564 = vector.shape_cast %add3A_559 : vector<16xf32> to vector<1x16xf32>
        tpu.vector_store %arg18[%swap3A_560, %swap3A_561], %swap3A_564 {strides = array<i32>} : memref<16x512xf32, #tpu.memory_space<vmem>>, vector<1x16xf32>,
        %get3A_565 = arith.index_cast %scan3A_84 : i32 to index
        %get3A_566 = arith.constant 288 : index
        %get3A_567 = tpu.vector_load %arg17[%get3A_565, %get3A_566] {strides = array<i32>} : memref<48x512xf32, #tpu.memory_space<vmem>>, vector<1x16xf32>,
        %get3A_568 = vector.shape_cast %get3A_567 : vector<1x16xf32> to vector<16xf32>
        %mul3A_569 = arith.mulf %get3A_568, %get3A_91 : vector<16xf32>
        %add3A_570 = arith.constant 16 : i32
        %add3A_571 = arith.addi %add3A_570, %scan3A_84 : i32
        %get3A_572 = arith.index_cast %add3A_571 : i32 to index
        %get3A_573 = arith.constant 288 : index
        %get3A_574 = tpu.vector_load %arg17[%get3A_572, %get3A_573] {strides = array<i32>} : memref<48x512xf32, #tpu.memory_space<vmem>>, vector<1x16xf32>,
        %get3A_575 = vector.shape_cast %get3A_574 : vector<1x16xf32> to vector<16xf32>
        %mul3A_576 = arith.mulf %get3A_575, %get3A_94 : vector<16xf32>
        %add3A_577 = arith.addf %mul3A_569, %mul3A_576 : vector<16xf32>
        %add3A_578 = arith.constant 32 : i32
        %add3A_579 = arith.addi %add3A_578, %scan3A_84 : i32
        %get3A_580 = arith.index_cast %add3A_579 : i32 to index
        %get3A_581 = arith.constant 288 : index
        %get3A_582 = tpu.vector_load %arg17[%get3A_580, %get3A_581] {strides = array<i32>} : memref<48x512xf32, #tpu.memory_space<vmem>>, vector<1x16xf32>,
        %get3A_583 = vector.shape_cast %get3A_582 : vector<1x16xf32> to vector<16xf32>
        %mul3A_584 = arith.mulf %get3A_583, %get3A_97 : vector<16xf32>
        %add3A_585 = arith.addf %add3A_577, %mul3A_584 : vector<16xf32>
        %swap3A_586 = arith.index_cast %scan3A_84 : i32 to index
        %swap3A_587 = arith.constant 288 : index
        %swap3A_588 = tpu.vector_load %arg18[%swap3A_586, %swap3A_587] {strides = array<i32>} : memref<16x512xf32, #tpu.memory_space<vmem>>, vector<1x16xf32>,
        %swap3A_589 = vector.shape_cast %swap3A_588 : vector<1x16xf32> to vector<16xf32>
        %swap3A_590 = vector.shape_cast %add3A_585 : vector<16xf32> to vector<1x16xf32>
        tpu.vector_store %arg18[%swap3A_586, %swap3A_587], %swap3A_590 {strides = array<i32>} : memref<16x512xf32, #tpu.memory_space<vmem>>, vector<1x16xf32>,
        %get3A_591 = arith.index_cast %scan3A_84 : i32 to index
        %get3A_592 = arith.constant 304 : index
        %get3A_593 = tpu.vector_load %arg17[%get3A_591, %get3A_592] {strides = array<i32>} : memref<48x512xf32, #tpu.memory_space<vmem>>, vector<1x16xf32>,
        %get3A_594 = vector.shape_cast %get3A_593 : vector<1x16xf32> to vector<16xf32>
        %mul3A_595 = arith.mulf %get3A_594, %get3A_91 : vector<16xf32>
        %add3A_596 = arith.constant 16 : i32
        %add3A_597 = arith.addi %add3A_596, %scan3A_84 : i32
        %get3A_598 = arith.index_cast %add3A_597 : i32 to index
        %get3A_599 = arith.constant 304 : index
        %get3A_600 = tpu.vector_load %arg17[%get3A_598, %get3A_599] {strides = array<i32>} : memref<48x512xf32, #tpu.memory_space<vmem>>, vector<1x16xf32>,
        %get3A_601 = vector.shape_cast %get3A_600 : vector<1x16xf32> to vector<16xf32>
        %mul3A_602 = arith.mulf %get3A_601, %get3A_94 : vector<16xf32>
        %add3A_603 = arith.addf %mul3A_595, %mul3A_602 : vector<16xf32>
        %add3A_604 = arith.constant 32 : i32
        %add3A_605 = arith.addi %add3A_604, %scan3A_84 : i32
        %get3A_606 = arith.index_cast %add3A_605 : i32 to index
        %get3A_607 = arith.constant 304 : index
        %get3A_608 = tpu.vector_load %arg17[%get3A_606, %get3A_607] {strides = array<i32>} : memref<48x512xf32, #tpu.memory_space<vmem>>, vector<1x16xf32>,
        %get3A_609 = vector.shape_cast %get3A_608 : vector<1x16xf32> to vector<16xf32>
        %mul3A_610 = arith.mulf %get3A_609, %get3A_97 : vector<16xf32>
        %add3A_611 = arith.addf %add3A_603, %mul3A_610 : vector<16xf32>
        %swap3A_612 = arith.index_cast %scan3A_84 : i32 to index
        %swap3A_613 = arith.constant 304 : index
        %swap3A_614 = tpu.vector_load %arg18[%swap3A_612, %swap3A_613] {strides = array<i32>} : memref<16x512xf32, #tpu.memory_space<vmem>>, vector<1x16xf32>,
        %swap3A_615 = vector.shape_cast %swap3A_614 : vector<1x16xf32> to vector<16xf32>
        %swap3A_616 = vector.shape_cast %add3A_611 : vector<16xf32> to vector<1x16xf32>
        tpu.vector_store %arg18[%swap3A_612, %swap3A_613], %swap3A_616 {strides = array<i32>} : memref<16x512xf32, #tpu.memory_space<vmem>>, vector<1x16xf32>,
        %get3A_617 = arith.index_cast %scan3A_84 : i32 to index
        %get3A_618 = arith.constant 320 : index
        %get3A_619 = tpu.vector_load %arg17[%get3A_617, %get3A_618] {strides = array<i32>} : memref<48x512xf32, #tpu.memory_space<vmem>>, vector<1x16xf32>,
        %get3A_620 = vector.shape_cast %get3A_619 : vector<1x16xf32> to vector<16xf32>
        %mul3A_621 = arith.mulf %get3A_620, %get3A_91 : vector<16xf32>
        %add3A_622 = arith.constant 16 : i32
        %add3A_623 = arith.addi %add3A_622, %scan3A_84 : i32
        %get3A_624 = arith.index_cast %add3A_623 : i32 to index
        %get3A_625 = arith.constant 320 : index
        %get3A_626 = tpu.vector_load %arg17[%get3A_624, %get3A_625] {strides = array<i32>} : memref<48x512xf32, #tpu.memory_space<vmem>>, vector<1x16xf32>,
        %get3A_627 = vector.shape_cast %get3A_626 : vector<1x16xf32> to vector<16xf32>
        %mul3A_628 = arith.mulf %get3A_627, %get3A_94 : vector<16xf32>
        %add3A_629 = arith.addf %mul3A_621, %mul3A_628 : vector<16xf32>
        %add3A_630 = arith.constant 32 : i32
        %add3A_631 = arith.addi %add3A_630, %scan3A_84 : i32
        %get3A_632 = arith.index_cast %add3A_631 : i32 to index
        %get3A_633 = arith.constant 320 : index
        %get3A_634 = tpu.vector_load %arg17[%get3A_632, %get3A_633] {strides = array<i32>} : memref<48x512xf32, #tpu.memory_space<vmem>>, vector<1x16xf32>,
        %get3A_635 = vector.shape_cast %get3A_634 : vector<1x16xf32> to vector<16xf32>
        %mul3A_636 = arith.mulf %get3A_635, %get3A_97 : vector<16xf32>
        %add3A_637 = arith.addf %add3A_629, %mul3A_636 : vector<16xf32>
        %swap3A_638 = arith.index_cast %scan3A_84 : i32 to index
        %swap3A_639 = arith.constant 320 : index
        %swap3A_640 = tpu.vector_load %arg18[%swap3A_638, %swap3A_639] {strides = array<i32>} : memref<16x512xf32, #tpu.memory_space<vmem>>, vector<1x16xf32>,
        %swap3A_641 = vector.shape_cast %swap3A_640 : vector<1x16xf32> to vector<16xf32>
        %swap3A_642 = vector.shape_cast %add3A_637 : vector<16xf32> to vector<1x16xf32>
        tpu.vector_store %arg18[%swap3A_638, %swap3A_639], %swap3A_642 {strides = array<i32>} : memref<16x512xf32, #tpu.memory_space<vmem>>, vector<1x16xf32>,
        %get3A_643 = arith.index_cast %scan3A_84 : i32 to index
        %get3A_644 = arith.constant 336 : index
        %get3A_645 = tpu.vector_load %arg17[%get3A_643, %get3A_644] {strides = array<i32>} : memref<48x512xf32, #tpu.memory_space<vmem>>, vector<1x16xf32>,
        %get3A_646 = vector.shape_cast %get3A_645 : vector<1x16xf32> to vector<16xf32>
        %mul3A_647 = arith.mulf %get3A_646, %get3A_91 : vector<16xf32>
        %add3A_648 = arith.constant 16 : i32
        %add3A_649 = arith.addi %add3A_648, %scan3A_84 : i32
        %get3A_650 = arith.index_cast %add3A_649 : i32 to index
        %get3A_651 = arith.constant 336 : index
        %get3A_652 = tpu.vector_load %arg17[%get3A_650, %get3A_651] {strides = array<i32>} : memref<48x512xf32, #tpu.memory_space<vmem>>, vector<1x16xf32>,
        %get3A_653 = vector.shape_cast %get3A_652 : vector<1x16xf32> to vector<16xf32>
        %mul3A_654 = arith.mulf %get3A_653, %get3A_94 : vector<16xf32>
        %add3A_655 = arith.addf %mul3A_647, %mul3A_654 : vector<16xf32>
        %add3A_656 = arith.constant 32 : i32
        %add3A_657 = arith.addi %add3A_656, %scan3A_84 : i32
        %get3A_658 = arith.index_cast %add3A_657 : i32 to index
        %get3A_659 = arith.constant 336 : index
        %get3A_660 = tpu.vector_load %arg17[%get3A_658, %get3A_659] {strides = array<i32>} : memref<48x512xf32, #tpu.memory_space<vmem>>, vector<1x16xf32>,
        %get3A_661 = vector.shape_cast %get3A_660 : vector<1x16xf32> to vector<16xf32>
        %mul3A_662 = arith.mulf %get3A_661, %get3A_97 : vector<16xf32>
        %add3A_663 = arith.addf %add3A_655, %mul3A_662 : vector<16xf32>
        %swap3A_664 = arith.index_cast %scan3A_84 : i32 to index
        %swap3A_665 = arith.constant 336 : index
        %swap3A_666 = tpu.vector_load %arg18[%swap3A_664, %swap3A_665] {strides = array<i32>} : memref<16x512xf32, #tpu.memory_space<vmem>>, vector<1x16xf32>,
        %swap3A_667 = vector.shape_cast %swap3A_666 : vector<1x16xf32> to vector<16xf32>
        %swap3A_668 = vector.shape_cast %add3A_663 : vector<16xf32> to vector<1x16xf32>
        tpu.vector_store %arg18[%swap3A_664, %swap3A_665], %swap3A_668 {strides = array<i32>} : memref<16x512xf32, #tpu.memory_space<vmem>>, vector<1x16xf32>,
        %get3A_669 = arith.index_cast %scan3A_84 : i32 to index
        %get3A_670 = arith.constant 352 : index
        %get3A_671 = tpu.vector_load %arg17[%get3A_669, %get3A_670] {strides = array<i32>} : memref<48x512xf32, #tpu.memory_space<vmem>>, vector<1x16xf32>,
        %get3A_672 = vector.shape_cast %get3A_671 : vector<1x16xf32> to vector<16xf32>
        %mul3A_673 = arith.mulf %get3A_672, %get3A_91 : vector<16xf32>
        %add3A_674 = arith.constant 16 : i32
        %add3A_675 = arith.addi %add3A_674, %scan3A_84 : i32
        %get3A_676 = arith.index_cast %add3A_675 : i32 to index
        %get3A_677 = arith.constant 352 : index
        %get3A_678 = tpu.vector_load %arg17[%get3A_676, %get3A_677] {strides = array<i32>} : memref<48x512xf32, #tpu.memory_space<vmem>>, vector<1x16xf32>,
        %get3A_679 = vector.shape_cast %get3A_678 : vector<1x16xf32> to vector<16xf32>
        %mul3A_680 = arith.mulf %get3A_679, %get3A_94 : vector<16xf32>
        %add3A_681 = arith.addf %mul3A_673, %mul3A_680 : vector<16xf32>
        %add3A_682 = arith.constant 32 : i32
        %add3A_683 = arith.addi %add3A_682, %scan3A_84 : i32
        %get3A_684 = arith.index_cast %add3A_683 : i32 to index
        %get3A_685 = arith.constant 352 : index
        %get3A_686 = tpu.vector_load %arg17[%get3A_684, %get3A_685] {strides = array<i32>} : memref<48x512xf32, #tpu.memory_space<vmem>>, vector<1x16xf32>,
        %get3A_687 = vector.shape_cast %get3A_686 : vector<1x16xf32> to vector<16xf32>
        %mul3A_688 = arith.mulf %get3A_687, %get3A_97 : vector<16xf32>
        %add3A_689 = arith.addf %add3A_681, %mul3A_688 : vector<16xf32>
        %swap3A_690 = arith.index_cast %scan3A_84 : i32 to index
        %swap3A_691 = arith.constant 352 : index
        %swap3A_692 = tpu.vector_load %arg18[%swap3A_690, %swap3A_691] {strides = array<i32>} : memref<16x512xf32, #tpu.memory_space<vmem>>, vector<1x16xf32>,
        %swap3A_693 = vector.shape_cast %swap3A_692 : vector<1x16xf32> to vector<16xf32>
        %swap3A_694 = vector.shape_cast %add3A_689 : vector<16xf32> to vector<1x16xf32>
        tpu.vector_store %arg18[%swap3A_690, %swap3A_691], %swap3A_694 {strides = array<i32>} : memref<16x512xf32, #tpu.memory_space<vmem>>, vector<1x16xf32>,
        %get3A_695 = arith.index_cast %scan3A_84 : i32 to index
        %get3A_696 = arith.constant 368 : index
        %get3A_697 = tpu.vector_load %arg17[%get3A_695, %get3A_696] {strides = array<i32>} : memref<48x512xf32, #tpu.memory_space<vmem>>, vector<1x16xf32>,
        %get3A_698 = vector.shape_cast %get3A_697 : vector<1x16xf32> to vector<16xf32>
        %mul3A_699 = arith.mulf %get3A_698, %get3A_91 : vector<16xf32>
        %add3A_700 = arith.constant 16 : i32
        %add3A_701 = arith.addi %add3A_700, %scan3A_84 : i32
        %get3A_702 = arith.index_cast %add3A_701 : i32 to index
        %get3A_703 = arith.constant 368 : index
        %get3A_704 = tpu.vector_load %arg17[%get3A_702, %get3A_703] {strides = array<i32>} : memref<48x512xf32, #tpu.memory_space<vmem>>, vector<1x16xf32>,
        %get3A_705 = vector.shape_cast %get3A_704 : vector<1x16xf32> to vector<16xf32>
        %mul3A_706 = arith.mulf %get3A_705, %get3A_94 : vector<16xf32>
        %add3A_707 = arith.addf %mul3A_699, %mul3A_706 : vector<16xf32>
        %add3A_708 = arith.constant 32 : i32
        %add3A_709 = arith.addi %add3A_708, %scan3A_84 : i32
        %get3A_710 = arith.index_cast %add3A_709 : i32 to index
        %get3A_711 = arith.constant 368 : index
        %get3A_712 = tpu.vector_load %arg17[%get3A_710, %get3A_711] {strides = array<i32>} : memref<48x512xf32, #tpu.memory_space<vmem>>, vector<1x16xf32>,
        %get3A_713 = vector.shape_cast %get3A_712 : vector<1x16xf32> to vector<16xf32>
        %mul3A_714 = arith.mulf %get3A_713, %get3A_97 : vector<16xf32>
        %add3A_715 = arith.addf %add3A_707, %mul3A_714 : vector<16xf32>
        %swap3A_716 = arith.index_cast %scan3A_84 : i32 to index
        %swap3A_717 = arith.constant 368 : index
        %swap3A_718 = tpu.vector_load %arg18[%swap3A_716, %swap3A_717] {strides = array<i32>} : memref<16x512xf32, #tpu.memory_space<vmem>>, vector<1x16xf32>,
        %swap3A_719 = vector.shape_cast %swap3A_718 : vector<1x16xf32> to vector<16xf32>
        %swap3A_720 = vector.shape_cast %add3A_715 : vector<16xf32> to vector<1x16xf32>
        tpu.vector_store %arg18[%swap3A_716, %swap3A_717], %swap3A_720 {strides = array<i32>} : memref<16x512xf32, #tpu.memory_space<vmem>>, vector<1x16xf32>,
        %get3A_721 = arith.index_cast %scan3A_84 : i32 to index
        %get3A_722 = arith.constant 384 : index
        %get3A_723 = tpu.vector_load %arg17[%get3A_721, %get3A_722] {strides = array<i32>} : memref<48x512xf32, #tpu.memory_space<vmem>>, vector<1x16xf32>,
        %get3A_724 = vector.shape_cast %get3A_723 : vector<1x16xf32> to vector<16xf32>
        %mul3A_725 = arith.mulf %get3A_724, %get3A_91 : vector<16xf32>
        %add3A_726 = arith.constant 16 : i32
        %add3A_727 = arith.addi %add3A_726, %scan3A_84 : i32
        %get3A_728 = arith.index_cast %add3A_727 : i32 to index
        %get3A_729 = arith.constant 384 : index
        %get3A_730 = tpu.vector_load %arg17[%get3A_728, %get3A_729] {strides = array<i32>} : memref<48x512xf32, #tpu.memory_space<vmem>>, vector<1x16xf32>,
        %get3A_731 = vector.shape_cast %get3A_730 : vector<1x16xf32> to vector<16xf32>
        %mul3A_732 = arith.mulf %get3A_731, %get3A_94 : vector<16xf32>
        %add3A_733 = arith.addf %mul3A_725, %mul3A_732 : vector<16xf32>
        %add3A_734 = arith.constant 32 : i32
        %add3A_735 = arith.addi %add3A_734, %scan3A_84 : i32
        %get3A_736 = arith.index_cast %add3A_735 : i32 to index
        %get3A_737 = arith.constant 384 : index
        %get3A_738 = tpu.vector_load %arg17[%get3A_736, %get3A_737] {strides = array<i32>} : memref<48x512xf32, #tpu.memory_space<vmem>>, vector<1x16xf32>,
        %get3A_739 = vector.shape_cast %get3A_738 : vector<1x16xf32> to vector<16xf32>
        %mul3A_740 = arith.mulf %get3A_739, %get3A_97 : vector<16xf32>
        %add3A_741 = arith.addf %add3A_733, %mul3A_740 : vector<16xf32>
        %swap3A_742 = arith.index_cast %scan3A_84 : i32 to index
        %swap3A_743 = arith.constant 384 : index
        %swap3A_744 = tpu.vector_load %arg18[%swap3A_742, %swap3A_743] {strides = array<i32>} : memref<16x512xf32, #tpu.memory_space<vmem>>, vector<1x16xf32>,
        %swap3A_745 = vector.shape_cast %swap3A_744 : vector<1x16xf32> to vector<16xf32>
        %swap3A_746 = vector.shape_cast %add3A_741 : vector<16xf32> to vector<1x16xf32>
        tpu.vector_store %arg18[%swap3A_742, %swap3A_743], %swap3A_746 {strides = array<i32>} : memref<16x512xf32, #tpu.memory_space<vmem>>, vector<1x16xf32>,
        %get3A_747 = arith.index_cast %scan3A_84 : i32 to index
        %get3A_748 = arith.constant 400 : index
        %get3A_749 = tpu.vector_load %arg17[%get3A_747, %get3A_748] {strides = array<i32>} : memref<48x512xf32, #tpu.memory_space<vmem>>, vector<1x16xf32>,
        %get3A_750 = vector.shape_cast %get3A_749 : vector<1x16xf32> to vector<16xf32>
        %mul3A_751 = arith.mulf %get3A_750, %get3A_91 : vector<16xf32>
        %add3A_752 = arith.constant 16 : i32
        %add3A_753 = arith.addi %add3A_752, %scan3A_84 : i32
        %get3A_754 = arith.index_cast %add3A_753 : i32 to index
        %get3A_755 = arith.constant 400 : index
        %get3A_756 = tpu.vector_load %arg17[%get3A_754, %get3A_755] {strides = array<i32>} : memref<48x512xf32, #tpu.memory_space<vmem>>, vector<1x16xf32>,
        %get3A_757 = vector.shape_cast %get3A_756 : vector<1x16xf32> to vector<16xf32>
        %mul3A_758 = arith.mulf %get3A_757, %get3A_94 : vector<16xf32>
        %add3A_759 = arith.addf %mul3A_751, %mul3A_758 : vector<16xf32>
        %add3A_760 = arith.constant 32 : i32
        %add3A_761 = arith.addi %add3A_760, %scan3A_84 : i32
        %get3A_762 = arith.index_cast %add3A_761 : i32 to index
        %get3A_763 = arith.constant 400 : index
        %get3A_764 = tpu.vector_load %arg17[%get3A_762, %get3A_763] {strides = array<i32>} : memref<48x512xf32, #tpu.memory_space<vmem>>, vector<1x16xf32>,
        %get3A_765 = vector.shape_cast %get3A_764 : vector<1x16xf32> to vector<16xf32>
        %mul3A_766 = arith.mulf %get3A_765, %get3A_97 : vector<16xf32>
        %add3A_767 = arith.addf %add3A_759, %mul3A_766 : vector<16xf32>
        %swap3A_768 = arith.index_cast %scan3A_84 : i32 to index
        %swap3A_769 = arith.constant 400 : index
        %swap3A_770 = tpu.vector_load %arg18[%swap3A_768, %swap3A_769] {strides = array<i32>} : memref<16x512xf32, #tpu.memory_space<vmem>>, vector<1x16xf32>,
        %swap3A_771 = vector.shape_cast %swap3A_770 : vector<1x16xf32> to vector<16xf32>
        %swap3A_772 = vector.shape_cast %add3A_767 : vector<16xf32> to vector<1x16xf32>
        tpu.vector_store %arg18[%swap3A_768, %swap3A_769], %swap3A_772 {strides = array<i32>} : memref<16x512xf32, #tpu.memory_space<vmem>>, vector<1x16xf32>,
        %get3A_773 = arith.index_cast %scan3A_84 : i32 to index
        %get3A_774 = arith.constant 416 : index
        %get3A_775 = tpu.vector_load %arg17[%get3A_773, %get3A_774] {strides = array<i32>} : memref<48x512xf32, #tpu.memory_space<vmem>>, vector<1x16xf32>,
        %get3A_776 = vector.shape_cast %get3A_775 : vector<1x16xf32> to vector<16xf32>
        %mul3A_777 = arith.mulf %get3A_776, %get3A_91 : vector<16xf32>
        %add3A_778 = arith.constant 16 : i32
        %add3A_779 = arith.addi %add3A_778, %scan3A_84 : i32
        %get3A_780 = arith.index_cast %add3A_779 : i32 to index
        %get3A_781 = arith.constant 416 : index
        %get3A_782 = tpu.vector_load %arg17[%get3A_780, %get3A_781] {strides = array<i32>} : memref<48x512xf32, #tpu.memory_space<vmem>>, vector<1x16xf32>,
        %get3A_783 = vector.shape_cast %get3A_782 : vector<1x16xf32> to vector<16xf32>
        %mul3A_784 = arith.mulf %get3A_783, %get3A_94 : vector<16xf32>
        %add3A_785 = arith.addf %mul3A_777, %mul3A_784 : vector<16xf32>
        %add3A_786 = arith.constant 32 : i32
        %add3A_787 = arith.addi %add3A_786, %scan3A_84 : i32
        %get3A_788 = arith.index_cast %add3A_787 : i32 to index
        %get3A_789 = arith.constant 416 : index
        %get3A_790 = tpu.vector_load %arg17[%get3A_788, %get3A_789] {strides = array<i32>} : memref<48x512xf32, #tpu.memory_space<vmem>>, vector<1x16xf32>,
        %get3A_791 = vector.shape_cast %get3A_790 : vector<1x16xf32> to vector<16xf32>
        %mul3A_792 = arith.mulf %get3A_791, %get3A_97 : vector<16xf32>
        %add3A_793 = arith.addf %add3A_785, %mul3A_792 : vector<16xf32>
        %swap3A_794 = arith.index_cast %scan3A_84 : i32 to index
        %swap3A_795 = arith.constant 416 : index
        %swap3A_796 = tpu.vector_load %arg18[%swap3A_794, %swap3A_795] {strides = array<i32>} : memref<16x512xf32, #tpu.memory_space<vmem>>, vector<1x16xf32>,
        %swap3A_797 = vector.shape_cast %swap3A_796 : vector<1x16xf32> to vector<16xf32>
        %swap3A_798 = vector.shape_cast %add3A_793 : vector<16xf32> to vector<1x16xf32>
        tpu.vector_store %arg18[%swap3A_794, %swap3A_795], %swap3A_798 {strides = array<i32>} : memref<16x512xf32, #tpu.memory_space<vmem>>, vector<1x16xf32>,
        %get3A_799 = arith.index_cast %scan3A_84 : i32 to index
        %get3A_800 = arith.constant 432 : index
        %get3A_801 = tpu.vector_load %arg17[%get3A_799, %get3A_800] {strides = array<i32>} : memref<48x512xf32, #tpu.memory_space<vmem>>, vector<1x16xf32>,
        %get3A_802 = vector.shape_cast %get3A_801 : vector<1x16xf32> to vector<16xf32>
        %mul3A_803 = arith.mulf %get3A_802, %get3A_91 : vector<16xf32>
        %add3A_804 = arith.constant 16 : i32
        %add3A_805 = arith.addi %add3A_804, %scan3A_84 : i32
        %get3A_806 = arith.index_cast %add3A_805 : i32 to index
        %get3A_807 = arith.constant 432 : index
        %get3A_808 = tpu.vector_load %arg17[%get3A_806, %get3A_807] {strides = array<i32>} : memref<48x512xf32, #tpu.memory_space<vmem>>, vector<1x16xf32>,
        %get3A_809 = vector.shape_cast %get3A_808 : vector<1x16xf32> to vector<16xf32>
        %mul3A_810 = arith.mulf %get3A_809, %get3A_94 : vector<16xf32>
        %add3A_811 = arith.addf %mul3A_803, %mul3A_810 : vector<16xf32>
        %add3A_812 = arith.constant 32 : i32
        %add3A_813 = arith.addi %add3A_812, %scan3A_84 : i32
        %get3A_814 = arith.index_cast %add3A_813 : i32 to index
        %get3A_815 = arith.constant 432 : index
        %get3A_816 = tpu.vector_load %arg17[%get3A_814, %get3A_815] {strides = array<i32>} : memref<48x512xf32, #tpu.memory_space<vmem>>, vector<1x16xf32>,
        %get3A_817 = vector.shape_cast %get3A_816 : vector<1x16xf32> to vector<16xf32>
        %mul3A_818 = arith.mulf %get3A_817, %get3A_97 : vector<16xf32>
        %add3A_819 = arith.addf %add3A_811, %mul3A_818 : vector<16xf32>
        %swap3A_820 = arith.index_cast %scan3A_84 : i32 to index
        %swap3A_821 = arith.constant 432 : index
        %swap3A_822 = tpu.vector_load %arg18[%swap3A_820, %swap3A_821] {strides = array<i32>} : memref<16x512xf32, #tpu.memory_space<vmem>>, vector<1x16xf32>,
        %swap3A_823 = vector.shape_cast %swap3A_822 : vector<1x16xf32> to vector<16xf32>
        %swap3A_824 = vector.shape_cast %add3A_819 : vector<16xf32> to vector<1x16xf32>
        tpu.vector_store %arg18[%swap3A_820, %swap3A_821], %swap3A_824 {strides = array<i32>} : memref<16x512xf32, #tpu.memory_space<vmem>>, vector<1x16xf32>,
        %get3A_825 = arith.index_cast %scan3A_84 : i32 to index
        %get3A_826 = arith.constant 448 : index
        %get3A_827 = tpu.vector_load %arg17[%get3A_825, %get3A_826] {strides = array<i32>} : memref<48x512xf32, #tpu.memory_space<vmem>>, vector<1x16xf32>,
        %get3A_828 = vector.shape_cast %get3A_827 : vector<1x16xf32> to vector<16xf32>
        %mul3A_829 = arith.mulf %get3A_828, %get3A_91 : vector<16xf32>
        %add3A_830 = arith.constant 16 : i32
        %add3A_831 = arith.addi %add3A_830, %scan3A_84 : i32
        %get3A_832 = arith.index_cast %add3A_831 : i32 to index
        %get3A_833 = arith.constant 448 : index
        %get3A_834 = tpu.vector_load %arg17[%get3A_832, %get3A_833] {strides = array<i32>} : memref<48x512xf32, #tpu.memory_space<vmem>>, vector<1x16xf32>,
        %get3A_835 = vector.shape_cast %get3A_834 : vector<1x16xf32> to vector<16xf32>
        %mul3A_836 = arith.mulf %get3A_835, %get3A_94 : vector<16xf32>
        %add3A_837 = arith.addf %mul3A_829, %mul3A_836 : vector<16xf32>
        %add3A_838 = arith.constant 32 : i32
        %add3A_839 = arith.addi %add3A_838, %scan3A_84 : i32
        %get3A_840 = arith.index_cast %add3A_839 : i32 to index
        %get3A_841 = arith.constant 448 : index
        %get3A_842 = tpu.vector_load %arg17[%get3A_840, %get3A_841] {strides = array<i32>} : memref<48x512xf32, #tpu.memory_space<vmem>>, vector<1x16xf32>,
        %get3A_843 = vector.shape_cast %get3A_842 : vector<1x16xf32> to vector<16xf32>
        %mul3A_844 = arith.mulf %get3A_843, %get3A_97 : vector<16xf32>
        %add3A_845 = arith.addf %add3A_837, %mul3A_844 : vector<16xf32>
        %swap3A_846 = arith.index_cast %scan3A_84 : i32 to index
        %swap3A_847 = arith.constant 448 : index
        %swap3A_848 = tpu.vector_load %arg18[%swap3A_846, %swap3A_847] {strides = array<i32>} : memref<16x512xf32, #tpu.memory_space<vmem>>, vector<1x16xf32>,
        %swap3A_849 = vector.shape_cast %swap3A_848 : vector<1x16xf32> to vector<16xf32>
        %swap3A_850 = vector.shape_cast %add3A_845 : vector<16xf32> to vector<1x16xf32>
        tpu.vector_store %arg18[%swap3A_846, %swap3A_847], %swap3A_850 {strides = array<i32>} : memref<16x512xf32, #tpu.memory_space<vmem>>, vector<1x16xf32>,
        %get3A_851 = arith.index_cast %scan3A_84 : i32 to index
        %get3A_852 = arith.constant 464 : index
        %get3A_853 = tpu.vector_load %arg17[%get3A_851, %get3A_852] {strides = array<i32>} : memref<48x512xf32, #tpu.memory_space<vmem>>, vector<1x16xf32>,
        %get3A_854 = vector.shape_cast %get3A_853 : vector<1x16xf32> to vector<16xf32>
        %mul3A_855 = arith.mulf %get3A_854, %get3A_91 : vector<16xf32>
        %add3A_856 = arith.constant 16 : i32
        %add3A_857 = arith.addi %add3A_856, %scan3A_84 : i32
        %get3A_858 = arith.index_cast %add3A_857 : i32 to index
        %get3A_859 = arith.constant 464 : index
        %get3A_860 = tpu.vector_load %arg17[%get3A_858, %get3A_859] {strides = array<i32>} : memref<48x512xf32, #tpu.memory_space<vmem>>, vector<1x16xf32>,
        %get3A_861 = vector.shape_cast %get3A_860 : vector<1x16xf32> to vector<16xf32>
        %mul3A_862 = arith.mulf %get3A_861, %get3A_94 : vector<16xf32>
        %add3A_863 = arith.addf %mul3A_855, %mul3A_862 : vector<16xf32>
        %add3A_864 = arith.constant 32 : i32
        %add3A_865 = arith.addi %add3A_864, %scan3A_84 : i32
        %get3A_866 = arith.index_cast %add3A_865 : i32 to index
        %get3A_867 = arith.constant 464 : index
        %get3A_868 = tpu.vector_load %arg17[%get3A_866, %get3A_867] {strides = array<i32>} : memref<48x512xf32, #tpu.memory_space<vmem>>, vector<1x16xf32>,
        %get3A_869 = vector.shape_cast %get3A_868 : vector<1x16xf32> to vector<16xf32>
        %mul3A_870 = arith.mulf %get3A_869, %get3A_97 : vector<16xf32>
        %add3A_871 = arith.addf %add3A_863, %mul3A_870 : vector<16xf32>
        %swap3A_872 = arith.index_cast %scan3A_84 : i32 to index
        %swap3A_873 = arith.constant 464 : index
        %swap3A_874 = tpu.vector_load %arg18[%swap3A_872, %swap3A_873] {strides = array<i32>} : memref<16x512xf32, #tpu.memory_space<vmem>>, vector<1x16xf32>,
        %swap3A_875 = vector.shape_cast %swap3A_874 : vector<1x16xf32> to vector<16xf32>
        %swap3A_876 = vector.shape_cast %add3A_871 : vector<16xf32> to vector<1x16xf32>
        tpu.vector_store %arg18[%swap3A_872, %swap3A_873], %swap3A_876 {strides = array<i32>} : memref<16x512xf32, #tpu.memory_space<vmem>>, vector<1x16xf32>,
        %get3A_877 = arith.index_cast %scan3A_84 : i32 to index
        %get3A_878 = arith.constant 480 : index
        %get3A_879 = tpu.vector_load %arg17[%get3A_877, %get3A_878] {strides = array<i32>} : memref<48x512xf32, #tpu.memory_space<vmem>>, vector<1x16xf32>,
        %get3A_880 = vector.shape_cast %get3A_879 : vector<1x16xf32> to vector<16xf32>
        %mul3A_881 = arith.mulf %get3A_880, %get3A_91 : vector<16xf32>
        %add3A_882 = arith.constant 16 : i32
        %add3A_883 = arith.addi %add3A_882, %scan3A_84 : i32
        %get3A_884 = arith.index_cast %add3A_883 : i32 to index
        %get3A_885 = arith.constant 480 : index
        %get3A_886 = tpu.vector_load %arg17[%get3A_884, %get3A_885] {strides = array<i32>} : memref<48x512xf32, #tpu.memory_space<vmem>>, vector<1x16xf32>,
        %get3A_887 = vector.shape_cast %get3A_886 : vector<1x16xf32> to vector<16xf32>
        %mul3A_888 = arith.mulf %get3A_887, %get3A_94 : vector<16xf32>
        %add3A_889 = arith.addf %mul3A_881, %mul3A_888 : vector<16xf32>
        %add3A_890 = arith.constant 32 : i32
        %add3A_891 = arith.addi %add3A_890, %scan3A_84 : i32
        %get3A_892 = arith.index_cast %add3A_891 : i32 to index
        %get3A_893 = arith.constant 480 : index
        %get3A_894 = tpu.vector_load %arg17[%get3A_892, %get3A_893] {strides = array<i32>} : memref<48x512xf32, #tpu.memory_space<vmem>>, vector<1x16xf32>,
        %get3A_895 = vector.shape_cast %get3A_894 : vector<1x16xf32> to vector<16xf32>
        %mul3A_896 = arith.mulf %get3A_895, %get3A_97 : vector<16xf32>
        %add3A_897 = arith.addf %add3A_889, %mul3A_896 : vector<16xf32>
        %swap3A_898 = arith.index_cast %scan3A_84 : i32 to index
        %swap3A_899 = arith.constant 480 : index
        %swap3A_900 = tpu.vector_load %arg18[%swap3A_898, %swap3A_899] {strides = array<i32>} : memref<16x512xf32, #tpu.memory_space<vmem>>, vector<1x16xf32>,
        %swap3A_901 = vector.shape_cast %swap3A_900 : vector<1x16xf32> to vector<16xf32>
        %swap3A_902 = vector.shape_cast %add3A_897 : vector<16xf32> to vector<1x16xf32>
        tpu.vector_store %arg18[%swap3A_898, %swap3A_899], %swap3A_902 {strides = array<i32>} : memref<16x512xf32, #tpu.memory_space<vmem>>, vector<1x16xf32>,
        %get3A_903 = arith.index_cast %scan3A_84 : i32 to index
        %get3A_904 = arith.constant 496 : index
        %get3A_905 = tpu.vector_load %arg17[%get3A_903, %get3A_904] {strides = array<i32>} : memref<48x512xf32, #tpu.memory_space<vmem>>, vector<1x16xf32>,
        %get3A_906 = vector.shape_cast %get3A_905 : vector<1x16xf32> to vector<16xf32>
        %mul3A_907 = arith.mulf %get3A_906, %get3A_91 : vector<16xf32>
        %add3A_908 = arith.constant 16 : i32
        %add3A_909 = arith.addi %add3A_908, %scan3A_84 : i32
        %get3A_910 = arith.index_cast %add3A_909 : i32 to index
        %get3A_911 = arith.constant 496 : index
        %get3A_912 = tpu.vector_load %arg17[%get3A_910, %get3A_911] {strides = array<i32>} : memref<48x512xf32, #tpu.memory_space<vmem>>, vector<1x16xf32>,
        %get3A_913 = vector.shape_cast %get3A_912 : vector<1x16xf32> to vector<16xf32>
        %mul3A_914 = arith.mulf %get3A_913, %get3A_94 : vector<16xf32>
        %add3A_915 = arith.addf %mul3A_907, %mul3A_914 : vector<16xf32>
        %add3A_916 = arith.constant 32 : i32
        %add3A_917 = arith.addi %add3A_916, %scan3A_84 : i32
        %get3A_918 = arith.index_cast %add3A_917 : i32 to index
        %get3A_919 = arith.constant 496 : index
        %get3A_920 = tpu.vector_load %arg17[%get3A_918, %get3A_919] {strides = array<i32>} : memref<48x512xf32, #tpu.memory_space<vmem>>, vector<1x16xf32>,
        %get3A_921 = vector.shape_cast %get3A_920 : vector<1x16xf32> to vector<16xf32>
        %mul3A_922 = arith.mulf %get3A_921, %get3A_97 : vector<16xf32>
        %add3A_923 = arith.addf %add3A_915, %mul3A_922 : vector<16xf32>
        %swap3A_924 = arith.index_cast %scan3A_84 : i32 to index
        %swap3A_925 = arith.constant 496 : index
        %swap3A_926 = tpu.vector_load %arg18[%swap3A_924, %swap3A_925] {strides = array<i32>} : memref<16x512xf32, #tpu.memory_space<vmem>>, vector<1x16xf32>,
        %swap3A_927 = vector.shape_cast %swap3A_926 : vector<1x16xf32> to vector<16xf32>
        %swap3A_928 = vector.shape_cast %add3A_923 : vector<16xf32> to vector<1x16xf32>
        tpu.vector_store %arg18[%swap3A_924, %swap3A_925], %swap3A_928 {strides = array<i32>} : memref<16x512xf32, #tpu.memory_space<vmem>>, vector<1x16xf32>,
      }
      %scan3A_80 = arith.constant 16 : i32
      %mul3A_81 = arith.constant 16 : i32
      %mul3A_82 = arith.muli %add3A_62, %mul3A_81 : i32
      %add3A_83 = arith.addi %mul3A_2, %mul3A_82 : i32
      "tpu.region"() ({
        %run_scoped3A = tpu.sem_alloc : memref<!tpu.dma_semaphore, #tpu.memory_space<semaphore_mem>>
        %dma_start3A_84 = arith.constant 0 : i32
        %dma_start3A_85 = tpu.memref_slice %arg9[%add3A_83, %dma_start3A_84] : memref<8192x512xf32, #tpu.memory_space<hbm>> -> memref<16x512xf32, #tpu.memory_space<hbm>>
        %dma_start3A_86 = arith.constant 0 : i32
        %dma_start3A_87 = tpu.memref_slice %arg9[%add3A_83, %dma_start3A_86] : memref<8192x512xf32, #tpu.memory_space<hbm>> -> memref<16x512xf32, #tpu.memory_space<hbm>>
        tpu.enqueue_dma source(%arg18 : memref<16x512xf32, #tpu.memory_space<vmem>>) target(%dma_start3A_87 : memref<16x512xf32, #tpu.memory_space<hbm>>) target_semaphore(%run_scoped3A : memref<!tpu.dma_semaphore, #tpu.memory_space<semaphore_mem>>)
        %dma_wait3A_88 = arith.constant 0 : i32
        %dma_wait3A_89 = tpu.memref_slice %arg9[%add3A_83, %dma_wait3A_88] : memref<8192x512xf32, #tpu.memory_space<hbm>> -> memref<16x512xf32, #tpu.memory_space<hbm>>
        %dma_wait3A_90 = arith.constant 0 : i32
        %dma_wait3A_91 = tpu.memref_slice %arg9[%add3A_83, %dma_wait3A_90] : memref<8192x512xf32, #tpu.memory_space<hbm>> -> memref<16x512xf32, #tpu.memory_space<hbm>>
        tpu.wait_dma2 semaphore(%run_scoped3A : memref<!tpu.dma_semaphore, #tpu.memory_space<semaphore_mem>>) src(%arg18 : memref<16x512xf32, #tpu.memory_space<vmem>>) dst(%dma_wait3A_91 : memref<16x512xf32, #tpu.memory_space<hbm>>)
        tpu.yield
      }) : () -> ()
    }
    %scan3A_36 = arith.constant 8 : i32
    return
  }
}

module attributes {stable_mosaic.version = 14 : i64} {
  func.func @_knn_body(%arg0: i32, %arg1: memref<512x3xf32, #tpu.memory_space<vmem>>, %arg2: memref<3x4096xf32, #tpu.memory_space<vmem>>, %arg3: memref<512x1xi32, #tpu.memory_space<vmem>>, %arg4: memref<512x1xi32, #tpu.memory_space<vmem>>, %arg5: memref<512x1xi32, #tpu.memory_space<vmem>>, %arg6: memref<512x16xf32, #tpu.memory_space<vmem>>, %arg7: memref<512x16xf32, #tpu.memory_space<vmem>>, %arg8: memref<512x16xf32, #tpu.memory_space<vmem>>) attributes {dimension_semantics = [#tpu.dimension_semantics<arbitrary>], iteration_bounds = array<i64: 16>, scalar_prefetch = 0 : i64, scratch_operands = 0 : i64, tpu.core_type = #tpu.core_type<tc>, window_params = [{transform_indices = @transform_0, window_bounds = array<i64: 512, 3>}, {pipeline_mode = #tpu.pipeline_mode<synchronous>, transform_indices = @transform_1, window_bounds = array<i64: 3, 4096>}, {transform_indices = @transform_2, window_bounds = array<i64: 512, 1>}, {transform_indices = @transform_3, window_bounds = array<i64: 512, 1>}, {transform_indices = @transform_4, window_bounds = array<i64: 512, 1>}, {transform_indices = @transform_5, window_bounds = array<i64: 512, 16>}, {transform_indices = @transform_6, window_bounds = array<i64: 512, 16>}, {transform_indices = @transform_7, window_bounds = array<i64: 512, 16>}]} {
    %get3A = arith.constant 0 : index
    %get3A_0 = arith.constant 0 : index
    %get3A_1 = vector.load %arg1[%get3A, %get3A_0] : memref<512x3xf32, #tpu.memory_space<vmem>>, vector<512x3xf32>
    %get3A_2 = arith.constant 0 : index
    %get3A_3 = arith.constant 0 : index
    %get3A_4 = vector.load %arg2[%get3A_2, %get3A_3] : memref<3x4096xf32, #tpu.memory_space<vmem>>, vector<3x4096xf32>
    %slice3A = vector.extract_strided_slice %get3A_1 {offsets = [0, 0], sizes = [512, 1], strides = [1, 1]} : vector<512x3xf32> to vector<512x1xf32>
    %slice3A_5 = vector.extract_strided_slice %get3A_4 {offsets = [0, 0], sizes = [1, 4096], strides = [1, 1]} : vector<3x4096xf32> to vector<1x4096xf32>
    %sub3A = vector.broadcast %slice3A : vector<512x1xf32> to vector<512x4096xf32>
    %sub3A_6 = vector.broadcast %slice3A_5 : vector<1x4096xf32> to vector<512x4096xf32>
    %sub3A_7 = arith.subf %sub3A, %sub3A_6 : vector<512x4096xf32>
    %slice3A_8 = vector.extract_strided_slice %get3A_1 {offsets = [0, 1], sizes = [512, 1], strides = [1, 1]} : vector<512x3xf32> to vector<512x1xf32>
    %slice3A_9 = vector.extract_strided_slice %get3A_4 {offsets = [1, 0], sizes = [1, 4096], strides = [1, 1]} : vector<3x4096xf32> to vector<1x4096xf32>
    %sub3A_10 = vector.broadcast %slice3A_8 : vector<512x1xf32> to vector<512x4096xf32>
    %sub3A_11 = vector.broadcast %slice3A_9 : vector<1x4096xf32> to vector<512x4096xf32>
    %sub3A_12 = arith.subf %sub3A_10, %sub3A_11 : vector<512x4096xf32>
    %slice3A_13 = vector.extract_strided_slice %get3A_1 {offsets = [0, 2], sizes = [512, 1], strides = [1, 1]} : vector<512x3xf32> to vector<512x1xf32>
    %slice3A_14 = vector.extract_strided_slice %get3A_4 {offsets = [2, 0], sizes = [1, 4096], strides = [1, 1]} : vector<3x4096xf32> to vector<1x4096xf32>
    %sub3A_15 = vector.broadcast %slice3A_13 : vector<512x1xf32> to vector<512x4096xf32>
    %sub3A_16 = vector.broadcast %slice3A_14 : vector<1x4096xf32> to vector<512x4096xf32>
    %sub3A_17 = arith.subf %sub3A_15, %sub3A_16 : vector<512x4096xf32>
    %mul3A = arith.mulf %sub3A_7, %sub3A_7 : vector<512x4096xf32>
    %mul3A_18 = arith.mulf %sub3A_12, %sub3A_12 : vector<512x4096xf32>
    %add3A = arith.addf %mul3A, %mul3A_18 : vector<512x4096xf32>
    %mul3A_19 = arith.mulf %sub3A_17, %sub3A_17 : vector<512x4096xf32>
    %add3A_20 = arith.addf %add3A, %mul3A_19 : vector<512x4096xf32>
    %iota3A = tpu.iota {dimensions = array<i32: 1>} : vector<512x4096xi32>
    %convert_element_type3A = arith.sitofp %iota3A : vector<512x4096xi32> to vector<512x4096xf32>
    %reduce_min3A = arith.constant dense<0x7F800000> : vector<512xf32>
    %reduce_min3A_21 = vector.multi_reduction <minimumf>, %add3A_20, %reduce_min3A [1] : vector<512x4096xf32> to vector<512xf32>
    %broadcast_in_dim3A = vector.shape_cast %reduce_min3A_21 : vector<512xf32> to vector<512x1xf32>
    %eq3A = vector.broadcast %broadcast_in_dim3A : vector<512x1xf32> to vector<512x4096xf32>
    %eq3A_22 = arith.cmpf oeq, %add3A_20, %eq3A : vector<512x4096xf32>
    %jit3A = arith.constant 1.000000e+09 : f32
    %broadcast_in_dim3A_23 = vector.broadcast %jit3A : f32 to vector<512x4096xf32>
    %select_n3A = arith.select %eq3A_22, %convert_element_type3A, %broadcast_in_dim3A_23 : vector<512x4096xi1>, vector<512x4096xf32>
    %reduce_min3A_24 = arith.constant dense<0x7F800000> : vector<512xf32>
    %reduce_min3A_25 = vector.multi_reduction <minimumf>, %select_n3A, %reduce_min3A_24 [1] : vector<512x4096xf32> to vector<512xf32>
    %broadcast_in_dim3A_26 = vector.shape_cast %reduce_min3A_25 : vector<512xf32> to vector<512x1xf32>
    %eq3A_27 = vector.broadcast %broadcast_in_dim3A_26 : vector<512x1xf32> to vector<512x4096xf32>
    %eq3A_28 = arith.cmpf oeq, %convert_element_type3A, %eq3A_27 : vector<512x4096xf32>
    %jit3A_29 = arith.constant 0x7F800000 : f32
    %broadcast_in_dim3A_30 = vector.broadcast %jit3A_29 : f32 to vector<512x4096xf32>
    %select_n3A_31 = arith.select %eq3A_28, %broadcast_in_dim3A_30, %add3A_20 : vector<512x4096xi1>, vector<512x4096xf32>
    %reduce_min3A_32 = arith.constant dense<0x7F800000> : vector<512xf32>
    %reduce_min3A_33 = vector.multi_reduction <minimumf>, %select_n3A_31, %reduce_min3A_32 [1] : vector<512x4096xf32> to vector<512xf32>
    %broadcast_in_dim3A_34 = vector.shape_cast %reduce_min3A_33 : vector<512xf32> to vector<512x1xf32>
    %eq3A_35 = vector.broadcast %broadcast_in_dim3A_34 : vector<512x1xf32> to vector<512x4096xf32>
    %eq3A_36 = arith.cmpf oeq, %select_n3A_31, %eq3A_35 : vector<512x4096xf32>
    %jit3A_37 = arith.constant 1.000000e+09 : f32
    %broadcast_in_dim3A_38 = vector.broadcast %jit3A_37 : f32 to vector<512x4096xf32>
    %select_n3A_39 = arith.select %eq3A_36, %convert_element_type3A, %broadcast_in_dim3A_38 : vector<512x4096xi1>, vector<512x4096xf32>
    %reduce_min3A_40 = arith.constant dense<0x7F800000> : vector<512xf32>
    %reduce_min3A_41 = vector.multi_reduction <minimumf>, %select_n3A_39, %reduce_min3A_40 [1] : vector<512x4096xf32> to vector<512xf32>
    %broadcast_in_dim3A_42 = vector.shape_cast %reduce_min3A_41 : vector<512xf32> to vector<512x1xf32>
    %eq3A_43 = vector.broadcast %broadcast_in_dim3A_42 : vector<512x1xf32> to vector<512x4096xf32>
    %eq3A_44 = arith.cmpf oeq, %convert_element_type3A, %eq3A_43 : vector<512x4096xf32>
    %jit3A_45 = arith.constant 0x7F800000 : f32
    %broadcast_in_dim3A_46 = vector.broadcast %jit3A_45 : f32 to vector<512x4096xf32>
    %select_n3A_47 = arith.select %eq3A_44, %broadcast_in_dim3A_46, %select_n3A_31 : vector<512x4096xi1>, vector<512x4096xf32>
    %reduce_min3A_48 = arith.constant dense<0x7F800000> : vector<512xf32>
    %reduce_min3A_49 = vector.multi_reduction <minimumf>, %select_n3A_47, %reduce_min3A_48 [1] : vector<512x4096xf32> to vector<512xf32>
    %broadcast_in_dim3A_50 = vector.shape_cast %reduce_min3A_49 : vector<512xf32> to vector<512x1xf32>
    %eq3A_51 = vector.broadcast %broadcast_in_dim3A_50 : vector<512x1xf32> to vector<512x4096xf32>
    %eq3A_52 = arith.cmpf oeq, %select_n3A_47, %eq3A_51 : vector<512x4096xf32>
    %jit3A_53 = arith.constant 1.000000e+09 : f32
    %broadcast_in_dim3A_54 = vector.broadcast %jit3A_53 : f32 to vector<512x4096xf32>
    %select_n3A_55 = arith.select %eq3A_52, %convert_element_type3A, %broadcast_in_dim3A_54 : vector<512x4096xi1>, vector<512x4096xf32>
    %reduce_min3A_56 = arith.constant dense<0x7F800000> : vector<512xf32>
    %reduce_min3A_57 = vector.multi_reduction <minimumf>, %select_n3A_55, %reduce_min3A_56 [1] : vector<512x4096xf32> to vector<512xf32>
    %broadcast_in_dim3A_58 = vector.shape_cast %reduce_min3A_57 : vector<512xf32> to vector<512x1xf32>
    %convert_element_type3A_59 = arith.fptosi %broadcast_in_dim3A_26 : vector<512x1xf32> to vector<512x1xi32>
    %convert_element_type3A_60 = arith.fptosi %broadcast_in_dim3A_42 : vector<512x1xf32> to vector<512x1xi32>
    %convert_element_type3A_61 = arith.fptosi %broadcast_in_dim3A_58 : vector<512x1xf32> to vector<512x1xi32>
    %max3A = arith.constant 9.99999996E-13 : f32
    %max3A_62 = vector.broadcast %max3A : f32 to vector<512x1xf32>
    %max3A_63 = arith.maximumf %broadcast_in_dim3A, %max3A_62 : vector<512x1xf32>
    %sqrt3A = math.sqrt %max3A_63 : vector<512x1xf32>
    %add3A_64 = arith.constant 9.99999993E-9 : f32
    %add3A_65 = vector.broadcast %add3A_64 : f32 to vector<512x1xf32>
    %add3A_66 = arith.addf %sqrt3A, %add3A_65 : vector<512x1xf32>
    %div3A = arith.constant 1.000000e+00 : f32
    %div3A_67 = vector.broadcast %div3A : f32 to vector<512x1xf32>
    %div3A_68 = arith.divf %div3A_67, %add3A_66 : vector<512x1xf32>
    %max3A_69 = arith.constant 9.99999996E-13 : f32
    %max3A_70 = vector.broadcast %max3A_69 : f32 to vector<512x1xf32>
    %max3A_71 = arith.maximumf %broadcast_in_dim3A_34, %max3A_70 : vector<512x1xf32>
    %sqrt3A_72 = math.sqrt %max3A_71 : vector<512x1xf32>
    %add3A_73 = arith.constant 9.99999993E-9 : f32
    %add3A_74 = vector.broadcast %add3A_73 : f32 to vector<512x1xf32>
    %add3A_75 = arith.addf %sqrt3A_72, %add3A_74 : vector<512x1xf32>
    %div3A_76 = arith.constant 1.000000e+00 : f32
    %div3A_77 = vector.broadcast %div3A_76 : f32 to vector<512x1xf32>
    %div3A_78 = arith.divf %div3A_77, %add3A_75 : vector<512x1xf32>
    %max3A_79 = arith.constant 9.99999996E-13 : f32
    %max3A_80 = vector.broadcast %max3A_79 : f32 to vector<512x1xf32>
    %max3A_81 = arith.maximumf %broadcast_in_dim3A_50, %max3A_80 : vector<512x1xf32>
    %sqrt3A_82 = math.sqrt %max3A_81 : vector<512x1xf32>
    %add3A_83 = arith.constant 9.99999993E-9 : f32
    %add3A_84 = vector.broadcast %add3A_83 : f32 to vector<512x1xf32>
    %add3A_85 = arith.addf %sqrt3A_82, %add3A_84 : vector<512x1xf32>
    %div3A_86 = arith.constant 1.000000e+00 : f32
    %div3A_87 = vector.broadcast %div3A_86 : f32 to vector<512x1xf32>
    %div3A_88 = arith.divf %div3A_87, %add3A_85 : vector<512x1xf32>
    %add3A_89 = arith.addf %div3A_68, %div3A_78 : vector<512x1xf32>
    %add3A_90 = arith.addf %add3A_89, %div3A_88 : vector<512x1xf32>
    %swap3A = arith.constant 0 : index
    %swap3A_91 = arith.constant 0 : index
    %swap3A_92 = vector.load %arg3[%swap3A, %swap3A_91] : memref<512x1xi32, #tpu.memory_space<vmem>>, vector<512x1xi32>
    tpu.vector_store %arg3[%swap3A, %swap3A_91], %convert_element_type3A_59 {strides = array<i32>} : memref<512x1xi32, #tpu.memory_space<vmem>>, vector<512x1xi32>,
    %swap3A_93 = arith.constant 0 : index
    %swap3A_94 = arith.constant 0 : index
    %swap3A_95 = vector.load %arg4[%swap3A_93, %swap3A_94] : memref<512x1xi32, #tpu.memory_space<vmem>>, vector<512x1xi32>
    tpu.vector_store %arg4[%swap3A_93, %swap3A_94], %convert_element_type3A_60 {strides = array<i32>} : memref<512x1xi32, #tpu.memory_space<vmem>>, vector<512x1xi32>,
    %swap3A_96 = arith.constant 0 : index
    %swap3A_97 = arith.constant 0 : index
    %swap3A_98 = vector.load %arg5[%swap3A_96, %swap3A_97] : memref<512x1xi32, #tpu.memory_space<vmem>>, vector<512x1xi32>
    tpu.vector_store %arg5[%swap3A_96, %swap3A_97], %convert_element_type3A_61 {strides = array<i32>} : memref<512x1xi32, #tpu.memory_space<vmem>>, vector<512x1xi32>,
    %div3A_99 = arith.divf %div3A_68, %add3A_90 : vector<512x1xf32>
    %broadcast_in_dim3A_100 = vector.shape_cast %div3A_99 : vector<512x1xf32> to vector<512x1xf32>
    %broadcast_in_dim3A_101 = vector.broadcast %broadcast_in_dim3A_100 : vector<512x1xf32> to vector<512x16xf32>
    %swap3A_102 = arith.constant 0 : index
    %swap3A_103 = arith.constant 0 : index
    %swap3A_104 = vector.load %arg6[%swap3A_102, %swap3A_103] : memref<512x16xf32, #tpu.memory_space<vmem>>, vector<512x16xf32>
    tpu.vector_store %arg6[%swap3A_102, %swap3A_103], %broadcast_in_dim3A_101 {strides = array<i32>} : memref<512x16xf32, #tpu.memory_space<vmem>>, vector<512x16xf32>,
    %div3A_105 = arith.divf %div3A_78, %add3A_90 : vector<512x1xf32>
    %broadcast_in_dim3A_106 = vector.shape_cast %div3A_105 : vector<512x1xf32> to vector<512x1xf32>
    %broadcast_in_dim3A_107 = vector.broadcast %broadcast_in_dim3A_106 : vector<512x1xf32> to vector<512x16xf32>
    %swap3A_108 = arith.constant 0 : index
    %swap3A_109 = arith.constant 0 : index
    %swap3A_110 = vector.load %arg7[%swap3A_108, %swap3A_109] : memref<512x16xf32, #tpu.memory_space<vmem>>, vector<512x16xf32>
    tpu.vector_store %arg7[%swap3A_108, %swap3A_109], %broadcast_in_dim3A_107 {strides = array<i32>} : memref<512x16xf32, #tpu.memory_space<vmem>>, vector<512x16xf32>,
    %div3A_111 = arith.divf %div3A_88, %add3A_90 : vector<512x1xf32>
    %broadcast_in_dim3A_112 = vector.shape_cast %div3A_111 : vector<512x1xf32> to vector<512x1xf32>
    %broadcast_in_dim3A_113 = vector.broadcast %broadcast_in_dim3A_112 : vector<512x1xf32> to vector<512x16xf32>
    %swap3A_114 = arith.constant 0 : index
    %swap3A_115 = arith.constant 0 : index
    %swap3A_116 = vector.load %arg8[%swap3A_114, %swap3A_115] : memref<512x16xf32, #tpu.memory_space<vmem>>, vector<512x16xf32>
    tpu.vector_store %arg8[%swap3A_114, %swap3A_115], %broadcast_in_dim3A_113 {strides = array<i32>} : memref<512x16xf32, #tpu.memory_space<vmem>>, vector<512x16xf32>,
    return
  }
  func.func @transform_0(%arg0: i32) -> (i32, i32) {
    %add3A = arith.constant 16 : i32
    %add3A_0 = arith.addi %arg0, %add3A : i32
    %c0_i32 = arith.constant 0 : i32
    %c0_i32_1 = arith.constant 0 : i32
    return %add3A_0, %c0_i32 : i32, i32
  }
  func.func @transform_1(%arg0: i32) -> (i32, i32) {
    %c0_i32 = arith.constant 0 : i32
    %c0_i32_0 = arith.constant 0 : i32
    %c0_i32_1 = arith.constant 0 : i32
    return %c0_i32, %c0_i32_0 : i32, i32
  }
  func.func @transform_2(%arg0: i32) -> (i32, i32) {
    %c0_i32 = arith.constant 0 : i32
    %c0_i32_0 = arith.constant 0 : i32
    return %arg0, %c0_i32 : i32, i32
  }
  func.func @transform_3(%arg0: i32) -> (i32, i32) {
    %c0_i32 = arith.constant 0 : i32
    %c0_i32_0 = arith.constant 0 : i32
    return %arg0, %c0_i32 : i32, i32
  }
  func.func @transform_4(%arg0: i32) -> (i32, i32) {
    %c0_i32 = arith.constant 0 : i32
    %c0_i32_0 = arith.constant 0 : i32
    return %arg0, %c0_i32 : i32, i32
  }
  func.func @transform_5(%arg0: i32) -> (i32, i32) {
    %c0_i32 = arith.constant 0 : i32
    %c0_i32_0 = arith.constant 0 : i32
    return %arg0, %c0_i32 : i32, i32
  }
  func.func @transform_6(%arg0: i32) -> (i32, i32) {
    %c0_i32 = arith.constant 0 : i32
    %c0_i32_0 = arith.constant 0 : i32
    return %arg0, %c0_i32 : i32, i32
  }
  func.func @transform_7(%arg0: i32) -> (i32, i32) {
    %c0_i32 = arith.constant 0 : i32
    %c0_i32_0 = arith.constant 0 : i32
    return %arg0, %c0_i32 : i32, i32
  }
}

module attributes {stable_mosaic.version = 14 : i64} {
  func.func @_mm_stats_body(%arg0: i32, %arg1: memref<512x512xf32, #tpu.memory_space<vmem>>, %arg2: memref<512x512xf32, #tpu.memory_space<vmem>>, %arg3: memref<1x512xf32, #tpu.memory_space<vmem>>, %arg4: memref<512x512xf32, #tpu.memory_space<vmem>>, %arg5: memref<2x512xf32, #tpu.memory_space<vmem>>) attributes {dimension_semantics = [#tpu.dimension_semantics<arbitrary>], iteration_bounds = array<i64: 8>, scalar_prefetch = 0 : i64, scratch_operands = 0 : i64, tpu.core_type = #tpu.core_type<tc>, window_params = [{transform_indices = @transform_0, window_bounds = array<i64: 512, 512>}, {pipeline_mode = #tpu.pipeline_mode<synchronous>, transform_indices = @transform_1, window_bounds = array<i64: 512, 512>}, {pipeline_mode = #tpu.pipeline_mode<synchronous>, transform_indices = @transform_2, window_bounds = array<i64: 1, 512>}, {transform_indices = @transform_3, window_bounds = array<i64: 512, 512>}, {pipeline_mode = #tpu.pipeline_mode<synchronous>, transform_indices = @transform_4, window_bounds = array<i64: 2, 512>}]} {
    %get3A = arith.constant 0 : index
    %get3A_0 = arith.constant 0 : index
    %get3A_1 = vector.load %arg1[%get3A, %get3A_0] : memref<512x512xf32, #tpu.memory_space<vmem>>, vector<512x512xf32>
    %get3A_2 = arith.constant 0 : index
    %get3A_3 = arith.constant 0 : index
    %get3A_4 = vector.load %arg2[%get3A_2, %get3A_3] : memref<512x512xf32, #tpu.memory_space<vmem>>, vector<512x512xf32>
    %dot_general3A = arith.constant dense<0.000000e+00> : vector<512x512xf32>
    %dot_general3A_5 = tpu.matmul %get3A_1, %get3A_4, %dot_general3A {dimension_numbers = #tpu.dot_dimension_numbers<[1], [0], [0], [1], [0, 0, 1, 1], [], []>, transpose_lhs_hint = false} : vector<512x512xf32>, vector<512x512xf32>, vector<512x512xf32> -> vector<512x512xf32>
    %get3A_6 = arith.constant 0 : index
    %get3A_7 = arith.constant 0 : index
    %get3A_8 = vector.load %arg3[%get3A_6, %get3A_7] : memref<1x512xf32, #tpu.memory_space<vmem>>, vector<1x512xf32>
    %add3A = vector.broadcast %get3A_8 : vector<1x512xf32> to vector<512x512xf32>
    %add3A_9 = arith.addf %dot_general3A_5, %add3A : vector<512x512xf32>
    %swap3A = arith.constant 0 : index
    %swap3A_10 = arith.constant 0 : index
    %swap3A_11 = vector.load %arg4[%swap3A, %swap3A_10] : memref<512x512xf32, #tpu.memory_space<vmem>>, vector<512x512xf32>
    tpu.vector_store %arg4[%swap3A, %swap3A_10], %add3A_9 {strides = array<i32>} : memref<512x512xf32, #tpu.memory_space<vmem>>, vector<512x512xf32>,
    %reduce_sum3A = arith.constant dense<0.000000e+00> : vector<512xf32>
    %reduce_sum3A_12 = vector.multi_reduction <add>, %add3A_9, %reduce_sum3A [0] : vector<512x512xf32> to vector<512xf32>
    %broadcast_in_dim3A = vector.shape_cast %reduce_sum3A_12 : vector<512xf32> to vector<1x512xf32>
    %mul3A = arith.mulf %add3A_9, %add3A_9 : vector<512x512xf32>
    %reduce_sum3A_13 = arith.constant dense<0.000000e+00> : vector<512xf32>
    %reduce_sum3A_14 = vector.multi_reduction <add>, %mul3A, %reduce_sum3A_13 [0] : vector<512x512xf32> to vector<512xf32>
    %broadcast_in_dim3A_15 = vector.shape_cast %reduce_sum3A_14 : vector<512xf32> to vector<1x512xf32>
    %concatenate3A = tpu.concatenate %broadcast_in_dim3A, %broadcast_in_dim3A_15 in 0 : vector<1x512xf32>, vector<1x512xf32> -> vector<2x512xf32>
    %eq3A = arith.constant 0 : i32
    %eq3A_16 = arith.cmpi eq, %arg0, %eq3A : i32
    %convert_element_type3A = arith.extui %eq3A_16 : i1 to i32
    %cond3A = arith.constant 0 : i32
    %cond3A_17 = arith.cmpi ne, %convert_element_type3A, %cond3A : i32
    scf.if %cond3A_17 {
      %swap3A_22 = arith.constant 0 : index
      %swap3A_23 = arith.constant 0 : index
      %swap3A_24 = vector.load %arg5[%swap3A_22, %swap3A_23] : memref<2x512xf32, #tpu.memory_space<vmem>>, vector<2x512xf32>
      tpu.vector_store %arg5[%swap3A_22, %swap3A_23], %concatenate3A {strides = array<i32>} : memref<2x512xf32, #tpu.memory_space<vmem>>, vector<2x512xf32>,
    } else {
    }
    %gt3A = arith.constant 0 : i32
    %gt3A_18 = arith.cmpi sgt, %arg0, %gt3A : i32
    %convert_element_type3A_19 = arith.extui %gt3A_18 : i1 to i32
    %cond3A_20 = arith.constant 0 : i32
    %cond3A_21 = arith.cmpi ne, %convert_element_type3A_19, %cond3A_20 : i32
    scf.if %cond3A_21 {
      %get3A_22 = arith.constant 0 : index
      %get3A_23 = arith.constant 0 : index
      %get3A_24 = vector.load %arg5[%get3A_22, %get3A_23] : memref<2x512xf32, #tpu.memory_space<vmem>>, vector<2x512xf32>
      %add3A_25 = arith.addf %get3A_24, %concatenate3A : vector<2x512xf32>
      %swap3A_26 = arith.constant 0 : index
      %swap3A_27 = arith.constant 0 : index
      %swap3A_28 = vector.load %arg5[%swap3A_26, %swap3A_27] : memref<2x512xf32, #tpu.memory_space<vmem>>, vector<2x512xf32>
      tpu.vector_store %arg5[%swap3A_26, %swap3A_27], %add3A_25 {strides = array<i32>} : memref<2x512xf32, #tpu.memory_space<vmem>>, vector<2x512xf32>,
    } else {
    }
    return
  }
  func.func @transform_0(%arg0: i32) -> (i32, i32) {
    %c0_i32 = arith.constant 0 : i32
    %c0_i32_0 = arith.constant 0 : i32
    return %arg0, %c0_i32 : i32, i32
  }
  func.func @transform_1(%arg0: i32) -> (i32, i32) {
    %c0_i32 = arith.constant 0 : i32
    %c0_i32_0 = arith.constant 0 : i32
    %c0_i32_1 = arith.constant 0 : i32
    return %c0_i32, %c0_i32_0 : i32, i32
  }
  func.func @transform_2(%arg0: i32) -> (i32, i32) {
    %c0_i32 = arith.constant 0 : i32
    %c0_i32_0 = arith.constant 0 : i32
    %c0_i32_1 = arith.constant 0 : i32
    return %c0_i32, %c0_i32_0 : i32, i32
  }
  func.func @transform_3(%arg0: i32) -> (i32, i32) {
    %c0_i32 = arith.constant 0 : i32
    %c0_i32_0 = arith.constant 0 : i32
    return %arg0, %c0_i32 : i32, i32
  }
  func.func @transform_4(%arg0: i32) -> (i32, i32) {
    %c0_i32 = arith.constant 0 : i32
    %c0_i32_0 = arith.constant 0 : i32
    %c0_i32_1 = arith.constant 0 : i32
    return %c0_i32, %c0_i32_0 : i32, i32
  }
}

module attributes {stable_mosaic.version = 14 : i64} {
  func.func @_bn_body(%arg0: i32, %arg1: memref<512x512xf32, #tpu.memory_space<vmem>>, %arg2: memref<2x512xf32, #tpu.memory_space<vmem>>, %arg3: memref<1x512xf32, #tpu.memory_space<vmem>>, %arg4: memref<1x512xf32, #tpu.memory_space<vmem>>, %arg5: memref<512x512xf32, #tpu.memory_space<vmem>>) attributes {dimension_semantics = [#tpu.dimension_semantics<arbitrary>], iteration_bounds = array<i64: 8>, scalar_prefetch = 0 : i64, scratch_operands = 0 : i64, tpu.core_type = #tpu.core_type<tc>, window_params = [{transform_indices = @transform_0, window_bounds = array<i64: 512, 512>}, {pipeline_mode = #tpu.pipeline_mode<synchronous>, transform_indices = @transform_1, window_bounds = array<i64: 2, 512>}, {pipeline_mode = #tpu.pipeline_mode<synchronous>, transform_indices = @transform_2, window_bounds = array<i64: 1, 512>}, {pipeline_mode = #tpu.pipeline_mode<synchronous>, transform_indices = @transform_3, window_bounds = array<i64: 1, 512>}, {transform_indices = @transform_4, window_bounds = array<i64: 512, 512>}]} {
    %get3A = arith.constant 0 : index
    %get3A_0 = arith.constant 0 : index
    %get3A_1 = vector.load %arg2[%get3A, %get3A_0] : memref<2x512xf32, #tpu.memory_space<vmem>>, vector<1x512xf32>
    %mul3A = arith.constant 2.44140625E-4 : f32
    %mul3A_2 = vector.broadcast %mul3A : f32 to vector<1x512xf32>
    %mul3A_3 = arith.mulf %get3A_1, %mul3A_2 : vector<1x512xf32>
    %get3A_4 = arith.constant 1 : index
    %get3A_5 = arith.constant 0 : index
    %get3A_6 = vector.load %arg2[%get3A_4, %get3A_5] : memref<2x512xf32, #tpu.memory_space<vmem>>, vector<1x512xf32>
    %mul3A_7 = arith.constant 2.44140625E-4 : f32
    %mul3A_8 = vector.broadcast %mul3A_7 : f32 to vector<1x512xf32>
    %mul3A_9 = arith.mulf %get3A_6, %mul3A_8 : vector<1x512xf32>
    %mul3A_10 = arith.mulf %mul3A_3, %mul3A_3 : vector<1x512xf32>
    %sub3A = arith.subf %mul3A_9, %mul3A_10 : vector<1x512xf32>
    %add3A = arith.constant 9.99999974E-6 : f32
    %add3A_11 = vector.broadcast %add3A : f32 to vector<1x512xf32>
    %add3A_12 = arith.addf %sub3A, %add3A_11 : vector<1x512xf32>
    %rsqrt3A = math.rsqrt %add3A_12 : vector<1x512xf32>
    %get3A_13 = arith.constant 0 : index
    %get3A_14 = arith.constant 0 : index
    %get3A_15 = vector.load %arg3[%get3A_13, %get3A_14] : memref<1x512xf32, #tpu.memory_space<vmem>>, vector<1x512xf32>
    %mul3A_16 = arith.mulf %rsqrt3A, %get3A_15 : vector<1x512xf32>
    %get3A_17 = arith.constant 0 : index
    %get3A_18 = arith.constant 0 : index
    %get3A_19 = vector.load %arg1[%get3A_17, %get3A_18] : memref<512x512xf32, #tpu.memory_space<vmem>>, vector<512x512xf32>
    %sub3A_20 = vector.broadcast %mul3A_3 : vector<1x512xf32> to vector<512x512xf32>
    %sub3A_21 = arith.subf %get3A_19, %sub3A_20 : vector<512x512xf32>
    %mul3A_22 = vector.broadcast %mul3A_16 : vector<1x512xf32> to vector<512x512xf32>
    %mul3A_23 = arith.mulf %sub3A_21, %mul3A_22 : vector<512x512xf32>
    %get3A_24 = arith.constant 0 : index
    %get3A_25 = arith.constant 0 : index
    %get3A_26 = vector.load %arg4[%get3A_24, %get3A_25] : memref<1x512xf32, #tpu.memory_space<vmem>>, vector<1x512xf32>
    %add3A_27 = vector.broadcast %get3A_26 : vector<1x512xf32> to vector<512x512xf32>
    %add3A_28 = arith.addf %mul3A_23, %add3A_27 : vector<512x512xf32>
    %max3A = arith.constant 0.000000e+00 : f32
    %max3A_29 = vector.broadcast %max3A : f32 to vector<512x512xf32>
    %max3A_30 = arith.maximumf %add3A_28, %max3A_29 : vector<512x512xf32>
    %swap3A = arith.constant 0 : index
    %swap3A_31 = arith.constant 0 : index
    %swap3A_32 = vector.load %arg5[%swap3A, %swap3A_31] : memref<512x512xf32, #tpu.memory_space<vmem>>, vector<512x512xf32>
    tpu.vector_store %arg5[%swap3A, %swap3A_31], %max3A_30 {strides = array<i32>} : memref<512x512xf32, #tpu.memory_space<vmem>>, vector<512x512xf32>,
    return
  }
  func.func @transform_0(%arg0: i32) -> (i32, i32) {
    %c0_i32 = arith.constant 0 : i32
    %c0_i32_0 = arith.constant 0 : i32
    return %arg0, %c0_i32 : i32, i32
  }
  func.func @transform_1(%arg0: i32) -> (i32, i32) {
    %c0_i32 = arith.constant 0 : i32
    %c0_i32_0 = arith.constant 0 : i32
    %c0_i32_1 = arith.constant 0 : i32
    return %c0_i32, %c0_i32_0 : i32, i32
  }
  func.func @transform_2(%arg0: i32) -> (i32, i32) {
    %c0_i32 = arith.constant 0 : i32
    %c0_i32_0 = arith.constant 0 : i32
    %c0_i32_1 = arith.constant 0 : i32
    return %c0_i32, %c0_i32_0 : i32, i32
  }
  func.func @transform_3(%arg0: i32) -> (i32, i32) {
    %c0_i32 = arith.constant 0 : i32
    %c0_i32_0 = arith.constant 0 : i32
    %c0_i32_1 = arith.constant 0 : i32
    return %c0_i32, %c0_i32_0 : i32, i32
  }
  func.func @transform_4(%arg0: i32) -> (i32, i32) {
    %c0_i32 = arith.constant 0 : i32
    %c0_i32_0 = arith.constant 0 : i32
    return %arg0, %c0_i32 : i32, i32
  }
}

module attributes {stable_mosaic.version = 14 : i64} {
  func.func @_knn_body(%arg0: i32, %arg1: memref<512x3xf32, #tpu.memory_space<vmem>>, %arg2: memref<3x4096xf32, #tpu.memory_space<vmem>>, %arg3: memref<512x1xi32, #tpu.memory_space<vmem>>, %arg4: memref<512x1xi32, #tpu.memory_space<vmem>>, %arg5: memref<512x1xi32, #tpu.memory_space<vmem>>, %arg6: memref<512x16xf32, #tpu.memory_space<vmem>>, %arg7: memref<512x16xf32, #tpu.memory_space<vmem>>, %arg8: memref<512x16xf32, #tpu.memory_space<vmem>>) attributes {dimension_semantics = [#tpu.dimension_semantics<arbitrary>], iteration_bounds = array<i64: 16>, scalar_prefetch = 0 : i64, scratch_operands = 0 : i64, tpu.core_type = #tpu.core_type<tc>, window_params = [{transform_indices = @transform_0, window_bounds = array<i64: 512, 3>}, {pipeline_mode = #tpu.pipeline_mode<synchronous>, transform_indices = @transform_1, window_bounds = array<i64: 3, 4096>}, {transform_indices = @transform_2, window_bounds = array<i64: 512, 1>}, {transform_indices = @transform_3, window_bounds = array<i64: 512, 1>}, {transform_indices = @transform_4, window_bounds = array<i64: 512, 1>}, {transform_indices = @transform_5, window_bounds = array<i64: 512, 16>}, {transform_indices = @transform_6, window_bounds = array<i64: 512, 16>}, {transform_indices = @transform_7, window_bounds = array<i64: 512, 16>}]} {
    %get3A = arith.constant 0 : index
    %get3A_0 = arith.constant 0 : index
    %get3A_1 = vector.load %arg1[%get3A, %get3A_0] : memref<512x3xf32, #tpu.memory_space<vmem>>, vector<512x3xf32>
    %get3A_2 = arith.constant 0 : index
    %get3A_3 = arith.constant 0 : index
    %get3A_4 = vector.load %arg2[%get3A_2, %get3A_3] : memref<3x4096xf32, #tpu.memory_space<vmem>>, vector<3x4096xf32>
    %slice3A = vector.extract_strided_slice %get3A_1 {offsets = [0, 0], sizes = [512, 1], strides = [1, 1]} : vector<512x3xf32> to vector<512x1xf32>
    %slice3A_5 = vector.extract_strided_slice %get3A_4 {offsets = [0, 0], sizes = [1, 4096], strides = [1, 1]} : vector<3x4096xf32> to vector<1x4096xf32>
    %sub3A = vector.broadcast %slice3A : vector<512x1xf32> to vector<512x4096xf32>
    %sub3A_6 = vector.broadcast %slice3A_5 : vector<1x4096xf32> to vector<512x4096xf32>
    %sub3A_7 = arith.subf %sub3A, %sub3A_6 : vector<512x4096xf32>
    %slice3A_8 = vector.extract_strided_slice %get3A_1 {offsets = [0, 1], sizes = [512, 1], strides = [1, 1]} : vector<512x3xf32> to vector<512x1xf32>
    %slice3A_9 = vector.extract_strided_slice %get3A_4 {offsets = [1, 0], sizes = [1, 4096], strides = [1, 1]} : vector<3x4096xf32> to vector<1x4096xf32>
    %sub3A_10 = vector.broadcast %slice3A_8 : vector<512x1xf32> to vector<512x4096xf32>
    %sub3A_11 = vector.broadcast %slice3A_9 : vector<1x4096xf32> to vector<512x4096xf32>
    %sub3A_12 = arith.subf %sub3A_10, %sub3A_11 : vector<512x4096xf32>
    %slice3A_13 = vector.extract_strided_slice %get3A_1 {offsets = [0, 2], sizes = [512, 1], strides = [1, 1]} : vector<512x3xf32> to vector<512x1xf32>
    %slice3A_14 = vector.extract_strided_slice %get3A_4 {offsets = [2, 0], sizes = [1, 4096], strides = [1, 1]} : vector<3x4096xf32> to vector<1x4096xf32>
    %sub3A_15 = vector.broadcast %slice3A_13 : vector<512x1xf32> to vector<512x4096xf32>
    %sub3A_16 = vector.broadcast %slice3A_14 : vector<1x4096xf32> to vector<512x4096xf32>
    %sub3A_17 = arith.subf %sub3A_15, %sub3A_16 : vector<512x4096xf32>
    %mul3A = arith.mulf %sub3A_7, %sub3A_7 : vector<512x4096xf32>
    %mul3A_18 = arith.mulf %sub3A_12, %sub3A_12 : vector<512x4096xf32>
    %add3A = arith.addf %mul3A, %mul3A_18 : vector<512x4096xf32>
    %mul3A_19 = arith.mulf %sub3A_17, %sub3A_17 : vector<512x4096xf32>
    %add3A_20 = arith.addf %add3A, %mul3A_19 : vector<512x4096xf32>
    %iota3A = tpu.iota {dimensions = array<i32: 1>} : vector<512x4096xi32>
    %convert_element_type3A = arith.sitofp %iota3A : vector<512x4096xi32> to vector<512x4096xf32>
    %reduce_min3A = arith.constant dense<0x7F800000> : vector<512xf32>
    %reduce_min3A_21 = vector.multi_reduction <minimumf>, %add3A_20, %reduce_min3A [1] : vector<512x4096xf32> to vector<512xf32>
    %broadcast_in_dim3A = vector.shape_cast %reduce_min3A_21 : vector<512xf32> to vector<512x1xf32>
    %eq3A = vector.broadcast %broadcast_in_dim3A : vector<512x1xf32> to vector<512x4096xf32>
    %eq3A_22 = arith.cmpf oeq, %add3A_20, %eq3A : vector<512x4096xf32>
    %jit3A = arith.constant 1.000000e+09 : f32
    %broadcast_in_dim3A_23 = vector.broadcast %jit3A : f32 to vector<512x4096xf32>
    %select_n3A = arith.select %eq3A_22, %convert_element_type3A, %broadcast_in_dim3A_23 : vector<512x4096xi1>, vector<512x4096xf32>
    %reduce_min3A_24 = arith.constant dense<0x7F800000> : vector<512xf32>
    %reduce_min3A_25 = vector.multi_reduction <minimumf>, %select_n3A, %reduce_min3A_24 [1] : vector<512x4096xf32> to vector<512xf32>
    %broadcast_in_dim3A_26 = vector.shape_cast %reduce_min3A_25 : vector<512xf32> to vector<512x1xf32>
    %eq3A_27 = vector.broadcast %broadcast_in_dim3A_26 : vector<512x1xf32> to vector<512x4096xf32>
    %eq3A_28 = arith.cmpf oeq, %convert_element_type3A, %eq3A_27 : vector<512x4096xf32>
    %jit3A_29 = arith.constant 0x7F800000 : f32
    %broadcast_in_dim3A_30 = vector.broadcast %jit3A_29 : f32 to vector<512x4096xf32>
    %select_n3A_31 = arith.select %eq3A_28, %broadcast_in_dim3A_30, %add3A_20 : vector<512x4096xi1>, vector<512x4096xf32>
    %reduce_min3A_32 = arith.constant dense<0x7F800000> : vector<512xf32>
    %reduce_min3A_33 = vector.multi_reduction <minimumf>, %select_n3A_31, %reduce_min3A_32 [1] : vector<512x4096xf32> to vector<512xf32>
    %broadcast_in_dim3A_34 = vector.shape_cast %reduce_min3A_33 : vector<512xf32> to vector<512x1xf32>
    %eq3A_35 = vector.broadcast %broadcast_in_dim3A_34 : vector<512x1xf32> to vector<512x4096xf32>
    %eq3A_36 = arith.cmpf oeq, %select_n3A_31, %eq3A_35 : vector<512x4096xf32>
    %jit3A_37 = arith.constant 1.000000e+09 : f32
    %broadcast_in_dim3A_38 = vector.broadcast %jit3A_37 : f32 to vector<512x4096xf32>
    %select_n3A_39 = arith.select %eq3A_36, %convert_element_type3A, %broadcast_in_dim3A_38 : vector<512x4096xi1>, vector<512x4096xf32>
    %reduce_min3A_40 = arith.constant dense<0x7F800000> : vector<512xf32>
    %reduce_min3A_41 = vector.multi_reduction <minimumf>, %select_n3A_39, %reduce_min3A_40 [1] : vector<512x4096xf32> to vector<512xf32>
    %broadcast_in_dim3A_42 = vector.shape_cast %reduce_min3A_41 : vector<512xf32> to vector<512x1xf32>
    %eq3A_43 = vector.broadcast %broadcast_in_dim3A_42 : vector<512x1xf32> to vector<512x4096xf32>
    %eq3A_44 = arith.cmpf oeq, %convert_element_type3A, %eq3A_43 : vector<512x4096xf32>
    %jit3A_45 = arith.constant 0x7F800000 : f32
    %broadcast_in_dim3A_46 = vector.broadcast %jit3A_45 : f32 to vector<512x4096xf32>
    %select_n3A_47 = arith.select %eq3A_44, %broadcast_in_dim3A_46, %select_n3A_31 : vector<512x4096xi1>, vector<512x4096xf32>
    %reduce_min3A_48 = arith.constant dense<0x7F800000> : vector<512xf32>
    %reduce_min3A_49 = vector.multi_reduction <minimumf>, %select_n3A_47, %reduce_min3A_48 [1] : vector<512x4096xf32> to vector<512xf32>
    %broadcast_in_dim3A_50 = vector.shape_cast %reduce_min3A_49 : vector<512xf32> to vector<512x1xf32>
    %eq3A_51 = vector.broadcast %broadcast_in_dim3A_50 : vector<512x1xf32> to vector<512x4096xf32>
    %eq3A_52 = arith.cmpf oeq, %select_n3A_47, %eq3A_51 : vector<512x4096xf32>
    %jit3A_53 = arith.constant 1.000000e+09 : f32
    %broadcast_in_dim3A_54 = vector.broadcast %jit3A_53 : f32 to vector<512x4096xf32>
    %select_n3A_55 = arith.select %eq3A_52, %convert_element_type3A, %broadcast_in_dim3A_54 : vector<512x4096xi1>, vector<512x4096xf32>
    %reduce_min3A_56 = arith.constant dense<0x7F800000> : vector<512xf32>
    %reduce_min3A_57 = vector.multi_reduction <minimumf>, %select_n3A_55, %reduce_min3A_56 [1] : vector<512x4096xf32> to vector<512xf32>
    %broadcast_in_dim3A_58 = vector.shape_cast %reduce_min3A_57 : vector<512xf32> to vector<512x1xf32>
    %convert_element_type3A_59 = arith.fptosi %broadcast_in_dim3A_26 : vector<512x1xf32> to vector<512x1xi32>
    %convert_element_type3A_60 = arith.fptosi %broadcast_in_dim3A_42 : vector<512x1xf32> to vector<512x1xi32>
    %convert_element_type3A_61 = arith.fptosi %broadcast_in_dim3A_58 : vector<512x1xf32> to vector<512x1xi32>
    %max3A = arith.constant 9.99999996E-13 : f32
    %max3A_62 = vector.broadcast %max3A : f32 to vector<512x1xf32>
    %max3A_63 = arith.maximumf %broadcast_in_dim3A, %max3A_62 : vector<512x1xf32>
    %sqrt3A = math.sqrt %max3A_63 : vector<512x1xf32>
    %add3A_64 = arith.constant 9.99999993E-9 : f32
    %add3A_65 = vector.broadcast %add3A_64 : f32 to vector<512x1xf32>
    %add3A_66 = arith.addf %sqrt3A, %add3A_65 : vector<512x1xf32>
    %div3A = arith.constant 1.000000e+00 : f32
    %div3A_67 = vector.broadcast %div3A : f32 to vector<512x1xf32>
    %div3A_68 = arith.divf %div3A_67, %add3A_66 : vector<512x1xf32>
    %max3A_69 = arith.constant 9.99999996E-13 : f32
    %max3A_70 = vector.broadcast %max3A_69 : f32 to vector<512x1xf32>
    %max3A_71 = arith.maximumf %broadcast_in_dim3A_34, %max3A_70 : vector<512x1xf32>
    %sqrt3A_72 = math.sqrt %max3A_71 : vector<512x1xf32>
    %add3A_73 = arith.constant 9.99999993E-9 : f32
    %add3A_74 = vector.broadcast %add3A_73 : f32 to vector<512x1xf32>
    %add3A_75 = arith.addf %sqrt3A_72, %add3A_74 : vector<512x1xf32>
    %div3A_76 = arith.constant 1.000000e+00 : f32
    %div3A_77 = vector.broadcast %div3A_76 : f32 to vector<512x1xf32>
    %div3A_78 = arith.divf %div3A_77, %add3A_75 : vector<512x1xf32>
    %max3A_79 = arith.constant 9.99999996E-13 : f32
    %max3A_80 = vector.broadcast %max3A_79 : f32 to vector<512x1xf32>
    %max3A_81 = arith.maximumf %broadcast_in_dim3A_50, %max3A_80 : vector<512x1xf32>
    %sqrt3A_82 = math.sqrt %max3A_81 : vector<512x1xf32>
    %add3A_83 = arith.constant 9.99999993E-9 : f32
    %add3A_84 = vector.broadcast %add3A_83 : f32 to vector<512x1xf32>
    %add3A_85 = arith.addf %sqrt3A_82, %add3A_84 : vector<512x1xf32>
    %div3A_86 = arith.constant 1.000000e+00 : f32
    %div3A_87 = vector.broadcast %div3A_86 : f32 to vector<512x1xf32>
    %div3A_88 = arith.divf %div3A_87, %add3A_85 : vector<512x1xf32>
    %add3A_89 = arith.addf %div3A_68, %div3A_78 : vector<512x1xf32>
    %add3A_90 = arith.addf %add3A_89, %div3A_88 : vector<512x1xf32>
    %swap3A = arith.constant 0 : index
    %swap3A_91 = arith.constant 0 : index
    %swap3A_92 = vector.load %arg3[%swap3A, %swap3A_91] : memref<512x1xi32, #tpu.memory_space<vmem>>, vector<512x1xi32>
    tpu.vector_store %arg3[%swap3A, %swap3A_91], %convert_element_type3A_59 {strides = array<i32>} : memref<512x1xi32, #tpu.memory_space<vmem>>, vector<512x1xi32>,
    %swap3A_93 = arith.constant 0 : index
    %swap3A_94 = arith.constant 0 : index
    %swap3A_95 = vector.load %arg4[%swap3A_93, %swap3A_94] : memref<512x1xi32, #tpu.memory_space<vmem>>, vector<512x1xi32>
    tpu.vector_store %arg4[%swap3A_93, %swap3A_94], %convert_element_type3A_60 {strides = array<i32>} : memref<512x1xi32, #tpu.memory_space<vmem>>, vector<512x1xi32>,
    %swap3A_96 = arith.constant 0 : index
    %swap3A_97 = arith.constant 0 : index
    %swap3A_98 = vector.load %arg5[%swap3A_96, %swap3A_97] : memref<512x1xi32, #tpu.memory_space<vmem>>, vector<512x1xi32>
    tpu.vector_store %arg5[%swap3A_96, %swap3A_97], %convert_element_type3A_61 {strides = array<i32>} : memref<512x1xi32, #tpu.memory_space<vmem>>, vector<512x1xi32>,
    %div3A_99 = arith.divf %div3A_68, %add3A_90 : vector<512x1xf32>
    %broadcast_in_dim3A_100 = vector.shape_cast %div3A_99 : vector<512x1xf32> to vector<512x1xf32>
    %broadcast_in_dim3A_101 = vector.broadcast %broadcast_in_dim3A_100 : vector<512x1xf32> to vector<512x16xf32>
    %swap3A_102 = arith.constant 0 : index
    %swap3A_103 = arith.constant 0 : index
    %swap3A_104 = vector.load %arg6[%swap3A_102, %swap3A_103] : memref<512x16xf32, #tpu.memory_space<vmem>>, vector<512x16xf32>
    tpu.vector_store %arg6[%swap3A_102, %swap3A_103], %broadcast_in_dim3A_101 {strides = array<i32>} : memref<512x16xf32, #tpu.memory_space<vmem>>, vector<512x16xf32>,
    %div3A_105 = arith.divf %div3A_78, %add3A_90 : vector<512x1xf32>
    %broadcast_in_dim3A_106 = vector.shape_cast %div3A_105 : vector<512x1xf32> to vector<512x1xf32>
    %broadcast_in_dim3A_107 = vector.broadcast %broadcast_in_dim3A_106 : vector<512x1xf32> to vector<512x16xf32>
    %swap3A_108 = arith.constant 0 : index
    %swap3A_109 = arith.constant 0 : index
    %swap3A_110 = vector.load %arg7[%swap3A_108, %swap3A_109] : memref<512x16xf32, #tpu.memory_space<vmem>>, vector<512x16xf32>
    tpu.vector_store %arg7[%swap3A_108, %swap3A_109], %broadcast_in_dim3A_107 {strides = array<i32>} : memref<512x16xf32, #tpu.memory_space<vmem>>, vector<512x16xf32>,
    %div3A_111 = arith.divf %div3A_88, %add3A_90 : vector<512x1xf32>
    %broadcast_in_dim3A_112 = vector.shape_cast %div3A_111 : vector<512x1xf32> to vector<512x1xf32>
    %broadcast_in_dim3A_113 = vector.broadcast %broadcast_in_dim3A_112 : vector<512x1xf32> to vector<512x16xf32>
    %swap3A_114 = arith.constant 0 : index
    %swap3A_115 = arith.constant 0 : index
    %swap3A_116 = vector.load %arg8[%swap3A_114, %swap3A_115] : memref<512x16xf32, #tpu.memory_space<vmem>>, vector<512x16xf32>
    tpu.vector_store %arg8[%swap3A_114, %swap3A_115], %broadcast_in_dim3A_113 {strides = array<i32>} : memref<512x16xf32, #tpu.memory_space<vmem>>, vector<512x16xf32>,
    return
  }
  func.func @transform_0(%arg0: i32) -> (i32, i32) {
    %add3A = arith.constant 0 : i32
    %add3A_0 = arith.addi %arg0, %add3A : i32
    %c0_i32 = arith.constant 0 : i32
    %c0_i32_1 = arith.constant 0 : i32
    return %add3A_0, %c0_i32 : i32, i32
  }
  func.func @transform_1(%arg0: i32) -> (i32, i32) {
    %c0_i32 = arith.constant 0 : i32
    %c0_i32_0 = arith.constant 0 : i32
    %c0_i32_1 = arith.constant 0 : i32
    return %c0_i32, %c0_i32_0 : i32, i32
  }
  func.func @transform_2(%arg0: i32) -> (i32, i32) {
    %c0_i32 = arith.constant 0 : i32
    %c0_i32_0 = arith.constant 0 : i32
    return %arg0, %c0_i32 : i32, i32
  }
  func.func @transform_3(%arg0: i32) -> (i32, i32) {
    %c0_i32 = arith.constant 0 : i32
    %c0_i32_0 = arith.constant 0 : i32
    return %arg0, %c0_i32 : i32, i32
  }
  func.func @transform_4(%arg0: i32) -> (i32, i32) {
    %c0_i32 = arith.constant 0 : i32
    %c0_i32_0 = arith.constant 0 : i32
    return %arg0, %c0_i32 : i32, i32
  }
  func.func @transform_5(%arg0: i32) -> (i32, i32) {
    %c0_i32 = arith.constant 0 : i32
    %c0_i32_0 = arith.constant 0 : i32
    return %arg0, %c0_i32 : i32, i32
  }
  func.func @transform_6(%arg0: i32) -> (i32, i32) {
    %c0_i32 = arith.constant 0 : i32
    %c0_i32_0 = arith.constant 0 : i32
    return %arg0, %c0_i32 : i32, i32
  }
  func.func @transform_7(%arg0: i32) -> (i32, i32) {
    %c0_i32 = arith.constant 0 : i32
    %c0_i32_0 = arith.constant 0 : i32
    return %arg0, %c0_i32 : i32, i32
  }
}

module attributes {stable_mosaic.version = 14 : i64} {
  func.func @_mm_stats_body(%arg0: i32, %arg1: memref<512x512xf32, #tpu.memory_space<vmem>>, %arg2: memref<512x512xf32, #tpu.memory_space<vmem>>, %arg3: memref<1x512xf32, #tpu.memory_space<vmem>>, %arg4: memref<512x512xf32, #tpu.memory_space<vmem>>, %arg5: memref<2x512xf32, #tpu.memory_space<vmem>>) attributes {dimension_semantics = [#tpu.dimension_semantics<arbitrary>], iteration_bounds = array<i64: 32>, scalar_prefetch = 0 : i64, scratch_operands = 0 : i64, tpu.core_type = #tpu.core_type<tc>, window_params = [{transform_indices = @transform_0, window_bounds = array<i64: 512, 512>}, {pipeline_mode = #tpu.pipeline_mode<synchronous>, transform_indices = @transform_1, window_bounds = array<i64: 512, 512>}, {pipeline_mode = #tpu.pipeline_mode<synchronous>, transform_indices = @transform_2, window_bounds = array<i64: 1, 512>}, {transform_indices = @transform_3, window_bounds = array<i64: 512, 512>}, {pipeline_mode = #tpu.pipeline_mode<synchronous>, transform_indices = @transform_4, window_bounds = array<i64: 2, 512>}]} {
    %get3A = arith.constant 0 : index
    %get3A_0 = arith.constant 0 : index
    %get3A_1 = vector.load %arg1[%get3A, %get3A_0] : memref<512x512xf32, #tpu.memory_space<vmem>>, vector<512x512xf32>
    %get3A_2 = arith.constant 0 : index
    %get3A_3 = arith.constant 0 : index
    %get3A_4 = vector.load %arg2[%get3A_2, %get3A_3] : memref<512x512xf32, #tpu.memory_space<vmem>>, vector<512x512xf32>
    %dot_general3A = arith.constant dense<0.000000e+00> : vector<512x512xf32>
    %dot_general3A_5 = tpu.matmul %get3A_1, %get3A_4, %dot_general3A {dimension_numbers = #tpu.dot_dimension_numbers<[1], [0], [0], [1], [0, 0, 1, 1], [], []>, transpose_lhs_hint = false} : vector<512x512xf32>, vector<512x512xf32>, vector<512x512xf32> -> vector<512x512xf32>
    %get3A_6 = arith.constant 0 : index
    %get3A_7 = arith.constant 0 : index
    %get3A_8 = vector.load %arg3[%get3A_6, %get3A_7] : memref<1x512xf32, #tpu.memory_space<vmem>>, vector<1x512xf32>
    %add3A = vector.broadcast %get3A_8 : vector<1x512xf32> to vector<512x512xf32>
    %add3A_9 = arith.addf %dot_general3A_5, %add3A : vector<512x512xf32>
    %swap3A = arith.constant 0 : index
    %swap3A_10 = arith.constant 0 : index
    %swap3A_11 = vector.load %arg4[%swap3A, %swap3A_10] : memref<512x512xf32, #tpu.memory_space<vmem>>, vector<512x512xf32>
    tpu.vector_store %arg4[%swap3A, %swap3A_10], %add3A_9 {strides = array<i32>} : memref<512x512xf32, #tpu.memory_space<vmem>>, vector<512x512xf32>,
    %reduce_sum3A = arith.constant dense<0.000000e+00> : vector<512xf32>
    %reduce_sum3A_12 = vector.multi_reduction <add>, %add3A_9, %reduce_sum3A [0] : vector<512x512xf32> to vector<512xf32>
    %broadcast_in_dim3A = vector.shape_cast %reduce_sum3A_12 : vector<512xf32> to vector<1x512xf32>
    %mul3A = arith.mulf %add3A_9, %add3A_9 : vector<512x512xf32>
    %reduce_sum3A_13 = arith.constant dense<0.000000e+00> : vector<512xf32>
    %reduce_sum3A_14 = vector.multi_reduction <add>, %mul3A, %reduce_sum3A_13 [0] : vector<512x512xf32> to vector<512xf32>
    %broadcast_in_dim3A_15 = vector.shape_cast %reduce_sum3A_14 : vector<512xf32> to vector<1x512xf32>
    %concatenate3A = tpu.concatenate %broadcast_in_dim3A, %broadcast_in_dim3A_15 in 0 : vector<1x512xf32>, vector<1x512xf32> -> vector<2x512xf32>
    %eq3A = arith.constant 0 : i32
    %eq3A_16 = arith.cmpi eq, %arg0, %eq3A : i32
    %convert_element_type3A = arith.extui %eq3A_16 : i1 to i32
    %cond3A = arith.constant 0 : i32
    %cond3A_17 = arith.cmpi ne, %convert_element_type3A, %cond3A : i32
    scf.if %cond3A_17 {
      %swap3A_22 = arith.constant 0 : index
      %swap3A_23 = arith.constant 0 : index
      %swap3A_24 = vector.load %arg5[%swap3A_22, %swap3A_23] : memref<2x512xf32, #tpu.memory_space<vmem>>, vector<2x512xf32>
      tpu.vector_store %arg5[%swap3A_22, %swap3A_23], %concatenate3A {strides = array<i32>} : memref<2x512xf32, #tpu.memory_space<vmem>>, vector<2x512xf32>,
    } else {
    }
    %gt3A = arith.constant 0 : i32
    %gt3A_18 = arith.cmpi sgt, %arg0, %gt3A : i32
    %convert_element_type3A_19 = arith.extui %gt3A_18 : i1 to i32
    %cond3A_20 = arith.constant 0 : i32
    %cond3A_21 = arith.cmpi ne, %convert_element_type3A_19, %cond3A_20 : i32
    scf.if %cond3A_21 {
      %get3A_22 = arith.constant 0 : index
      %get3A_23 = arith.constant 0 : index
      %get3A_24 = vector.load %arg5[%get3A_22, %get3A_23] : memref<2x512xf32, #tpu.memory_space<vmem>>, vector<2x512xf32>
      %add3A_25 = arith.addf %get3A_24, %concatenate3A : vector<2x512xf32>
      %swap3A_26 = arith.constant 0 : index
      %swap3A_27 = arith.constant 0 : index
      %swap3A_28 = vector.load %arg5[%swap3A_26, %swap3A_27] : memref<2x512xf32, #tpu.memory_space<vmem>>, vector<2x512xf32>
      tpu.vector_store %arg5[%swap3A_26, %swap3A_27], %add3A_25 {strides = array<i32>} : memref<2x512xf32, #tpu.memory_space<vmem>>, vector<2x512xf32>,
    } else {
    }
    return
  }
  func.func @transform_0(%arg0: i32) -> (i32, i32) {
    %c0_i32 = arith.constant 0 : i32
    %c0_i32_0 = arith.constant 0 : i32
    return %arg0, %c0_i32 : i32, i32
  }
  func.func @transform_1(%arg0: i32) -> (i32, i32) {
    %c0_i32 = arith.constant 0 : i32
    %c0_i32_0 = arith.constant 0 : i32
    %c0_i32_1 = arith.constant 0 : i32
    return %c0_i32, %c0_i32_0 : i32, i32
  }
  func.func @transform_2(%arg0: i32) -> (i32, i32) {
    %c0_i32 = arith.constant 0 : i32
    %c0_i32_0 = arith.constant 0 : i32
    %c0_i32_1 = arith.constant 0 : i32
    return %c0_i32, %c0_i32_0 : i32, i32
  }
  func.func @transform_3(%arg0: i32) -> (i32, i32) {
    %c0_i32 = arith.constant 0 : i32
    %c0_i32_0 = arith.constant 0 : i32
    return %arg0, %c0_i32 : i32, i32
  }
  func.func @transform_4(%arg0: i32) -> (i32, i32) {
    %c0_i32 = arith.constant 0 : i32
    %c0_i32_0 = arith.constant 0 : i32
    %c0_i32_1 = arith.constant 0 : i32
    return %c0_i32, %c0_i32_0 : i32, i32
  }
}

module attributes {stable_mosaic.version = 14 : i64} {
  func.func @_bn_body(%arg0: i32, %arg1: memref<512x512xf32, #tpu.memory_space<vmem>>, %arg2: memref<512x512xf32, #tpu.memory_space<vmem>>, %arg3: memref<512x512xf32, #tpu.memory_space<vmem>>, %arg4: memref<2x512xf32, #tpu.memory_space<vmem>>, %arg5: memref<1x512xf32, #tpu.memory_space<vmem>>, %arg6: memref<1x512xf32, #tpu.memory_space<vmem>>, %arg7: memref<512x512xf32, #tpu.memory_space<vmem>>) attributes {dimension_semantics = [#tpu.dimension_semantics<arbitrary>], iteration_bounds = array<i64: 32>, scalar_prefetch = 0 : i64, scratch_operands = 0 : i64, tpu.core_type = #tpu.core_type<tc>, window_params = [{transform_indices = @transform_0, window_bounds = array<i64: 512, 512>}, {transform_indices = @transform_1, window_bounds = array<i64: 512, 512>}, {transform_indices = @transform_2, window_bounds = array<i64: 512, 512>}, {pipeline_mode = #tpu.pipeline_mode<synchronous>, transform_indices = @transform_3, window_bounds = array<i64: 2, 512>}, {pipeline_mode = #tpu.pipeline_mode<synchronous>, transform_indices = @transform_4, window_bounds = array<i64: 1, 512>}, {pipeline_mode = #tpu.pipeline_mode<synchronous>, transform_indices = @transform_5, window_bounds = array<i64: 1, 512>}, {transform_indices = @transform_6, window_bounds = array<i64: 512, 512>}]} {
    %get3A = arith.constant 0 : index
    %get3A_0 = arith.constant 0 : index
    %get3A_1 = vector.load %arg4[%get3A, %get3A_0] : memref<2x512xf32, #tpu.memory_space<vmem>>, vector<1x512xf32>
    %mul3A = arith.constant 6.10351563E-5 : f32
    %mul3A_2 = vector.broadcast %mul3A : f32 to vector<1x512xf32>
    %mul3A_3 = arith.mulf %get3A_1, %mul3A_2 : vector<1x512xf32>
    %get3A_4 = arith.constant 1 : index
    %get3A_5 = arith.constant 0 : index
    %get3A_6 = vector.load %arg4[%get3A_4, %get3A_5] : memref<2x512xf32, #tpu.memory_space<vmem>>, vector<1x512xf32>
    %mul3A_7 = arith.constant 6.10351563E-5 : f32
    %mul3A_8 = vector.broadcast %mul3A_7 : f32 to vector<1x512xf32>
    %mul3A_9 = arith.mulf %get3A_6, %mul3A_8 : vector<1x512xf32>
    %mul3A_10 = arith.mulf %mul3A_3, %mul3A_3 : vector<1x512xf32>
    %sub3A = arith.subf %mul3A_9, %mul3A_10 : vector<1x512xf32>
    %add3A = arith.constant 9.99999974E-6 : f32
    %add3A_11 = vector.broadcast %add3A : f32 to vector<1x512xf32>
    %add3A_12 = arith.addf %sub3A, %add3A_11 : vector<1x512xf32>
    %rsqrt3A = math.rsqrt %add3A_12 : vector<1x512xf32>
    %get3A_13 = arith.constant 0 : index
    %get3A_14 = arith.constant 0 : index
    %get3A_15 = vector.load %arg5[%get3A_13, %get3A_14] : memref<1x512xf32, #tpu.memory_space<vmem>>, vector<1x512xf32>
    %mul3A_16 = arith.mulf %rsqrt3A, %get3A_15 : vector<1x512xf32>
    %get3A_17 = arith.constant 0 : index
    %get3A_18 = arith.constant 0 : index
    %get3A_19 = vector.load %arg1[%get3A_17, %get3A_18] : memref<512x512xf32, #tpu.memory_space<vmem>>, vector<512x512xf32>
    %sub3A_20 = vector.broadcast %mul3A_3 : vector<1x512xf32> to vector<512x512xf32>
    %sub3A_21 = arith.subf %get3A_19, %sub3A_20 : vector<512x512xf32>
    %mul3A_22 = vector.broadcast %mul3A_16 : vector<1x512xf32> to vector<512x512xf32>
    %mul3A_23 = arith.mulf %sub3A_21, %mul3A_22 : vector<512x512xf32>
    %get3A_24 = arith.constant 0 : index
    %get3A_25 = arith.constant 0 : index
    %get3A_26 = vector.load %arg6[%get3A_24, %get3A_25] : memref<1x512xf32, #tpu.memory_space<vmem>>, vector<1x512xf32>
    %add3A_27 = vector.broadcast %get3A_26 : vector<1x512xf32> to vector<512x512xf32>
    %add3A_28 = arith.addf %mul3A_23, %add3A_27 : vector<512x512xf32>
    %max3A = arith.constant 0.000000e+00 : f32
    %max3A_29 = vector.broadcast %max3A : f32 to vector<512x512xf32>
    %max3A_30 = arith.maximumf %add3A_28, %max3A_29 : vector<512x512xf32>
    %lt3A = arith.constant 16 : i32
    %lt3A_31 = arith.cmpi slt, %arg0, %lt3A : i32
    %get3A_32 = arith.constant 0 : index
    %get3A_33 = arith.constant 0 : index
    %get3A_34 = vector.load %arg2[%get3A_32, %get3A_33] : memref<512x512xf32, #tpu.memory_space<vmem>>, vector<512x512xf32>
    %get3A_35 = arith.constant 0 : index
    %get3A_36 = arith.constant 0 : index
    %get3A_37 = vector.load %arg3[%get3A_35, %get3A_36] : memref<512x512xf32, #tpu.memory_space<vmem>>, vector<512x512xf32>
    %select_n3A = arith.select %lt3A_31, %get3A_34, %get3A_37 : vector<512x512xf32>
    %add3A_38 = arith.addf %max3A_30, %select_n3A : vector<512x512xf32>
    %swap3A = arith.constant 0 : index
    %swap3A_39 = arith.constant 0 : index
    %swap3A_40 = vector.load %arg7[%swap3A, %swap3A_39] : memref<512x512xf32, #tpu.memory_space<vmem>>, vector<512x512xf32>
    tpu.vector_store %arg7[%swap3A, %swap3A_39], %add3A_38 {strides = array<i32>} : memref<512x512xf32, #tpu.memory_space<vmem>>, vector<512x512xf32>,
    return
  }
  func.func @transform_0(%arg0: i32) -> (i32, i32) {
    %c0_i32 = arith.constant 0 : i32
    %c0_i32_0 = arith.constant 0 : i32
    return %arg0, %c0_i32 : i32, i32
  }
  func.func @transform_1(%arg0: i32) -> (i32, i32) {
    %min3A = arith.constant 15 : i32
    %min3A_0 = arith.minsi %arg0, %min3A : i32
    %c0_i32 = arith.constant 0 : i32
    %c0_i32_1 = arith.constant 0 : i32
    return %min3A_0, %c0_i32 : i32, i32
  }
  func.func @transform_2(%arg0: i32) -> (i32, i32) {
    %sub3A = arith.constant 16 : i32
    %sub3A_0 = arith.subi %arg0, %sub3A : i32
    %max3A = arith.constant 0 : i32
    %max3A_1 = arith.maxsi %sub3A_0, %max3A : i32
    %c0_i32 = arith.constant 0 : i32
    %c0_i32_2 = arith.constant 0 : i32
    return %max3A_1, %c0_i32 : i32, i32
  }
  func.func @transform_3(%arg0: i32) -> (i32, i32) {
    %c0_i32 = arith.constant 0 : i32
    %c0_i32_0 = arith.constant 0 : i32
    %c0_i32_1 = arith.constant 0 : i32
    return %c0_i32, %c0_i32_0 : i32, i32
  }
  func.func @transform_4(%arg0: i32) -> (i32, i32) {
    %c0_i32 = arith.constant 0 : i32
    %c0_i32_0 = arith.constant 0 : i32
    %c0_i32_1 = arith.constant 0 : i32
    return %c0_i32, %c0_i32_0 : i32, i32
  }
  func.func @transform_5(%arg0: i32) -> (i32, i32) {
    %c0_i32 = arith.constant 0 : i32
    %c0_i32_0 = arith.constant 0 : i32
    %c0_i32_1 = arith.constant 0 : i32
    return %c0_i32, %c0_i32_0 : i32, i32
  }
  func.func @transform_6(%arg0: i32) -> (i32, i32) {
    %c0_i32 = arith.constant 0 : i32
    %c0_i32_0 = arith.constant 0 : i32
    return %arg0, %c0_i32 : i32, i32
  }
}

</mosaic_0001>

<sc_bundles>
// kernel: kernel.10.cloned.1.call-start
scs
__scs_entry_jumppad:
0x0: {  	(pc) =	sbr.rel $0x88, $3  }
0x1: {  	(tag) =	ssettag $0x0;
	lr =	simm.s32 $0x1  }
0x2: {  	[smem:$0x3F94] =	sst lr;
	_ =	strace $0xD0000000  }
0x3: {  	_ = 	snop  }
0x4: {  	_ = 	snop  }
0x5: {  	_ = 	snop  }
0x6: {  	_ = 	snop  }
0x7: {  	_ = 	snop  }
__scs_overlays_trampoline_lowered:
0x8: {  	[smem:$0x3FA3] =	sst s0  }
0x9: {  	[smem:$0x3FA4] =	sst s1  }
0xa: {  	[smem:$0x3FA5] =	sst s2  }
0xb: {  	[smem:$0x3FA6] =	sst s3  }
0xc: {  	[smem:$0x3FA7] =	sst s4  }
0xd: {  	[smem:$0x3FA8] =	sst s5  }
0xe: {  	[smem:$0x3FA9] =	sst s6  }
0xf: {  	[smem:$0x3FAA] =	sst s7  }
0x10: {  	[smem:$0x3FAB] =	sst s8  }
0x11: {  	[smem:$0x3FAC] =	sst s9;
	s0 =	simm.s32 @!p0 $0x0  }
0x12: {  	s1 =	sld [smem:$0x3F92];
	s0 =	simm.s32 @p0 $0x1  }
0x13: {  	[smem:$0x3FAD] =	sst s0;
	s0 =	simm.s32 @!p1 $0x0  }
0x14: {  	s2 =	sld [smem:$0x3F91];
	s0 =	simm.s32 @p1 $0x1  }
0x15: {  	[smem:$0x3FAE] =	sst s0;
	s0 =	simm.s32 @!p2 $0x0  }
0x16: {  	s3 =	sld [smem:$0x3FDB];
	s0 =	simm.s32 @p2 $0x1  }
0x17: {  	s4 =	simm.s32 $0x1BF5;
	[smem:$0x3FB0] =	sst s0  }
0x18: {  	s0 =	sld [smem:$0x3F93];
	_ =	swait.ge [sflag:s4], $0x0  }
0x19: {  	s7 =	sld [smem:$0x3F94]  }
0x1a: {  	s8 =	sadd.s32 $0xFFFFE003, lr  }
0x1b: {  	s9 =	sadd.s32 $0xFFFFFEF7, lr;
	s5 =	simm.s32 $0xFFFFFFFF;
	p2 =	slt.u32 s8, $0xFFFFF086  }
0x1c: {  	p1 =	slt.u32 s9, $0xF7A;
	s5 =	simm.s32 @!p2 $0x0  }
0x1d: {  	s5 =	simm.s32 @p1 $0x1;
	p0 =	seq.s32 s7, s2  }
0x1e: {  	s7 =	smul.u32 @!p0 $0xF7A, s2;
	p2 =	seq.s32 @!p0 s5, $0x0  }
0x1f: {  	s9 =	smul.u32 $0xF7A, s1;
	s8 =	simm.s32 @!p0 $0x1BF5;
	p2 =	por !p2, p0  }
0x20: {  	[sflag:s8] =	ssyncset.s32 @!p0 $0xFFFFF086;
	s6 =	sadd.s32 @!p0 s3, s7;
	s7 =	simm.s32 @!p0 $0x108  }
0x21: {  	s3 =	sadd.s32 s3, s9;
	s6 =	sadd.s32 @!p0 $0x88, s6;
	s7 =	simm.s32 @p2 $0x1082  }
0x22: {  	[simem:s7], [sflag:s8] =	dma.local @!p0 [hbm:s6], $0xF7A  }
0x23: {  	s9 =	sor.u32 $0xD0000000, s2;
	s6 =	simm.s32 $0x108;
	_ =	swait.ge @!p0 [sflag:s8], $0x0  }
0x24: {  	s3 =	sadd.s32 $0x88, s3;
	s6 =	simm.s32 @!p1 $0x1082;
	[sflag:s4] =	ssyncset.s32 $0xFFFFF086  }
0x25: {  	[simem:s6], [sflag:s4] =	dma.local [hbm:s3], $0xF7A  }
0x26: {  	[smem:$0x3F94] =	sst s1;
	(tag) =	ssettag s2;
	_ =	strace s9  }
0x27: {  	s1 =	sld [smem:$0x3FA4]  }
0x28: {  	s2 =	sld [smem:$0x3FA5]  }
0x29: {  	s4 =	sld [smem:$0x3FA7]  }
0x2a: {  	p0 =	seq.s32 s5, $0x0;
	s5 =	sld [smem:$0x3FA8]  }
0x2b: {  	s6 =	sld [smem:$0x3FA9]  }
0x2c: {  	s7 =	sld [smem:$0x3FAA]  }
0x2d: {  	s3 =	simm.s32 $0x108;
	s8 =	sld [smem:$0x3FAB]  }
0x2e: {  	s3 =	simm.s32 @!p0 $0x1082;
	s9 =	sld [smem:$0x3FAC]  }
0x2f: {  	lr =	sadd.s32 s0, s3;
	s0 =	sld [smem:$0x3FA3]  }
0x30: {  	s3 =	sld [smem:$0x3FA6]  }
0x31: {  	[smem:$0x3FAF] =	sst s10  }
0x32: {  	s10 =	sld [smem:$0x3FAD];
	_ =	sdelay $0x3  }
0x33: {  	p0 =	seq.s32 s10, $0x1;
	s10 =	sld [smem:$0x3FAF];
	_ =	sdelay $0x3  }
0x34: {  	[smem:$0x3FAF] =	sst s10  }
0x35: {  	s10 =	sld [smem:$0x3FAE];
	_ =	sdelay $0x3  }
0x36: {  	p1 =	seq.s32 s10, $0x1;
	s10 =	sld [smem:$0x3FAF];
	_ =	sdelay $0x3  }
0x37: {  	[smem:$0x3FAF] =	sst s10  }
0x38: {  	s10 =	sld [smem:$0x3FB0]  }
0x39: {  	_ = 	snop;
	(pc) =	sbr.ind lr, $3  }
0x3a: {  	_ = 	snop  }
0x3b: {  	_ = 	snop  }
0x3c: {  	p2 =	seq.s32 s10, $0x1;
	s10 =	sld [smem:$0x3FAF]  }
0x3d: {  	_ =	shalt  }
0x3e: {  	_ =	shalt  }
0x3f: {  	_ =	shalt  }
0x40: {  	_ =	shalt  }
0x41: {  	_ =	shalt  }
0x42: {  	_ =	shalt  }
0x43: {  	_ =	shalt  }
0x44: {  	_ =	shalt  }
0x45: {  	_ =	shalt  }
0x46: {  	_ =	shalt  }
0x47: {  	_ =	shalt  }
0x48: {  	_ =	shalt  }
0x49: {  	_ =	shalt  }
0x4a: {  	_ =	shalt  }
0x4b: {  	_ =	shalt  }
0x4c: {  	_ =	shalt  }
0x4d: {  	_ =	shalt  }
0x4e: {  	_ =	shalt  }
0x4f: {  	_ =	shalt  }
0x50: {  	_ =	shalt  }
0x51: {  	_ =	shalt  }
0x52: {  	_ =	shalt  }
0x53: {  	_ =	shalt  }
0x54: {  	_ =	shalt  }
0x55: {  	_ =	shalt  }
0x56: {  	_ =	shalt  }
0x57: {  	_ =	shalt  }
0x58: {  	_ =	shalt  }
0x59: {  	_ =	shalt  }
0x5a: {  	_ =	shalt  }
0x5b: {  	_ =	shalt  }
0x5c: {  	_ =	shalt  }
0x5d: {  	_ =	shalt  }
0x5e: {  	_ =	shalt  }
0x5f: {  	_ =	shalt  }
0x60: {  	_ =	shalt  }
0x61: {  	_ =	shalt  }
0x62: {  	_ =	shalt  }
0x63: {  	_ =	shalt  }
0x64: {  	_ =	shalt  }
0x65: {  	_ =	shalt  }
0x66: {  	_ =	shalt  }
0x67: {  	_ =	shalt  }
0x68: {  	_ =	shalt  }
0x69: {  	_ =	shalt  }
0x6a: {  	_ =	shalt  }
0x6b: {  	_ =	shalt  }
0x6c: {  	_ =	shalt  }
0x6d: {  	_ =	shalt  }
0x6e: {  	_ =	shalt  }
0x6f: {  	_ =	shalt  }
0x70: {  	_ =	shalt  }
0x71: {  	_ =	shalt  }
0x72: {  	_ =	shalt  }
0x73: {  	_ =	shalt  }
0x74: {  	_ =	shalt  }
0x75: {  	_ =	shalt  }
0x76: {  	_ =	shalt  }
0x77: {  	_ =	shalt  }
0x78: {  	_ =	shalt  }
0x79: {  	_ =	shalt  }
0x7a: {  	_ =	shalt  }
0x7b: {  	_ =	shalt  }
0x7c: {  	_ =	shalt  }
0x7d: {  	_ =	shalt  }
0x7e: {  	_ =	shalt  }
0x7f: {  	_ =	shalt  }
0x80: {  	_ =	shalt  }
0x81: {  	_ =	shalt  }
0x82: {  	_ =	shalt  }
0x83: {  	_ =	shalt  }
0x84: {  	_ =	shalt  }
0x85: {  	_ =	shalt  }
0x86: {  	_ =	shalt  }
0x87: {  	_ =	shalt  }
.Lfunc_end0:
.L_simem_size_0:
called_computation_lowered:
.L_overlay_start_0:
0x88: {  	s2 =	sld [smem:$0x3FD9]  }
0x89: {  	s3 =	sld [smem:$0x3FFE];
	_ =	sdelay $0x1  }
0x8a: {  	s1 =	srdreg.scid  }
0x8b: {  	s0 =	sand.u32 $0x1, s1  }
0x8c: {  	s15 =	sshll.u32 s0, $0xA;
	s2 =	sadd.s32 s3, s2  }
0x8d: {  	s2 =	sadd.s32 s2, s15  }
0x8e: {  	[smem:$0x3FBB] =	sst s2  }
0x8f: {  	_ = 	snop  }
0x90: {  	s2 =	sld [smem:$0x3FD0];
	_ =	sdelay $0x2  }
0x91: {  	s4 =	simm.s32 $0xB;
	s16 =	simm.s32 $0x10  }
0x92: {  	[smem:s16], [sflag:s4] =	dma.local [hbm:s2], $0x1  }
0x93: {  	_ =	swait.eq [sflag:s4], $0x1  }
0x94: {  	[sflag:s4] =	ssyncset.done $0x0  }
0x95: {  	s17 =	sld [smem:$0x10];
	[sflag:s4] =	ssyncadd.s32 $0xFFFFFFFF  }
0x96: {  	s18 =	sld [smem:$0x11];
	(tm) =	ssettm $0x1  }
0x97: {  	s19 =	sld [smem:$0x3FFB];
	_ =	sdelay $0x3  }
0x98: {  	_ =	strace s19  }
0x99: {  	s2 =	sld [smem:$0x3FFC];
	_ =	sdelay $0x3  }
0x9a: {  	_ =	strace s2  }
0x9b: {  	s2 =	sld [smem:$0x3FFD];
	_ =	sdelay $0x3  }
0x9c: {  	_ =	strace s2  }
0x9d: {  	_ =	strace $0x8FFFFFFF  }
0x9e: {  	s20 =	sld [smem:$0x3FDB];
	_ =	sdelay $0x1  }
0x9f: {  	s5 =	simm.s32 $_scs_section_size  }
0xa0: {  	s6 =	simm.s32 $_size__tile_overlayer_lowered;
	s7 =	simm.s32 $_tile_overlayer_lowered  }
0xa1: {  	s8 =	simm.s32 $0x1BFF;
	s21 =	sshll.u32 s7, $0x1;
	s5 =	sadd.s32 s5, s20  }
0xa2: {  	s22 =	simm.s32 $0x0;
	s6 =	sshll.u32 s6, $0x1;
	s7 =	sadd.s32 s21, s5  }
0xa3: {  	[timem:s22], [sflag:s8] =	dma.local [hbm:s7], s6  }
0xa4: {  	_ =	swait.ge [sflag:s8], s6  }
0xa5: {  	s6 =	ssub.s32 $0x0, s6;
	[sflag:s8] =	ssyncset.done $0x0  }
0xa6: {  	[sflag:s8] =	ssyncadd.s32 s6;
	_ =	sdelay $0x1  }
0xa7: {  	s23 =	simm.s32 $0x1B8B  }
0xa8: {  	_ =	swait.ge [sflag:s23], $0x1  }
0xa9: {  	[sflag:s23] =	ssyncset.done $0x0  }
0xaa: {  	[sflag:s23] =	ssyncadd.s32 $0xFFFFFFFF  }
0xab: {  	s6 =	sld [smem:$0x0]  }
0xac: {  	s7 =	sand.u32 $0xFFFFFFFE, s1  }
0xad: {  	p0 =	sne.s32 s1, s7  }
0xae: {  	s7 =	sshll.u32 @p0 s7, $0xE  }
0xaf: {  	s7 =	sadd.s32 @p0 $0x11B8D, s7;
	s8 =	sshll.u32 @p0 s6, $0x11  }
0xb0: {  	s7 =	sor.u32 @p0 s8, s7  }
0xb1: {  	[sflag:s7] =	ssyncadd.remote.s32 @p0 $0x1;
	_ =	sdelay $0x1  }
0xb2: {  	s7 =	simm.s32 @p0 $0x1B8D  }
0xb3: {  	_ =	swait.eq @p0 [sflag:s7], $0x1  }
0xb4: {  	[sflag:s7] =	ssyncadd.s32 @p0 $0xFFFFFFFF  }
0xb5: {  	s8 =	sshll.u32 @!p0 s1, $0xE  }
0xb6: {  	s8 =	sor.u32 @!p0 $0x4000, s8;
	s7 =	simm.s32 @!p0 $0x1B8D  }
0xb7: {  	s6 =	sshll.u32 @!p0 s6, $0x11;
	s8 =	sadd.s32 @!p0 $0x11B8D, s8;
	_ =	swait.eq @!p0 [sflag:s7], $0x1  }
0xb8: {  	s6 =	sor.u32 @!p0 s6, s8;
	[sflag:s7] =	ssyncadd.s32 @!p0 $0xFFFFFFFF  }
0xb9: {  	s25 =	simm.s32 $0x1B8E;
	s24 =	sld [smem:$0x3FFE];
	[sflag:s6] =	ssyncadd.remote.s32 @!p0 $0x1  }
0xba: {  	s26 =	simm.s32 $execute0_lowered;
	[smem:$0x3FD2] =	sst s25  }
0xbb: {  	s7 =	sshll.u32 s26, $0x1;
	_ =	strace $0x80000049;
	[dreg:$0x1] =	wrdreg $0xFFFFFFFF  }
0xbc: {  	s28 =	simm.s32 $_size_execute0_lowered;
	s5 =	sadd.s32 s5, s7;
	[dreg:$0x0] =	wrdreg $0x0  }
0xbd: {  	s7 =	sshll.u32 s28, $0x1;
	[dreg:$0x2] =	wrdreg s5  }
0xbe: {  	[dreg:$0x3] =	wrdreg s7  }
0xbf: {  	[dreg:$0x4] =	wrdreg $0xC0  }
0xc0: {  	_ =	task [dreg:s22], $0x5FFFF  }
0xc1: {  	[dreg:$0x1] =	wrdreg $0xFFFFFFFF  }
0xc2: {  	[dreg:$0x0] =	wrdreg $0x60  }
0xc3: {  	[dreg:$0x2] =	wrdreg s24  }
0xc4: {  	[dreg:$0x3] =	wrdreg s17  }
0xc5: {  	[dreg:$0x4] =	wrdreg s18  }
0xc6: {  	[dreg:$0x5] =	wrdreg $0x9  }
0xc7: {  	_ =	task.clear_ibuf [dreg:s22], $0x6FFFF;
	_ =	strace $0x90000049  }
0xc8: {  	s29 =	simm.s32 $0x9;
	_ =	strace $0x8000004B  }
0xc9: {  	_ =	swait.ge [sflag:s29], $0x1  }
0xca: {  	[sflag:s29] =	ssyncadd.s32 $0xFFFFFFFF  }
0xcb: {  	_ =	strace $0x9000004B  }
0xcc: {  	_ =	sfence  }
0xcd: {  	s30 =	sld [smem:$0x0];
	_ =	sdelay $0x2  }
0xce: {  	s31 =	sshll.u32 s1, $0xD;
	s1 =	sshrl.u32 s1, $0x2  }
0xcf: {  	s4 =	sand.u32 $0x4000, s31;
	s1 =	sadd.s32 s1, s30  }
0xd0: {  	s0 =	sor.u32 s4, s0;
	s1 =	sshll.u32 s1, $0x11  }
0xd1: {  	s0 =	sor.u32 s1, s0  }
0xd2: {  	s0 =	sadd.s32 $0x8F2B, s0  }
0xd3: {  	[sflag:s0] =	ssyncadd.remote.s32 $0x1  }
0xd4: {  	_ =	sfence.sel $0xFFFF  }
0xd5: {  	[dreg:$0x0] =	wrdreg $0xFFFFFFFF;
	(pc) =	sbr.abs _section_cstart, $3  }
0xd6: {  	[dreg:$0x1] =	wrdreg $0xFFFFFFFF  }
0xd7: {  	_ =	task.clear_ibuf [dreg:s22], $0x2FFFF;
	_ =	strace $0x9FFFFFFF  }
0xd8: {  	(tm) =	ssettm $0x7FFFFFFF  }
0xd9: {  	_ =	shalt  }
tec
execute0_lowered:
.L_overlay_start_1:
0x0: {  	(tag) =	ssettag $0x1  }
0x1: {  	s0 =	rddreg [dreg:$0x0]  }
0x2: {  	s1 =	rddreg [dreg:$0x1]  }
0x3: {  	s4 =	rddreg [dreg:$0x2];
	s2 =	simm.s32 $0x0;
	s3 =	srdreg.scid  }
0x4: {  	s6 =	stileid.u32;
	s13 =	simm.s32 $0x3;
	s29 =	simm.s32 $0x1  }
0x5: {  	s16 =	simm.s32 $0xC300;
	s17 =	simm.s32 $0xCB00;
	s18 =	simm.s32 $0xD300  }
0x6: {  	s19 =	simm.s32 $0xDB00;
	s20 =	simm.s32 $0xE300;
	s21 =	simm.s32 $0xEB00  }
0x7: {  	s22 =	simm.s32 $0xF300;
	s5 =	sand.u32 $0x1, s3;
	s6 =	sshll.u32 s6, $0x1  }
0x8: {  	[smem:$0x7FF] =	sst s2;
	s3 =	sadd.s32 $0x29200, s0;
	s6 =	sor.u32 s5, s6  }
0x9: {  	_ =	strace $0x8000004A;
	s5 =	ssub.s32 $0x2, s5;
	s7 =	sshll.u32 s6, $0x5  }
0xa: {  	s8 =	sshll.u32 s6, $0x9;
	s9 =	sadd.s32 s7, s0;
	s1 =	sadd.s32 s1, s7  }
0xb: {  	s10 =	sshrl.u32 s5, $0x1;
	[dreg:$0x4] =	wrdreg s1;
	s23 =	sadd.s32 $0x11E00, s9  }
0xc: {  	s8 =	sadd.s32 s8, s0;
	s24 =	sadd.s32 $0x12200, s9;
	[dreg:$0x5] =	wrdreg s23  }
0xd: {  	s30 =	sshll.u32 s6, $0xE;
	s25 =	sadd.s32 $0x5E00, s8;
	[dreg:$0x6] =	wrdreg s24  }
0xe: {  	s5 =	ssub.s32 s5, s10;
	s26 =	sadd.s32 $0x9E00, s8;
	[dreg:$0x7] =	wrdreg s25  }
0xf: {  	v2 =	vlaneseq.u32;
	s10 =	sadd.s32 $0x29300, s0;
	s28 =	sadd.s32 $0xDE00, s8;
	[dreg:$0x8] =	wrdreg s26  }
0x10: {  	vm0 =	vmmov $0xffff;
	v1 =	vshrl.u32 v2, $0x3;
	s11 =	sadd.s32 s4, s30;
	s31 =	smax.u32 s5, $0x1;
	[dreg:$0x9] =	wrdreg s28  }
0x11: {  	v0 =	vand.u32 $0x7, v2;
	v2 =	vor.u32 $0x8, v2;
	v1 =	vmul.u32 $0x8, v1;
	s1 =	simm.s32 $0x0;
	[dreg:$0xa] =	wrdreg s31;
	s23 =	simm.s32 $0x2  }
.LBB2_1:
0x12: {  	[dreg:$0xb] =	wrdreg s1  }
0x13: {  	s0 =	rddreg [dreg:$0x4]  }
0x14: {  	[tilespmem:s2], [sflag:$0x3] =	stream.linear.gather [hbm4b:s0+s2], $0x100, $0x38;
	[tilespmem:$0x11300] =	vst v63  }
0x15: {  	_ =	swait.ge [sflag:s13], $0x100  }
0x16: {  	[sflag:s13] =	ssyncset.done $0x0  }
0x17: {  	s24 =	simm.s32 $0x100;
	s15 =	rddreg [dreg:$0x5];
	[sflag:s13] =	ssyncadd.s32 $0xFFFFFF00  }
0x18: {  	[tilespmem:s24], [sflag:$0x3] =	stream.linear.gather [hbm4b:s15+s2], $0x100, $0x38;
	[tilespmem:$0x11300] =	vst v63  }
0x19: {  	_ =	swait.ge [sflag:s13], $0x100  }
0x1a: {  	[sflag:s13] =	ssyncset.done $0x0  }
0x1b: {  	s26 =	simm.s32 $0x200;
	s25 =	rddreg [dreg:$0x6];
	[sflag:s13] =	ssyncadd.s32 $0xFFFFFF00  }
0x1c: {  	[tilespmem:s26], [sflag:$0x3] =	stream.linear.gather [hbm4b:s25+s2], $0x100, $0x38;
	[tilespmem:$0x11300] =	vst v63  }
0x1d: {  	_ =	swait.ge [sflag:s13], $0x100  }
0x1e: {  	[sflag:s13] =	ssyncset.done $0x0  }
0x1f: {  	s30 =	simm.s32 $0x300;
	s28 =	rddreg [dreg:$0x7];
	[sflag:s13] =	ssyncadd.s32 $0xFFFFFF00  }
0x20: {  	[tilespmem:s30], [sflag:$0x3] =	stream.linear.gather [hbm4b:s28+s2], $0x1000, $0x38;
	[tilespmem:$0x11300] =	vst v63  }
0x21: {  	_ =	swait.ge [sflag:s13], $0x1000  }
0x22: {  	[sflag:s13] =	ssyncset.done $0x0  }
0x23: {  	s24 =	simm.s32 $0x1300;
	s31 =	rddreg [dreg:$0x8];
	[sflag:s13] =	ssyncadd.s32 $0xFFFFF000  }
0x24: {  	[tilespmem:s24], [sflag:$0x3] =	stream.linear.gather [hbm4b:s31+s2], $0x1000, $0x38;
	[tilespmem:$0x11300] =	vst v63  }
0x25: {  	_ =	swait.ge [sflag:s13], $0x1000  }
0x26: {  	[sflag:s13] =	ssyncset.done $0x0  }
0x27: {  	s12 =	simm.s32 $0x2300;
	s1 =	rddreg [dreg:$0x9];
	[sflag:s13] =	ssyncadd.s32 $0xFFFFF000  }
0x28: {  	[tilespmem:s12], [sflag:$0x3] =	stream.linear.gather [hbm4b:s1+s2], $0x1000, $0x38;
	[tilespmem:$0x11300] =	vst v63  }
0x29: {  	_ =	swait.ge [sflag:s13], $0x1000  }
0x2a: {  	[sflag:s13] =	ssyncset.done $0x0  }
0x2b: {  	[sflag:s13] =	ssyncadd.s32 $0xFFFFF000  }
0x2c: {  	v3 =	vld [tilespmem:$0x0];
	_ =	sdelay $0x4  }
0x2d: {  	v4 =	vshll.u32 v3, $0x2  }
0x2e: {  	v3 =	vand.u32 $0x7, v3;
	v4 =	vand.u32 $0xFFFFFFE0, v4  }
0x2f: {  	v3 =	vor.u32 v3, v4  }
0x30: {  	v4 =	vperm.xlane v3, v0;
	_ =	sdelay $0x1  }
0x31: {  	v4 =	vadd.s32 v1, v4;
	_ =	sdelay $0x1  }
0x32: {  	v3 =	vperm.xlane v3, v2;
	_ =	sdelay $0x1  }
0x33: {  	s4 =	simm.s32 $0x3300;
	v3 =	vadd.s32 v1, v3  }
0x34: {  	[tilespmem:s4], [sflag:$0x1] =	stream.indirect_vreg.gather [hbm4b:s3+s2], $0x80, v4, vm0, $0xb8;
	[tilespmem:$0x11300] =	vst v63  }
0x35: {  	s5 =	simm.s32 $0x3B00  }
0x36: {  	[tilespmem:s5], [sflag:$0x1] =	stream.indirect_vreg.gather [hbm4b:s10+s2], $0x80, v4, vm0, $0xb8;
	[tilespmem:$0x11300] =	vst v63  }
0x37: {  	s6 =	simm.s32 $0x4300  }
0x38: {  	[tilespmem:s6], [sflag:$0x1] =	stream.indirect_vreg.gather [hbm4b:s3+s2], $0x80, v3, vm0, $0xb8;
	[tilespmem:$0x11300] =	vst v63  }
0x39: {  	s7 =	simm.s32 $0x4B00  }
0x3a: {  	[tilespmem:s7], [sflag:$0x1] =	stream.indirect_vreg.gather [hbm4b:s10+s2], $0x80, v3, vm0, $0xb8;
	[tilespmem:$0x11300] =	vst v63  }
0x3b: {  	v3 =	vld [tilespmem:$0x100];
	_ =	sdelay $0x4  }
0x3c: {  	v62 =	vshll.u32 v3, $0x2  }
0x3d: {  	v3 =	vand.u32 $0x7, v3;
	v4 =	vand.u32 $0xFFFFFFE0, v62  }
0x3e: {  	v3 =	vor.u32 v3, v4  }
0x3f: {  	v4 =	vperm.xlane v3, v0;
	_ =	sdelay $0x1  }
0x40: {  	v4 =	vadd.s32 v1, v4;
	_ =	sdelay $0x1  }
0x41: {  	v3 =	vperm.xlane v3, v2;
	_ =	sdelay $0x1  }
0x42: {  	s8 =	simm.s32 $0x5300;
	v3 =	vadd.s32 v1, v3  }
0x43: {  	[tilespmem:s8], [sflag:$0x1] =	stream.indirect_vreg.gather [hbm4b:s3+s2], $0x80, v4, vm0, $0xb8;
	[tilespmem:$0x11300] =	vst v63  }
0x44: {  	s9 =	simm.s32 $0x5B00  }
0x45: {  	[tilespmem:s9], [sflag:$0x1] =	stream.indirect_vreg.gather [hbm4b:s10+s2], $0x80, v4, vm0, $0xb8;
	[tilespmem:$0x11300] =	vst v63  }
0x46: {  	s14 =	simm.s32 $0x6300  }
0x47: {  	[tilespmem:s14], [sflag:$0x1] =	stream.indirect_vreg.gather [hbm4b:s3+s2], $0x80, v3, vm0, $0xb8;
	[tilespmem:$0x11300] =	vst v63  }
0x48: {  	s15 =	simm.s32 $0x6B00  }
0x49: {  	[tilespmem:s15], [sflag:$0x1] =	stream.indirect_vreg.gather [hbm4b:s10+s2], $0x80, v3, vm0, $0xb8;
	[tilespmem:$0x11300] =	vst v63  }
0x4a: {  	v3 =	vld [tilespmem:$0x200];
	_ =	sdelay $0x4  }
0x4b: {  	v63 =	vshll.u32 v3, $0x2  }
0x4c: {  	v3 =	vand.u32 $0x7, v3;
	v4 =	vand.u32 $0xFFFFFFE0, v63  }
0x4d: {  	v3 =	vor.u32 v3, v4  }
0x4e: {  	v4 =	vperm.xlane v3, v0;
	_ =	sdelay $0x1  }
0x4f: {  	v4 =	vadd.s32 v1, v4;
	_ =	sdelay $0x1  }
0x50: {  	v3 =	vperm.xlane v3, v2;
	_ =	sdelay $0x1  }
0x51: {  	s25 =	simm.s32 $0x7300;
	v3 =	vadd.s32 v1, v3  }
0x52: {  	[tilespmem:s25], [sflag:$0x1] =	stream.indirect_vreg.gather [hbm4b:s3+s2], $0x80, v4, vm0, $0xb8;
	[tilespmem:$0x11300] =	vst v63  }
0x53: {  	s26 =	simm.s32 $0x7B00  }
0x54: {  	[tilespmem:s26], [sflag:$0x1] =	stream.indirect_vreg.gather [hbm4b:s10+s2], $0x80, v4, vm0, $0xb8;
	[tilespmem:$0x11300] =	vst v63  }
0x55: {  	s28 =	simm.s32 $0x8300;
	s31 =	simm.s32 $0x8B00;
	s4 =	simm.s32 $0x400  }
0x56: {  	[tilespmem:s28], [sflag:$0x1] =	stream.indirect_vreg.gather [hbm4b:s3+s2], $0x80, v3, vm0, $0xb8;
	[tilespmem:$0x11300] =	vst v63  }
0x57: {  	s5 =	simm.s32 $0x1400;
	s6 =	simm.s32 $0x2400;
	s7 =	simm.s32 $0x0  }
0x58: {  	[tilespmem:s31], [sflag:$0x1] =	stream.indirect_vreg.gather [hbm4b:s10+s2], $0x80, v3, vm0, $0xb8;
	[tilespmem:$0x11300] =	vst v63  }
.LBB2_2:
0x59: {  	_ =	swait.ge [sflag:s29], $0x6000  }
0x5a: {  	s8 =	sshllo.u32 s7, $0x1;
	[sflag:s29] =	ssyncset.done $0x0  }
0x5b: {  	s0 =	sshll.u32 s8, $0x4;
	[sflag:s29] =	ssyncadd.s32 $0xFFFFA000  }
0x5c: {  	v3 =	vld [tilespmem:s0+$0x0];
	_ =	sdelay $0x4  }
0x5d: {  	v4 =	vshll.u32 v3, $0x2  }
0x5e: {  	v3 =	vand.u32 $0x7, v3;
	v4 =	vand.u32 $0xFFFFFFE0, v4  }
0x5f: {  	v3 =	vor.u32 v3, v4  }
0x60: {  	v4 =	vperm.xlane v3, v0;
	_ =	sdelay $0x1  }
0x61: {  	v4 =	vadd.s32 v1, v4;
	_ =	sdelay $0x1  }
0x62: {  	v3 =	vperm.xlane v3, v2;
	_ =	sdelay $0x1  }
0x63: {  	s9 =	simm.s32 $0x0;
	s1 =	simm.s32 $0x9300;
	v3 =	vadd.s32 v1, v3  }
0x64: {  	[tilespmem:s1], [sflag:$0x2] =	stream.indirect_vreg.gather [hbm4b:s3+s9], $0x80, v4, vm0, $0xb8;
	[tilespmem:$0x11300] =	vst v63  }
0x65: {  	s26 =	simm.s32 $0x9B00  }
0x66: {  	[tilespmem:s26], [sflag:$0x2] =	stream.indirect_vreg.gather [hbm4b:s10+s9], $0x80, v4, vm0, $0xb8;
	[tilespmem:$0x11300] =	vst v63  }
0x67: {  	s14 =	simm.s32 $0xA300  }
0x68: {  	[tilespmem:s14], [sflag:$0x2] =	stream.indirect_vreg.gather [hbm4b:s3+s9], $0x80, v3, vm0, $0xb8;
	[tilespmem:$0x11300] =	vst v63  }
0x69: {  	s15 =	simm.s32 $0xAB00  }
0x6a: {  	[tilespmem:s15], [sflag:$0x2] =	stream.indirect_vreg.gather [hbm4b:s10+s9], $0x80, v3, vm0, $0xb8;
	[tilespmem:$0x11300] =	vst v63  }
0x6b: {  	v3 =	vld [tilespmem:s0+$0x100];
	_ =	sdelay $0x4  }
0x6c: {  	v62 =	vshll.u32 v3, $0x2  }
0x6d: {  	v3 =	vand.u32 $0x7, v3;
	v4 =	vand.u32 $0xFFFFFFE0, v62  }
0x6e: {  	v3 =	vor.u32 v3, v4  }
0x6f: {  	v4 =	vperm.xlane v3, v0;
	_ =	sdelay $0x1  }
0x70: {  	v4 =	vadd.s32 v1, v4;
	_ =	sdelay $0x1  }
0x71: {  	v3 =	vperm.xlane v3, v2;
	_ =	sdelay $0x1  }
0x72: {  	s25 =	simm.s32 $0xB300;
	v3 =	vadd.s32 v1, v3  }
0x73: {  	[tilespmem:s25], [sflag:$0x2] =	stream.indirect_vreg.gather [hbm4b:s3+s9], $0x80, v4, vm0, $0xb8;
	[tilespmem:$0x11300] =	vst v63  }
0x74: {  	s26 =	simm.s32 $0xBB00  }
0x75: {  	[tilespmem:s26], [sflag:$0x2] =	stream.indirect_vreg.gather [hbm4b:s10+s9], $0x80, v4, vm0, $0xb8;
	[tilespmem:$0x11300] =	vst v63  }
0x76: {  	_ = 	snop  }
0x77: {  	[tilespmem:s16], [sflag:$0x2] =	stream.indirect_vreg.gather [hbm4b:s3+s9], $0x80, v3, vm0, $0xb8;
	[tilespmem:$0x11300] =	vst v63  }
0x78: {  	_ = 	snop  }
0x79: {  	[tilespmem:s17], [sflag:$0x2] =	stream.indirect_vreg.gather [hbm4b:s10+s9], $0x80, v3, vm0, $0xb8;
	[tilespmem:$0x11300] =	vst v63  }
0x7a: {  	v3 =	vld [tilespmem:s0+$0x200];
	_ =	sdelay $0x4  }
0x7b: {  	v63 =	vshll.u32 v3, $0x2  }
0x7c: {  	v3 =	vand.u32 $0x7, v3;
	v4 =	vand.u32 $0xFFFFFFE0, v63  }
0x7d: {  	v3 =	vor.u32 v3, v4  }
0x7e: {  	v4 =	vperm.xlane v3, v0;
	_ =	sdelay $0x1  }
0x7f: {  	v4 =	vadd.s32 v1, v4;
	_ =	sdelay $0x1  }
0x80: {  	v3 =	vperm.xlane v3, v2;
	_ =	sdelay $0x1  }
0x81: {  	v3 =	vadd.s32 v1, v3  }
0x82: {  	[tilespmem:s18], [sflag:$0x2] =	stream.indirect_vreg.gather [hbm4b:s3+s9], $0x80, v4, vm0, $0xb8;
	[tilespmem:$0x11300] =	vst v63  }
0x83: {  	_ = 	snop  }
0x84: {  	[tilespmem:s19], [sflag:$0x2] =	stream.indirect_vreg.gather [hbm4b:s10+s9], $0x80, v4, vm0, $0xb8;
	[tilespmem:$0x11300] =	vst v63  }
0x85: {  	s28 =	smov.u32 s12  }
0x86: {  	[tilespmem:s20], [sflag:$0x2] =	stream.indirect_vreg.gather [hbm4b:s3+s9], $0x80, v3, vm0, $0xb8;
	[tilespmem:$0x11300] =	vst v63  }
0x87: {  	s31 =	simm.s32 $0x0;
	s25 =	smov.u32 s30;
	s26 =	smov.u32 s24  }
0x88: {  	[tilespmem:s21], [sflag:$0x2] =	stream.indirect_vreg.gather [hbm4b:s10+s9], $0x80, v3, vm0, $0xb8;
	[tilespmem:$0x11300] =	vst v63  }
.LBB2_3:
0x89: {  	v3 =	vld [tilespmem:s25+$0x0]  }
0x8a: {  	v4 =	vld [tilespmem:s26+$0x0];
	s0 =	sand.u32 $0x1000, s31;
	s1 =	sand.u32 $0x380, s9  }
0x8b: {  	v5 =	vld [tilespmem:s28+$0x0];
	s0 =	sor.u32 s1, s0  }
0x8c: {  	v6 =	vld [tilespmem:s0+$0x3300]  }
0x8d: {  	v7 =	vld [tilespmem:s0+$0x5300]  }
0x8e: {  	v8 =	vld [tilespmem:s0+$0x7300]  }
0x8f: {  	v9 =	vld [tilespmem:s0+$0x3310]  }
0x90: {  	v10 =	vld [tilespmem:s0+$0x5310]  }
0x91: {  	v11 =	vld [tilespmem:s0+$0x7310]  }
0x92: {  	v12 =	vld [tilespmem:s0+$0x3320]  }
0x93: {  	v13 =	vld [tilespmem:s0+$0x5320]  }
0x94: {  	v14 =	vld [tilespmem:s0+$0x7320]  }
0x95: {  	v15 =	vld [tilespmem:s0+$0x3330]  }
0x96: {  	v16 =	vld [tilespmem:s0+$0x5330]  }
0x97: {  	v17 =	vld [tilespmem:s0+$0x7330]  }
0x98: {  	v18 =	vld [tilespmem:s0+$0x3340]  }
0x99: {  	v19 =	vld [tilespmem:s0+$0x5340]  }
0x9a: {  	v21 =	vld [tilespmem:s0+$0x3350];
	v6 =	vmul.f32 v6, v3;
	v7 =	vmul.f32 v7, v4  }
0x9b: {  	v22 =	vld [tilespmem:s0+$0x5350];
	v9 =	vmul.f32 v9, v3;
	v10 =	vmul.f32 v10, v4  }
0x9c: {  	v45 =	vld [tilespmem:s0+$0x7350];
	v44 =	vmul.f32 v8, v5;
	v46 =	vmul.f32 v11, v5  }
0x9d: {  	v47 =	vld [tilespmem:s0+$0x3360];
	v48 =	vmul.f32 v12, v3;
	v49 =	vmul.f32 v13, v4  }
0x9e: {  	v50 =	vld [tilespmem:s0+$0x5360];
	v51 =	vmul.f32 v15, v3;
	v52 =	vmul.f32 v16, v4  }
0x9f: {  	v53 =	vld [tilespmem:s0+$0x3370];
	v54 =	vmul.f32 v14, v5;
	v55 =	vmul.f32 v17, v5  }
0xa0: {  	v56 =	vld [tilespmem:s0+$0x5370];
	v57 =	vmul.f32 v18, v3;
	v58 =	vmul.f32 v19, v4  }
0xa1: {  	v59 =	vld [tilespmem:s0+$0x7360];
	v61 =	vmul.f32 v21, v3;
	v63 =	vmul.f32 v22, v4;
	v6 =	vadd.f32 v7, v6  }
0xa2: {  	v62 =	vld [tilespmem:s0+$0x7370];
	v8 =	vmul.f32 v45, v5;
	v11 =	vmul.f32 v47, v3;
	v9 =	vadd.f32 v10, v9  }
0xa3: {  	v20 =	vld [tilespmem:s0+$0x7340];
	v13 =	vmul.f32 v50, v4;
	v7 =	vadd.f32 v49, v48;
	v6 =	vadd.f32 v44, v6  }
0xa4: {  	v23 =	vmul.f32 v53, v3;
	v10 =	vadd.f32 v52, v51;
	v9 =	vadd.f32 v46, v9  }
0xa5: {  	v24 =	vmul.f32 v56, v4;
	v22 =	vadd.f32 v63, v61;
	v7 =	vadd.f32 v54, v7;
	[tilespmem:s0+$0xF300] =	vst v6  }
0xa6: {  	v26 =	vmul.f32 v59, v5;
	v25 =	vadd.f32 v13, v11;
	v10 =	vadd.f32 v55, v10;
	[tilespmem:s0+$0xF310] =	vst v9  }
0xa7: {  	v28 =	vmul.f32 v62, v5;
	v27 =	vadd.f32 v24, v23;
	v8 =	vadd.f32 v8, v22;
	[tilespmem:s0+$0xF320] =	vst v7  }
0xa8: {  	v60 =	vmul.f32 v20, v5;
	v18 =	vadd.f32 v58, v57;
	v29 =	vadd.f32 v26, v25;
	[tilespmem:s0+$0xF330] =	vst v10  }
0xa9: {  	v30 =	vadd.f32 v28, v27;
	[tilespmem:s0+$0xF350] =	vst v8  }
0xaa: {  	s14 =	sand.u32 $0xFFFFF000, s31;
	v6 =	vadd.f32 v60, v18;
	[tilespmem:s0+$0xF360] =	vst v29  }
0xab: {  	s1 =	sadd.s32 s14, s9;
	[tilespmem:s0+$0xF370] =	vst v30  }
0xac: {  	v31 =	vld [tilespmem:s0+$0x3700];
	s14 =	sor.u32 $0x2400, s1;
	[tilespmem:s0+$0xF340] =	vst v6  }
0xad: {  	v7 =	vld [tilespmem:s14+$0x3300]  }
0xae: {  	s15 =	sor.u32 $0x4400, s1  }
0xaf: {  	v8 =	vld [tilespmem:s15+$0x3300];
	_ =	sdelay $0x2  }
0xb0: {  	v6 =	vmul.f32 v31, v3;
	v7 =	vmul.f32 v7, v4;
	_ =	sdelay $0x1  }
0xb1: {  	v32 =	vmul.f32 v8, v5;
	v6 =	vadd.f32 v7, v6;
	_ =	sdelay $0x1  }
0xb2: {  	v6 =	vadd.f32 v32, v6;
	_ =	sdelay $0x1  }
0xb3: {  	v33 =	vld [tilespmem:s0+$0x3710];
	[tilespmem:s0+$0xF700] =	vst v6  }
0xb4: {  	v34 =	vld [tilespmem:s14+$0x3310];
	_ =	sdelay $0x1  }
0xb5: {  	v35 =	vld [tilespmem:s15+$0x3310];
	_ =	sdelay $0x2  }
0xb6: {  	v6 =	vmul.f32 v33, v3;
	v7 =	vmul.f32 v34, v4;
	_ =	sdelay $0x1  }
0xb7: {  	v36 =	vmul.f32 v35, v5;
	v6 =	vadd.f32 v7, v6;
	_ =	sdelay $0x1  }
0xb8: {  	v6 =	vadd.f32 v36, v6;
	_ =	sdelay $0x1  }
0xb9: {  	v37 =	vld [tilespmem:s0+$0x3720];
	[tilespmem:s0+$0xF710] =	vst v6  }
0xba: {  	v38 =	vld [tilespmem:s14+$0x3320];
	_ =	sdelay $0x1  }
0xbb: {  	v39 =	vld [tilespmem:s15+$0x3320];
	_ =	sdelay $0x2  }
0xbc: {  	v6 =	vmul.f32 v37, v3;
	v7 =	vmul.f32 v38, v4;
	_ =	sdelay $0x1  }
0xbd: {  	v40 =	vmul.f32 v39, v5;
	v6 =	vadd.f32 v7, v6;
	_ =	sdelay $0x1  }
0xbe: {  	v6 =	vadd.f32 v40, v6;
	_ =	sdelay $0x1  }
0xbf: {  	v41 =	vld [tilespmem:s0+$0x3730];
	[tilespmem:s0+$0xF720] =	vst v6  }
0xc0: {  	v42 =	vld [tilespmem:s14+$0x3330];
	_ =	sdelay $0x1  }
0xc1: {  	v43 =	vld [tilespmem:s15+$0x3330];
	_ =	sdelay $0x2  }
0xc2: {  	v6 =	vmul.f32 v41, v3;
	v7 =	vmul.f32 v42, v4;
	_ =	sdelay $0x1  }
0xc3: {  	v44 =	vmul.f32 v43, v5;
	v6 =	vadd.f32 v7, v6;
	_ =	sdelay $0x1  }
0xc4: {  	v6 =	vadd.f32 v44, v6;
	_ =	sdelay $0x1  }
0xc5: {  	v45 =	vld [tilespmem:s0+$0x3740];
	[tilespmem:s0+$0xF730] =	vst v6  }
0xc6: {  	v46 =	vld [tilespmem:s14+$0x3340];
	_ =	sdelay $0x1  }
0xc7: {  	v47 =	vld [tilespmem:s15+$0x3340];
	_ =	sdelay $0x2  }
0xc8: {  	v6 =	vmul.f32 v45, v3;
	v7 =	vmul.f32 v46, v4;
	_ =	sdelay $0x1  }
0xc9: {  	v48 =	vmul.f32 v47, v5;
	v6 =	vadd.f32 v7, v6;
	_ =	sdelay $0x1  }
0xca: {  	v6 =	vadd.f32 v48, v6  }
0xcb: {  	v53 =	vld [tilespmem:s0+$0x3760]  }
0xcc: {  	v49 =	vld [tilespmem:s0+$0x3750];
	[tilespmem:s0+$0xF740] =	vst v6  }
0xcd: {  	v50 =	vld [tilespmem:s14+$0x3350]  }
0xce: {  	v62 =	vld [tilespmem:s0+$0x7B00]  }
0xcf: {  	v51 =	vld [tilespmem:s15+$0x3350]  }
0xd0: {  	v57 =	vld [tilespmem:s0+$0x3770]  }
0xd1: {  	v61 =	vld [tilespmem:s0+$0x5B00]  }
0xd2: {  	v63 =	vld [tilespmem:s0+$0x3B10];
	v6 =	vmul.f32 v49, v3;
	v7 =	vmul.f32 v50, v4  }
0xd3: {  	v23 =	vld [tilespmem:s0+$0x7B40]  }
0xd4: {  	v28 =	vld [tilespmem:s0+$0x5B10];
	v52 =	vmul.f32 v51, v5;
	v6 =	vadd.f32 v7, v6  }
0xd5: {  	v60 =	vld [tilespmem:s0+$0x3B00]  }
0xd6: {  	v29 =	vld [tilespmem:s0+$0x7B10];
	v6 =	vadd.f32 v52, v6  }
0xd7: {  	v30 =	vld [tilespmem:s0+$0x3B20]  }
0xd8: {  	v31 =	vld [tilespmem:s0+$0x5B20];
	[tilespmem:s0+$0xF750] =	vst v6  }
0xd9: {  	v54 =	vld [tilespmem:s14+$0x3360]  }
0xda: {  	v32 =	vld [tilespmem:s0+$0x7B20]  }
0xdb: {  	v55 =	vld [tilespmem:s15+$0x3360]  }
0xdc: {  	v33 =	vld [tilespmem:s0+$0x3B30]  }
0xdd: {  	v34 =	vld [tilespmem:s0+$0x5B30]  }
0xde: {  	v40 =	vld [tilespmem:s0+$0x5B50];
	v6 =	vmul.f32 v53, v3;
	v7 =	vmul.f32 v54, v4  }
0xdf: {  	v42 =	vld [tilespmem:s0+$0x7B50]  }
0xe0: {  	v44 =	vld [tilespmem:s0+$0x3B60];
	v56 =	vmul.f32 v55, v5;
	v6 =	vadd.f32 v7, v6  }
0xe1: {  	v10 =	vmul.f32 v61, v4;
	v9 =	vmul.f32 v60, v3;
	v36 =	vld [tilespmem:s0+$0x3B40]  }
0xe2: {  	v38 =	vmul.f32 v63, v3;
	v39 =	vmul.f32 v28, v4;
	v47 =	vld [tilespmem:s0+$0x5B60];
	v6 =	vadd.f32 v56, v6  }
0xe3: {  	v37 =	vld [tilespmem:s0+$0x5B40];
	v41 =	vmul.f32 v62, v5;
	v61 =	vmul.f32 v40, v4  }
0xe4: {  	v43 =	vmul.f32 v29, v5;
	v11 =	vmul.f32 v42, v5;
	v56 =	vld [tilespmem:s0+$0x7B60];
	[tilespmem:s0+$0xF760] =	vst v6  }
0xe5: {  	v9 =	vadd.f32 v10, v9;
	v45 =	vmul.f32 v30, v3;
	v12 =	vmul.f32 v44, v3;
	v58 =	vld [tilespmem:s14+$0x3370]  }
0xe6: {  	v46 =	vmul.f32 v31, v4;
	v48 =	vmul.f32 v33, v3;
	v59 =	vld [tilespmem:s15+$0x3370]  }
0xe7: {  	v24 =	vld [tilespmem:s0+$0x3B50];
	v9 =	vadd.f32 v41, v9;
	v63 =	vmul.f32 v47, v4;
	v49 =	vmul.f32 v34, v4  }
0xe8: {  	v10 =	vadd.f32 v46, v45;
	v50 =	vld [tilespmem:s0+$0x3B70];
	v54 =	vmul.f32 v36, v3;
	v55 =	vmul.f32 v37, v4  }
0xe9: {  	v25 =	vadd.f32 v63, v12;
	v51 =	vmul.f32 v32, v5;
	v53 =	vld [tilespmem:s0+$0x5B70];
	v6 =	vmul.f32 v57, v3  }
0xea: {  	v35 =	vld [tilespmem:s0+$0x7B30];
	v62 =	vadd.f32 v55, v54;
	v57 =	vmul.f32 v23, v5;
	v7 =	vmul.f32 v58, v4  }
0xeb: {  	v10 =	vadd.f32 v51, v10;
	v26 =	vmul.f32 v56, v5;
	v8 =	vmul.f32 v59, v5;
	v59 =	vld [tilespmem:s0+$0x7B70]  }
0xec: {  	[tilespmem:s0+$0xFB00] =	vst v9;
	v9 =	vadd.f32 v57, v62;
	v58 =	vmul.f32 v24, v3;
	v6 =	vadd.f32 v7, v6  }
0xed: {  	v22 =	vmul.f32 v50, v3;
	[tilespmem:s0+$0xFB20] =	vst v10;
	v30 =	vadd.f32 v26, v25;
	v7 =	vadd.f32 v39, v38  }
0xee: {  	[tilespmem:s0+$0xFB40] =	vst v9;
	v24 =	vmul.f32 v53, v4;
	v20 =	vadd.f32 v61, v58;
	v6 =	vadd.f32 v8, v6  }
0xef: {  	v52 =	vmul.f32 v35, v5;
	[tilespmem:s0+$0xFB60] =	vst v30;
	v7 =	vadd.f32 v43, v7;
	v8 =	vadd.f32 v49, v48  }
0xf0: {  	v28 =	vadd.f32 v24, v22;
	v27 =	vadd.f32 v11, v20;
	v29 =	vmul.f32 v59, v5;
	[tilespmem:s0+$0xF770] =	vst v6  }
0xf1: {  	v60 =	vadd.f32 v52, v8;
	[tilespmem:s0+$0xFB10] =	vst v7  }
0xf2: {  	[tilespmem:s0+$0xFB50] =	vst v27;
	v31 =	vadd.f32 v29, v28  }
0xf3: {  	[tilespmem:s0+$0xFB30] =	vst v60  }
0xf4: {  	v32 =	vld [tilespmem:s0+$0x3F00];
	s15 =	sor.u32 $0x2C00, s1;
	[tilespmem:s0+$0xFB70] =	vst v31  }
0xf5: {  	v33 =	vld [tilespmem:s15+$0x3300]  }
0xf6: {  	s1 =	sor.u32 $0x4C00, s1  }
0xf7: {  	v34 =	vld [tilespmem:s1+$0x3300];
	_ =	sdelay $0x2  }
0xf8: {  	v6 =	vmul.f32 v32, v3;
	v7 =	vmul.f32 v33, v4;
	_ =	sdelay $0x1  }
0xf9: {  	v35 =	vmul.f32 v34, v5;
	v6 =	vadd.f32 v7, v6;
	_ =	sdelay $0x1  }
0xfa: {  	v6 =	vadd.f32 v35, v6;
	_ =	sdelay $0x1  }
0xfb: {  	v36 =	vld [tilespmem:s0+$0x3F10];
	[tilespmem:s0+$0xFF00] =	vst v6  }
0xfc: {  	v37 =	vld [tilespmem:s15+$0x3310];
	_ =	sdelay $0x1  }
0xfd: {  	v38 =	vld [tilespmem:s1+$0x3310];
	_ =	sdelay $0x2  }
0xfe: {  	v6 =	vmul.f32 v36, v3;
	v7 =	vmul.f32 v37, v4;
	_ =	sdelay $0x1  }
0xff: {  	v39 =	vmul.f32 v38, v5;
	v6 =	vadd.f32 v7, v6;
	_ =	sdelay $0x1  }
0x100: {  	v6 =	vadd.f32 v39, v6;
	_ =	sdelay $0x1  }
0x101: {  	v40 =	vld [tilespmem:s0+$0x3F20];
	[tilespmem:s0+$0xFF10] =	vst v6  }
0x102: {  	v41 =	vld [tilespmem:s15+$0x3320];
	_ =	sdelay $0x1  }
0x103: {  	v42 =	vld [tilespmem:s1+$0x3320];
	_ =	sdelay $0x2  }
0x104: {  	v6 =	vmul.f32 v40, v3;
	v7 =	vmul.f32 v41, v4;
	_ =	sdelay $0x1  }
0x105: {  	v43 =	vmul.f32 v42, v5;
	v6 =	vadd.f32 v7, v6;
	_ =	sdelay $0x1  }
0x106: {  	v6 =	vadd.f32 v43, v6;
	_ =	sdelay $0x1  }
0x107: {  	v44 =	vld [tilespmem:s0+$0x3F30];
	[tilespmem:s0+$0xFF20] =	vst v6  }
0x108: {  	v45 =	vld [tilespmem:s15+$0x3330];
	_ =	sdelay $0x1  }
0x109: {  	v46 =	vld [tilespmem:s1+$0x3330];
	_ =	sdelay $0x2  }
0x10a: {  	v6 =	vmul.f32 v44, v3;
	v7 =	vmul.f32 v45, v4;
	_ =	sdelay $0x1  }
0x10b: {  	v47 =	vmul.f32 v46, v5;
	v6 =	vadd.f32 v7, v6;
	_ =	sdelay $0x1  }
0x10c: {  	v6 =	vadd.f32 v47, v6;
	_ =	sdelay $0x1  }
0x10d: {  	v48 =	vld [tilespmem:s0+$0x3F40];
	[tilespmem:s0+$0xFF30] =	vst v6  }
0x10e: {  	v49 =	vld [tilespmem:s15+$0x3340];
	_ =	sdelay $0x1  }
0x10f: {  	v50 =	vld [tilespmem:s1+$0x3340];
	_ =	sdelay $0x2  }
0x110: {  	v6 =	vmul.f32 v48, v3;
	v7 =	vmul.f32 v49, v4;
	_ =	sdelay $0x1  }
0x111: {  	v51 =	vmul.f32 v50, v5;
	v6 =	vadd.f32 v7, v6;
	_ =	sdelay $0x1  }
0x112: {  	v6 =	vadd.f32 v51, v6;
	_ =	sdelay $0x1  }
0x113: {  	v52 =	vld [tilespmem:s0+$0x3F50];
	[tilespmem:s0+$0xFF40] =	vst v6  }
0x114: {  	v53 =	vld [tilespmem:s15+$0x3350];
	_ =	sdelay $0x1  }
0x115: {  	v54 =	vld [tilespmem:s1+$0x3350];
	_ =	sdelay $0x2  }
0x116: {  	v6 =	vmul.f32 v52, v3;
	v7 =	vmul.f32 v53, v4;
	_ =	sdelay $0x1  }
0x117: {  	v55 =	vmul.f32 v54, v5;
	v6 =	vadd.f32 v7, v6;
	_ =	sdelay $0x1  }
0x118: {  	v6 =	vadd.f32 v55, v6;
	_ =	sdelay $0x1  }
0x119: {  	v56 =	vld [tilespmem:s0+$0x3F60];
	[tilespmem:s0+$0xFF50] =	vst v6  }
0x11a: {  	v57 =	vld [tilespmem:s15+$0x3360];
	_ =	sdelay $0x1  }
0x11b: {  	v58 =	vld [tilespmem:s1+$0x3360];
	_ =	sdelay $0x2  }
0x11c: {  	v6 =	vmul.f32 v56, v3;
	v7 =	vmul.f32 v57, v4;
	_ =	sdelay $0x1  }
0x11d: {  	v59 =	vmul.f32 v58, v5;
	v6 =	vadd.f32 v7, v6;
	_ =	sdelay $0x1  }
0x11e: {  	v6 =	vadd.f32 v59, v6;
	_ =	sdelay $0x1  }
0x11f: {  	v60 =	vld [tilespmem:s0+$0x3F70];
	[tilespmem:s0+$0xFF60] =	vst v6  }
0x120: {  	v61 =	vld [tilespmem:s15+$0x3370];
	_ =	sdelay $0x1  }
0x121: {  	v62 =	vld [tilespmem:s1+$0x3370];
	_ =	sdelay $0x2  }
0x122: {  	v3 =	vmul.f32 v60, v3;
	v4 =	vmul.f32 v61, v4  }
0x123: {  	p0 =	sne.s32 s31, $0x1E00  }
.Ltmp0:
0x124: {  	v63 =	vmul.f32 v62, v5;
	v3 =	vadd.f32 v4, v3;
	(pc) =	sbr.rel @p0 .LBB2_3-.Ltmp0, $4  }
0x125: {  	_ = 	snop  }
0x126: {  	v3 =	vadd.f32 v63, v3  }
0x127: {  	s25 =	sadd.s32 $0x10, s25;
	s26 =	sadd.s32 $0x10, s26  }
0x128: {  	s28 =	sadd.s32 $0x10, s28;
	s31 =	sadd.s32 $0x200, s31;
	s9 =	sadd.s32 $0x80, s9;
	[tilespmem:s0+$0xFF70] =	vst v3  }
0x129: {  	s0 =	sshll.u32 s7, $0xB  }
0x12a: {  	s0 =	sadd.s32 s0, s11  }
0x12b: {  	[hbm4b:s0+s2] =	stream.linear.scatter [tilespmem:s22], [sflag:$0x3], $0x2000, $0x38;
	[tilespmem:$0x11300] =	vst v63  }
0x12c: {  	_ =	swait.ge [sflag:s13], $0x2000  }
0x12d: {  	[sflag:s13] =	ssyncset.done $0x0  }
0x12e: {  	[sflag:s13] =	ssyncadd.s32 $0xFFFFE000  }
0x12f: {  	_ =	swait.ge [sflag:s23], $0x6000  }
0x130: {  	p0 =	seq.s32 s7, $0x7;
	[sflag:s23] =	ssyncset.done $0x0  }
0x131: {  	s0 =	sshll.u32 @!p0 s7, $0x5;
	[sflag:s23] =	ssyncadd.s32 $0xFFFFA000  }
0x132: {  	v3 =	vld @!p0 [tilespmem:s0+$0x20];
	_ =	sdelay $0x4  }
0x133: {  	v4 =	vshll.u32 @!p0 v3, $0x2  }
0x134: {  	v5 =	vlaneseq.u32 @!p0;
	v3 =	vand.u32 @!p0 $0x7, v3;
	v4 =	vand.u32 @!p0 $0xFFFFFFE0, v4  }
0x135: {  	v6 =	vshrl.u32 @!p0 v5, $0x3;
	v3 =	vor.u32 @!p0 v3, v4;
	v4 =	vand.u32 @!p0 $0x7, v5  }
0x136: {  	v6 =	vmul.u32 @!p0 $0x8, v6;
	v7 =	vperm.xlane @!p0 v3, v4;
	_ =	sdelay $0x1  }
0x137: {  	v7 =	vadd.s32 @!p0 v6, v7  }
0x138: {  	v5 =	vor.u32 @!p0 $0x8, v5  }
0x139: {  	v3 =	vperm.xlane @!p0 v3, v5;
	_ =	sdelay $0x1  }
0x13a: {  	vm1 =	vmmov @!p0 $0xffff;
	s1 =	simm.s32 @!p0 $0x0;
	s9 =	simm.s32 @!p0 $0x3300;
	v3 =	vadd.s32 @!p0 v6, v3  }
0x13b: {  	[tilespmem:s9], [sflag:$0x1] =	stream.indirect_vreg.gather @!p0 [hbm4b:s3+s1], $0x80, v7, vm1, $0xb8;
	[tilespmem:$0x11300] =	vst v63  }
0x13c: {  	s9 =	simm.s32 @!p0 $0x3B00  }
0x13d: {  	[tilespmem:s9], [sflag:$0x1] =	stream.indirect_vreg.gather @!p0 [hbm4b:s10+s1], $0x80, v7, vm1, $0xb8;
	[tilespmem:$0x11300] =	vst v63  }
0x13e: {  	s9 =	simm.s32 @!p0 $0x4300  }
0x13f: {  	[tilespmem:s9], [sflag:$0x1] =	stream.indirect_vreg.gather @!p0 [hbm4b:s3+s1], $0x80, v3, vm1, $0xb8;
	[tilespmem:$0x11300] =	vst v63  }
0x140: {  	s9 =	simm.s32 @!p0 $0x4B00  }
0x141: {  	[tilespmem:s9], [sflag:$0x1] =	stream.indirect_vreg.gather @!p0 [hbm4b:s10+s1], $0x80, v3, vm1, $0xb8;
	[tilespmem:$0x11300] =	vst v63  }
0x142: {  	v3 =	vld @!p0 [tilespmem:s0+$0x120];
	_ =	sdelay $0x4  }
0x143: {  	v7 =	vshll.u32 @!p0 v3, $0x2  }
0x144: {  	v3 =	vand.u32 @!p0 $0x7, v3;
	v7 =	vand.u32 @!p0 $0xFFFFFFE0, v7  }
0x145: {  	v3 =	vor.u32 @!p0 v3, v7  }
0x146: {  	v7 =	vperm.xlane @!p0 v3, v4;
	_ =	sdelay $0x1  }
0x147: {  	v7 =	vadd.s32 @!p0 v6, v7;
	_ =	sdelay $0x1  }
0x148: {  	v3 =	vperm.xlane @!p0 v3, v5;
	_ =	sdelay $0x1  }
0x149: {  	s9 =	simm.s32 @!p0 $0x5300;
	v3 =	vadd.s32 @!p0 v6, v3  }
0x14a: {  	[tilespmem:s9], [sflag:$0x1] =	stream.indirect_vreg.gather @!p0 [hbm4b:s3+s1], $0x80, v7, vm1, $0xb8;
	[tilespmem:$0x11300] =	vst v63  }
0x14b: {  	s9 =	simm.s32 @!p0 $0x5B00  }
0x14c: {  	[tilespmem:s9], [sflag:$0x1] =	stream.indirect_vreg.gather @!p0 [hbm4b:s10+s1], $0x80, v7, vm1, $0xb8;
	[tilespmem:$0x11300] =	vst v63  }
0x14d: {  	s9 =	simm.s32 @!p0 $0x6300  }
0x14e: {  	[tilespmem:s9], [sflag:$0x1] =	stream.indirect_vreg.gather @!p0 [hbm4b:s3+s1], $0x80, v3, vm1, $0xb8;
	[tilespmem:$0x11300] =	vst v63  }
0x14f: {  	s9 =	simm.s32 @!p0 $0x6B00  }
0x150: {  	[tilespmem:s9], [sflag:$0x1] =	stream.indirect_vreg.gather @!p0 [hbm4b:s10+s1], $0x80, v3, vm1, $0xb8;
	[tilespmem:$0x11300] =	vst v63  }
0x151: {  	v3 =	vld @!p0 [tilespmem:s0+$0x220];
	_ =	sdelay $0x4  }
0x152: {  	v7 =	vshll.u32 @!p0 v3, $0x2  }
0x153: {  	v3 =	vand.u32 @!p0 $0x7, v3;
	v7 =	vand.u32 @!p0 $0xFFFFFFE0, v7  }
0x154: {  	v3 =	vor.u32 @!p0 v3, v7  }
0x155: {  	v4 =	vperm.xlane @!p0 v3, v4;
	_ =	sdelay $0x1  }
0x156: {  	v4 =	vadd.s32 @!p0 v6, v4;
	_ =	sdelay $0x1  }
0x157: {  	v3 =	vperm.xlane @!p0 v3, v5;
	_ =	sdelay $0x1  }
0x158: {  	s0 =	simm.s32 @!p0 $0x7300;
	v3 =	vadd.s32 @!p0 v6, v3  }
0x159: {  	[tilespmem:s0], [sflag:$0x1] =	stream.indirect_vreg.gather @!p0 [hbm4b:s3+s1], $0x80, v4, vm1, $0xb8;
	[tilespmem:$0x11300] =	vst v63  }
0x15a: {  	s28 =	smov.u32 s6;
	s0 =	simm.s32 @!p0 $0x7B00  }
0x15b: {  	[tilespmem:s0], [sflag:$0x1] =	stream.indirect_vreg.gather @!p0 [hbm4b:s10+s1], $0x80, v4, vm1, $0xb8;
	[tilespmem:$0x11300] =	vst v63  }
0x15c: {  	s26 =	smov.u32 s5;
	s25 =	smov.u32 s4;
	s0 =	simm.s32 @!p0 $0x8300  }
0x15d: {  	[tilespmem:s0], [sflag:$0x1] =	stream.indirect_vreg.gather @!p0 [hbm4b:s3+s1], $0x80, v3, vm1, $0xb8;
	[tilespmem:$0x11300] =	vst v63  }
0x15e: {  	s31 =	simm.s32 $0x0;
	s9 =	simm.s32 $0x0;
	s0 =	simm.s32 @!p0 $0x8B00  }
0x15f: {  	[tilespmem:s0], [sflag:$0x1] =	stream.indirect_vreg.gather @!p0 [hbm4b:s10+s1], $0x80, v3, vm1, $0xb8;
	[tilespmem:$0x11300] =	vst v63  }
.LBB2_5:
0x160: {  	v3 =	vld [tilespmem:s25+$0x0]  }
0x161: {  	v4 =	vld [tilespmem:s26+$0x0];
	s0 =	sand.u32 $0x1000, s31;
	s1 =	sand.u32 $0x380, s9  }
0x162: {  	v5 =	vld [tilespmem:s28+$0x0];
	s0 =	sor.u32 s1, s0  }
0x163: {  	v6 =	vld [tilespmem:s0+$0x9300]  }
0x164: {  	v7 =	vld [tilespmem:s0+$0xB300]  }
0x165: {  	v8 =	vld [tilespmem:s0+$0xD300]  }
0x166: {  	v9 =	vld [tilespmem:s0+$0x9310]  }
0x167: {  	v10 =	vld [tilespmem:s0+$0xB310]  }
0x168: {  	v11 =	vld [tilespmem:s0+$0xD310]  }
0x169: {  	v12 =	vld [tilespmem:s0+$0x9320]  }
0x16a: {  	v13 =	vld [tilespmem:s0+$0xB320]  }
0x16b: {  	v14 =	vld [tilespmem:s0+$0xD320]  }
0x16c: {  	v15 =	vld [tilespmem:s0+$0x9330]  }
0x16d: {  	v16 =	vld [tilespmem:s0+$0xB330]  }
0x16e: {  	v17 =	vld [tilespmem:s0+$0xD330]  }
0x16f: {  	v18 =	vld [tilespmem:s0+$0x9340]  }
0x170: {  	v19 =	vld [tilespmem:s0+$0xB340]  }
0x171: {  	v21 =	vld [tilespmem:s0+$0x9350];
	v6 =	vmul.f32 v6, v3;
	v7 =	vmul.f32 v7, v4  }
0x172: {  	v22 =	vld [tilespmem:s0+$0xB350];
	v9 =	vmul.f32 v9, v3;
	v10 =	vmul.f32 v10, v4  }
0x173: {  	v45 =	vld [tilespmem:s0+$0xD350];
	v44 =	vmul.f32 v8, v5;
	v46 =	vmul.f32 v11, v5  }
0x174: {  	v47 =	vld [tilespmem:s0+$0x9360];
	v48 =	vmul.f32 v12, v3;
	v49 =	vmul.f32 v13, v4  }
0x175: {  	v50 =	vld [tilespmem:s0+$0xB360];
	v51 =	vmul.f32 v15, v3;
	v52 =	vmul.f32 v16, v4  }
0x176: {  	v53 =	vld [tilespmem:s0+$0x9370];
	v54 =	vmul.f32 v14, v5;
	v55 =	vmul.f32 v17, v5  }
0x177: {  	v56 =	vld [tilespmem:s0+$0xB370];
	v57 =	vmul.f32 v18, v3;
	v58 =	vmul.f32 v19, v4  }
0x178: {  	v59 =	vld [tilespmem:s0+$0xD360];
	v61 =	vmul.f32 v21, v3;
	v63 =	vmul.f32 v22, v4;
	v6 =	vadd.f32 v7, v6  }
0x179: {  	v62 =	vld [tilespmem:s0+$0xD370];
	v8 =	vmul.f32 v45, v5;
	v11 =	vmul.f32 v47, v3;
	v9 =	vadd.f32 v10, v9  }
0x17a: {  	v20 =	vld [tilespmem:s0+$0xD340];
	v13 =	vmul.f32 v50, v4;
	v7 =	vadd.f32 v49, v48;
	v6 =	vadd.f32 v44, v6  }
0x17b: {  	v23 =	vmul.f32 v53, v3;
	v10 =	vadd.f32 v52, v51;
	v9 =	vadd.f32 v46, v9  }
0x17c: {  	v24 =	vmul.f32 v56, v4;
	v22 =	vadd.f32 v63, v61;
	v7 =	vadd.f32 v54, v7;
	[tilespmem:s0+$0xF300] =	vst v6  }
0x17d: {  	v26 =	vmul.f32 v59, v5;
	v25 =	vadd.f32 v13, v11;
	v10 =	vadd.f32 v55, v10;
	[tilespmem:s0+$0xF310] =	vst v9  }
0x17e: {  	v28 =	vmul.f32 v62, v5;
	v27 =	vadd.f32 v24, v23;
	v8 =	vadd.f32 v8, v22;
	[tilespmem:s0+$0xF320] =	vst v7  }
0x17f: {  	v60 =	vmul.f32 v20, v5;
	v18 =	vadd.f32 v58, v57;
	v29 =	vadd.f32 v26, v25;
	[tilespmem:s0+$0xF330] =	vst v10  }
0x180: {  	v30 =	vadd.f32 v28, v27;
	[tilespmem:s0+$0xF350] =	vst v8  }
0x181: {  	s14 =	sand.u32 $0xFFFFF000, s31;
	v6 =	vadd.f32 v60, v18;
	[tilespmem:s0+$0xF360] =	vst v29  }
0x182: {  	s1 =	sadd.s32 s14, s9;
	[tilespmem:s0+$0xF370] =	vst v30  }
0x183: {  	v31 =	vld [tilespmem:s0+$0x9700];
	s14 =	sor.u32 $0x2400, s1;
	[tilespmem:s0+$0xF340] =	vst v6  }
0x184: {  	v7 =	vld [tilespmem:s14+$0x9300]  }
0x185: {  	s15 =	sor.u32 $0x4400, s1  }
0x186: {  	v8 =	vld [tilespmem:s15+$0x9300];
	_ =	sdelay $0x2  }
0x187: {  	v6 =	vmul.f32 v31, v3;
	v7 =	vmul.f32 v7, v4;
	_ =	sdelay $0x1  }
0x188: {  	v32 =	vmul.f32 v8, v5;
	v6 =	vadd.f32 v7, v6;
	_ =	sdelay $0x1  }
0x189: {  	v6 =	vadd.f32 v32, v6;
	_ =	sdelay $0x1  }
0x18a: {  	v33 =	vld [tilespmem:s0+$0x9710];
	[tilespmem:s0+$0xF700] =	vst v6  }
0x18b: {  	v34 =	vld [tilespmem:s14+$0x9310];
	_ =	sdelay $0x1  }
0x18c: {  	v35 =	vld [tilespmem:s15+$0x9310];
	_ =	sdelay $0x2  }
0x18d: {  	v6 =	vmul.f32 v33, v3;
	v7 =	vmul.f32 v34, v4;
	_ =	sdelay $0x1  }
0x18e: {  	v36 =	vmul.f32 v35, v5;
	v6 =	vadd.f32 v7, v6;
	_ =	sdelay $0x1  }
0x18f: {  	v6 =	vadd.f32 v36, v6;
	_ =	sdelay $0x1  }
0x190: {  	v37 =	vld [tilespmem:s0+$0x9720];
	[tilespmem:s0+$0xF710] =	vst v6  }
0x191: {  	v38 =	vld [tilespmem:s14+$0x9320];
	_ =	sdelay $0x1  }
0x192: {  	v39 =	vld [tilespmem:s15+$0x9320];
	_ =	sdelay $0x2  }
0x193: {  	v6 =	vmul.f32 v37, v3;
	v7 =	vmul.f32 v38, v4;
	_ =	sdelay $0x1  }
0x194: {  	v40 =	vmul.f32 v39, v5;
	v6 =	vadd.f32 v7, v6;
	_ =	sdelay $0x1  }
0x195: {  	v6 =	vadd.f32 v40, v6;
	_ =	sdelay $0x1  }
0x196: {  	v41 =	vld [tilespmem:s0+$0x9730];
	[tilespmem:s0+$0xF720] =	vst v6  }
0x197: {  	v42 =	vld [tilespmem:s14+$0x9330];
	_ =	sdelay $0x1  }
0x198: {  	v43 =	vld [tilespmem:s15+$0x9330];
	_ =	sdelay $0x2  }
0x199: {  	v6 =	vmul.f32 v41, v3;
	v7 =	vmul.f32 v42, v4;
	_ =	sdelay $0x1  }
0x19a: {  	v44 =	vmul.f32 v43, v5;
	v6 =	vadd.f32 v7, v6;
	_ =	sdelay $0x1  }
0x19b: {  	v6 =	vadd.f32 v44, v6;
	_ =	sdelay $0x1  }
0x19c: {  	v45 =	vld [tilespmem:s0+$0x9740];
	[tilespmem:s0+$0xF730] =	vst v6  }
0x19d: {  	v46 =	vld [tilespmem:s14+$0x9340];
	_ =	sdelay $0x1  }
0x19e: {  	v47 =	vld [tilespmem:s15+$0x9340];
	_ =	sdelay $0x2  }
0x19f: {  	v6 =	vmul.f32 v45, v3;
	v7 =	vmul.f32 v46, v4;
	_ =	sdelay $0x1  }
0x1a0: {  	v48 =	vmul.f32 v47, v5;
	v6 =	vadd.f32 v7, v6;
	_ =	sdelay $0x1  }
0x1a1: {  	v6 =	vadd.f32 v48, v6  }
0x1a2: {  	v53 =	vld [tilespmem:s0+$0x9760]  }
0x1a3: {  	v49 =	vld [tilespmem:s0+$0x9750];
	[tilespmem:s0+$0xF740] =	vst v6  }
0x1a4: {  	v50 =	vld [tilespmem:s14+$0x9350]  }
0x1a5: {  	v62 =	vld [tilespmem:s0+$0xDB00]  }
0x1a6: {  	v51 =	vld [tilespmem:s15+$0x9350]  }
0x1a7: {  	v57 =	vld [tilespmem:s0+$0x9770]  }
0x1a8: {  	v61 =	vld [tilespmem:s0+$0xBB00]  }
0x1a9: {  	v63 =	vld [tilespmem:s0+$0x9B10];
	v6 =	vmul.f32 v49, v3;
	v7 =	vmul.f32 v50, v4  }
0x1aa: {  	v23 =	vld [tilespmem:s0+$0xDB40]  }
0x1ab: {  	v28 =	vld [tilespmem:s0+$0xBB10];
	v52 =	vmul.f32 v51, v5;
	v6 =	vadd.f32 v7, v6  }
0x1ac: {  	v60 =	vld [tilespmem:s0+$0x9B00]  }
0x1ad: {  	v29 =	vld [tilespmem:s0+$0xDB10];
	v6 =	vadd.f32 v52, v6  }
0x1ae: {  	v30 =	vld [tilespmem:s0+$0x9B20]  }
0x1af: {  	v31 =	vld [tilespmem:s0+$0xBB20];
	[tilespmem:s0+$0xF750] =	vst v6  }
0x1b0: {  	v54 =	vld [tilespmem:s14+$0x9360]  }
0x1b1: {  	v32 =	vld [tilespmem:s0+$0xDB20]  }
0x1b2: {  	v55 =	vld [tilespmem:s15+$0x9360]  }
0x1b3: {  	v33 =	vld [tilespmem:s0+$0x9B30]  }
0x1b4: {  	v34 =	vld [tilespmem:s0+$0xBB30]  }
0x1b5: {  	v40 =	vld [tilespmem:s0+$0xBB50];
	v6 =	vmul.f32 v53, v3;
	v7 =	vmul.f32 v54, v4  }
0x1b6: {  	v42 =	vld [tilespmem:s0+$0xDB50]  }
0x1b7: {  	v44 =	vld [tilespmem:s0+$0x9B60];
	v56 =	vmul.f32 v55, v5;
	v6 =	vadd.f32 v7, v6  }
0x1b8: {  	v10 =	vmul.f32 v61, v4;
	v9 =	vmul.f32 v60, v3;
	v36 =	vld [tilespmem:s0+$0x9B40]  }
0x1b9: {  	v38 =	vmul.f32 v63, v3;
	v39 =	vmul.f32 v28, v4;
	v47 =	vld [tilespmem:s0+$0xBB60];
	v6 =	vadd.f32 v56, v6  }
0x1ba: {  	v37 =	vld [tilespmem:s0+$0xBB40];
	v41 =	vmul.f32 v62, v5;
	v61 =	vmul.f32 v40, v4  }
0x1bb: {  	v43 =	vmul.f32 v29, v5;
	v11 =	vmul.f32 v42, v5;
	v56 =	vld [tilespmem:s0+$0xDB60];
	[tilespmem:s0+$0xF760] =	vst v6  }
0x1bc: {  	v9 =	vadd.f32 v10, v9;
	v45 =	vmul.f32 v30, v3;
	v12 =	vmul.f32 v44, v3;
	v58 =	vld [tilespmem:s14+$0x9370]  }
0x1bd: {  	v46 =	vmul.f32 v31, v4;
	v48 =	vmul.f32 v33, v3;
	v59 =	vld [tilespmem:s15+$0x9370]  }
0x1be: {  	v24 =	vld [tilespmem:s0+$0x9B50];
	v9 =	vadd.f32 v41, v9;
	v63 =	vmul.f32 v47, v4;
	v49 =	vmul.f32 v34, v4  }
0x1bf: {  	v10 =	vadd.f32 v46, v45;
	v50 =	vld [tilespmem:s0+$0x9B70];
	v54 =	vmul.f32 v36, v3;
	v55 =	vmul.f32 v37, v4  }
0x1c0: {  	v25 =	vadd.f32 v63, v12;
	v51 =	vmul.f32 v32, v5;
	v53 =	vld [tilespmem:s0+$0xBB70];
	v6 =	vmul.f32 v57, v3  }
0x1c1: {  	v35 =	vld [tilespmem:s0+$0xDB30];
	v62 =	vadd.f32 v55, v54;
	v57 =	vmul.f32 v23, v5;
	v7 =	vmul.f32 v58, v4  }
0x1c2: {  	v10 =	vadd.f32 v51, v10;
	v26 =	vmul.f32 v56, v5;
	v8 =	vmul.f32 v59, v5;
	v59 =	vld [tilespmem:s0+$0xDB70]  }
0x1c3: {  	[tilespmem:s0+$0xFB00] =	vst v9;
	v9 =	vadd.f32 v57, v62;
	v58 =	vmul.f32 v24, v3;
	v6 =	vadd.f32 v7, v6  }
0x1c4: {  	v22 =	vmul.f32 v50, v3;
	[tilespmem:s0+$0xFB20] =	vst v10;
	v30 =	vadd.f32 v26, v25;
	v7 =	vadd.f32 v39, v38  }
0x1c5: {  	[tilespmem:s0+$0xFB40] =	vst v9;
	v24 =	vmul.f32 v53, v4;
	v20 =	vadd.f32 v61, v58;
	v6 =	vadd.f32 v8, v6  }
0x1c6: {  	v52 =	vmul.f32 v35, v5;
	[tilespmem:s0+$0xFB60] =	vst v30;
	v7 =	vadd.f32 v43, v7;
	v8 =	vadd.f32 v49, v48  }
0x1c7: {  	v28 =	vadd.f32 v24, v22;
	v27 =	vadd.f32 v11, v20;
	v29 =	vmul.f32 v59, v5;
	[tilespmem:s0+$0xF770] =	vst v6  }
0x1c8: {  	v60 =	vadd.f32 v52, v8;
	[tilespmem:s0+$0xFB10] =	vst v7  }
0x1c9: {  	[tilespmem:s0+$0xFB50] =	vst v27;
	v31 =	vadd.f32 v29, v28  }
0x1ca: {  	[tilespmem:s0+$0xFB30] =	vst v60  }
0x1cb: {  	v32 =	vld [tilespmem:s0+$0x9F00];
	s15 =	sor.u32 $0x2C00, s1;
	[tilespmem:s0+$0xFB70] =	vst v31  }
0x1cc: {  	v33 =	vld [tilespmem:s15+$0x9300]  }
0x1cd: {  	s1 =	sor.u32 $0x4C00, s1  }
0x1ce: {  	v34 =	vld [tilespmem:s1+$0x9300];
	_ =	sdelay $0x2  }
0x1cf: {  	v6 =	vmul.f32 v32, v3;
	v7 =	vmul.f32 v33, v4;
	_ =	sdelay $0x1  }
0x1d0: {  	v35 =	vmul.f32 v34, v5;
	v6 =	vadd.f32 v7, v6;
	_ =	sdelay $0x1  }
0x1d1: {  	v6 =	vadd.f32 v35, v6;
	_ =	sdelay $0x1  }
0x1d2: {  	v36 =	vld [tilespmem:s0+$0x9F10];
	[tilespmem:s0+$0xFF00] =	vst v6  }
0x1d3: {  	v37 =	vld [tilespmem:s15+$0x9310];
	_ =	sdelay $0x1  }
0x1d4: {  	v38 =	vld [tilespmem:s1+$0x9310];
	_ =	sdelay $0x2  }
0x1d5: {  	v6 =	vmul.f32 v36, v3;
	v7 =	vmul.f32 v37, v4;
	_ =	sdelay $0x1  }
0x1d6: {  	v39 =	vmul.f32 v38, v5;
	v6 =	vadd.f32 v7, v6;
	_ =	sdelay $0x1  }
0x1d7: {  	v6 =	vadd.f32 v39, v6;
	_ =	sdelay $0x1  }
0x1d8: {  	v40 =	vld [tilespmem:s0+$0x9F20];
	[tilespmem:s0+$0xFF10] =	vst v6  }
0x1d9: {  	v41 =	vld [tilespmem:s15+$0x9320];
	_ =	sdelay $0x1  }
0x1da: {  	v42 =	vld [tilespmem:s1+$0x9320];
	_ =	sdelay $0x2  }
0x1db: {  	v6 =	vmul.f32 v40, v3;
	v7 =	vmul.f32 v41, v4;
	_ =	sdelay $0x1  }
0x1dc: {  	v43 =	vmul.f32 v42, v5;
	v6 =	vadd.f32 v7, v6;
	_ =	sdelay $0x1  }
0x1dd: {  	v6 =	vadd.f32 v43, v6;
	_ =	sdelay $0x1  }
0x1de: {  	v44 =	vld [tilespmem:s0+$0x9F30];
	[tilespmem:s0+$0xFF20] =	vst v6  }
0x1df: {  	v45 =	vld [tilespmem:s15+$0x9330];
	_ =	sdelay $0x1  }
0x1e0: {  	v46 =	vld [tilespmem:s1+$0x9330];
	_ =	sdelay $0x2  }
0x1e1: {  	v6 =	vmul.f32 v44, v3;
	v7 =	vmul.f32 v45, v4;
	_ =	sdelay $0x1  }
0x1e2: {  	v47 =	vmul.f32 v46, v5;
	v6 =	vadd.f32 v7, v6;
	_ =	sdelay $0x1  }
0x1e3: {  	v6 =	vadd.f32 v47, v6;
	_ =	sdelay $0x1  }
0x1e4: {  	v48 =	vld [tilespmem:s0+$0x9F40];
	[tilespmem:s0+$0xFF30] =	vst v6  }
0x1e5: {  	v49 =	vld [tilespmem:s15+$0x9340];
	_ =	sdelay $0x1  }
0x1e6: {  	v50 =	vld [tilespmem:s1+$0x9340];
	_ =	sdelay $0x2  }
0x1e7: {  	v6 =	vmul.f32 v48, v3;
	v7 =	vmul.f32 v49, v4;
	_ =	sdelay $0x1  }
0x1e8: {  	v51 =	vmul.f32 v50, v5;
	v6 =	vadd.f32 v7, v6;
	_ =	sdelay $0x1  }
0x1e9: {  	v6 =	vadd.f32 v51, v6;
	_ =	sdelay $0x1  }
0x1ea: {  	v52 =	vld [tilespmem:s0+$0x9F50];
	[tilespmem:s0+$0xFF40] =	vst v6  }
0x1eb: {  	v53 =	vld [tilespmem:s15+$0x9350];
	_ =	sdelay $0x1  }
0x1ec: {  	v54 =	vld [tilespmem:s1+$0x9350];
	_ =	sdelay $0x2  }
0x1ed: {  	v6 =	vmul.f32 v52, v3;
	v7 =	vmul.f32 v53, v4;
	_ =	sdelay $0x1  }
0x1ee: {  	v55 =	vmul.f32 v54, v5;
	v6 =	vadd.f32 v7, v6;
	_ =	sdelay $0x1  }
0x1ef: {  	v6 =	vadd.f32 v55, v6;
	_ =	sdelay $0x1  }
0x1f0: {  	v56 =	vld [tilespmem:s0+$0x9F60];
	[tilespmem:s0+$0xFF50] =	vst v6  }
0x1f1: {  	v57 =	vld [tilespmem:s15+$0x9360];
	_ =	sdelay $0x1  }
0x1f2: {  	v58 =	vld [tilespmem:s1+$0x9360];
	_ =	sdelay $0x2  }
0x1f3: {  	v6 =	vmul.f32 v56, v3;
	v7 =	vmul.f32 v57, v4;
	_ =	sdelay $0x1  }
0x1f4: {  	v59 =	vmul.f32 v58, v5;
	v6 =	vadd.f32 v7, v6;
	_ =	sdelay $0x1  }
0x1f5: {  	v6 =	vadd.f32 v59, v6;
	_ =	sdelay $0x1  }
0x1f6: {  	v60 =	vld [tilespmem:s0+$0x9F70];
	[tilespmem:s0+$0xFF60] =	vst v6  }
0x1f7: {  	v61 =	vld [tilespmem:s15+$0x9370];
	_ =	sdelay $0x1  }
0x1f8: {  	v62 =	vld [tilespmem:s1+$0x9370];
	_ =	sdelay $0x2  }
0x1f9: {  	v3 =	vmul.f32 v60, v3;
	v4 =	vmul.f32 v61, v4  }
0x1fa: {  	p0 =	sne.s32 s31, $0x1E00  }
.Ltmp1:
0x1fb: {  	v63 =	vmul.f32 v62, v5;
	v3 =	vadd.f32 v4, v3;
	(pc) =	sbr.rel @p0 .LBB2_5-.Ltmp1, $4  }
0x1fc: {  	_ = 	snop  }
0x1fd: {  	v3 =	vadd.f32 v63, v3  }
0x1fe: {  	s25 =	sadd.s32 $0x10, s25;
	s26 =	sadd.s32 $0x10, s26  }
0x1ff: {  	s28 =	sadd.s32 $0x10, s28;
	s31 =	sadd.s32 $0x200, s31;
	s9 =	sadd.s32 $0x80, s9;
	[tilespmem:s0+$0xFF70] =	vst v3  }
0x200: {  	s7 =	sadd.s32 $0x1, s7  }
0x201: {  	s0 =	sshll.u32 s8, $0xA;
	p0 =	sne.s32 s7, $0x8  }
.Ltmp2:
0x202: {  	s0 =	sadd.s32 s0, s11;
	(pc) =	sbr.rel @p0 .LBB2_2-.Ltmp2, $4  }
0x203: {  	[hbm4b:s0+s2] =	stream.linear.scatter [tilespmem:s22], [sflag:$0x3], $0x2000, $0x38;
	[tilespmem:$0x11300] =	vst v63  }
0x204: {  	s30 =	sadd.s32 $0x200, s30;
	s24 =	sadd.s32 $0x200, s24;
	_ =	swait.ge [sflag:s13], $0x2000  }
0x205: {  	s12 =	sadd.s32 $0x200, s12;
	s4 =	sadd.s32 $0x200, s4;
	[sflag:s13] =	ssyncset.done $0x0  }
0x206: {  	s5 =	sadd.s32 $0x200, s5;
	s6 =	sadd.s32 $0x200, s6;
	[sflag:s13] =	ssyncadd.s32 $0xFFFFE000  }
0x207: {  	s1 =	rddreg [dreg:$0xb]  }
0x208: {  	s0 =	rddreg [dreg:$0xa];
	s1 =	sadd.s32 $0x1, s1  }
0x209: {  	p0 =	sne.s32 s1, s0  }
.Ltmp3:
0x20a: {  	_ = 	snop;
	(pc) =	sbr.rel @p0 .LBB2_1-.Ltmp3, $1  }
0x20b: {  	_ =	sdelay $0x3  }
0x20c: {  	_ =	sfence.sel $0x180000  }
0x20d: {  	[bflag:$0x0] =	sbarrier.arrive $0xFFFF  }
0x20e: {  	_ =	strace $0x9000004A  }
0x20f: {  	s0 =	stileid.u32;
	[bflag:$0x2] =	sbarrier.arrive $0xFFFF  }
0x210: {  	p0 =	sne.s32 s0, $0x0;
	s0 =	rddreg [dreg:$0x3]  }
0x211: {  	s0 =	sadd.s32 @!p0 $0x100000, s0  }
0x212: {  	[sflag:s0] =	ssyncadd.tile.s32 @!p0 $0x1;
	_ =	shalt  }
.Lfunc_end2:
_tile_overlayer_lowered:
.L_overlay_start_2:
0x213: {  	(tag) =	ssettag $0x2  }
0x214: {  	s0 =	rddreg [dreg:$0x0];
	s2 =	stileid.u32  }
0x215: {  	s1 =	rddreg [dreg:$0x1];
	p0 =	sne.s32 s2, $0x0  }
0x216: {  	s3 =	rddreg [dreg:$0x2];
	[bflag:$0x3] =	sbarrier.arrive $0xFFFF;
	s2 =	simm.s32 @!p0 $0x1C03  }
0x217: {  	[timem:s3], [sflag:s2] =	dma.local @!p0 [hbm:s0], s1  }
0x218: {  	s0 =	simm.s32 @!p0 $0x3  }
0x219: {  	_ =	swait.ge @!p0 [sflag:s0], s1  }
0x21a: {  	s1 =	ssub.s32 @!p0 $0x0, s1;
	[sflag:s0] =	ssyncset.done @!p0 $0x0  }
0x21b: {  	[sflag:s0] =	ssyncadd.s32 @!p0 s1  }
0x21c: {  	[bflag:$0x3] =	sbarrier.arrive $0xFFFF  }
0x21d: {  	_ =	shalt  }

// kernel: kernel.13.cloned.1.call-start
scs
__scs_entry_jumppad:
0x0: {  	(pc) =	sbr.rel $0x88, $3  }
0x1: {  	(tag) =	ssettag $0x0;
	lr =	simm.s32 $0x1  }
0x2: {  	[smem:$0x3F94] =	sst lr;
	_ =	strace $0xD0000000  }
0x3: {  	_ = 	snop  }
0x4: {  	_ = 	snop  }
0x5: {  	_ = 	snop  }
0x6: {  	_ = 	snop  }
0x7: {  	_ = 	snop  }
__scs_overlays_trampoline_lowered:
0x8: {  	[smem:$0x3FA3] =	sst s0  }
0x9: {  	[smem:$0x3FA4] =	sst s1  }
0xa: {  	[smem:$0x3FA5] =	sst s2  }
0xb: {  	[smem:$0x3FA6] =	sst s3  }
0xc: {  	[smem:$0x3FA7] =	sst s4  }
0xd: {  	[smem:$0x3FA8] =	sst s5  }
0xe: {  	[smem:$0x3FA9] =	sst s6  }
0xf: {  	[smem:$0x3FAA] =	sst s7  }
0x10: {  	[smem:$0x3FAB] =	sst s8  }
0x11: {  	[smem:$0x3FAC] =	sst s9;
	s0 =	simm.s32 @!p0 $0x0  }
0x12: {  	s1 =	sld [smem:$0x3F92];
	s0 =	simm.s32 @p0 $0x1  }
0x13: {  	[smem:$0x3FAD] =	sst s0;
	s0 =	simm.s32 @!p1 $0x0  }
0x14: {  	s2 =	sld [smem:$0x3F91];
	s0 =	simm.s32 @p1 $0x1  }
0x15: {  	[smem:$0x3FAE] =	sst s0;
	s0 =	simm.s32 @!p2 $0x0  }
0x16: {  	s3 =	sld [smem:$0x3FDB];
	s0 =	simm.s32 @p2 $0x1  }
0x17: {  	s4 =	simm.s32 $0x1BF5;
	[smem:$0x3FB0] =	sst s0  }
0x18: {  	s0 =	sld [smem:$0x3F93];
	_ =	swait.ge [sflag:s4], $0x0  }
0x19: {  	s7 =	sld [smem:$0x3F94]  }
0x1a: {  	s8 =	sadd.s32 $0xFFFFE003, lr  }
0x1b: {  	s9 =	sadd.s32 $0xFFFFFEF7, lr;
	s5 =	simm.s32 $0xFFFFFFFF;
	p2 =	slt.u32 s8, $0xFFFFF086  }
0x1c: {  	p1 =	slt.u32 s9, $0xF7A;
	s5 =	simm.s32 @!p2 $0x0  }
0x1d: {  	s5 =	simm.s32 @p1 $0x1;
	p0 =	seq.s32 s7, s2  }
0x1e: {  	s7 =	smul.u32 @!p0 $0xF7A, s2;
	p2 =	seq.s32 @!p0 s5, $0x0  }
0x1f: {  	s9 =	smul.u32 $0xF7A, s1;
	s8 =	simm.s32 @!p0 $0x1BF5;
	p2 =	por !p2, p0  }
0x20: {  	[sflag:s8] =	ssyncset.s32 @!p0 $0xFFFFF086;
	s6 =	sadd.s32 @!p0 s3, s7;
	s7 =	simm.s32 @!p0 $0x108  }
0x21: {  	s3 =	sadd.s32 s3, s9;
	s6 =	sadd.s32 @!p0 $0x88, s6;
	s7 =	simm.s32 @p2 $0x1082  }
0x22: {  	[simem:s7], [sflag:s8] =	dma.local @!p0 [hbm:s6], $0xF7A  }
0x23: {  	s9 =	sor.u32 $0xD0000000, s2;
	s6 =	simm.s32 $0x108;
	_ =	swait.ge @!p0 [sflag:s8], $0x0  }
0x24: {  	s3 =	sadd.s32 $0x88, s3;
	s6 =	simm.s32 @!p1 $0x1082;
	[sflag:s4] =	ssyncset.s32 $0xFFFFF086  }
0x25: {  	[simem:s6], [sflag:s4] =	dma.local [hbm:s3], $0xF7A  }
0x26: {  	[smem:$0x3F94] =	sst s1;
	(tag) =	ssettag s2;
	_ =	strace s9  }
0x27: {  	s1 =	sld [smem:$0x3FA4]  }
0x28: {  	s2 =	sld [smem:$0x3FA5]  }
0x29: {  	s4 =	sld [smem:$0x3FA7]  }
0x2a: {  	p0 =	seq.s32 s5, $0x0;
	s5 =	sld [smem:$0x3FA8]  }
0x2b: {  	s6 =	sld [smem:$0x3FA9]  }
0x2c: {  	s7 =	sld [smem:$0x3FAA]  }
0x2d: {  	s3 =	simm.s32 $0x108;
	s8 =	sld [smem:$0x3FAB]  }
0x2e: {  	s3 =	simm.s32 @!p0 $0x1082;
	s9 =	sld [smem:$0x3FAC]  }
0x2f: {  	lr =	sadd.s32 s0, s3;
	s0 =	sld [smem:$0x3FA3]  }
0x30: {  	s3 =	sld [smem:$0x3FA6]  }
0x31: {  	[smem:$0x3FAF] =	sst s10  }
0x32: {  	s10 =	sld [smem:$0x3FAD];
	_ =	sdelay $0x3  }
0x33: {  	p0 =	seq.s32 s10, $0x1;
	s10 =	sld [smem:$0x3FAF];
	_ =	sdelay $0x3  }
0x34: {  	[smem:$0x3FAF] =	sst s10  }
0x35: {  	s10 =	sld [smem:$0x3FAE];
	_ =	sdelay $0x3  }
0x36: {  	p1 =	seq.s32 s10, $0x1;
	s10 =	sld [smem:$0x3FAF];
	_ =	sdelay $0x3  }
0x37: {  	[smem:$0x3FAF] =	sst s10  }
0x38: {  	s10 =	sld [smem:$0x3FB0]  }
0x39: {  	_ = 	snop;
	(pc) =	sbr.ind lr, $3  }
0x3a: {  	_ = 	snop  }
0x3b: {  	_ = 	snop  }
0x3c: {  	p2 =	seq.s32 s10, $0x1;
	s10 =	sld [smem:$0x3FAF]  }
0x3d: {  	_ =	shalt  }
0x3e: {  	_ =	shalt  }
0x3f: {  	_ =	shalt  }
0x40: {  	_ =	shalt  }
0x41: {  	_ =	shalt  }
0x42: {  	_ =	shalt  }
0x43: {  	_ =	shalt  }
0x44: {  	_ =	shalt  }
0x45: {  	_ =	shalt  }
0x46: {  	_ =	shalt  }
0x47: {  	_ =	shalt  }
0x48: {  	_ =	shalt  }
0x49: {  	_ =	shalt  }
0x4a: {  	_ =	shalt  }
0x4b: {  	_ =	shalt  }
0x4c: {  	_ =	shalt  }
0x4d: {  	_ =	shalt  }
0x4e: {  	_ =	shalt  }
0x4f: {  	_ =	shalt  }
0x50: {  	_ =	shalt  }
0x51: {  	_ =	shalt  }
0x52: {  	_ =	shalt  }
0x53: {  	_ =	shalt  }
0x54: {  	_ =	shalt  }
0x55: {  	_ =	shalt  }
0x56: {  	_ =	shalt  }
0x57: {  	_ =	shalt  }
0x58: {  	_ =	shalt  }
0x59: {  	_ =	shalt  }
0x5a: {  	_ =	shalt  }
0x5b: {  	_ =	shalt  }
0x5c: {  	_ =	shalt  }
0x5d: {  	_ =	shalt  }
0x5e: {  	_ =	shalt  }
0x5f: {  	_ =	shalt  }
0x60: {  	_ =	shalt  }
0x61: {  	_ =	shalt  }
0x62: {  	_ =	shalt  }
0x63: {  	_ =	shalt  }
0x64: {  	_ =	shalt  }
0x65: {  	_ =	shalt  }
0x66: {  	_ =	shalt  }
0x67: {  	_ =	shalt  }
0x68: {  	_ =	shalt  }
0x69: {  	_ =	shalt  }
0x6a: {  	_ =	shalt  }
0x6b: {  	_ =	shalt  }
0x6c: {  	_ =	shalt  }
0x6d: {  	_ =	shalt  }
0x6e: {  	_ =	shalt  }
0x6f: {  	_ =	shalt  }
0x70: {  	_ =	shalt  }
0x71: {  	_ =	shalt  }
0x72: {  	_ =	shalt  }
0x73: {  	_ =	shalt  }
0x74: {  	_ =	shalt  }
0x75: {  	_ =	shalt  }
0x76: {  	_ =	shalt  }
0x77: {  	_ =	shalt  }
0x78: {  	_ =	shalt  }
0x79: {  	_ =	shalt  }
0x7a: {  	_ =	shalt  }
0x7b: {  	_ =	shalt  }
0x7c: {  	_ =	shalt  }
0x7d: {  	_ =	shalt  }
0x7e: {  	_ =	shalt  }
0x7f: {  	_ =	shalt  }
0x80: {  	_ =	shalt  }
0x81: {  	_ =	shalt  }
0x82: {  	_ =	shalt  }
0x83: {  	_ =	shalt  }
0x84: {  	_ =	shalt  }
0x85: {  	_ =	shalt  }
0x86: {  	_ =	shalt  }
0x87: {  	_ =	shalt  }
.Lfunc_end0:
.L_simem_size_0:
called_computation.1_lowered:
.L_overlay_start_0:
0x88: {  	s2 =	sld [smem:$0x3FD9]  }
0x89: {  	s3 =	sld [smem:$0x3FFE];
	_ =	sdelay $0x1  }
0x8a: {  	s1 =	srdreg.scid  }
0x8b: {  	s0 =	sand.u32 $0x1, s1  }
0x8c: {  	s16 =	sshll.u32 s0, $0xA;
	s2 =	sadd.s32 s3, s2  }
0x8d: {  	s2 =	sadd.s32 s2, s16  }
0x8e: {  	[smem:$0x3FBB] =	sst s2  }
0x8f: {  	_ = 	snop  }
0x90: {  	(tm) =	ssettm $0x1  }
0x91: {  	s17 =	sld [smem:$0x3FFB];
	_ =	sdelay $0x3  }
0x92: {  	_ =	strace s17  }
0x93: {  	s2 =	sld [smem:$0x3FFC];
	_ =	sdelay $0x3  }
0x94: {  	_ =	strace s2  }
0x95: {  	s2 =	sld [smem:$0x3FFD];
	_ =	sdelay $0x3  }
0x96: {  	_ =	strace s2  }
0x97: {  	_ =	strace $0x8FFFFFFF  }
0x98: {  	s18 =	sld [smem:$0x3FDB];
	_ =	sdelay $0x1  }
0x99: {  	s19 =	simm.s32 $_scs_section_size  }
0x9a: {  	s4 =	simm.s32 $_size__tile_overlayer_lowered;
	s5 =	simm.s32 $_tile_overlayer_lowered  }
0x9b: {  	s22 =	simm.s32 $0x1BFF;
	s21 =	sshll.u32 s5, $0x1;
	s2 =	sadd.s32 s19, s18  }
0x9c: {  	s6 =	simm.s32 $0x0;
	s20 =	sshll.u32 s4, $0x1;
	s4 =	sadd.s32 s21, s2  }
0x9d: {  	[timem:s6], [sflag:s22] =	dma.local [hbm:s4], s20  }
0x9e: {  	_ =	swait.ge [sflag:s22], s20  }
0x9f: {  	s3 =	ssub.s32 $0x0, s20;
	[sflag:s22] =	ssyncset.done $0x0  }
0xa0: {  	[sflag:s22] =	ssyncadd.s32 s3;
	_ =	sdelay $0x1  }
0xa1: {  	s23 =	simm.s32 $0x1B8B  }
0xa2: {  	_ =	swait.ge [sflag:s23], $0x1  }
0xa3: {  	[sflag:s23] =	ssyncset.done $0x0  }
0xa4: {  	s25 =	simm.s32 $0x1B8E;
	s24 =	sld [smem:$0x3FFE];
	[sflag:s23] =	ssyncadd.s32 $0xFFFFFFFF  }
0xa5: {  	s26 =	simm.s32 $execute0_lowered;
	[smem:$0x3FD2] =	sst s25  }
0xa6: {  	s4 =	sshll.u32 s26, $0x1;
	_ =	strace $0x80000046;
	[dreg:$0x1] =	wrdreg $0xFFFFFFFF  }
0xa7: {  	s28 =	simm.s32 $_size_execute0_lowered;
	s2 =	sadd.s32 s2, s4;
	[dreg:$0x0] =	wrdreg $0x0  }
0xa8: {  	s4 =	sshll.u32 s28, $0x1;
	[dreg:$0x2] =	wrdreg s2  }
0xa9: {  	[dreg:$0x3] =	wrdreg s4  }
0xaa: {  	[dreg:$0x4] =	wrdreg $0xC0  }
0xab: {  	_ =	task [dreg:s6], $0x5FFFF  }
0xac: {  	[dreg:$0x1] =	wrdreg $0xFFFFFFFF  }
0xad: {  	[dreg:$0x0] =	wrdreg $0x60  }
0xae: {  	[dreg:$0x2] =	wrdreg s24  }
0xaf: {  	[dreg:$0x3] =	wrdreg $0xA  }
0xb0: {  	_ =	task.clear_ibuf [dreg:s6], $0x4FFFF;
	_ =	strace $0x90000046  }
0xb1: {  	s29 =	simm.s32 $0xA;
	_ =	strace $0x80000048  }
0xb2: {  	_ =	swait.ge [sflag:s29], $0x1  }
0xb3: {  	[sflag:s29] =	ssyncadd.s32 $0xFFFFFFFF  }
0xb4: {  	_ =	strace $0x90000048  }
0xb5: {  	_ =	sfence  }
0xb6: {  	s30 =	sld [smem:$0x0];
	_ =	sdelay $0x2  }
0xb7: {  	s31 =	sshll.u32 s1, $0xD;
	s1 =	sshrl.u32 s1, $0x2  }
0xb8: {  	s3 =	sand.u32 $0x4000, s31;
	s1 =	sadd.s32 s1, s30  }
0xb9: {  	s0 =	sor.u32 s3, s0;
	s1 =	sshll.u32 s1, $0x11  }
0xba: {  	s0 =	sor.u32 s1, s0  }
0xbb: {  	s0 =	sadd.s32 $0x8F2B, s0  }
0xbc: {  	[sflag:s0] =	ssyncadd.remote.s32 $0x1  }
0xbd: {  	_ =	sfence.sel $0xFFFF  }
0xbe: {  	[dreg:$0x0] =	wrdreg $0xFFFFFFFF;
	(pc) =	sbr.abs _section_cstart, $3  }
0xbf: {  	[dreg:$0x1] =	wrdreg $0xFFFFFFFF  }
0xc0: {  	_ =	task.clear_ibuf [dreg:s6], $0x2FFFF;
	_ =	strace $0x9FFFFFFF  }
0xc1: {  	(tm) =	ssettm $0x7FFFFFFF  }
tec
execute0_lowered:
.L_overlay_start_1:
0x0: {  	(tag) =	ssettag $0x1  }
0x1: {  	s0 =	rddreg [dreg:$0x0]  }
0x2: {  	s1 =	srdreg.scid;
	s3 =	stileid.u32;
	s2 =	simm.s32 $0x0  }
0x3: {  	s13 =	simm.s32 $0x3;
	s29 =	simm.s32 $0x1;
	s16 =	simm.s32 $0xC300  }
0x4: {  	s17 =	simm.s32 $0xCB00;
	s18 =	simm.s32 $0xD300;
	s19 =	simm.s32 $0xDB00  }
0x5: {  	s20 =	simm.s32 $0xE300;
	s1 =	sand.u32 $0x1, s1;
	s3 =	sshll.u32 s3, $0x1  }
0x6: {  	s21 =	simm.s32 $0xEB00;
	s22 =	simm.s32 $0xF300;
	s4 =	sor.u32 s1, s3  }
0x7: {  	s23 =	simm.s32 $0x2;
	[smem:$0x7FF] =	sst s2;
	s5 =	sshll.u32 s4, $0x5  }
0x8: {  	s10 =	sadd.s32 $0x29300, s0;
	_ =	strace $0x80000047;
	s5 =	sadd.s32 s5, s0  }
0x9: {  	s3 =	sadd.s32 $0x29200, s0;
	s1 =	ssub.s32 $0x2, s1;
	s24 =	sadd.s32 $0x5200, s5  }
0xa: {  	s6 =	sshll.u32 s4, $0x9;
	s25 =	sadd.s32 $0x5600, s5;
	[dreg:$0x2] =	wrdreg s24  }
0xb: {  	s6 =	sadd.s32 s6, s0;
	s5 =	sadd.s32 $0x5A00, s5;
	[dreg:$0x3] =	wrdreg s25  }
0xc: {  	s4 =	sshll.u32 s4, $0xE;
	s26 =	sadd.s32 $0x21200, s6;
	[dreg:$0x4] =	wrdreg s5  }
0xd: {  	s7 =	sshrl.u32 s1, $0x1;
	s28 =	sadd.s32 $0x25200, s6;
	[dreg:$0x5] =	wrdreg s26  }
0xe: {  	v2 =	vlaneseq.u32;
	s1 =	ssub.s32 s1, s7;
	s30 =	sadd.s32 $0x1200, s6;
	[dreg:$0x6] =	wrdreg s28  }
0xf: {  	vm0 =	vmmov $0xffff;
	v1 =	vshrl.u32 v2, $0x3;
	s4 =	sadd.s32 s4, s0;
	s31 =	smax.u32 s1, $0x1;
	[dreg:$0x7] =	wrdreg s30  }
0x10: {  	v0 =	vand.u32 $0x7, v2;
	v2 =	vor.u32 $0x8, v2;
	v1 =	vmul.u32 $0x8, v1;
	s11 =	sadd.s32 $0x69200, s4;
	s1 =	simm.s32 $0x0;
	[dreg:$0x8] =	wrdreg s31  }
.LBB2_1:
0x11: {  	[dreg:$0x9] =	wrdreg s1  }
0x12: {  	s0 =	rddreg [dreg:$0x2]  }
0x13: {  	[tilespmem:s2], [sflag:$0x3] =	stream.linear.gather [hbm4b:s0+s2], $0x100, $0x38;
	[tilespmem:$0x11300] =	vst v63  }
0x14: {  	_ =	swait.ge [sflag:s13], $0x100  }
0x15: {  	[sflag:s13] =	ssyncset.done $0x0  }
0x16: {  	s24 =	simm.s32 $0x100;
	s15 =	rddreg [dreg:$0x3];
	[sflag:s13] =	ssyncadd.s32 $0xFFFFFF00  }
0x17: {  	[tilespmem:s24], [sflag:$0x3] =	stream.linear.gather [hbm4b:s15+s2], $0x100, $0x38;
	[tilespmem:$0x11300] =	vst v63  }
0x18: {  	_ =	swait.ge [sflag:s13], $0x100  }
0x19: {  	[sflag:s13] =	ssyncset.done $0x0  }
0x1a: {  	s26 =	simm.s32 $0x200;
	s25 =	rddreg [dreg:$0x4];
	[sflag:s13] =	ssyncadd.s32 $0xFFFFFF00  }
0x1b: {  	[tilespmem:s26], [sflag:$0x3] =	stream.linear.gather [hbm4b:s25+s2], $0x100, $0x38;
	[tilespmem:$0x11300] =	vst v63  }
0x1c: {  	_ =	swait.ge [sflag:s13], $0x100  }
0x1d: {  	[sflag:s13] =	ssyncset.done $0x0  }
0x1e: {  	s30 =	simm.s32 $0x300;
	s28 =	rddreg [dreg:$0x5];
	[sflag:s13] =	ssyncadd.s32 $0xFFFFFF00  }
0x1f: {  	[tilespmem:s30], [sflag:$0x3] =	stream.linear.gather [hbm4b:s28+s2], $0x1000, $0x38;
	[tilespmem:$0x11300] =	vst v63  }
0x20: {  	_ =	swait.ge [sflag:s13], $0x1000  }
0x21: {  	[sflag:s13] =	ssyncset.done $0x0  }
0x22: {  	s24 =	simm.s32 $0x1300;
	s31 =	rddreg [dreg:$0x6];
	[sflag:s13] =	ssyncadd.s32 $0xFFFFF000  }
0x23: {  	[tilespmem:s24], [sflag:$0x3] =	stream.linear.gather [hbm4b:s31+s2], $0x1000, $0x38;
	[tilespmem:$0x11300] =	vst v63  }
0x24: {  	_ =	swait.ge [sflag:s13], $0x1000  }
0x25: {  	[sflag:s13] =	ssyncset.done $0x0  }
0x26: {  	s12 =	simm.s32 $0x2300;
	s1 =	rddreg [dreg:$0x7];
	[sflag:s13] =	ssyncadd.s32 $0xFFFFF000  }
0x27: {  	[tilespmem:s12], [sflag:$0x3] =	stream.linear.gather [hbm4b:s1+s2], $0x1000, $0x38;
	[tilespmem:$0x11300] =	vst v63  }
0x28: {  	_ =	swait.ge [sflag:s13], $0x1000  }
0x29: {  	[sflag:s13] =	ssyncset.done $0x0  }
0x2a: {  	[sflag:s13] =	ssyncadd.s32 $0xFFFFF000  }
0x2b: {  	v3 =	vld [tilespmem:$0x0];
	_ =	sdelay $0x4  }
0x2c: {  	v4 =	vshll.u32 v3, $0x2  }
0x2d: {  	v3 =	vand.u32 $0x7, v3;
	v4 =	vand.u32 $0xFFFFFFE0, v4  }
0x2e: {  	v3 =	vor.u32 v3, v4  }
0x2f: {  	v4 =	vperm.xlane v3, v0;
	_ =	sdelay $0x1  }
0x30: {  	v4 =	vadd.s32 v1, v4;
	_ =	sdelay $0x1  }
0x31: {  	v3 =	vperm.xlane v3, v2;
	_ =	sdelay $0x1  }
0x32: {  	s4 =	simm.s32 $0x3300;
	v3 =	vadd.s32 v1, v3  }
0x33: {  	[tilespmem:s4], [sflag:$0x1] =	stream.indirect_vreg.gather [hbm4b:s3+s2], $0x80, v4, vm0, $0xb8;
	[tilespmem:$0x11300] =	vst v63  }
0x34: {  	s5 =	simm.s32 $0x3B00  }
0x35: {  	[tilespmem:s5], [sflag:$0x1] =	stream.indirect_vreg.gather [hbm4b:s10+s2], $0x80, v4, vm0, $0xb8;
	[tilespmem:$0x11300] =	vst v63  }
0x36: {  	s6 =	simm.s32 $0x4300  }
0x37: {  	[tilespmem:s6], [sflag:$0x1] =	stream.indirect_vreg.gather [hbm4b:s3+s2], $0x80, v3, vm0, $0xb8;
	[tilespmem:$0x11300] =	vst v63  }
0x38: {  	s7 =	simm.s32 $0x4B00  }
0x39: {  	[tilespmem:s7], [sflag:$0x1] =	stream.indirect_vreg.gather [hbm4b:s10+s2], $0x80, v3, vm0, $0xb8;
	[tilespmem:$0x11300] =	vst v63  }
0x3a: {  	v3 =	vld [tilespmem:$0x100];
	_ =	sdelay $0x4  }
0x3b: {  	v62 =	vshll.u32 v3, $0x2  }
0x3c: {  	v3 =	vand.u32 $0x7, v3;
	v4 =	vand.u32 $0xFFFFFFE0, v62  }
0x3d: {  	v3 =	vor.u32 v3, v4  }
0x3e: {  	v4 =	vperm.xlane v3, v0;
	_ =	sdelay $0x1  }
0x3f: {  	v4 =	vadd.s32 v1, v4;
	_ =	sdelay $0x1  }
0x40: {  	v3 =	vperm.xlane v3, v2;
	_ =	sdelay $0x1  }
0x41: {  	s8 =	simm.s32 $0x5300;
	v3 =	vadd.s32 v1, v3  }
0x42: {  	[tilespmem:s8], [sflag:$0x1] =	stream.indirect_vreg.gather [hbm4b:s3+s2], $0x80, v4, vm0, $0xb8;
	[tilespmem:$0x11300] =	vst v63  }
0x43: {  	s9 =	simm.s32 $0x5B00  }
0x44: {  	[tilespmem:s9], [sflag:$0x1] =	stream.indirect_vreg.gather [hbm4b:s10+s2], $0x80, v4, vm0, $0xb8;
	[tilespmem:$0x11300] =	vst v63  }
0x45: {  	s14 =	simm.s32 $0x6300  }
0x46: {  	[tilespmem:s14], [sflag:$0x1] =	stream.indirect_vreg.gather [hbm4b:s3+s2], $0x80, v3, vm0, $0xb8;
	[tilespmem:$0x11300] =	vst v63  }
0x47: {  	s15 =	simm.s32 $0x6B00  }
0x48: {  	[tilespmem:s15], [sflag:$0x1] =	stream.indirect_vreg.gather [hbm4b:s10+s2], $0x80, v3, vm0, $0xb8;
	[tilespmem:$0x11300] =	vst v63  }
0x49: {  	v3 =	vld [tilespmem:$0x200];
	_ =	sdelay $0x4  }
0x4a: {  	v63 =	vshll.u32 v3, $0x2  }
0x4b: {  	v3 =	vand.u32 $0x7, v3;
	v4 =	vand.u32 $0xFFFFFFE0, v63  }
0x4c: {  	v3 =	vor.u32 v3, v4  }
0x4d: {  	v4 =	vperm.xlane v3, v0;
	_ =	sdelay $0x1  }
0x4e: {  	v4 =	vadd.s32 v1, v4;
	_ =	sdelay $0x1  }
0x4f: {  	v3 =	vperm.xlane v3, v2;
	_ =	sdelay $0x1  }
0x50: {  	s25 =	simm.s32 $0x7300;
	v3 =	vadd.s32 v1, v3  }
0x51: {  	[tilespmem:s25], [sflag:$0x1] =	stream.indirect_vreg.gather [hbm4b:s3+s2], $0x80, v4, vm0, $0xb8;
	[tilespmem:$0x11300] =	vst v63  }
0x52: {  	s26 =	simm.s32 $0x7B00  }
0x53: {  	[tilespmem:s26], [sflag:$0x1] =	stream.indirect_vreg.gather [hbm4b:s10+s2], $0x80, v4, vm0, $0xb8;
	[tilespmem:$0x11300] =	vst v63  }
0x54: {  	s28 =	simm.s32 $0x8300;
	s31 =	simm.s32 $0x8B00;
	s4 =	simm.s32 $0x400  }
0x55: {  	[tilespmem:s28], [sflag:$0x1] =	stream.indirect_vreg.gather [hbm4b:s3+s2], $0x80, v3, vm0, $0xb8;
	[tilespmem:$0x11300] =	vst v63  }
0x56: {  	s5 =	simm.s32 $0x1400;
	s6 =	simm.s32 $0x2400;
	s7 =	simm.s32 $0x0  }
0x57: {  	[tilespmem:s31], [sflag:$0x1] =	stream.indirect_vreg.gather [hbm4b:s10+s2], $0x80, v3, vm0, $0xb8;
	[tilespmem:$0x11300] =	vst v63  }
.LBB2_2:
0x58: {  	_ =	swait.ge [sflag:s29], $0x6000  }
0x59: {  	s8 =	sshllo.u32 s7, $0x1;
	[sflag:s29] =	ssyncset.done $0x0  }
0x5a: {  	s0 =	sshll.u32 s8, $0x4;
	[sflag:s29] =	ssyncadd.s32 $0xFFFFA000  }
0x5b: {  	v3 =	vld [tilespmem:s0+$0x0];
	_ =	sdelay $0x4  }
0x5c: {  	v4 =	vshll.u32 v3, $0x2  }
0x5d: {  	v3 =	vand.u32 $0x7, v3;
	v4 =	vand.u32 $0xFFFFFFE0, v4  }
0x5e: {  	v3 =	vor.u32 v3, v4  }
0x5f: {  	v4 =	vperm.xlane v3, v0;
	_ =	sdelay $0x1  }
0x60: {  	v4 =	vadd.s32 v1, v4;
	_ =	sdelay $0x1  }
0x61: {  	v3 =	vperm.xlane v3, v2;
	_ =	sdelay $0x1  }
0x62: {  	s9 =	simm.s32 $0x0;
	s1 =	simm.s32 $0x9300;
	v3 =	vadd.s32 v1, v3  }
0x63: {  	[tilespmem:s1], [sflag:$0x2] =	stream.indirect_vreg.gather [hbm4b:s3+s9], $0x80, v4, vm0, $0xb8;
	[tilespmem:$0x11300] =	vst v63  }
0x64: {  	s26 =	simm.s32 $0x9B00  }
0x65: {  	[tilespmem:s26], [sflag:$0x2] =	stream.indirect_vreg.gather [hbm4b:s10+s9], $0x80, v4, vm0, $0xb8;
	[tilespmem:$0x11300] =	vst v63  }
0x66: {  	s14 =	simm.s32 $0xA300  }
0x67: {  	[tilespmem:s14], [sflag:$0x2] =	stream.indirect_vreg.gather [hbm4b:s3+s9], $0x80, v3, vm0, $0xb8;
	[tilespmem:$0x11300] =	vst v63  }
0x68: {  	s15 =	simm.s32 $0xAB00  }
0x69: {  	[tilespmem:s15], [sflag:$0x2] =	stream.indirect_vreg.gather [hbm4b:s10+s9], $0x80, v3, vm0, $0xb8;
	[tilespmem:$0x11300] =	vst v63  }
0x6a: {  	v3 =	vld [tilespmem:s0+$0x100];
	_ =	sdelay $0x4  }
0x6b: {  	v62 =	vshll.u32 v3, $0x2  }
0x6c: {  	v3 =	vand.u32 $0x7, v3;
	v4 =	vand.u32 $0xFFFFFFE0, v62  }
0x6d: {  	v3 =	vor.u32 v3, v4  }
0x6e: {  	v4 =	vperm.xlane v3, v0;
	_ =	sdelay $0x1  }
0x6f: {  	v4 =	vadd.s32 v1, v4;
	_ =	sdelay $0x1  }
0x70: {  	v3 =	vperm.xlane v3, v2;
	_ =	sdelay $0x1  }
0x71: {  	s25 =	simm.s32 $0xB300;
	v3 =	vadd.s32 v1, v3  }
0x72: {  	[tilespmem:s25], [sflag:$0x2] =	stream.indirect_vreg.gather [hbm4b:s3+s9], $0x80, v4, vm0, $0xb8;
	[tilespmem:$0x11300] =	vst v63  }
0x73: {  	s26 =	simm.s32 $0xBB00  }
0x74: {  	[tilespmem:s26], [sflag:$0x2] =	stream.indirect_vreg.gather [hbm4b:s10+s9], $0x80, v4, vm0, $0xb8;
	[tilespmem:$0x11300] =	vst v63  }
0x75: {  	_ = 	snop  }
0x76: {  	[tilespmem:s16], [sflag:$0x2] =	stream.indirect_vreg.gather [hbm4b:s3+s9], $0x80, v3, vm0, $0xb8;
	[tilespmem:$0x11300] =	vst v63  }
0x77: {  	_ = 	snop  }
0x78: {  	[tilespmem:s17], [sflag:$0x2] =	stream.indirect_vreg.gather [hbm4b:s10+s9], $0x80, v3, vm0, $0xb8;
	[tilespmem:$0x11300] =	vst v63  }
0x79: {  	v3 =	vld [tilespmem:s0+$0x200];
	_ =	sdelay $0x4  }
0x7a: {  	v63 =	vshll.u32 v3, $0x2  }
0x7b: {  	v3 =	vand.u32 $0x7, v3;
	v4 =	vand.u32 $0xFFFFFFE0, v63  }
0x7c: {  	v3 =	vor.u32 v3, v4  }
0x7d: {  	v4 =	vperm.xlane v3, v0;
	_ =	sdelay $0x1  }
0x7e: {  	v4 =	vadd.s32 v1, v4;
	_ =	sdelay $0x1  }
0x7f: {  	v3 =	vperm.xlane v3, v2;
	_ =	sdelay $0x1  }
0x80: {  	v3 =	vadd.s32 v1, v3  }
0x81: {  	[tilespmem:s18], [sflag:$0x2] =	stream.indirect_vreg.gather [hbm4b:s3+s9], $0x80, v4, vm0, $0xb8;
	[tilespmem:$0x11300] =	vst v63  }
0x82: {  	_ = 	snop  }
0x83: {  	[tilespmem:s19], [sflag:$0x2] =	stream.indirect_vreg.gather [hbm4b:s10+s9], $0x80, v4, vm0, $0xb8;
	[tilespmem:$0x11300] =	vst v63  }
0x84: {  	s28 =	smov.u32 s12  }
0x85: {  	[tilespmem:s20], [sflag:$0x2] =	stream.indirect_vreg.gather [hbm4b:s3+s9], $0x80, v3, vm0, $0xb8;
	[tilespmem:$0x11300] =	vst v63  }
0x86: {  	s31 =	simm.s32 $0x0;
	s25 =	smov.u32 s30;
	s26 =	smov.u32 s24  }
0x87: {  	[tilespmem:s21], [sflag:$0x2] =	stream.indirect_vreg.gather [hbm4b:s10+s9], $0x80, v3, vm0, $0xb8;
	[tilespmem:$0x11300] =	vst v63  }
.LBB2_3:
0x88: {  	v3 =	vld [tilespmem:s25+$0x0]  }
0x89: {  	v4 =	vld [tilespmem:s26+$0x0];
	s0 =	sand.u32 $0x1000, s31;
	s1 =	sand.u32 $0x380, s9  }
0x8a: {  	v5 =	vld [tilespmem:s28+$0x0];
	s0 =	sor.u32 s1, s0  }
0x8b: {  	v6 =	vld [tilespmem:s0+$0x3300]  }
0x8c: {  	v7 =	vld [tilespmem:s0+$0x5300]  }
0x8d: {  	v8 =	vld [tilespmem:s0+$0x7300]  }
0x8e: {  	v9 =	vld [tilespmem:s0+$0x3310]  }
0x8f: {  	v10 =	vld [tilespmem:s0+$0x5310]  }
0x90: {  	v11 =	vld [tilespmem:s0+$0x7310]  }
0x91: {  	v12 =	vld [tilespmem:s0+$0x3320]  }
0x92: {  	v13 =	vld [tilespmem:s0+$0x5320]  }
0x93: {  	v14 =	vld [tilespmem:s0+$0x7320]  }
0x94: {  	v15 =	vld [tilespmem:s0+$0x3330]  }
0x95: {  	v16 =	vld [tilespmem:s0+$0x5330]  }
0x96: {  	v17 =	vld [tilespmem:s0+$0x7330]  }
0x97: {  	v18 =	vld [tilespmem:s0+$0x3340]  }
0x98: {  	v19 =	vld [tilespmem:s0+$0x5340]  }
0x99: {  	v21 =	vld [tilespmem:s0+$0x3350];
	v6 =	vmul.f32 v6, v3;
	v7 =	vmul.f32 v7, v4  }
0x9a: {  	v22 =	vld [tilespmem:s0+$0x5350];
	v9 =	vmul.f32 v9, v3;
	v10 =	vmul.f32 v10, v4  }
0x9b: {  	v45 =	vld [tilespmem:s0+$0x7350];
	v44 =	vmul.f32 v8, v5;
	v46 =	vmul.f32 v11, v5  }
0x9c: {  	v47 =	vld [tilespmem:s0+$0x3360];
	v48 =	vmul.f32 v12, v3;
	v49 =	vmul.f32 v13, v4  }
0x9d: {  	v50 =	vld [tilespmem:s0+$0x5360];
	v51 =	vmul.f32 v15, v3;
	v52 =	vmul.f32 v16, v4  }
0x9e: {  	v53 =	vld [tilespmem:s0+$0x3370];
	v54 =	vmul.f32 v14, v5;
	v55 =	vmul.f32 v17, v5  }
0x9f: {  	v56 =	vld [tilespmem:s0+$0x5370];
	v57 =	vmul.f32 v18, v3;
	v58 =	vmul.f32 v19, v4  }
0xa0: {  	v59 =	vld [tilespmem:s0+$0x7360];
	v61 =	vmul.f32 v21, v3;
	v63 =	vmul.f32 v22, v4;
	v6 =	vadd.f32 v7, v6  }
0xa1: {  	v62 =	vld [tilespmem:s0+$0x7370];
	v8 =	vmul.f32 v45, v5;
	v11 =	vmul.f32 v47, v3;
	v9 =	vadd.f32 v10, v9  }
0xa2: {  	v20 =	vld [tilespmem:s0+$0x7340];
	v13 =	vmul.f32 v50, v4;
	v7 =	vadd.f32 v49, v48;
	v6 =	vadd.f32 v44, v6  }
0xa3: {  	v23 =	vmul.f32 v53, v3;
	v10 =	vadd.f32 v52, v51;
	v9 =	vadd.f32 v46, v9  }
0xa4: {  	v24 =	vmul.f32 v56, v4;
	v22 =	vadd.f32 v63, v61;
	v7 =	vadd.f32 v54, v7;
	[tilespmem:s0+$0xF300] =	vst v6  }
0xa5: {  	v26 =	vmul.f32 v59, v5;
	v25 =	vadd.f32 v13, v11;
	v10 =	vadd.f32 v55, v10;
	[tilespmem:s0+$0xF310] =	vst v9  }
0xa6: {  	v28 =	vmul.f32 v62, v5;
	v27 =	vadd.f32 v24, v23;
	v8 =	vadd.f32 v8, v22;
	[tilespmem:s0+$0xF320] =	vst v7  }
0xa7: {  	v60 =	vmul.f32 v20, v5;
	v18 =	vadd.f32 v58, v57;
	v29 =	vadd.f32 v26, v25;
	[tilespmem:s0+$0xF330] =	vst v10  }
0xa8: {  	v30 =	vadd.f32 v28, v27;
	[tilespmem:s0+$0xF350] =	vst v8  }
0xa9: {  	s14 =	sand.u32 $0xFFFFF000, s31;
	v6 =	vadd.f32 v60, v18;
	[tilespmem:s0+$0xF360] =	vst v29  }
0xaa: {  	s1 =	sadd.s32 s14, s9;
	[tilespmem:s0+$0xF370] =	vst v30  }
0xab: {  	v31 =	vld [tilespmem:s0+$0x3700];
	s14 =	sor.u32 $0x2400, s1;
	[tilespmem:s0+$0xF340] =	vst v6  }
0xac: {  	v7 =	vld [tilespmem:s14+$0x3300]  }
0xad: {  	s15 =	sor.u32 $0x4400, s1  }
0xae: {  	v8 =	vld [tilespmem:s15+$0x3300];
	_ =	sdelay $0x2  }
0xaf: {  	v6 =	vmul.f32 v31, v3;
	v7 =	vmul.f32 v7, v4;
	_ =	sdelay $0x1  }
0xb0: {  	v32 =	vmul.f32 v8, v5;
	v6 =	vadd.f32 v7, v6;
	_ =	sdelay $0x1  }
0xb1: {  	v6 =	vadd.f32 v32, v6;
	_ =	sdelay $0x1  }
0xb2: {  	v33 =	vld [tilespmem:s0+$0x3710];
	[tilespmem:s0+$0xF700] =	vst v6  }
0xb3: {  	v34 =	vld [tilespmem:s14+$0x3310];
	_ =	sdelay $0x1  }
0xb4: {  	v35 =	vld [tilespmem:s15+$0x3310];
	_ =	sdelay $0x2  }
0xb5: {  	v6 =	vmul.f32 v33, v3;
	v7 =	vmul.f32 v34, v4;
	_ =	sdelay $0x1  }
0xb6: {  	v36 =	vmul.f32 v35, v5;
	v6 =	vadd.f32 v7, v6;
	_ =	sdelay $0x1  }
0xb7: {  	v6 =	vadd.f32 v36, v6;
	_ =	sdelay $0x1  }
0xb8: {  	v37 =	vld [tilespmem:s0+$0x3720];
	[tilespmem:s0+$0xF710] =	vst v6  }
0xb9: {  	v38 =	vld [tilespmem:s14+$0x3320];
	_ =	sdelay $0x1  }
0xba: {  	v39 =	vld [tilespmem:s15+$0x3320];
	_ =	sdelay $0x2  }
0xbb: {  	v6 =	vmul.f32 v37, v3;
	v7 =	vmul.f32 v38, v4;
	_ =	sdelay $0x1  }
0xbc: {  	v40 =	vmul.f32 v39, v5;
	v6 =	vadd.f32 v7, v6;
	_ =	sdelay $0x1  }
0xbd: {  	v6 =	vadd.f32 v40, v6;
	_ =	sdelay $0x1  }
0xbe: {  	v41 =	vld [tilespmem:s0+$0x3730];
	[tilespmem:s0+$0xF720] =	vst v6  }
0xbf: {  	v42 =	vld [tilespmem:s14+$0x3330];
	_ =	sdelay $0x1  }
0xc0: {  	v43 =	vld [tilespmem:s15+$0x3330];
	_ =	sdelay $0x2  }
0xc1: {  	v6 =	vmul.f32 v41, v3;
	v7 =	vmul.f32 v42, v4;
	_ =	sdelay $0x1  }
0xc2: {  	v44 =	vmul.f32 v43, v5;
	v6 =	vadd.f32 v7, v6;
	_ =	sdelay $0x1  }
0xc3: {  	v6 =	vadd.f32 v44, v6;
	_ =	sdelay $0x1  }
0xc4: {  	v45 =	vld [tilespmem:s0+$0x3740];
	[tilespmem:s0+$0xF730] =	vst v6  }
0xc5: {  	v46 =	vld [tilespmem:s14+$0x3340];
	_ =	sdelay $0x1  }
0xc6: {  	v47 =	vld [tilespmem:s15+$0x3340];
	_ =	sdelay $0x2  }
0xc7: {  	v6 =	vmul.f32 v45, v3;
	v7 =	vmul.f32 v46, v4;
	_ =	sdelay $0x1  }
0xc8: {  	v48 =	vmul.f32 v47, v5;
	v6 =	vadd.f32 v7, v6;
	_ =	sdelay $0x1  }
0xc9: {  	v6 =	vadd.f32 v48, v6  }
0xca: {  	v53 =	vld [tilespmem:s0+$0x3760]  }
0xcb: {  	v49 =	vld [tilespmem:s0+$0x3750];
	[tilespmem:s0+$0xF740] =	vst v6  }
0xcc: {  	v50 =	vld [tilespmem:s14+$0x3350]  }
0xcd: {  	v62 =	vld [tilespmem:s0+$0x7B00]  }
0xce: {  	v51 =	vld [tilespmem:s15+$0x3350]  }
0xcf: {  	v57 =	vld [tilespmem:s0+$0x3770]  }
0xd0: {  	v61 =	vld [tilespmem:s0+$0x5B00]  }
0xd1: {  	v63 =	vld [tilespmem:s0+$0x3B10];
	v6 =	vmul.f32 v49, v3;
	v7 =	vmul.f32 v50, v4  }
0xd2: {  	v23 =	vld [tilespmem:s0+$0x7B40]  }
0xd3: {  	v28 =	vld [tilespmem:s0+$0x5B10];
	v52 =	vmul.f32 v51, v5;
	v6 =	vadd.f32 v7, v6  }
0xd4: {  	v60 =	vld [tilespmem:s0+$0x3B00]  }
0xd5: {  	v29 =	vld [tilespmem:s0+$0x7B10];
	v6 =	vadd.f32 v52, v6  }
0xd6: {  	v30 =	vld [tilespmem:s0+$0x3B20]  }
0xd7: {  	v31 =	vld [tilespmem:s0+$0x5B20];
	[tilespmem:s0+$0xF750] =	vst v6  }
0xd8: {  	v54 =	vld [tilespmem:s14+$0x3360]  }
0xd9: {  	v32 =	vld [tilespmem:s0+$0x7B20]  }
0xda: {  	v55 =	vld [tilespmem:s15+$0x3360]  }
0xdb: {  	v33 =	vld [tilespmem:s0+$0x3B30]  }
0xdc: {  	v34 =	vld [tilespmem:s0+$0x5B30]  }
0xdd: {  	v40 =	vld [tilespmem:s0+$0x5B50];
	v6 =	vmul.f32 v53, v3;
	v7 =	vmul.f32 v54, v4  }
0xde: {  	v42 =	vld [tilespmem:s0+$0x7B50]  }
0xdf: {  	v44 =	vld [tilespmem:s0+$0x3B60];
	v56 =	vmul.f32 v55, v5;
	v6 =	vadd.f32 v7, v6  }
0xe0: {  	v10 =	vmul.f32 v61, v4;
	v9 =	vmul.f32 v60, v3;
	v36 =	vld [tilespmem:s0+$0x3B40]  }
0xe1: {  	v38 =	vmul.f32 v63, v3;
	v39 =	vmul.f32 v28, v4;
	v47 =	vld [tilespmem:s0+$0x5B60];
	v6 =	vadd.f32 v56, v6  }
0xe2: {  	v37 =	vld [tilespmem:s0+$0x5B40];
	v41 =	vmul.f32 v62, v5;
	v61 =	vmul.f32 v40, v4  }
0xe3: {  	v43 =	vmul.f32 v29, v5;
	v11 =	vmul.f32 v42, v5;
	v56 =	vld [tilespmem:s0+$0x7B60];
	[tilespmem:s0+$0xF760] =	vst v6  }
0xe4: {  	v9 =	vadd.f32 v10, v9;
	v45 =	vmul.f32 v30, v3;
	v12 =	vmul.f32 v44, v3;
	v58 =	vld [tilespmem:s14+$0x3370]  }
0xe5: {  	v46 =	vmul.f32 v31, v4;
	v48 =	vmul.f32 v33, v3;
	v59 =	vld [tilespmem:s15+$0x3370]  }
0xe6: {  	v24 =	vld [tilespmem:s0+$0x3B50];
	v9 =	vadd.f32 v41, v9;
	v63 =	vmul.f32 v47, v4;
	v49 =	vmul.f32 v34, v4  }
0xe7: {  	v10 =	vadd.f32 v46, v45;
	v50 =	vld [tilespmem:s0+$0x3B70];
	v54 =	vmul.f32 v36, v3;
	v55 =	vmul.f32 v37, v4  }
0xe8: {  	v25 =	vadd.f32 v63, v12;
	v51 =	vmul.f32 v32, v5;
	v53 =	vld [tilespmem:s0+$0x5B70];
	v6 =	vmul.f32 v57, v3  }
0xe9: {  	v35 =	vld [tilespmem:s0+$0x7B30];
	v62 =	vadd.f32 v55, v54;
	v57 =	vmul.f32 v23, v5;
	v7 =	vmul.f32 v58, v4  }
0xea: {  	v10 =	vadd.f32 v51, v10;
	v26 =	vmul.f32 v56, v5;
	v8 =	vmul.f32 v59, v5;
	v59 =	vld [tilespmem:s0+$0x7B70]  }
0xeb: {  	[tilespmem:s0+$0xFB00] =	vst v9;
	v9 =	vadd.f32 v57, v62;
	v58 =	vmul.f32 v24, v3;
	v6 =	vadd.f32 v7, v6  }
0xec: {  	v22 =	vmul.f32 v50, v3;
	[tilespmem:s0+$0xFB20] =	vst v10;
	v30 =	vadd.f32 v26, v25;
	v7 =	vadd.f32 v39, v38  }
0xed: {  	[tilespmem:s0+$0xFB40] =	vst v9;
	v24 =	vmul.f32 v53, v4;
	v20 =	vadd.f32 v61, v58;
	v6 =	vadd.f32 v8, v6  }
0xee: {  	v52 =	vmul.f32 v35, v5;
	[tilespmem:s0+$0xFB60] =	vst v30;
	v7 =	vadd.f32 v43, v7;
	v8 =	vadd.f32 v49, v48  }
0xef: {  	v28 =	vadd.f32 v24, v22;
	v27 =	vadd.f32 v11, v20;
	v29 =	vmul.f32 v59, v5;
	[tilespmem:s0+$0xF770] =	vst v6  }
0xf0: {  	v60 =	vadd.f32 v52, v8;
	[tilespmem:s0+$0xFB10] =	vst v7  }
0xf1: {  	[tilespmem:s0+$0xFB50] =	vst v27;
	v31 =	vadd.f32 v29, v28  }
0xf2: {  	[tilespmem:s0+$0xFB30] =	vst v60  }
0xf3: {  	v32 =	vld [tilespmem:s0+$0x3F00];
	s15 =	sor.u32 $0x2C00, s1;
	[tilespmem:s0+$0xFB70] =	vst v31  }
0xf4: {  	v33 =	vld [tilespmem:s15+$0x3300]  }
0xf5: {  	s1 =	sor.u32 $0x4C00, s1  }
0xf6: {  	v34 =	vld [tilespmem:s1+$0x3300];
	_ =	sdelay $0x2  }
0xf7: {  	v6 =	vmul.f32 v32, v3;
	v7 =	vmul.f32 v33, v4;
	_ =	sdelay $0x1  }
0xf8: {  	v35 =	vmul.f32 v34, v5;
	v6 =	vadd.f32 v7, v6;
	_ =	sdelay $0x1  }
0xf9: {  	v6 =	vadd.f32 v35, v6;
	_ =	sdelay $0x1  }
0xfa: {  	v36 =	vld [tilespmem:s0+$0x3F10];
	[tilespmem:s0+$0xFF00] =	vst v6  }
0xfb: {  	v37 =	vld [tilespmem:s15+$0x3310];
	_ =	sdelay $0x1  }
0xfc: {  	v38 =	vld [tilespmem:s1+$0x3310];
	_ =	sdelay $0x2  }
0xfd: {  	v6 =	vmul.f32 v36, v3;
	v7 =	vmul.f32 v37, v4;
	_ =	sdelay $0x1  }
0xfe: {  	v39 =	vmul.f32 v38, v5;
	v6 =	vadd.f32 v7, v6;
	_ =	sdelay $0x1  }
0xff: {  	v6 =	vadd.f32 v39, v6;
	_ =	sdelay $0x1  }
0x100: {  	v40 =	vld [tilespmem:s0+$0x3F20];
	[tilespmem:s0+$0xFF10] =	vst v6  }
0x101: {  	v41 =	vld [tilespmem:s15+$0x3320];
	_ =	sdelay $0x1  }
0x102: {  	v42 =	vld [tilespmem:s1+$0x3320];
	_ =	sdelay $0x2  }
0x103: {  	v6 =	vmul.f32 v40, v3;
	v7 =	vmul.f32 v41, v4;
	_ =	sdelay $0x1  }
0x104: {  	v43 =	vmul.f32 v42, v5;
	v6 =	vadd.f32 v7, v6;
	_ =	sdelay $0x1  }
0x105: {  	v6 =	vadd.f32 v43, v6;
	_ =	sdelay $0x1  }
0x106: {  	v44 =	vld [tilespmem:s0+$0x3F30];
	[tilespmem:s0+$0xFF20] =	vst v6  }
0x107: {  	v45 =	vld [tilespmem:s15+$0x3330];
	_ =	sdelay $0x1  }
0x108: {  	v46 =	vld [tilespmem:s1+$0x3330];
	_ =	sdelay $0x2  }
0x109: {  	v6 =	vmul.f32 v44, v3;
	v7 =	vmul.f32 v45, v4;
	_ =	sdelay $0x1  }
0x10a: {  	v47 =	vmul.f32 v46, v5;
	v6 =	vadd.f32 v7, v6;
	_ =	sdelay $0x1  }
0x10b: {  	v6 =	vadd.f32 v47, v6;
	_ =	sdelay $0x1  }
0x10c: {  	v48 =	vld [tilespmem:s0+$0x3F40];
	[tilespmem:s0+$0xFF30] =	vst v6  }
0x10d: {  	v49 =	vld [tilespmem:s15+$0x3340];
	_ =	sdelay $0x1  }
0x10e: {  	v50 =	vld [tilespmem:s1+$0x3340];
	_ =	sdelay $0x2  }
0x10f: {  	v6 =	vmul.f32 v48, v3;
	v7 =	vmul.f32 v49, v4;
	_ =	sdelay $0x1  }
0x110: {  	v51 =	vmul.f32 v50, v5;
	v6 =	vadd.f32 v7, v6;
	_ =	sdelay $0x1  }
0x111: {  	v6 =	vadd.f32 v51, v6;
	_ =	sdelay $0x1  }
0x112: {  	v52 =	vld [tilespmem:s0+$0x3F50];
	[tilespmem:s0+$0xFF40] =	vst v6  }
0x113: {  	v53 =	vld [tilespmem:s15+$0x3350];
	_ =	sdelay $0x1  }
0x114: {  	v54 =	vld [tilespmem:s1+$0x3350];
	_ =	sdelay $0x2  }
0x115: {  	v6 =	vmul.f32 v52, v3;
	v7 =	vmul.f32 v53, v4;
	_ =	sdelay $0x1  }
0x116: {  	v55 =	vmul.f32 v54, v5;
	v6 =	vadd.f32 v7, v6;
	_ =	sdelay $0x1  }
0x117: {  	v6 =	vadd.f32 v55, v6;
	_ =	sdelay $0x1  }
0x118: {  	v56 =	vld [tilespmem:s0+$0x3F60];
	[tilespmem:s0+$0xFF50] =	vst v6  }
0x119: {  	v57 =	vld [tilespmem:s15+$0x3360];
	_ =	sdelay $0x1  }
0x11a: {  	v58 =	vld [tilespmem:s1+$0x3360];
	_ =	sdelay $0x2  }
0x11b: {  	v6 =	vmul.f32 v56, v3;
	v7 =	vmul.f32 v57, v4;
	_ =	sdelay $0x1  }
0x11c: {  	v59 =	vmul.f32 v58, v5;
	v6 =	vadd.f32 v7, v6;
	_ =	sdelay $0x1  }
0x11d: {  	v6 =	vadd.f32 v59, v6;
	_ =	sdelay $0x1  }
0x11e: {  	v60 =	vld [tilespmem:s0+$0x3F70];
	[tilespmem:s0+$0xFF60] =	vst v6  }
0x11f: {  	v61 =	vld [tilespmem:s15+$0x3370];
	_ =	sdelay $0x1  }
0x120: {  	v62 =	vld [tilespmem:s1+$0x3370];
	_ =	sdelay $0x2  }
0x121: {  	v3 =	vmul.f32 v60, v3;
	v4 =	vmul.f32 v61, v4  }
0x122: {  	p0 =	sne.s32 s31, $0x1E00  }
.Ltmp0:
0x123: {  	v63 =	vmul.f32 v62, v5;
	v3 =	vadd.f32 v4, v3;
	(pc) =	sbr.rel @p0 .LBB2_3-.Ltmp0, $4  }
0x124: {  	_ = 	snop  }
0x125: {  	v3 =	vadd.f32 v63, v3  }
0x126: {  	s25 =	sadd.s32 $0x10, s25;
	s26 =	sadd.s32 $0x10, s26  }
0x127: {  	s28 =	sadd.s32 $0x10, s28;
	s31 =	sadd.s32 $0x200, s31;
	s9 =	sadd.s32 $0x80, s9;
	[tilespmem:s0+$0xFF70] =	vst v3  }
0x128: {  	s0 =	sshll.u32 s7, $0xB  }
0x129: {  	s0 =	sadd.s32 s0, s11  }
0x12a: {  	[hbm4b:s0+s2] =	stream.linear.scatter [tilespmem:s22], [sflag:$0x3], $0x2000, $0x38;
	[tilespmem:$0x11300] =	vst v63  }
0x12b: {  	_ =	swait.ge [sflag:s13], $0x2000  }
0x12c: {  	[sflag:s13] =	ssyncset.done $0x0  }
0x12d: {  	[sflag:s13] =	ssyncadd.s32 $0xFFFFE000  }
0x12e: {  	_ =	swait.ge [sflag:s23], $0x6000  }
0x12f: {  	p0 =	seq.s32 s7, $0x7;
	[sflag:s23] =	ssyncset.done $0x0  }
0x130: {  	s0 =	sshll.u32 @!p0 s7, $0x5;
	[sflag:s23] =	ssyncadd.s32 $0xFFFFA000  }
0x131: {  	v3 =	vld @!p0 [tilespmem:s0+$0x20];
	_ =	sdelay $0x4  }
0x132: {  	v4 =	vshll.u32 @!p0 v3, $0x2  }
0x133: {  	v5 =	vlaneseq.u32 @!p0;
	v3 =	vand.u32 @!p0 $0x7, v3;
	v4 =	vand.u32 @!p0 $0xFFFFFFE0, v4  }
0x134: {  	v6 =	vshrl.u32 @!p0 v5, $0x3;
	v3 =	vor.u32 @!p0 v3, v4;
	v4 =	vand.u32 @!p0 $0x7, v5  }
0x135: {  	v6 =	vmul.u32 @!p0 $0x8, v6;
	v7 =	vperm.xlane @!p0 v3, v4;
	_ =	sdelay $0x1  }
0x136: {  	v7 =	vadd.s32 @!p0 v6, v7  }
0x137: {  	v5 =	vor.u32 @!p0 $0x8, v5  }
0x138: {  	v3 =	vperm.xlane @!p0 v3, v5;
	_ =	sdelay $0x1  }
0x139: {  	vm1 =	vmmov @!p0 $0xffff;
	s1 =	simm.s32 @!p0 $0x0;
	s9 =	simm.s32 @!p0 $0x3300;
	v3 =	vadd.s32 @!p0 v6, v3  }
0x13a: {  	[tilespmem:s9], [sflag:$0x1] =	stream.indirect_vreg.gather @!p0 [hbm4b:s3+s1], $0x80, v7, vm1, $0xb8;
	[tilespmem:$0x11300] =	vst v63  }
0x13b: {  	s9 =	simm.s32 @!p0 $0x3B00  }
0x13c: {  	[tilespmem:s9], [sflag:$0x1] =	stream.indirect_vreg.gather @!p0 [hbm4b:s10+s1], $0x80, v7, vm1, $0xb8;
	[tilespmem:$0x11300] =	vst v63  }
0x13d: {  	s9 =	simm.s32 @!p0 $0x4300  }
0x13e: {  	[tilespmem:s9], [sflag:$0x1] =	stream.indirect_vreg.gather @!p0 [hbm4b:s3+s1], $0x80, v3, vm1, $0xb8;
	[tilespmem:$0x11300] =	vst v63  }
0x13f: {  	s9 =	simm.s32 @!p0 $0x4B00  }
0x140: {  	[tilespmem:s9], [sflag:$0x1] =	stream.indirect_vreg.gather @!p0 [hbm4b:s10+s1], $0x80, v3, vm1, $0xb8;
	[tilespmem:$0x11300] =	vst v63  }
0x141: {  	v3 =	vld @!p0 [tilespmem:s0+$0x120];
	_ =	sdelay $0x4  }
0x142: {  	v7 =	vshll.u32 @!p0 v3, $0x2  }
0x143: {  	v3 =	vand.u32 @!p0 $0x7, v3;
	v7 =	vand.u32 @!p0 $0xFFFFFFE0, v7  }
0x144: {  	v3 =	vor.u32 @!p0 v3, v7  }
0x145: {  	v7 =	vperm.xlane @!p0 v3, v4;
	_ =	sdelay $0x1  }
0x146: {  	v7 =	vadd.s32 @!p0 v6, v7;
	_ =	sdelay $0x1  }
0x147: {  	v3 =	vperm.xlane @!p0 v3, v5;
	_ =	sdelay $0x1  }
0x148: {  	s9 =	simm.s32 @!p0 $0x5300;
	v3 =	vadd.s32 @!p0 v6, v3  }
0x149: {  	[tilespmem:s9], [sflag:$0x1] =	stream.indirect_vreg.gather @!p0 [hbm4b:s3+s1], $0x80, v7, vm1, $0xb8;
	[tilespmem:$0x11300] =	vst v63  }
0x14a: {  	s9 =	simm.s32 @!p0 $0x5B00  }
0x14b: {  	[tilespmem:s9], [sflag:$0x1] =	stream.indirect_vreg.gather @!p0 [hbm4b:s10+s1], $0x80, v7, vm1, $0xb8;
	[tilespmem:$0x11300] =	vst v63  }
0x14c: {  	s9 =	simm.s32 @!p0 $0x6300  }
0x14d: {  	[tilespmem:s9], [sflag:$0x1] =	stream.indirect_vreg.gather @!p0 [hbm4b:s3+s1], $0x80, v3, vm1, $0xb8;
	[tilespmem:$0x11300] =	vst v63  }
0x14e: {  	s9 =	simm.s32 @!p0 $0x6B00  }
0x14f: {  	[tilespmem:s9], [sflag:$0x1] =	stream.indirect_vreg.gather @!p0 [hbm4b:s10+s1], $0x80, v3, vm1, $0xb8;
	[tilespmem:$0x11300] =	vst v63  }
0x150: {  	v3 =	vld @!p0 [tilespmem:s0+$0x220];
	_ =	sdelay $0x4  }
0x151: {  	v7 =	vshll.u32 @!p0 v3, $0x2  }
0x152: {  	v3 =	vand.u32 @!p0 $0x7, v3;
	v7 =	vand.u32 @!p0 $0xFFFFFFE0, v7  }
0x153: {  	v3 =	vor.u32 @!p0 v3, v7  }
0x154: {  	v4 =	vperm.xlane @!p0 v3, v4;
	_ =	sdelay $0x1  }
0x155: {  	v4 =	vadd.s32 @!p0 v6, v4;
	_ =	sdelay $0x1  }
0x156: {  	v3 =	vperm.xlane @!p0 v3, v5;
	_ =	sdelay $0x1  }
0x157: {  	s0 =	simm.s32 @!p0 $0x7300;
	v3 =	vadd.s32 @!p0 v6, v3  }
0x158: {  	[tilespmem:s0], [sflag:$0x1] =	stream.indirect_vreg.gather @!p0 [hbm4b:s3+s1], $0x80, v4, vm1, $0xb8;
	[tilespmem:$0x11300] =	vst v63  }
0x159: {  	s28 =	smov.u32 s6;
	s0 =	simm.s32 @!p0 $0x7B00  }
0x15a: {  	[tilespmem:s0], [sflag:$0x1] =	stream.indirect_vreg.gather @!p0 [hbm4b:s10+s1], $0x80, v4, vm1, $0xb8;
	[tilespmem:$0x11300] =	vst v63  }
0x15b: {  	s26 =	smov.u32 s5;
	s25 =	smov.u32 s4;
	s0 =	simm.s32 @!p0 $0x8300  }
0x15c: {  	[tilespmem:s0], [sflag:$0x1] =	stream.indirect_vreg.gather @!p0 [hbm4b:s3+s1], $0x80, v3, vm1, $0xb8;
	[tilespmem:$0x11300] =	vst v63  }
0x15d: {  	s31 =	simm.s32 $0x0;
	s9 =	simm.s32 $0x0;
	s0 =	simm.s32 @!p0 $0x8B00  }
0x15e: {  	[tilespmem:s0], [sflag:$0x1] =	stream.indirect_vreg.gather @!p0 [hbm4b:s10+s1], $0x80, v3, vm1, $0xb8;
	[tilespmem:$0x11300] =	vst v63  }
.LBB2_5:
0x15f: {  	v3 =	vld [tilespmem:s25+$0x0]  }
0x160: {  	v4 =	vld [tilespmem:s26+$0x0];
	s0 =	sand.u32 $0x1000, s31;
	s1 =	sand.u32 $0x380, s9  }
0x161: {  	v5 =	vld [tilespmem:s28+$0x0];
	s0 =	sor.u32 s1, s0  }
0x162: {  	v6 =	vld [tilespmem:s0+$0x9300]  }
0x163: {  	v7 =	vld [tilespmem:s0+$0xB300]  }
0x164: {  	v8 =	vld [tilespmem:s0+$0xD300]  }
0x165: {  	v9 =	vld [tilespmem:s0+$0x9310]  }
0x166: {  	v10 =	vld [tilespmem:s0+$0xB310]  }
0x167: {  	v11 =	vld [tilespmem:s0+$0xD310]  }
0x168: {  	v12 =	vld [tilespmem:s0+$0x9320]  }
0x169: {  	v13 =	vld [tilespmem:s0+$0xB320]  }
0x16a: {  	v14 =	vld [tilespmem:s0+$0xD320]  }
0x16b: {  	v15 =	vld [tilespmem:s0+$0x9330]  }
0x16c: {  	v16 =	vld [tilespmem:s0+$0xB330]  }
0x16d: {  	v17 =	vld [tilespmem:s0+$0xD330]  }
0x16e: {  	v18 =	vld [tilespmem:s0+$0x9340]  }
0x16f: {  	v19 =	vld [tilespmem:s0+$0xB340]  }
0x170: {  	v21 =	vld [tilespmem:s0+$0x9350];
	v6 =	vmul.f32 v6, v3;
	v7 =	vmul.f32 v7, v4  }
0x171: {  	v22 =	vld [tilespmem:s0+$0xB350];
	v9 =	vmul.f32 v9, v3;
	v10 =	vmul.f32 v10, v4  }
0x172: {  	v45 =	vld [tilespmem:s0+$0xD350];
	v44 =	vmul.f32 v8, v5;
	v46 =	vmul.f32 v11, v5  }
0x173: {  	v47 =	vld [tilespmem:s0+$0x9360];
	v48 =	vmul.f32 v12, v3;
	v49 =	vmul.f32 v13, v4  }
0x174: {  	v50 =	vld [tilespmem:s0+$0xB360];
	v51 =	vmul.f32 v15, v3;
	v52 =	vmul.f32 v16, v4  }
0x175: {  	v53 =	vld [tilespmem:s0+$0x9370];
	v54 =	vmul.f32 v14, v5;
	v55 =	vmul.f32 v17, v5  }
0x176: {  	v56 =	vld [tilespmem:s0+$0xB370];
	v57 =	vmul.f32 v18, v3;
	v58 =	vmul.f32 v19, v4  }
0x177: {  	v59 =	vld [tilespmem:s0+$0xD360];
	v61 =	vmul.f32 v21, v3;
	v63 =	vmul.f32 v22, v4;
	v6 =	vadd.f32 v7, v6  }
0x178: {  	v62 =	vld [tilespmem:s0+$0xD370];
	v8 =	vmul.f32 v45, v5;
	v11 =	vmul.f32 v47, v3;
	v9 =	vadd.f32 v10, v9  }
0x179: {  	v20 =	vld [tilespmem:s0+$0xD340];
	v13 =	vmul.f32 v50, v4;
	v7 =	vadd.f32 v49, v48;
	v6 =	vadd.f32 v44, v6  }
0x17a: {  	v23 =	vmul.f32 v53, v3;
	v10 =	vadd.f32 v52, v51;
	v9 =	vadd.f32 v46, v9  }
0x17b: {  	v24 =	vmul.f32 v56, v4;
	v22 =	vadd.f32 v63, v61;
	v7 =	vadd.f32 v54, v7;
	[tilespmem:s0+$0xF300] =	vst v6  }
0x17c: {  	v26 =	vmul.f32 v59, v5;
	v25 =	vadd.f32 v13, v11;
	v10 =	vadd.f32 v55, v10;
	[tilespmem:s0+$0xF310] =	vst v9  }
0x17d: {  	v28 =	vmul.f32 v62, v5;
	v27 =	vadd.f32 v24, v23;
	v8 =	vadd.f32 v8, v22;
	[tilespmem:s0+$0xF320] =	vst v7  }
0x17e: {  	v60 =	vmul.f32 v20, v5;
	v18 =	vadd.f32 v58, v57;
	v29 =	vadd.f32 v26, v25;
	[tilespmem:s0+$0xF330] =	vst v10  }
0x17f: {  	v30 =	vadd.f32 v28, v27;
	[tilespmem:s0+$0xF350] =	vst v8  }
0x180: {  	s14 =	sand.u32 $0xFFFFF000, s31;
	v6 =	vadd.f32 v60, v18;
	[tilespmem:s0+$0xF360] =	vst v29  }
0x181: {  	s1 =	sadd.s32 s14, s9;
	[tilespmem:s0+$0xF370] =	vst v30  }
0x182: {  	v31 =	vld [tilespmem:s0+$0x9700];
	s14 =	sor.u32 $0x2400, s1;
	[tilespmem:s0+$0xF340] =	vst v6  }
0x183: {  	v7 =	vld [tilespmem:s14+$0x9300]  }
0x184: {  	s15 =	sor.u32 $0x4400, s1  }
0x185: {  	v8 =	vld [tilespmem:s15+$0x9300];
	_ =	sdelay $0x2  }
0x186: {  	v6 =	vmul.f32 v31, v3;
	v7 =	vmul.f32 v7, v4;
	_ =	sdelay $0x1  }
0x187: {  	v32 =	vmul.f32 v8, v5;
	v6 =	vadd.f32 v7, v6;
	_ =	sdelay $0x1  }
0x188: {  	v6 =	vadd.f32 v32, v6;
	_ =	sdelay $0x1  }
0x189: {  	v33 =	vld [tilespmem:s0+$0x9710];
	[tilespmem:s0+$0xF700] =	vst v6  }
0x18a: {  	v34 =	vld [tilespmem:s14+$0x9310];
	_ =	sdelay $0x1  }
0x18b: {  	v35 =	vld [tilespmem:s15+$0x9310];
	_ =	sdelay $0x2  }
0x18c: {  	v6 =	vmul.f32 v33, v3;
	v7 =	vmul.f32 v34, v4;
	_ =	sdelay $0x1  }
0x18d: {  	v36 =	vmul.f32 v35, v5;
	v6 =	vadd.f32 v7, v6;
	_ =	sdelay $0x1  }
0x18e: {  	v6 =	vadd.f32 v36, v6;
	_ =	sdelay $0x1  }
0x18f: {  	v37 =	vld [tilespmem:s0+$0x9720];
	[tilespmem:s0+$0xF710] =	vst v6  }
0x190: {  	v38 =	vld [tilespmem:s14+$0x9320];
	_ =	sdelay $0x1  }
0x191: {  	v39 =	vld [tilespmem:s15+$0x9320];
	_ =	sdelay $0x2  }
0x192: {  	v6 =	vmul.f32 v37, v3;
	v7 =	vmul.f32 v38, v4;
	_ =	sdelay $0x1  }
0x193: {  	v40 =	vmul.f32 v39, v5;
	v6 =	vadd.f32 v7, v6;
	_ =	sdelay $0x1  }
0x194: {  	v6 =	vadd.f32 v40, v6;
	_ =	sdelay $0x1  }
0x195: {  	v41 =	vld [tilespmem:s0+$0x9730];
	[tilespmem:s0+$0xF720] =	vst v6  }
0x196: {  	v42 =	vld [tilespmem:s14+$0x9330];
	_ =	sdelay $0x1  }
0x197: {  	v43 =	vld [tilespmem:s15+$0x9330];
	_ =	sdelay $0x2  }
0x198: {  	v6 =	vmul.f32 v41, v3;
	v7 =	vmul.f32 v42, v4;
	_ =	sdelay $0x1  }
0x199: {  	v44 =	vmul.f32 v43, v5;
	v6 =	vadd.f32 v7, v6;
	_ =	sdelay $0x1  }
0x19a: {  	v6 =	vadd.f32 v44, v6;
	_ =	sdelay $0x1  }
0x19b: {  	v45 =	vld [tilespmem:s0+$0x9740];
	[tilespmem:s0+$0xF730] =	vst v6  }
0x19c: {  	v46 =	vld [tilespmem:s14+$0x9340];
	_ =	sdelay $0x1  }
0x19d: {  	v47 =	vld [tilespmem:s15+$0x9340];
	_ =	sdelay $0x2  }
0x19e: {  	v6 =	vmul.f32 v45, v3;
	v7 =	vmul.f32 v46, v4;
	_ =	sdelay $0x1  }
0x19f: {  	v48 =	vmul.f32 v47, v5;
	v6 =	vadd.f32 v7, v6;
	_ =	sdelay $0x1  }
0x1a0: {  	v6 =	vadd.f32 v48, v6  }
0x1a1: {  	v53 =	vld [tilespmem:s0+$0x9760]  }
0x1a2: {  	v49 =	vld [tilespmem:s0+$0x9750];
	[tilespmem:s0+$0xF740] =	vst v6  }
0x1a3: {  	v50 =	vld [tilespmem:s14+$0x9350]  }
0x1a4: {  	v62 =	vld [tilespmem:s0+$0xDB00]  }
0x1a5: {  	v51 =	vld [tilespmem:s15+$0x9350]  }
0x1a6: {  	v57 =	vld [tilespmem:s0+$0x9770]  }
0x1a7: {  	v61 =	vld [tilespmem:s0+$0xBB00]  }
0x1a8: {  	v63 =	vld [tilespmem:s0+$0x9B10];
	v6 =	vmul.f32 v49, v3;
	v7 =	vmul.f32 v50, v4  }
0x1a9: {  	v23 =	vld [tilespmem:s0+$0xDB40]  }
0x1aa: {  	v28 =	vld [tilespmem:s0+$0xBB10];
	v52 =	vmul.f32 v51, v5;
	v6 =	vadd.f32 v7, v6  }
0x1ab: {  	v60 =	vld [tilespmem:s0+$0x9B00]  }
0x1ac: {  	v29 =	vld [tilespmem:s0+$0xDB10];
	v6 =	vadd.f32 v52, v6  }
0x1ad: {  	v30 =	vld [tilespmem:s0+$0x9B20]  }
0x1ae: {  	v31 =	vld [tilespmem:s0+$0xBB20];
	[tilespmem:s0+$0xF750] =	vst v6  }
0x1af: {  	v54 =	vld [tilespmem:s14+$0x9360]  }
0x1b0: {  	v32 =	vld [tilespmem:s0+$0xDB20]  }
0x1b1: {  	v55 =	vld [tilespmem:s15+$0x9360]  }
0x1b2: {  	v33 =	vld [tilespmem:s0+$0x9B30]  }
0x1b3: {  	v34 =	vld [tilespmem:s0+$0xBB30]  }
0x1b4: {  	v40 =	vld [tilespmem:s0+$0xBB50];
	v6 =	vmul.f32 v53, v3;
	v7 =	vmul.f32 v54, v4  }
0x1b5: {  	v42 =	vld [tilespmem:s0+$0xDB50]  }
0x1b6: {  	v44 =	vld [tilespmem:s0+$0x9B60];
	v56 =	vmul.f32 v55, v5;
	v6 =	vadd.f32 v7, v6  }
0x1b7: {  	v10 =	vmul.f32 v61, v4;
	v9 =	vmul.f32 v60, v3;
	v36 =	vld [tilespmem:s0+$0x9B40]  }
0x1b8: {  	v38 =	vmul.f32 v63, v3;
	v39 =	vmul.f32 v28, v4;
	v47 =	vld [tilespmem:s0+$0xBB60];
	v6 =	vadd.f32 v56, v6  }
0x1b9: {  	v37 =	vld [tilespmem:s0+$0xBB40];
	v41 =	vmul.f32 v62, v5;
	v61 =	vmul.f32 v40, v4  }
0x1ba: {  	v43 =	vmul.f32 v29, v5;
	v11 =	vmul.f32 v42, v5;
	v56 =	vld [tilespmem:s0+$0xDB60];
	[tilespmem:s0+$0xF760] =	vst v6  }
0x1bb: {  	v9 =	vadd.f32 v10, v9;
	v45 =	vmul.f32 v30, v3;
	v12 =	vmul.f32 v44, v3;
	v58 =	vld [tilespmem:s14+$0x9370]  }
0x1bc: {  	v46 =	vmul.f32 v31, v4;
	v48 =	vmul.f32 v33, v3;
	v59 =	vld [tilespmem:s15+$0x9370]  }
0x1bd: {  	v24 =	vld [tilespmem:s0+$0x9B50];
	v9 =	vadd.f32 v41, v9;
	v63 =	vmul.f32 v47, v4;
	v49 =	vmul.f32 v34, v4  }
0x1be: {  	v10 =	vadd.f32 v46, v45;
	v50 =	vld [tilespmem:s0+$0x9B70];
	v54 =	vmul.f32 v36, v3;
	v55 =	vmul.f32 v37, v4  }
0x1bf: {  	v25 =	vadd.f32 v63, v12;
	v51 =	vmul.f32 v32, v5;
	v53 =	vld [tilespmem:s0+$0xBB70];
	v6 =	vmul.f32 v57, v3  }
0x1c0: {  	v35 =	vld [tilespmem:s0+$0xDB30];
	v62 =	vadd.f32 v55, v54;
	v57 =	vmul.f32 v23, v5;
	v7 =	vmul.f32 v58, v4  }
0x1c1: {  	v10 =	vadd.f32 v51, v10;
	v26 =	vmul.f32 v56, v5;
	v8 =	vmul.f32 v59, v5;
	v59 =	vld [tilespmem:s0+$0xDB70]  }
0x1c2: {  	[tilespmem:s0+$0xFB00] =	vst v9;
	v9 =	vadd.f32 v57, v62;
	v58 =	vmul.f32 v24, v3;
	v6 =	vadd.f32 v7, v6  }
0x1c3: {  	v22 =	vmul.f32 v50, v3;
	[tilespmem:s0+$0xFB20] =	vst v10;
	v30 =	vadd.f32 v26, v25;
	v7 =	vadd.f32 v39, v38  }
0x1c4: {  	[tilespmem:s0+$0xFB40] =	vst v9;
	v24 =	vmul.f32 v53, v4;
	v20 =	vadd.f32 v61, v58;
	v6 =	vadd.f32 v8, v6  }
0x1c5: {  	v52 =	vmul.f32 v35, v5;
	[tilespmem:s0+$0xFB60] =	vst v30;
	v7 =	vadd.f32 v43, v7;
	v8 =	vadd.f32 v49, v48  }
0x1c6: {  	v28 =	vadd.f32 v24, v22;
	v27 =	vadd.f32 v11, v20;
	v29 =	vmul.f32 v59, v5;
	[tilespmem:s0+$0xF770] =	vst v6  }
0x1c7: {  	v60 =	vadd.f32 v52, v8;
	[tilespmem:s0+$0xFB10] =	vst v7  }
0x1c8: {  	[tilespmem:s0+$0xFB50] =	vst v27;
	v31 =	vadd.f32 v29, v28  }
0x1c9: {  	[tilespmem:s0+$0xFB30] =	vst v60  }
0x1ca: {  	v32 =	vld [tilespmem:s0+$0x9F00];
	s15 =	sor.u32 $0x2C00, s1;
	[tilespmem:s0+$0xFB70] =	vst v31  }
0x1cb: {  	v33 =	vld [tilespmem:s15+$0x9300]  }
0x1cc: {  	s1 =	sor.u32 $0x4C00, s1  }
0x1cd: {  	v34 =	vld [tilespmem:s1+$0x9300];
	_ =	sdelay $0x2  }
0x1ce: {  	v6 =	vmul.f32 v32, v3;
	v7 =	vmul.f32 v33, v4;
	_ =	sdelay $0x1  }
0x1cf: {  	v35 =	vmul.f32 v34, v5;
	v6 =	vadd.f32 v7, v6;
	_ =	sdelay $0x1  }
0x1d0: {  	v6 =	vadd.f32 v35, v6;
	_ =	sdelay $0x1  }
0x1d1: {  	v36 =	vld [tilespmem:s0+$0x9F10];
	[tilespmem:s0+$0xFF00] =	vst v6  }
0x1d2: {  	v37 =	vld [tilespmem:s15+$0x9310];
	_ =	sdelay $0x1  }
0x1d3: {  	v38 =	vld [tilespmem:s1+$0x9310];
	_ =	sdelay $0x2  }
0x1d4: {  	v6 =	vmul.f32 v36, v3;
	v7 =	vmul.f32 v37, v4;
	_ =	sdelay $0x1  }
0x1d5: {  	v39 =	vmul.f32 v38, v5;
	v6 =	vadd.f32 v7, v6;
	_ =	sdelay $0x1  }
0x1d6: {  	v6 =	vadd.f32 v39, v6;
	_ =	sdelay $0x1  }
0x1d7: {  	v40 =	vld [tilespmem:s0+$0x9F20];
	[tilespmem:s0+$0xFF10] =	vst v6  }
0x1d8: {  	v41 =	vld [tilespmem:s15+$0x9320];
	_ =	sdelay $0x1  }
0x1d9: {  	v42 =	vld [tilespmem:s1+$0x9320];
	_ =	sdelay $0x2  }
0x1da: {  	v6 =	vmul.f32 v40, v3;
	v7 =	vmul.f32 v41, v4;
	_ =	sdelay $0x1  }
0x1db: {  	v43 =	vmul.f32 v42, v5;
	v6 =	vadd.f32 v7, v6;
	_ =	sdelay $0x1  }
0x1dc: {  	v6 =	vadd.f32 v43, v6;
	_ =	sdelay $0x1  }
0x1dd: {  	v44 =	vld [tilespmem:s0+$0x9F30];
	[tilespmem:s0+$0xFF20] =	vst v6  }
0x1de: {  	v45 =	vld [tilespmem:s15+$0x9330];
	_ =	sdelay $0x1  }
0x1df: {  	v46 =	vld [tilespmem:s1+$0x9330];
	_ =	sdelay $0x2  }
0x1e0: {  	v6 =	vmul.f32 v44, v3;
	v7 =	vmul.f32 v45, v4;
	_ =	sdelay $0x1  }
0x1e1: {  	v47 =	vmul.f32 v46, v5;
	v6 =	vadd.f32 v7, v6;
	_ =	sdelay $0x1  }
0x1e2: {  	v6 =	vadd.f32 v47, v6;
	_ =	sdelay $0x1  }
0x1e3: {  	v48 =	vld [tilespmem:s0+$0x9F40];
	[tilespmem:s0+$0xFF30] =	vst v6  }
0x1e4: {  	v49 =	vld [tilespmem:s15+$0x9340];
	_ =	sdelay $0x1  }
0x1e5: {  	v50 =	vld [tilespmem:s1+$0x9340];
	_ =	sdelay $0x2  }
0x1e6: {  	v6 =	vmul.f32 v48, v3;
	v7 =	vmul.f32 v49, v4;
	_ =	sdelay $0x1  }
0x1e7: {  	v51 =	vmul.f32 v50, v5;
	v6 =	vadd.f32 v7, v6;
	_ =	sdelay $0x1  }
0x1e8: {  	v6 =	vadd.f32 v51, v6;
	_ =	sdelay $0x1  }
0x1e9: {  	v52 =	vld [tilespmem:s0+$0x9F50];
	[tilespmem:s0+$0xFF40] =	vst v6  }
0x1ea: {  	v53 =	vld [tilespmem:s15+$0x9350];
	_ =	sdelay $0x1  }
0x1eb: {  	v54 =	vld [tilespmem:s1+$0x9350];
	_ =	sdelay $0x2  }
0x1ec: {  	v6 =	vmul.f32 v52, v3;
	v7 =	vmul.f32 v53, v4;
	_ =	sdelay $0x1  }
0x1ed: {  	v55 =	vmul.f32 v54, v5;
	v6 =	vadd.f32 v7, v6;
	_ =	sdelay $0x1  }
0x1ee: {  	v6 =	vadd.f32 v55, v6;
	_ =	sdelay $0x1  }
0x1ef: {  	v56 =	vld [tilespmem:s0+$0x9F60];
	[tilespmem:s0+$0xFF50] =	vst v6  }
0x1f0: {  	v57 =	vld [tilespmem:s15+$0x9360];
	_ =	sdelay $0x1  }
0x1f1: {  	v58 =	vld [tilespmem:s1+$0x9360];
	_ =	sdelay $0x2  }
0x1f2: {  	v6 =	vmul.f32 v56, v3;
	v7 =	vmul.f32 v57, v4;
	_ =	sdelay $0x1  }
0x1f3: {  	v59 =	vmul.f32 v58, v5;
	v6 =	vadd.f32 v7, v6;
	_ =	sdelay $0x1  }
0x1f4: {  	v6 =	vadd.f32 v59, v6;
	_ =	sdelay $0x1  }
0x1f5: {  	v60 =	vld [tilespmem:s0+$0x9F70];
	[tilespmem:s0+$0xFF60] =	vst v6  }
0x1f6: {  	v61 =	vld [tilespmem:s15+$0x9370];
	_ =	sdelay $0x1  }
0x1f7: {  	v62 =	vld [tilespmem:s1+$0x9370];
	_ =	sdelay $0x2  }
0x1f8: {  	v3 =	vmul.f32 v60, v3;
	v4 =	vmul.f32 v61, v4  }
0x1f9: {  	p0 =	sne.s32 s31, $0x1E00  }
.Ltmp1:
0x1fa: {  	v63 =	vmul.f32 v62, v5;
	v3 =	vadd.f32 v4, v3;
	(pc) =	sbr.rel @p0 .LBB2_5-.Ltmp1, $4  }
0x1fb: {  	_ = 	snop  }
0x1fc: {  	v3 =	vadd.f32 v63, v3  }
0x1fd: {  	s25 =	sadd.s32 $0x10, s25;
	s26 =	sadd.s32 $0x10, s26  }
0x1fe: {  	s28 =	sadd.s32 $0x10, s28;
	s31 =	sadd.s32 $0x200, s31;
	s9 =	sadd.s32 $0x80, s9;
	[tilespmem:s0+$0xFF70] =	vst v3  }
0x1ff: {  	s7 =	sadd.s32 $0x1, s7  }
0x200: {  	s0 =	sshll.u32 s8, $0xA;
	p0 =	sne.s32 s7, $0x8  }
.Ltmp2:
0x201: {  	s0 =	sadd.s32 s0, s11;
	(pc) =	sbr.rel @p0 .LBB2_2-.Ltmp2, $4  }
0x202: {  	[hbm4b:s0+s2] =	stream.linear.scatter [tilespmem:s22], [sflag:$0x3], $0x2000, $0x38;
	[tilespmem:$0x11300] =	vst v63  }
0x203: {  	s30 =	sadd.s32 $0x200, s30;
	s24 =	sadd.s32 $0x200, s24;
	_ =	swait.ge [sflag:s13], $0x2000  }
0x204: {  	s12 =	sadd.s32 $0x200, s12;
	s4 =	sadd.s32 $0x200, s4;
	[sflag:s13] =	ssyncset.done $0x0  }
0x205: {  	s5 =	sadd.s32 $0x200, s5;
	s6 =	sadd.s32 $0x200, s6;
	[sflag:s13] =	ssyncadd.s32 $0xFFFFE000  }
0x206: {  	s1 =	rddreg [dreg:$0x9]  }
0x207: {  	s0 =	rddreg [dreg:$0x8];
	s1 =	sadd.s32 $0x1, s1  }
0x208: {  	p0 =	sne.s32 s1, s0  }
.Ltmp3:
0x209: {  	_ = 	snop;
	(pc) =	sbr.rel @p0 .LBB2_1-.Ltmp3, $1  }
0x20a: {  	_ =	sdelay $0x3  }
0x20b: {  	_ =	sfence.sel $0x180000  }
0x20c: {  	[bflag:$0x0] =	sbarrier.arrive $0xFFFF  }
0x20d: {  	_ =	strace $0x90000047  }
0x20e: {  	s0 =	stileid.u32;
	[bflag:$0x2] =	sbarrier.arrive $0xFFFF  }
0x20f: {  	p0 =	sne.s32 s0, $0x0;
	s0 =	rddreg [dreg:$0x1]  }
0x210: {  	s0 =	sadd.s32 @!p0 $0x100000, s0  }
0x211: {  	[sflag:s0] =	ssyncadd.tile.s32 @!p0 $0x1;
	_ =	shalt  }
.Lfunc_end2:
_tile_overlayer_lowered:
.L_overlay_start_2:
0x212: {  	(tag) =	ssettag $0x2  }
0x213: {  	s0 =	rddreg [dreg:$0x0];
	s2 =	stileid.u32  }
0x214: {  	s1 =	rddreg [dreg:$0x1];
	p0 =	sne.s32 s2, $0x0  }
0x215: {  	s3 =	rddreg [dreg:$0x2];
	[bflag:$0x3] =	sbarrier.arrive $0xFFFF;
	s2 =	simm.s32 @!p0 $0x1C03  }
0x216: {  	[timem:s3], [sflag:s2] =	dma.local @!p0 [hbm:s0], s1  }
0x217: {  	s0 =	simm.s32 @!p0 $0x3  }
0x218: {  	_ =	swait.ge @!p0 [sflag:s0], s1  }
0x219: {  	s1 =	ssub.s32 @!p0 $0x0, s1;
	[sflag:s0] =	ssyncset.done @!p0 $0x0  }
0x21a: {  	[sflag:s0] =	ssyncadd.s32 @!p0 s1  }
0x21b: {  	[bflag:$0x3] =	sbarrier.arrive $0xFFFF  }
0x21c: {  	_ =	shalt  }

</sc_bundles>
